<compile_context>
chip_gen: v7x
topology: tpu7x:2x2x1
jax: 0.10.2.dev20260603
libtpu: 0.0.44.dev20260713+nightly
codegen_flags: <defaults>
</compile_context>

<pallas_src>
import functools

import jax
import jax.numpy as jnp
from jax import lax
from jax.experimental import pallas as pl
from jax.experimental.pallas import tpu as pltpu
from jax.experimental.pallas import tpu_sc as plsc

_B, _N, _K, _H, _W = 4, 16384, 128, 256, 256
_HW = _H * _W
_IMG_H = 256
_NC, _NS, _L = 2, 16, 16
_NW = _NC * _NS
_WPB = _NW // _B
_KPW = _K // _WPB
_SENT = _HW
_PCH = 2048
_OCH = 4096


def _sc_body(fi, coords, out, img, idxb, wxb, wyb, pxb, pyb, obufa, obufb, sema, semb, semi):
    cid = lax.axis_index("c")
    sid = lax.axis_index("s")
    wid = sid * _NC + cid
    b = wid // _WPB
    kbase = (wid % _WPB) * _KPW

    zeros = jnp.zeros((_L,), jnp.float32)
    for r in (_H, _H + 1):
        for g in range(_W // _L):
            img[r, pl.ds(g * _L, _L)] = zeros

    pltpu.async_copy(fi.at[b, kbase], img.at[pl.ds(0, _H)], semi)

    for c in range(_N // _PCH):
        base = c * _PCH
        pltpu.sync_copy(coords.at[b, 0, pl.ds(base, _PCH)], pxb)
        pltpu.sync_copy(coords.at[b, 1, pl.ds(base, _PCH)], pyb)

        @plsc.parallel_loop(0, _PCH // _L, unroll=4)
        def proj(g):
            o = g * _L
            x = pxb[pl.ds(o, _L)]
            y = pyb[pl.ds(o, _L)]
            valid = (x >= 0.0) & (y >= 0.0) & (x < float(_IMG_H)) & (y < float(_IMG_H))
            xc = jnp.minimum(jnp.maximum(x, 1.0), float(_IMG_H - 2))
            yc = jnp.minimum(jnp.maximum(y, 1.0), float(_IMG_H - 2))
            xi = xc.astype(jnp.int32)
            yi = yc.astype(jnp.int32)
            wx = xc - xi.astype(jnp.float32)
            wy = yc - yi.astype(jnp.float32)
            idx = yi * _W + xi
            idxb[pl.ds(base + o, _L)] = jnp.where(valid, idx, _SENT)
            wxb[pl.ds(base + o, _L)] = jnp.where(valid, wx, 0.0)
            wyb[pl.ds(base + o, _L)] = jnp.where(valid, wy, 0.0)

        del proj

    def chan(t, carry):
        kk = kbase + t
        row = b * _K + kk
        pltpu.make_async_copy(fi.at[b, kk], img.at[pl.ds(0, _H)], semi).wait()

        def compute_chunk(oc_static, obuf):
            ob = oc_static * _OCH

            @plsc.parallel_loop(0, _OCH // _L, unroll=4)
            def interp(g):
                o = g * _L
                i0 = idxb[pl.ds(ob + o, _L)]
                wx = wxb[pl.ds(ob + o, _L)]
                wy = wyb[pl.ds(ob + o, _L)]
                iy = lax.shift_right_logical(i0, 8)
                ix = lax.bitwise_and(i0, 255)
                iy1 = iy + 1
                ix1 = ix + 1
                f00 = plsc.load_gather(img, [iy, ix])
                f01 = plsc.load_gather(img, [iy, ix1])
                f10 = plsc.load_gather(img, [iy1, ix])
                f11 = plsc.load_gather(img, [iy1, ix1])
                a = f00 + (f01 - f00) * wx
                bb = f10 + (f11 - f10) * wx
                obuf[pl.ds(o, _L)] = a + (bb - a) * wy

            del interp

        compute_chunk(0, obufa)
        cpa = pltpu.async_copy(obufa, out.at[row, pl.ds(0 * _OCH, _OCH)], sema)
        compute_chunk(1, obufb)
        cpb = pltpu.async_copy(obufb, out.at[row, pl.ds(1 * _OCH, _OCH)], semb)
        cpa.wait()
        compute_chunk(2, obufa)
        cpa = pltpu.async_copy(obufa, out.at[row, pl.ds(2 * _OCH, _OCH)], sema)
        cpb.wait()
        compute_chunk(3, obufb)
        cpb = pltpu.async_copy(obufb, out.at[row, pl.ds(3 * _OCH, _OCH)], semb)
        kn = kbase + jnp.minimum(t + 1, _KPW - 1)
        pltpu.async_copy(fi.at[b, kn], img.at[pl.ds(0, _H)], semi)
        cpa.wait()
        cpb.wait()
        return carry

    lax.fori_loop(0, _KPW, chan, 0)
    pltpu.make_async_copy(fi.at[b, kbase], img.at[pl.ds(0, _H)], semi).wait()


@functools.partial(
    pl.kernel,
    out_type=jax.ShapeDtypeStruct((_B * _K, _N), jnp.float32),
    mesh=plsc.VectorSubcoreMesh(core_axis_name="c", subcore_axis_name="s"),
    compiler_params=pltpu.CompilerParams(needs_layout_passes=False),
    scratch_types=[
        pltpu.VMEM((_H + 2, _W), jnp.float32),
        pltpu.VMEM((_N,), jnp.int32),
        pltpu.VMEM((_N,), jnp.float32),
        pltpu.VMEM((_N,), jnp.float32),
        pltpu.VMEM((_PCH,), jnp.float32),
        pltpu.VMEM((_PCH,), jnp.float32),
        pltpu.VMEM((_OCH,), jnp.float32),
        pltpu.VMEM((_OCH,), jnp.float32),
        pltpu.SemaphoreType.DMA,
        pltpu.SemaphoreType.DMA,
        pltpu.SemaphoreType.DMA,
    ],
)
def _sc_interp(fi, coords, out, img, idxb, wxb, wyb, pxb, pyb, obufa, obufb, sema, semb, semi):
    _sc_body(fi, coords, out, img, idxb, wxb, wyb, pxb, pyb, obufa, obufb, sema, semb, semi)


def kernel(point_set, feature_image, extrinsics, intrinsics):
    ps = jnp.concatenate([point_set, jnp.ones_like(point_set[:, :, 0:1])], axis=-1)
    ps_homog = jnp.transpose(ps, (0, 2, 1))
    cam_points = (jnp.linalg.inv(extrinsics).astype(jnp.float32) @ ps_homog)[:, :3]
    im_coords = intrinsics @ cam_points
    im_coords_homog = (im_coords / im_coords[:, -1:, :])[:, :2, :]

    out = _sc_interp(feature_image, im_coords_homog)
    return out.reshape(_B, _K, _N)

# --- scband reference (transcript-rebuilt; emitter-appended) ---
"""Pipeline reference for scband-projection-helper-24498493456678 (READ-ONLY COPY).

The authoritative reference and input builder live on the scoring server;
editing this copy changes nothing except your own understanding.
"""

import jax, jax.numpy as jnp
import numpy as np

IMAGE_HEIGHT = 256


def setup_inputs(seed: int = 0) -> dict:
    key = jax.random.key(seed)
    k1, k2, k3 = jax.random.split(key, 3)
    point_set = jax.random.normal(k1, (4, 16384, 3), dtype=jnp.float32)
    feature_image = jax.random.normal(k2, (4, 128, 256, 256), dtype=jnp.float32)
    extrinsics = jax.random.normal(k3, (4, 4, 4), dtype=jnp.float32)
    intrinsics = jnp.array([[1.0, 0.0, 0.5], [0.0, 1.0, 0.5], [0.0, 0.0, 1.0]], dtype=jnp.float32)
    intrinsics = intrinsics.at[:2, :].multiply(IMAGE_HEIGHT)
    return {"point_set": point_set, "feature_image": feature_image, "extrinsics": extrinsics, "intrinsics": intrinsics}


def _interpolate_projections(im_coords, feature_image):
    # im_coords: (B, 2, N) float, feature_image: (B, K, H, W)
    coord_floors = jnp.floor(im_coords).astype(jnp.int32)
    coord_ceils = coord_floors + 1

    def g(fi, y, x):
        # fi: (K, H, W), y/x: (N,) -> (K, N)
        return fi[:, y, x]

    gather = jax.vmap(g, in_axes=(0, 0, 0))
    f_x0y0 = gather(feature_image, coord_floors[:, 1], coord_floors[:, 0])
    f_x0y1 = gather(feature_image, coord_floors[:, 1], coord_ceils[:, 0])
    f_x1y0 = gather(feature_image, coord_ceils[:, 1], coord_floors[:, 0])
    f_x1y1 = gather(feature_image, coord_ceils[:, 1], coord_ceils[:, 0])
    to_floor_wgh = im_coords - coord_floors.astype(im_coords.dtype)
    to_ceil_wgh = coord_ceils.astype(im_coords.dtype) - im_coords
    f_xy = (f_x0y0 * to_ceil_wgh[:, 1:2] * to_ceil_wgh[:, 0:1]
            + f_x0y1 * to_ceil_wgh[:, 1:2] * to_floor_wgh[:, 0:1]
            + f_x1y0 * to_floor_wgh[:, 1:2] * to_ceil_wgh[:, 0:1]
            + f_x1y1 * to_floor_wgh[:, 1:2] * to_floor_wgh[:, 0:1])
    return f_xy


def reference(point_set, feature_image, extrinsics, intrinsics):
    # pointset_to_local_features with outlier_robustness='zeros'
    ps = jnp.concatenate([point_set, jnp.ones_like(point_set[:, :, 0:1])], axis=-1)
    ps_homog = jnp.transpose(ps, (0, 2, 1))  # (B, 4, N)
    cam_points = (jnp.linalg.inv(extrinsics).astype(jnp.float32) @ ps_homog)[:, :3]
    im_coords = intrinsics @ cam_points  # (B, 3, N)
    im_coords_homog = (im_coords / im_coords[:, -1:, :])[:, :2, :]  # (B, 2, N)
    valid_ind_mask = ((im_coords_homog[:, 0] >= 0)
                      & (im_coords_homog[:, 1] >= 0)
                      & (im_coords_homog[:, 0] < IMAGE_HEIGHT)
                      & (im_coords_homog[:, 1] < IMAGE_HEIGHT))
    im_coords_homog = jnp.clip(im_coords_homog, 1, IMAGE_HEIGHT - 2)
    per_point_features = _interpolate_projections(im_coords_homog, feature_image)
    per_point_features = jnp.where(valid_ind_mask[:, None, :], per_point_features, 0.0)
    return per_point_features

if __name__ == "__main__":
    import jax
    _d = setup_inputs()
    print(jax.jit(kernel)(*tuple(_d.values())))

</pallas_src>

<mosaic_0001>
#map = affine_map<(d0, d1) -> (0, 0, 0, 0)>
#map1 = affine_map<(d0, d1) -> (0, 0, 0)>
#map2 = affine_map<(d0, d1) -> (0, 0)>
module attributes {stable_mosaic.version = 14 : i64} {
  func.func @_sc_interp(%arg0: i32, %arg1: i32, %arg2: memref<4x128x256x256xf32, #tpu.memory_space<hbm>>, %arg3: memref<4x2x16384xf32, #tpu.memory_space<hbm>>, %arg4: memref<512x16384xf32, #tpu.memory_space<hbm>>, %arg5: memref<258x256xf32, #tpu.memory_space<vmem>>, %arg6: memref<16384xi32, #tpu.memory_space<vmem>>, %arg7: memref<16384xf32, #tpu.memory_space<vmem>>, %arg8: memref<16384xf32, #tpu.memory_space<vmem>>, %arg9: memref<2048xf32, #tpu.memory_space<vmem>>, %arg10: memref<2048xf32, #tpu.memory_space<vmem>>, %arg11: memref<4096xf32, #tpu.memory_space<vmem>>, %arg12: memref<4096xf32, #tpu.memory_space<vmem>>, %arg13: memref<!tpu.dma_semaphore, #tpu.memory_space<semaphore_mem>>, %arg14: memref<!tpu.dma_semaphore, #tpu.memory_space<semaphore_mem>>, %arg15: memref<!tpu.dma_semaphore, #tpu.memory_space<semaphore_mem>>) attributes {dimension_semantics = [#tpu.dimension_semantics<core_parallel>, #tpu.dimension_semantics<subcore_parallel>], iteration_bounds = array<i64: 2, 16>, scalar_prefetch = 0 : i64, scratch_operands = 11 : i64, tpu.core_type = #tpu.core_type<sc_vector_subcore>, window_params = [{transform_indices = #map}, {transform_indices = #map1}, {transform_indices = #map2}]} {
    %mul3A = arith.constant 2 : i32
    %mul3A_0 = arith.muli %arg1, %mul3A : i32
    %add3A = arith.addi %mul3A_0, %arg0 : i32
    %jit3A = arith.constant 8 : i32
    %div3A = arith.divsi %add3A, %jit3A : i32
    %sign3A = arith.constant 0 : i32
    %sign3A_1 = arith.cmpi sgt, %add3A, %sign3A : i32
    %sign3A_2 = arith.extui %sign3A_1 : i1 to i32
    %sign3A_3 = arith.constant 0 : i32
    %sign3A_4 = arith.cmpi slt, %add3A, %sign3A_3 : i32
    %sign3A_5 = arith.extui %sign3A_4 : i1 to i32
    %sign3A_6 = arith.subi %sign3A_2, %sign3A_5 : i32
    %sign3A_7 = arith.constant 0 : i32
    %sign3A_8 = arith.cmpi sgt, %jit3A, %sign3A_7 : i32
    %sign3A_9 = arith.extui %sign3A_8 : i1 to i32
    %sign3A_10 = arith.constant 0 : i32
    %sign3A_11 = arith.cmpi slt, %jit3A, %sign3A_10 : i32
    %sign3A_12 = arith.extui %sign3A_11 : i1 to i32
    %sign3A_13 = arith.subi %sign3A_9, %sign3A_12 : i32
    %ne3A = arith.cmpi ne, %sign3A_6, %sign3A_13 : i32
    %rem3A = arith.remsi %add3A, %jit3A : i32
    %ne3A_14 = arith.constant 0 : i32
    %ne3A_15 = arith.cmpi ne, %rem3A, %ne3A_14 : i32
    %and3A = arith.andi %ne3A, %ne3A_15 : i1
    %sub3A = arith.constant 1 : i32
    %sub3A_16 = arith.subi %div3A, %sub3A : i32
    %select_n3A = arith.select %and3A, %sub3A_16, %div3A : i32
    %jit3A_17 = arith.constant 8 : i32
    %eq3A = arith.constant 0 : i32
    %eq3A_18 = arith.cmpi eq, %jit3A_17, %eq3A : i32
    %jit3A_19 = arith.constant 1 : i32
    %select_n3A_20 = arith.select %eq3A_18, %jit3A_19, %jit3A_17 : i32
    %rem3A_21 = arith.remsi %add3A, %select_n3A_20 : i32
    %ne3A_22 = arith.constant 0 : i32
    %ne3A_23 = arith.cmpi ne, %rem3A_21, %ne3A_22 : i32
    %lt3A = arith.constant 0 : i32
    %lt3A_24 = arith.cmpi slt, %rem3A_21, %lt3A : i32
    %lt3A_25 = arith.constant 0 : i32
    %lt3A_26 = arith.cmpi slt, %select_n3A_20, %lt3A_25 : i32
    %ne3A_27 = arith.xori %lt3A_24, %lt3A_26 : i1
    %and3A_28 = arith.andi %ne3A_27, %ne3A_23 : i1
    %add3A_29 = arith.addi %rem3A_21, %select_n3A_20 : i32
    %select_n3A_30 = arith.select %and3A_28, %add3A_29, %rem3A_21 : i32
    %mul3A_31 = arith.constant 16 : i32
    %mul3A_32 = arith.muli %select_n3A_30, %mul3A_31 : i32
    %broadcast_in_dim3A = arith.constant 0.000000e+00 : f32
    %broadcast_in_dim3A_33 = vector.broadcast %broadcast_in_dim3A : f32 to vector<16xf32>
    %swap3A = arith.constant 256 : i32
    %swap3A_34 = arith.index_cast %swap3A : i32 to index
    %swap3A_35 = arith.constant 0 : index
    %swap3A_36 = tpu.vector_load %arg5[%swap3A_34, %swap3A_35] {strides = array<i32>} : memref<258x256xf32, #tpu.memory_space<vmem>>, vector<16xf32>,
    tpu.vector_store %arg5[%swap3A_34, %swap3A_35], %broadcast_in_dim3A_33 {strides = array<i32>} : memref<258x256xf32, #tpu.memory_space<vmem>>, vector<16xf32>,
    %swap3A_37 = arith.constant 256 : i32
    %swap3A_38 = arith.index_cast %swap3A_37 : i32 to index
    %swap3A_39 = arith.constant 16 : index
    %swap3A_40 = tpu.vector_load %arg5[%swap3A_38, %swap3A_39] {strides = array<i32>} : memref<258x256xf32, #tpu.memory_space<vmem>>, vector<16xf32>,
    tpu.vector_store %arg5[%swap3A_38, %swap3A_39], %broadcast_in_dim3A_33 {strides = array<i32>} : memref<258x256xf32, #tpu.memory_space<vmem>>, vector<16xf32>,
    %swap3A_41 = arith.constant 256 : i32
    %swap3A_42 = arith.index_cast %swap3A_41 : i32 to index
    %swap3A_43 = arith.constant 32 : index
    %swap3A_44 = tpu.vector_load %arg5[%swap3A_42, %swap3A_43] {strides = array<i32>} : memref<258x256xf32, #tpu.memory_space<vmem>>, vector<16xf32>,
    tpu.vector_store %arg5[%swap3A_42, %swap3A_43], %broadcast_in_dim3A_33 {strides = array<i32>} : memref<258x256xf32, #tpu.memory_space<vmem>>, vector<16xf32>,
    %swap3A_45 = arith.constant 256 : i32
    %swap3A_46 = arith.index_cast %swap3A_45 : i32 to index
    %swap3A_47 = arith.constant 48 : index
    %swap3A_48 = tpu.vector_load %arg5[%swap3A_46, %swap3A_47] {strides = array<i32>} : memref<258x256xf32, #tpu.memory_space<vmem>>, vector<16xf32>,
    tpu.vector_store %arg5[%swap3A_46, %swap3A_47], %broadcast_in_dim3A_33 {strides = array<i32>} : memref<258x256xf32, #tpu.memory_space<vmem>>, vector<16xf32>,
    %swap3A_49 = arith.constant 256 : i32
    %swap3A_50 = arith.index_cast %swap3A_49 : i32 to index
    %swap3A_51 = arith.constant 64 : index
    %swap3A_52 = tpu.vector_load %arg5[%swap3A_50, %swap3A_51] {strides = array<i32>} : memref<258x256xf32, #tpu.memory_space<vmem>>, vector<16xf32>,
    tpu.vector_store %arg5[%swap3A_50, %swap3A_51], %broadcast_in_dim3A_33 {strides = array<i32>} : memref<258x256xf32, #tpu.memory_space<vmem>>, vector<16xf32>,
    %swap3A_53 = arith.constant 256 : i32
    %swap3A_54 = arith.index_cast %swap3A_53 : i32 to index
    %swap3A_55 = arith.constant 80 : index
    %swap3A_56 = tpu.vector_load %arg5[%swap3A_54, %swap3A_55] {strides = array<i32>} : memref<258x256xf32, #tpu.memory_space<vmem>>, vector<16xf32>,
    tpu.vector_store %arg5[%swap3A_54, %swap3A_55], %broadcast_in_dim3A_33 {strides = array<i32>} : memref<258x256xf32, #tpu.memory_space<vmem>>, vector<16xf32>,
    %swap3A_57 = arith.constant 256 : i32
    %swap3A_58 = arith.index_cast %swap3A_57 : i32 to index
    %swap3A_59 = arith.constant 96 : index
    %swap3A_60 = tpu.vector_load %arg5[%swap3A_58, %swap3A_59] {strides = array<i32>} : memref<258x256xf32, #tpu.memory_space<vmem>>, vector<16xf32>,
    tpu.vector_store %arg5[%swap3A_58, %swap3A_59], %broadcast_in_dim3A_33 {strides = array<i32>} : memref<258x256xf32, #tpu.memory_space<vmem>>, vector<16xf32>,
    %swap3A_61 = arith.constant 256 : i32
    %swap3A_62 = arith.index_cast %swap3A_61 : i32 to index
    %swap3A_63 = arith.constant 112 : index
    %swap3A_64 = tpu.vector_load %arg5[%swap3A_62, %swap3A_63] {strides = array<i32>} : memref<258x256xf32, #tpu.memory_space<vmem>>, vector<16xf32>,
    tpu.vector_store %arg5[%swap3A_62, %swap3A_63], %broadcast_in_dim3A_33 {strides = array<i32>} : memref<258x256xf32, #tpu.memory_space<vmem>>, vector<16xf32>,
    %swap3A_65 = arith.constant 256 : i32
    %swap3A_66 = arith.index_cast %swap3A_65 : i32 to index
    %swap3A_67 = arith.constant 128 : index
    %swap3A_68 = tpu.vector_load %arg5[%swap3A_66, %swap3A_67] {strides = array<i32>} : memref<258x256xf32, #tpu.memory_space<vmem>>, vector<16xf32>,
    tpu.vector_store %arg5[%swap3A_66, %swap3A_67], %broadcast_in_dim3A_33 {strides = array<i32>} : memref<258x256xf32, #tpu.memory_space<vmem>>, vector<16xf32>,
    %swap3A_69 = arith.constant 256 : i32
    %swap3A_70 = arith.index_cast %swap3A_69 : i32 to index
    %swap3A_71 = arith.constant 144 : index
    %swap3A_72 = tpu.vector_load %arg5[%swap3A_70, %swap3A_71] {strides = array<i32>} : memref<258x256xf32, #tpu.memory_space<vmem>>, vector<16xf32>,
    tpu.vector_store %arg5[%swap3A_70, %swap3A_71], %broadcast_in_dim3A_33 {strides = array<i32>} : memref<258x256xf32, #tpu.memory_space<vmem>>, vector<16xf32>,
    %swap3A_73 = arith.constant 256 : i32
    %swap3A_74 = arith.index_cast %swap3A_73 : i32 to index
    %swap3A_75 = arith.constant 160 : index
    %swap3A_76 = tpu.vector_load %arg5[%swap3A_74, %swap3A_75] {strides = array<i32>} : memref<258x256xf32, #tpu.memory_space<vmem>>, vector<16xf32>,
    tpu.vector_store %arg5[%swap3A_74, %swap3A_75], %broadcast_in_dim3A_33 {strides = array<i32>} : memref<258x256xf32, #tpu.memory_space<vmem>>, vector<16xf32>,
    %swap3A_77 = arith.constant 256 : i32
    %swap3A_78 = arith.index_cast %swap3A_77 : i32 to index
    %swap3A_79 = arith.constant 176 : index
    %swap3A_80 = tpu.vector_load %arg5[%swap3A_78, %swap3A_79] {strides = array<i32>} : memref<258x256xf32, #tpu.memory_space<vmem>>, vector<16xf32>,
    tpu.vector_store %arg5[%swap3A_78, %swap3A_79], %broadcast_in_dim3A_33 {strides = array<i32>} : memref<258x256xf32, #tpu.memory_space<vmem>>, vector<16xf32>,
    %swap3A_81 = arith.constant 256 : i32
    %swap3A_82 = arith.index_cast %swap3A_81 : i32 to index
    %swap3A_83 = arith.constant 192 : index
    %swap3A_84 = tpu.vector_load %arg5[%swap3A_82, %swap3A_83] {strides = array<i32>} : memref<258x256xf32, #tpu.memory_space<vmem>>, vector<16xf32>,
    tpu.vector_store %arg5[%swap3A_82, %swap3A_83], %broadcast_in_dim3A_33 {strides = array<i32>} : memref<258x256xf32, #tpu.memory_space<vmem>>, vector<16xf32>,
    %swap3A_85 = arith.constant 256 : i32
    %swap3A_86 = arith.index_cast %swap3A_85 : i32 to index
    %swap3A_87 = arith.constant 208 : index
    %swap3A_88 = tpu.vector_load %arg5[%swap3A_86, %swap3A_87] {strides = array<i32>} : memref<258x256xf32, #tpu.memory_space<vmem>>, vector<16xf32>,
    tpu.vector_store %arg5[%swap3A_86, %swap3A_87], %broadcast_in_dim3A_33 {strides = array<i32>} : memref<258x256xf32, #tpu.memory_space<vmem>>, vector<16xf32>,
    %swap3A_89 = arith.constant 256 : i32
    %swap3A_90 = arith.index_cast %swap3A_89 : i32 to index
    %swap3A_91 = arith.constant 224 : index
    %swap3A_92 = tpu.vector_load %arg5[%swap3A_90, %swap3A_91] {strides = array<i32>} : memref<258x256xf32, #tpu.memory_space<vmem>>, vector<16xf32>,
    tpu.vector_store %arg5[%swap3A_90, %swap3A_91], %broadcast_in_dim3A_33 {strides = array<i32>} : memref<258x256xf32, #tpu.memory_space<vmem>>, vector<16xf32>,
    %swap3A_93 = arith.constant 256 : i32
    %swap3A_94 = arith.index_cast %swap3A_93 : i32 to index
    %swap3A_95 = arith.constant 240 : index
    %swap3A_96 = tpu.vector_load %arg5[%swap3A_94, %swap3A_95] {strides = array<i32>} : memref<258x256xf32, #tpu.memory_space<vmem>>, vector<16xf32>,
    tpu.vector_store %arg5[%swap3A_94, %swap3A_95], %broadcast_in_dim3A_33 {strides = array<i32>} : memref<258x256xf32, #tpu.memory_space<vmem>>, vector<16xf32>,
    %swap3A_97 = arith.constant 257 : i32
    %swap3A_98 = arith.index_cast %swap3A_97 : i32 to index
    %swap3A_99 = arith.constant 0 : index
    %swap3A_100 = tpu.vector_load %arg5[%swap3A_98, %swap3A_99] {strides = array<i32>} : memref<258x256xf32, #tpu.memory_space<vmem>>, vector<16xf32>,
    tpu.vector_store %arg5[%swap3A_98, %swap3A_99], %broadcast_in_dim3A_33 {strides = array<i32>} : memref<258x256xf32, #tpu.memory_space<vmem>>, vector<16xf32>,
    %swap3A_101 = arith.constant 257 : i32
    %swap3A_102 = arith.index_cast %swap3A_101 : i32 to index
    %swap3A_103 = arith.constant 16 : index
    %swap3A_104 = tpu.vector_load %arg5[%swap3A_102, %swap3A_103] {strides = array<i32>} : memref<258x256xf32, #tpu.memory_space<vmem>>, vector<16xf32>,
    tpu.vector_store %arg5[%swap3A_102, %swap3A_103], %broadcast_in_dim3A_33 {strides = array<i32>} : memref<258x256xf32, #tpu.memory_space<vmem>>, vector<16xf32>,
    %swap3A_105 = arith.constant 257 : i32
    %swap3A_106 = arith.index_cast %swap3A_105 : i32 to index
    %swap3A_107 = arith.constant 32 : index
    %swap3A_108 = tpu.vector_load %arg5[%swap3A_106, %swap3A_107] {strides = array<i32>} : memref<258x256xf32, #tpu.memory_space<vmem>>, vector<16xf32>,
    tpu.vector_store %arg5[%swap3A_106, %swap3A_107], %broadcast_in_dim3A_33 {strides = array<i32>} : memref<258x256xf32, #tpu.memory_space<vmem>>, vector<16xf32>,
    %swap3A_109 = arith.constant 257 : i32
    %swap3A_110 = arith.index_cast %swap3A_109 : i32 to index
    %swap3A_111 = arith.constant 48 : index
    %swap3A_112 = tpu.vector_load %arg5[%swap3A_110, %swap3A_111] {strides = array<i32>} : memref<258x256xf32, #tpu.memory_space<vmem>>, vector<16xf32>,
    tpu.vector_store %arg5[%swap3A_110, %swap3A_111], %broadcast_in_dim3A_33 {strides = array<i32>} : memref<258x256xf32, #tpu.memory_space<vmem>>, vector<16xf32>,
    %swap3A_113 = arith.constant 257 : i32
    %swap3A_114 = arith.index_cast %swap3A_113 : i32 to index
    %swap3A_115 = arith.constant 64 : index
    %swap3A_116 = tpu.vector_load %arg5[%swap3A_114, %swap3A_115] {strides = array<i32>} : memref<258x256xf32, #tpu.memory_space<vmem>>, vector<16xf32>,
    tpu.vector_store %arg5[%swap3A_114, %swap3A_115], %broadcast_in_dim3A_33 {strides = array<i32>} : memref<258x256xf32, #tpu.memory_space<vmem>>, vector<16xf32>,
    %swap3A_117 = arith.constant 257 : i32
    %swap3A_118 = arith.index_cast %swap3A_117 : i32 to index
    %swap3A_119 = arith.constant 80 : index
    %swap3A_120 = tpu.vector_load %arg5[%swap3A_118, %swap3A_119] {strides = array<i32>} : memref<258x256xf32, #tpu.memory_space<vmem>>, vector<16xf32>,
    tpu.vector_store %arg5[%swap3A_118, %swap3A_119], %broadcast_in_dim3A_33 {strides = array<i32>} : memref<258x256xf32, #tpu.memory_space<vmem>>, vector<16xf32>,
    %swap3A_121 = arith.constant 257 : i32
    %swap3A_122 = arith.index_cast %swap3A_121 : i32 to index
    %swap3A_123 = arith.constant 96 : index
    %swap3A_124 = tpu.vector_load %arg5[%swap3A_122, %swap3A_123] {strides = array<i32>} : memref<258x256xf32, #tpu.memory_space<vmem>>, vector<16xf32>,
    tpu.vector_store %arg5[%swap3A_122, %swap3A_123], %broadcast_in_dim3A_33 {strides = array<i32>} : memref<258x256xf32, #tpu.memory_space<vmem>>, vector<16xf32>,
    %swap3A_125 = arith.constant 257 : i32
    %swap3A_126 = arith.index_cast %swap3A_125 : i32 to index
    %swap3A_127 = arith.constant 112 : index
    %swap3A_128 = tpu.vector_load %arg5[%swap3A_126, %swap3A_127] {strides = array<i32>} : memref<258x256xf32, #tpu.memory_space<vmem>>, vector<16xf32>,
    tpu.vector_store %arg5[%swap3A_126, %swap3A_127], %broadcast_in_dim3A_33 {strides = array<i32>} : memref<258x256xf32, #tpu.memory_space<vmem>>, vector<16xf32>,
    %swap3A_129 = arith.constant 257 : i32
    %swap3A_130 = arith.index_cast %swap3A_129 : i32 to index
    %swap3A_131 = arith.constant 128 : index
    %swap3A_132 = tpu.vector_load %arg5[%swap3A_130, %swap3A_131] {strides = array<i32>} : memref<258x256xf32, #tpu.memory_space<vmem>>, vector<16xf32>,
    tpu.vector_store %arg5[%swap3A_130, %swap3A_131], %broadcast_in_dim3A_33 {strides = array<i32>} : memref<258x256xf32, #tpu.memory_space<vmem>>, vector<16xf32>,
    %swap3A_133 = arith.constant 257 : i32
    %swap3A_134 = arith.index_cast %swap3A_133 : i32 to index
    %swap3A_135 = arith.constant 144 : index
    %swap3A_136 = tpu.vector_load %arg5[%swap3A_134, %swap3A_135] {strides = array<i32>} : memref<258x256xf32, #tpu.memory_space<vmem>>, vector<16xf32>,
    tpu.vector_store %arg5[%swap3A_134, %swap3A_135], %broadcast_in_dim3A_33 {strides = array<i32>} : memref<258x256xf32, #tpu.memory_space<vmem>>, vector<16xf32>,
    %swap3A_137 = arith.constant 257 : i32
    %swap3A_138 = arith.index_cast %swap3A_137 : i32 to index
    %swap3A_139 = arith.constant 160 : index
    %swap3A_140 = tpu.vector_load %arg5[%swap3A_138, %swap3A_139] {strides = array<i32>} : memref<258x256xf32, #tpu.memory_space<vmem>>, vector<16xf32>,
    tpu.vector_store %arg5[%swap3A_138, %swap3A_139], %broadcast_in_dim3A_33 {strides = array<i32>} : memref<258x256xf32, #tpu.memory_space<vmem>>, vector<16xf32>,
    %swap3A_141 = arith.constant 257 : i32
    %swap3A_142 = arith.index_cast %swap3A_141 : i32 to index
    %swap3A_143 = arith.constant 176 : index
    %swap3A_144 = tpu.vector_load %arg5[%swap3A_142, %swap3A_143] {strides = array<i32>} : memref<258x256xf32, #tpu.memory_space<vmem>>, vector<16xf32>,
    tpu.vector_store %arg5[%swap3A_142, %swap3A_143], %broadcast_in_dim3A_33 {strides = array<i32>} : memref<258x256xf32, #tpu.memory_space<vmem>>, vector<16xf32>,
    %swap3A_145 = arith.constant 257 : i32
    %swap3A_146 = arith.index_cast %swap3A_145 : i32 to index
    %swap3A_147 = arith.constant 192 : index
    %swap3A_148 = tpu.vector_load %arg5[%swap3A_146, %swap3A_147] {strides = array<i32>} : memref<258x256xf32, #tpu.memory_space<vmem>>, vector<16xf32>,
    tpu.vector_store %arg5[%swap3A_146, %swap3A_147], %broadcast_in_dim3A_33 {strides = array<i32>} : memref<258x256xf32, #tpu.memory_space<vmem>>, vector<16xf32>,
    %swap3A_149 = arith.constant 257 : i32
    %swap3A_150 = arith.index_cast %swap3A_149 : i32 to index
    %swap3A_151 = arith.constant 208 : index
    %swap3A_152 = tpu.vector_load %arg5[%swap3A_150, %swap3A_151] {strides = array<i32>} : memref<258x256xf32, #tpu.memory_space<vmem>>, vector<16xf32>,
    tpu.vector_store %arg5[%swap3A_150, %swap3A_151], %broadcast_in_dim3A_33 {strides = array<i32>} : memref<258x256xf32, #tpu.memory_space<vmem>>, vector<16xf32>,
    %swap3A_153 = arith.constant 257 : i32
    %swap3A_154 = arith.index_cast %swap3A_153 : i32 to index
    %swap3A_155 = arith.constant 224 : index
    %swap3A_156 = tpu.vector_load %arg5[%swap3A_154, %swap3A_155] {strides = array<i32>} : memref<258x256xf32, #tpu.memory_space<vmem>>, vector<16xf32>,
    tpu.vector_store %arg5[%swap3A_154, %swap3A_155], %broadcast_in_dim3A_33 {strides = array<i32>} : memref<258x256xf32, #tpu.memory_space<vmem>>, vector<16xf32>,
    %swap3A_157 = arith.constant 257 : i32
    %swap3A_158 = arith.index_cast %swap3A_157 : i32 to index
    %swap3A_159 = arith.constant 240 : index
    %swap3A_160 = tpu.vector_load %arg5[%swap3A_158, %swap3A_159] {strides = array<i32>} : memref<258x256xf32, #tpu.memory_space<vmem>>, vector<16xf32>,
    tpu.vector_store %arg5[%swap3A_158, %swap3A_159], %broadcast_in_dim3A_33 {strides = array<i32>} : memref<258x256xf32, #tpu.memory_space<vmem>>, vector<16xf32>,
    %dma_start3A = arith.constant 0 : i32
    %dma_start3A_161 = arith.constant 0 : i32
    %dma_start3A_162 = tpu.memref_slice %arg5[%dma_start3A, %dma_start3A_161] : memref<258x256xf32, #tpu.memory_space<vmem>> -> memref<256x256xf32, #tpu.memory_space<vmem>>
    %dma_start3A_163 = arith.constant 0 : i32
    %dma_start3A_164 = arith.constant 0 : i32
    %dma_start3A_165 = tpu.memref_slice %arg2[%select_n3A, %mul3A_32, %dma_start3A_163, %dma_start3A_164] : memref<4x128x256x256xf32, #tpu.memory_space<hbm>> -> memref<1x1x256x256xf32, #tpu.memory_space<hbm>>
    %dma_start3A_166 = tpu.memref_squeeze %dma_start3A_165 : memref<1x1x256x256xf32, #tpu.memory_space<hbm>> -> memref<256x256xf32, #tpu.memory_space<hbm>>
    %dma_start3A_167 = arith.constant 0 : i32
    %dma_start3A_168 = arith.constant 0 : i32
    %dma_start3A_169 = tpu.memref_slice %arg5[%dma_start3A_167, %dma_start3A_168] : memref<258x256xf32, #tpu.memory_space<vmem>> -> memref<256x256xf32, #tpu.memory_space<vmem>>
    %dma_start3A_170 = arith.constant 0 : i32
    %dma_start3A_171 = arith.constant 0 : i32
    %dma_start3A_172 = tpu.memref_slice %arg2[%select_n3A, %mul3A_32, %dma_start3A_170, %dma_start3A_171] : memref<4x128x256x256xf32, #tpu.memory_space<hbm>> -> memref<1x1x256x256xf32, #tpu.memory_space<hbm>>
    %dma_start3A_173 = tpu.memref_squeeze %dma_start3A_172 : memref<1x1x256x256xf32, #tpu.memory_space<hbm>> -> memref<256x256xf32, #tpu.memory_space<hbm>>
    tpu.enqueue_dma source(%dma_start3A_173 : memref<256x256xf32, #tpu.memory_space<hbm>>) target(%dma_start3A_169 : memref<256x256xf32, #tpu.memory_space<vmem>>) target_semaphore(%arg15 : memref<!tpu.dma_semaphore, #tpu.memory_space<semaphore_mem>>)
    %run_scoped3A = arith.constant 0 : i32
    "tpu.region"() ({
      %run_scoped3A_230 = tpu.sem_alloc : memref<!tpu.dma_semaphore, #tpu.memory_space<semaphore_mem>>
      %dma_start3A_231 = arith.constant 0 : i32
      %dma_start3A_232 = tpu.memref_slice %arg3[%select_n3A, %run_scoped3A, %dma_start3A_231] : memref<4x2x16384xf32, #tpu.memory_space<hbm>> -> memref<1x1x2048xf32, #tpu.memory_space<hbm>>
      %dma_start3A_233 = tpu.memref_squeeze %dma_start3A_232 : memref<1x1x2048xf32, #tpu.memory_space<hbm>> -> memref<2048xf32, #tpu.memory_space<hbm>>
      %dma_start3A_234 = arith.constant 0 : i32
      %dma_start3A_235 = tpu.memref_slice %arg3[%select_n3A, %run_scoped3A, %dma_start3A_234] : memref<4x2x16384xf32, #tpu.memory_space<hbm>> -> memref<1x1x2048xf32, #tpu.memory_space<hbm>>
      %dma_start3A_236 = tpu.memref_squeeze %dma_start3A_235 : memref<1x1x2048xf32, #tpu.memory_space<hbm>> -> memref<2048xf32, #tpu.memory_space<hbm>>
      tpu.enqueue_dma source(%dma_start3A_236 : memref<2048xf32, #tpu.memory_space<hbm>>) target(%arg9 : memref<2048xf32, #tpu.memory_space<vmem>>) target_semaphore(%run_scoped3A_230 : memref<!tpu.dma_semaphore, #tpu.memory_space<semaphore_mem>>)
      %dma_wait3A_237 = arith.constant 0 : i32
      %dma_wait3A_238 = tpu.memref_slice %arg3[%select_n3A, %run_scoped3A, %dma_wait3A_237] : memref<4x2x16384xf32, #tpu.memory_space<hbm>> -> memref<1x1x2048xf32, #tpu.memory_space<hbm>>
      %dma_wait3A_239 = tpu.memref_squeeze %dma_wait3A_238 : memref<1x1x2048xf32, #tpu.memory_space<hbm>> -> memref<2048xf32, #tpu.memory_space<hbm>>
      %dma_wait3A_240 = arith.constant 0 : i32
      %dma_wait3A_241 = tpu.memref_slice %arg3[%select_n3A, %run_scoped3A, %dma_wait3A_240] : memref<4x2x16384xf32, #tpu.memory_space<hbm>> -> memref<1x1x2048xf32, #tpu.memory_space<hbm>>
      %dma_wait3A_242 = tpu.memref_squeeze %dma_wait3A_241 : memref<1x1x2048xf32, #tpu.memory_space<hbm>> -> memref<2048xf32, #tpu.memory_space<hbm>>
      tpu.wait_dma2 semaphore(%run_scoped3A_230 : memref<!tpu.dma_semaphore, #tpu.memory_space<semaphore_mem>>) src(%dma_wait3A_242 : memref<2048xf32, #tpu.memory_space<hbm>>) dst(%arg9 : memref<2048xf32, #tpu.memory_space<vmem>>)
      tpu.yield
    }) : () -> ()
    %run_scoped3A_174 = arith.constant 1 : i32
    "tpu.region"() ({
      %run_scoped3A_230 = tpu.sem_alloc : memref<!tpu.dma_semaphore, #tpu.memory_space<semaphore_mem>>
      %dma_start3A_231 = arith.constant 0 : i32
      %dma_start3A_232 = tpu.memref_slice %arg3[%select_n3A, %run_scoped3A_174, %dma_start3A_231] : memref<4x2x16384xf32, #tpu.memory_space<hbm>> -> memref<1x1x2048xf32, #tpu.memory_space<hbm>>
      %dma_start3A_233 = tpu.memref_squeeze %dma_start3A_232 : memref<1x1x2048xf32, #tpu.memory_space<hbm>> -> memref<2048xf32, #tpu.memory_space<hbm>>
      %dma_start3A_234 = arith.constant 0 : i32
      %dma_start3A_235 = tpu.memref_slice %arg3[%select_n3A, %run_scoped3A_174, %dma_start3A_234] : memref<4x2x16384xf32, #tpu.memory_space<hbm>> -> memref<1x1x2048xf32, #tpu.memory_space<hbm>>
      %dma_start3A_236 = tpu.memref_squeeze %dma_start3A_235 : memref<1x1x2048xf32, #tpu.memory_space<hbm>> -> memref<2048xf32, #tpu.memory_space<hbm>>
      tpu.enqueue_dma source(%dma_start3A_236 : memref<2048xf32, #tpu.memory_space<hbm>>) target(%arg10 : memref<2048xf32, #tpu.memory_space<vmem>>) target_semaphore(%run_scoped3A_230 : memref<!tpu.dma_semaphore, #tpu.memory_space<semaphore_mem>>)
      %dma_wait3A_237 = arith.constant 0 : i32
      %dma_wait3A_238 = tpu.memref_slice %arg3[%select_n3A, %run_scoped3A_174, %dma_wait3A_237] : memref<4x2x16384xf32, #tpu.memory_space<hbm>> -> memref<1x1x2048xf32, #tpu.memory_space<hbm>>
      %dma_wait3A_239 = tpu.memref_squeeze %dma_wait3A_238 : memref<1x1x2048xf32, #tpu.memory_space<hbm>> -> memref<2048xf32, #tpu.memory_space<hbm>>
      %dma_wait3A_240 = arith.constant 0 : i32
      %dma_wait3A_241 = tpu.memref_slice %arg3[%select_n3A, %run_scoped3A_174, %dma_wait3A_240] : memref<4x2x16384xf32, #tpu.memory_space<hbm>> -> memref<1x1x2048xf32, #tpu.memory_space<hbm>>
      %dma_wait3A_242 = tpu.memref_squeeze %dma_wait3A_241 : memref<1x1x2048xf32, #tpu.memory_space<hbm>> -> memref<2048xf32, #tpu.memory_space<hbm>>
      tpu.wait_dma2 semaphore(%run_scoped3A_230 : memref<!tpu.dma_semaphore, #tpu.memory_space<semaphore_mem>>) src(%dma_wait3A_242 : memref<2048xf32, #tpu.memory_space<hbm>>) dst(%arg10 : memref<2048xf32, #tpu.memory_space<vmem>>)
      tpu.yield
    }) : () -> ()
    %parallel_loop3A = arith.constant 0 : i32
    %parallel_loop3A_175 = arith.constant 128 : i32
    %parallel_loop3A_176 = arith.constant 1 : i32
    scf.for %parallel_loop3A_230 = %parallel_loop3A to %parallel_loop3A_175 step %parallel_loop3A_176  : i32 {
      %parallel_loop3A_231 = arith.constant 16 : i32
      %parallel_loop3A_232 = arith.muli %parallel_loop3A_230, %parallel_loop3A_231 : i32
      %parallel_loop3A_233 = arith.index_cast %parallel_loop3A_232 : i32 to index
      %parallel_loop3A_234 = tpu.vector_load %arg9[%parallel_loop3A_233] {strides = array<i32>} : memref<2048xf32, #tpu.memory_space<vmem>>, vector<16xf32>,
      %parallel_loop3A_235 = arith.index_cast %parallel_loop3A_232 : i32 to index
      %parallel_loop3A_236 = tpu.vector_load %arg10[%parallel_loop3A_235] {strides = array<i32>} : memref<2048xf32, #tpu.memory_space<vmem>>, vector<16xf32>,
      %parallel_loop3A_237 = arith.constant 0.000000e+00 : f32
      %parallel_loop3A_238 = vector.broadcast %parallel_loop3A_237 : f32 to vector<16xf32>
      %parallel_loop3A_239 = arith.cmpf oge, %parallel_loop3A_234, %parallel_loop3A_238 : vector<16xf32>
      %parallel_loop3A_240 = arith.constant 0.000000e+00 : f32
      %parallel_loop3A_241 = vector.broadcast %parallel_loop3A_240 : f32 to vector<16xf32>
      %parallel_loop3A_242 = arith.cmpf oge, %parallel_loop3A_236, %parallel_loop3A_241 : vector<16xf32>
      %parallel_loop3A_243 = arith.andi %parallel_loop3A_239, %parallel_loop3A_242 : vector<16xi1>
      %parallel_loop3A_244 = arith.constant 2.560000e+02 : f32
      %parallel_loop3A_245 = vector.broadcast %parallel_loop3A_244 : f32 to vector<16xf32>
      %parallel_loop3A_246 = arith.cmpf olt, %parallel_loop3A_234, %parallel_loop3A_245 : vector<16xf32>
      %parallel_loop3A_247 = arith.andi %parallel_loop3A_243, %parallel_loop3A_246 : vector<16xi1>
      %parallel_loop3A_248 = arith.constant 2.560000e+02 : f32
      %parallel_loop3A_249 = vector.broadcast %parallel_loop3A_248 : f32 to vector<16xf32>
      %parallel_loop3A_250 = arith.cmpf olt, %parallel_loop3A_236, %parallel_loop3A_249 : vector<16xf32>
      %parallel_loop3A_251 = arith.andi %parallel_loop3A_247, %parallel_loop3A_250 : vector<16xi1>
      %parallel_loop3A_252 = arith.constant 1.000000e+00 : f32
      %parallel_loop3A_253 = vector.broadcast %parallel_loop3A_252 : f32 to vector<16xf32>
      %parallel_loop3A_254 = arith.maximumf %parallel_loop3A_234, %parallel_loop3A_253 : vector<16xf32>
      %parallel_loop3A_255 = arith.constant 2.540000e+02 : f32
      %parallel_loop3A_256 = vector.broadcast %parallel_loop3A_255 : f32 to vector<16xf32>
      %parallel_loop3A_257 = arith.minimumf %parallel_loop3A_254, %parallel_loop3A_256 : vector<16xf32>
      %parallel_loop3A_258 = arith.constant 1.000000e+00 : f32
      %parallel_loop3A_259 = vector.broadcast %parallel_loop3A_258 : f32 to vector<16xf32>
      %parallel_loop3A_260 = arith.maximumf %parallel_loop3A_236, %parallel_loop3A_259 : vector<16xf32>
      %parallel_loop3A_261 = arith.constant 2.540000e+02 : f32
      %parallel_loop3A_262 = vector.broadcast %parallel_loop3A_261 : f32 to vector<16xf32>
      %parallel_loop3A_263 = arith.minimumf %parallel_loop3A_260, %parallel_loop3A_262 : vector<16xf32>
      %parallel_loop3A_264 = arith.fptosi %parallel_loop3A_257 : vector<16xf32> to vector<16xi32>
      %parallel_loop3A_265 = arith.fptosi %parallel_loop3A_263 : vector<16xf32> to vector<16xi32>
      %parallel_loop3A_266 = arith.sitofp %parallel_loop3A_264 : vector<16xi32> to vector<16xf32>
      %parallel_loop3A_267 = arith.subf %parallel_loop3A_257, %parallel_loop3A_266 : vector<16xf32>
      %parallel_loop3A_268 = arith.sitofp %parallel_loop3A_265 : vector<16xi32> to vector<16xf32>
      %parallel_loop3A_269 = arith.subf %parallel_loop3A_263, %parallel_loop3A_268 : vector<16xf32>
      %parallel_loop3A_270 = arith.constant 256 : i32
      %parallel_loop3A_271 = vector.broadcast %parallel_loop3A_270 : i32 to vector<16xi32>
      %parallel_loop3A_272 = arith.muli %parallel_loop3A_265, %parallel_loop3A_271 : vector<16xi32>
      %parallel_loop3A_273 = arith.addi %parallel_loop3A_272, %parallel_loop3A_264 : vector<16xi32>
      %parallel_loop3A_274 = arith.constant 65536 : i32
      %parallel_loop3A_275 = vector.broadcast %parallel_loop3A_274 : i32 to vector<16xi32>
      %parallel_loop3A_276 = arith.select %parallel_loop3A_251, %parallel_loop3A_273, %parallel_loop3A_275 : vector<16xi1>, vector<16xi32>
      %parallel_loop3A_277 = arith.constant 0 : i32
      %parallel_loop3A_278 = arith.addi %parallel_loop3A_277, %parallel_loop3A_232 : i32
      %parallel_loop3A_279 = arith.index_cast %parallel_loop3A_278 : i32 to index
      %parallel_loop3A_280 = tpu.vector_load %arg6[%parallel_loop3A_279] {strides = array<i32>} : memref<16384xi32, #tpu.memory_space<vmem>>, vector<16xi32>,
      tpu.vector_store %arg6[%parallel_loop3A_279], %parallel_loop3A_276 {strides = array<i32>} : memref<16384xi32, #tpu.memory_space<vmem>>, vector<16xi32>,
      %parallel_loop3A_281 = arith.constant 0.000000e+00 : f32
      %parallel_loop3A_282 = vector.broadcast %parallel_loop3A_281 : f32 to vector<16xf32>
      %parallel_loop3A_283 = arith.select %parallel_loop3A_251, %parallel_loop3A_267, %parallel_loop3A_282 : vector<16xi1>, vector<16xf32>
      %parallel_loop3A_284 = arith.constant 0 : i32
      %parallel_loop3A_285 = arith.addi %parallel_loop3A_284, %parallel_loop3A_232 : i32
      %parallel_loop3A_286 = arith.index_cast %parallel_loop3A_285 : i32 to index
      %parallel_loop3A_287 = tpu.vector_load %arg7[%parallel_loop3A_286] {strides = array<i32>} : memref<16384xf32, #tpu.memory_space<vmem>>, vector<16xf32>,
      tpu.vector_store %arg7[%parallel_loop3A_286], %parallel_loop3A_283 {strides = array<i32>} : memref<16384xf32, #tpu.memory_space<vmem>>, vector<16xf32>,
      %parallel_loop3A_288 = arith.constant 0.000000e+00 : f32
      %parallel_loop3A_289 = vector.broadcast %parallel_loop3A_288 : f32 to vector<16xf32>
      %parallel_loop3A_290 = arith.select %parallel_loop3A_251, %parallel_loop3A_269, %parallel_loop3A_289 : vector<16xi1>, vector<16xf32>
      %parallel_loop3A_291 = arith.constant 0 : i32
      %parallel_loop3A_292 = arith.addi %parallel_loop3A_291, %parallel_loop3A_232 : i32
      %parallel_loop3A_293 = arith.index_cast %parallel_loop3A_292 : i32 to index
      %parallel_loop3A_294 = tpu.vector_load %arg8[%parallel_loop3A_293] {strides = array<i32>} : memref<16384xf32, #tpu.memory_space<vmem>>, vector<16xf32>,
      tpu.vector_store %arg8[%parallel_loop3A_293], %parallel_loop3A_290 {strides = array<i32>} : memref<16384xf32, #tpu.memory_space<vmem>>, vector<16xf32>,
    } {sc.loop_unroll_factor = 4 : i64, sc.parallel_access}
    %run_scoped3A_177 = arith.constant 0 : i32
    "tpu.region"() ({
      %run_scoped3A_230 = tpu.sem_alloc : memref<!tpu.dma_semaphore, #tpu.memory_space<semaphore_mem>>
      %dma_start3A_231 = arith.constant 2048 : i32
      %dma_start3A_232 = tpu.memref_slice %arg3[%select_n3A, %run_scoped3A_177, %dma_start3A_231] : memref<4x2x16384xf32, #tpu.memory_space<hbm>> -> memref<1x1x2048xf32, #tpu.memory_space<hbm>>
      %dma_start3A_233 = tpu.memref_squeeze %dma_start3A_232 : memref<1x1x2048xf32, #tpu.memory_space<hbm>> -> memref<2048xf32, #tpu.memory_space<hbm>>
      %dma_start3A_234 = arith.constant 2048 : i32
      %dma_start3A_235 = tpu.memref_slice %arg3[%select_n3A, %run_scoped3A_177, %dma_start3A_234] : memref<4x2x16384xf32, #tpu.memory_space<hbm>> -> memref<1x1x2048xf32, #tpu.memory_space<hbm>>
      %dma_start3A_236 = tpu.memref_squeeze %dma_start3A_235 : memref<1x1x2048xf32, #tpu.memory_space<hbm>> -> memref<2048xf32, #tpu.memory_space<hbm>>
      tpu.enqueue_dma source(%dma_start3A_236 : memref<2048xf32, #tpu.memory_space<hbm>>) target(%arg9 : memref<2048xf32, #tpu.memory_space<vmem>>) target_semaphore(%run_scoped3A_230 : memref<!tpu.dma_semaphore, #tpu.memory_space<semaphore_mem>>)
      %dma_wait3A_237 = arith.constant 2048 : i32
      %dma_wait3A_238 = tpu.memref_slice %arg3[%select_n3A, %run_scoped3A_177, %dma_wait3A_237] : memref<4x2x16384xf32, #tpu.memory_space<hbm>> -> memref<1x1x2048xf32, #tpu.memory_space<hbm>>
      %dma_wait3A_239 = tpu.memref_squeeze %dma_wait3A_238 : memref<1x1x2048xf32, #tpu.memory_space<hbm>> -> memref<2048xf32, #tpu.memory_space<hbm>>
      %dma_wait3A_240 = arith.constant 2048 : i32
      %dma_wait3A_241 = tpu.memref_slice %arg3[%select_n3A, %run_scoped3A_177, %dma_wait3A_240] : memref<4x2x16384xf32, #tpu.memory_space<hbm>> -> memref<1x1x2048xf32, #tpu.memory_space<hbm>>
      %dma_wait3A_242 = tpu.memref_squeeze %dma_wait3A_241 : memref<1x1x2048xf32, #tpu.memory_space<hbm>> -> memref<2048xf32, #tpu.memory_space<hbm>>
      tpu.wait_dma2 semaphore(%run_scoped3A_230 : memref<!tpu.dma_semaphore, #tpu.memory_space<semaphore_mem>>) src(%dma_wait3A_242 : memref<2048xf32, #tpu.memory_space<hbm>>) dst(%arg9 : memref<2048xf32, #tpu.memory_space<vmem>>)
      tpu.yield
    }) : () -> ()
    %run_scoped3A_178 = arith.constant 1 : i32
    "tpu.region"() ({
      %run_scoped3A_230 = tpu.sem_alloc : memref<!tpu.dma_semaphore, #tpu.memory_space<semaphore_mem>>
      %dma_start3A_231 = arith.constant 2048 : i32
      %dma_start3A_232 = tpu.memref_slice %arg3[%select_n3A, %run_scoped3A_178, %dma_start3A_231] : memref<4x2x16384xf32, #tpu.memory_space<hbm>> -> memref<1x1x2048xf32, #tpu.memory_space<hbm>>
      %dma_start3A_233 = tpu.memref_squeeze %dma_start3A_232 : memref<1x1x2048xf32, #tpu.memory_space<hbm>> -> memref<2048xf32, #tpu.memory_space<hbm>>
      %dma_start3A_234 = arith.constant 2048 : i32
      %dma_start3A_235 = tpu.memref_slice %arg3[%select_n3A, %run_scoped3A_178, %dma_start3A_234] : memref<4x2x16384xf32, #tpu.memory_space<hbm>> -> memref<1x1x2048xf32, #tpu.memory_space<hbm>>
      %dma_start3A_236 = tpu.memref_squeeze %dma_start3A_235 : memref<1x1x2048xf32, #tpu.memory_space<hbm>> -> memref<2048xf32, #tpu.memory_space<hbm>>
      tpu.enqueue_dma source(%dma_start3A_236 : memref<2048xf32, #tpu.memory_space<hbm>>) target(%arg10 : memref<2048xf32, #tpu.memory_space<vmem>>) target_semaphore(%run_scoped3A_230 : memref<!tpu.dma_semaphore, #tpu.memory_space<semaphore_mem>>)
      %dma_wait3A_237 = arith.constant 2048 : i32
      %dma_wait3A_238 = tpu.memref_slice %arg3[%select_n3A, %run_scoped3A_178, %dma_wait3A_237] : memref<4x2x16384xf32, #tpu.memory_space<hbm>> -> memref<1x1x2048xf32, #tpu.memory_space<hbm>>
      %dma_wait3A_239 = tpu.memref_squeeze %dma_wait3A_238 : memref<1x1x2048xf32, #tpu.memory_space<hbm>> -> memref<2048xf32, #tpu.memory_space<hbm>>
      %dma_wait3A_240 = arith.constant 2048 : i32
      %dma_wait3A_241 = tpu.memref_slice %arg3[%select_n3A, %run_scoped3A_178, %dma_wait3A_240] : memref<4x2x16384xf32, #tpu.memory_space<hbm>> -> memref<1x1x2048xf32, #tpu.memory_space<hbm>>
      %dma_wait3A_242 = tpu.memref_squeeze %dma_wait3A_241 : memref<1x1x2048xf32, #tpu.memory_space<hbm>> -> memref<2048xf32, #tpu.memory_space<hbm>>
      tpu.wait_dma2 semaphore(%run_scoped3A_230 : memref<!tpu.dma_semaphore, #tpu.memory_space<semaphore_mem>>) src(%dma_wait3A_242 : memref<2048xf32, #tpu.memory_space<hbm>>) dst(%arg10 : memref<2048xf32, #tpu.memory_space<vmem>>)
      tpu.yield
    }) : () -> ()
    %parallel_loop3A_179 = arith.constant 0 : i32
    %parallel_loop3A_180 = arith.constant 128 : i32
    %parallel_loop3A_181 = arith.constant 1 : i32
    scf.for %parallel_loop3A_230 = %parallel_loop3A_179 to %parallel_loop3A_180 step %parallel_loop3A_181  : i32 {
      %parallel_loop3A_231 = arith.constant 16 : i32
      %parallel_loop3A_232 = arith.muli %parallel_loop3A_230, %parallel_loop3A_231 : i32
      %parallel_loop3A_233 = arith.index_cast %parallel_loop3A_232 : i32 to index
      %parallel_loop3A_234 = tpu.vector_load %arg9[%parallel_loop3A_233] {strides = array<i32>} : memref<2048xf32, #tpu.memory_space<vmem>>, vector<16xf32>,
      %parallel_loop3A_235 = arith.index_cast %parallel_loop3A_232 : i32 to index
      %parallel_loop3A_236 = tpu.vector_load %arg10[%parallel_loop3A_235] {strides = array<i32>} : memref<2048xf32, #tpu.memory_space<vmem>>, vector<16xf32>,
      %parallel_loop3A_237 = arith.constant 0.000000e+00 : f32
      %parallel_loop3A_238 = vector.broadcast %parallel_loop3A_237 : f32 to vector<16xf32>
      %parallel_loop3A_239 = arith.cmpf oge, %parallel_loop3A_234, %parallel_loop3A_238 : vector<16xf32>
      %parallel_loop3A_240 = arith.constant 0.000000e+00 : f32
      %parallel_loop3A_241 = vector.broadcast %parallel_loop3A_240 : f32 to vector<16xf32>
      %parallel_loop3A_242 = arith.cmpf oge, %parallel_loop3A_236, %parallel_loop3A_241 : vector<16xf32>
      %parallel_loop3A_243 = arith.andi %parallel_loop3A_239, %parallel_loop3A_242 : vector<16xi1>
      %parallel_loop3A_244 = arith.constant 2.560000e+02 : f32
      %parallel_loop3A_245 = vector.broadcast %parallel_loop3A_244 : f32 to vector<16xf32>
      %parallel_loop3A_246 = arith.cmpf olt, %parallel_loop3A_234, %parallel_loop3A_245 : vector<16xf32>
      %parallel_loop3A_247 = arith.andi %parallel_loop3A_243, %parallel_loop3A_246 : vector<16xi1>
      %parallel_loop3A_248 = arith.constant 2.560000e+02 : f32
      %parallel_loop3A_249 = vector.broadcast %parallel_loop3A_248 : f32 to vector<16xf32>
      %parallel_loop3A_250 = arith.cmpf olt, %parallel_loop3A_236, %parallel_loop3A_249 : vector<16xf32>
      %parallel_loop3A_251 = arith.andi %parallel_loop3A_247, %parallel_loop3A_250 : vector<16xi1>
      %parallel_loop3A_252 = arith.constant 1.000000e+00 : f32
      %parallel_loop3A_253 = vector.broadcast %parallel_loop3A_252 : f32 to vector<16xf32>
      %parallel_loop3A_254 = arith.maximumf %parallel_loop3A_234, %parallel_loop3A_253 : vector<16xf32>
      %parallel_loop3A_255 = arith.constant 2.540000e+02 : f32
      %parallel_loop3A_256 = vector.broadcast %parallel_loop3A_255 : f32 to vector<16xf32>
      %parallel_loop3A_257 = arith.minimumf %parallel_loop3A_254, %parallel_loop3A_256 : vector<16xf32>
      %parallel_loop3A_258 = arith.constant 1.000000e+00 : f32
      %parallel_loop3A_259 = vector.broadcast %parallel_loop3A_258 : f32 to vector<16xf32>
      %parallel_loop3A_260 = arith.maximumf %parallel_loop3A_236, %parallel_loop3A_259 : vector<16xf32>
      %parallel_loop3A_261 = arith.constant 2.540000e+02 : f32
      %parallel_loop3A_262 = vector.broadcast %parallel_loop3A_261 : f32 to vector<16xf32>
      %parallel_loop3A_263 = arith.minimumf %parallel_loop3A_260, %parallel_loop3A_262 : vector<16xf32>
      %parallel_loop3A_264 = arith.fptosi %parallel_loop3A_257 : vector<16xf32> to vector<16xi32>
      %parallel_loop3A_265 = arith.fptosi %parallel_loop3A_263 : vector<16xf32> to vector<16xi32>
      %parallel_loop3A_266 = arith.sitofp %parallel_loop3A_264 : vector<16xi32> to vector<16xf32>
      %parallel_loop3A_267 = arith.subf %parallel_loop3A_257, %parallel_loop3A_266 : vector<16xf32>
      %parallel_loop3A_268 = arith.sitofp %parallel_loop3A_265 : vector<16xi32> to vector<16xf32>
      %parallel_loop3A_269 = arith.subf %parallel_loop3A_263, %parallel_loop3A_268 : vector<16xf32>
      %parallel_loop3A_270 = arith.constant 256 : i32
      %parallel_loop3A_271 = vector.broadcast %parallel_loop3A_270 : i32 to vector<16xi32>
      %parallel_loop3A_272 = arith.muli %parallel_loop3A_265, %parallel_loop3A_271 : vector<16xi32>
      %parallel_loop3A_273 = arith.addi %parallel_loop3A_272, %parallel_loop3A_264 : vector<16xi32>
      %parallel_loop3A_274 = arith.constant 65536 : i32
      %parallel_loop3A_275 = vector.broadcast %parallel_loop3A_274 : i32 to vector<16xi32>
      %parallel_loop3A_276 = arith.select %parallel_loop3A_251, %parallel_loop3A_273, %parallel_loop3A_275 : vector<16xi1>, vector<16xi32>
      %parallel_loop3A_277 = arith.constant 2048 : i32
      %parallel_loop3A_278 = arith.addi %parallel_loop3A_277, %parallel_loop3A_232 : i32
      %parallel_loop3A_279 = arith.index_cast %parallel_loop3A_278 : i32 to index
      %parallel_loop3A_280 = tpu.vector_load %arg6[%parallel_loop3A_279] {strides = array<i32>} : memref<16384xi32, #tpu.memory_space<vmem>>, vector<16xi32>,
      tpu.vector_store %arg6[%parallel_loop3A_279], %parallel_loop3A_276 {strides = array<i32>} : memref<16384xi32, #tpu.memory_space<vmem>>, vector<16xi32>,
      %parallel_loop3A_281 = arith.constant 0.000000e+00 : f32
      %parallel_loop3A_282 = vector.broadcast %parallel_loop3A_281 : f32 to vector<16xf32>
      %parallel_loop3A_283 = arith.select %parallel_loop3A_251, %parallel_loop3A_267, %parallel_loop3A_282 : vector<16xi1>, vector<16xf32>
      %parallel_loop3A_284 = arith.constant 2048 : i32
      %parallel_loop3A_285 = arith.addi %parallel_loop3A_284, %parallel_loop3A_232 : i32
      %parallel_loop3A_286 = arith.index_cast %parallel_loop3A_285 : i32 to index
      %parallel_loop3A_287 = tpu.vector_load %arg7[%parallel_loop3A_286] {strides = array<i32>} : memref<16384xf32, #tpu.memory_space<vmem>>, vector<16xf32>,
      tpu.vector_store %arg7[%parallel_loop3A_286], %parallel_loop3A_283 {strides = array<i32>} : memref<16384xf32, #tpu.memory_space<vmem>>, vector<16xf32>,
      %parallel_loop3A_288 = arith.constant 0.000000e+00 : f32
      %parallel_loop3A_289 = vector.broadcast %parallel_loop3A_288 : f32 to vector<16xf32>
      %parallel_loop3A_290 = arith.select %parallel_loop3A_251, %parallel_loop3A_269, %parallel_loop3A_289 : vector<16xi1>, vector<16xf32>
      %parallel_loop3A_291 = arith.constant 2048 : i32
      %parallel_loop3A_292 = arith.addi %parallel_loop3A_291, %parallel_loop3A_232 : i32
      %parallel_loop3A_293 = arith.index_cast %parallel_loop3A_292 : i32 to index
      %parallel_loop3A_294 = tpu.vector_load %arg8[%parallel_loop3A_293] {strides = array<i32>} : memref<16384xf32, #tpu.memory_space<vmem>>, vector<16xf32>,
      tpu.vector_store %arg8[%parallel_loop3A_293], %parallel_loop3A_290 {strides = array<i32>} : memref<16384xf32, #tpu.memory_space<vmem>>, vector<16xf32>,
    } {sc.loop_unroll_factor = 4 : i64, sc.parallel_access}
    %run_scoped3A_182 = arith.constant 0 : i32
    "tpu.region"() ({
      %run_scoped3A_230 = tpu.sem_alloc : memref<!tpu.dma_semaphore, #tpu.memory_space<semaphore_mem>>
      %dma_start3A_231 = arith.constant 4096 : i32
      %dma_start3A_232 = tpu.memref_slice %arg3[%select_n3A, %run_scoped3A_182, %dma_start3A_231] : memref<4x2x16384xf32, #tpu.memory_space<hbm>> -> memref<1x1x2048xf32, #tpu.memory_space<hbm>>
      %dma_start3A_233 = tpu.memref_squeeze %dma_start3A_232 : memref<1x1x2048xf32, #tpu.memory_space<hbm>> -> memref<2048xf32, #tpu.memory_space<hbm>>
      %dma_start3A_234 = arith.constant 4096 : i32
      %dma_start3A_235 = tpu.memref_slice %arg3[%select_n3A, %run_scoped3A_182, %dma_start3A_234] : memref<4x2x16384xf32, #tpu.memory_space<hbm>> -> memref<1x1x2048xf32, #tpu.memory_space<hbm>>
      %dma_start3A_236 = tpu.memref_squeeze %dma_start3A_235 : memref<1x1x2048xf32, #tpu.memory_space<hbm>> -> memref<2048xf32, #tpu.memory_space<hbm>>
      tpu.enqueue_dma source(%dma_start3A_236 : memref<2048xf32, #tpu.memory_space<hbm>>) target(%arg9 : memref<2048xf32, #tpu.memory_space<vmem>>) target_semaphore(%run_scoped3A_230 : memref<!tpu.dma_semaphore, #tpu.memory_space<semaphore_mem>>)
      %dma_wait3A_237 = arith.constant 4096 : i32
      %dma_wait3A_238 = tpu.memref_slice %arg3[%select_n3A, %run_scoped3A_182, %dma_wait3A_237] : memref<4x2x16384xf32, #tpu.memory_space<hbm>> -> memref<1x1x2048xf32, #tpu.memory_space<hbm>>
      %dma_wait3A_239 = tpu.memref_squeeze %dma_wait3A_238 : memref<1x1x2048xf32, #tpu.memory_space<hbm>> -> memref<2048xf32, #tpu.memory_space<hbm>>
      %dma_wait3A_240 = arith.constant 4096 : i32
      %dma_wait3A_241 = tpu.memref_slice %arg3[%select_n3A, %run_scoped3A_182, %dma_wait3A_240] : memref<4x2x16384xf32, #tpu.memory_space<hbm>> -> memref<1x1x2048xf32, #tpu.memory_space<hbm>>
      %dma_wait3A_242 = tpu.memref_squeeze %dma_wait3A_241 : memref<1x1x2048xf32, #tpu.memory_space<hbm>> -> memref<2048xf32, #tpu.memory_space<hbm>>
      tpu.wait_dma2 semaphore(%run_scoped3A_230 : memref<!tpu.dma_semaphore, #tpu.memory_space<semaphore_mem>>) src(%dma_wait3A_242 : memref<2048xf32, #tpu.memory_space<hbm>>) dst(%arg9 : memref<2048xf32, #tpu.memory_space<vmem>>)
      tpu.yield
    }) : () -> ()
    %run_scoped3A_183 = arith.constant 1 : i32
    "tpu.region"() ({
      %run_scoped3A_230 = tpu.sem_alloc : memref<!tpu.dma_semaphore, #tpu.memory_space<semaphore_mem>>
      %dma_start3A_231 = arith.constant 4096 : i32
      %dma_start3A_232 = tpu.memref_slice %arg3[%select_n3A, %run_scoped3A_183, %dma_start3A_231] : memref<4x2x16384xf32, #tpu.memory_space<hbm>> -> memref<1x1x2048xf32, #tpu.memory_space<hbm>>
      %dma_start3A_233 = tpu.memref_squeeze %dma_start3A_232 : memref<1x1x2048xf32, #tpu.memory_space<hbm>> -> memref<2048xf32, #tpu.memory_space<hbm>>
      %dma_start3A_234 = arith.constant 4096 : i32
      %dma_start3A_235 = tpu.memref_slice %arg3[%select_n3A, %run_scoped3A_183, %dma_start3A_234] : memref<4x2x16384xf32, #tpu.memory_space<hbm>> -> memref<1x1x2048xf32, #tpu.memory_space<hbm>>
      %dma_start3A_236 = tpu.memref_squeeze %dma_start3A_235 : memref<1x1x2048xf32, #tpu.memory_space<hbm>> -> memref<2048xf32, #tpu.memory_space<hbm>>
      tpu.enqueue_dma source(%dma_start3A_236 : memref<2048xf32, #tpu.memory_space<hbm>>) target(%arg10 : memref<2048xf32, #tpu.memory_space<vmem>>) target_semaphore(%run_scoped3A_230 : memref<!tpu.dma_semaphore, #tpu.memory_space<semaphore_mem>>)
      %dma_wait3A_237 = arith.constant 4096 : i32
      %dma_wait3A_238 = tpu.memref_slice %arg3[%select_n3A, %run_scoped3A_183, %dma_wait3A_237] : memref<4x2x16384xf32, #tpu.memory_space<hbm>> -> memref<1x1x2048xf32, #tpu.memory_space<hbm>>
      %dma_wait3A_239 = tpu.memref_squeeze %dma_wait3A_238 : memref<1x1x2048xf32, #tpu.memory_space<hbm>> -> memref<2048xf32, #tpu.memory_space<hbm>>
      %dma_wait3A_240 = arith.constant 4096 : i32
      %dma_wait3A_241 = tpu.memref_slice %arg3[%select_n3A, %run_scoped3A_183, %dma_wait3A_240] : memref<4x2x16384xf32, #tpu.memory_space<hbm>> -> memref<1x1x2048xf32, #tpu.memory_space<hbm>>
      %dma_wait3A_242 = tpu.memref_squeeze %dma_wait3A_241 : memref<1x1x2048xf32, #tpu.memory_space<hbm>> -> memref<2048xf32, #tpu.memory_space<hbm>>
      tpu.wait_dma2 semaphore(%run_scoped3A_230 : memref<!tpu.dma_semaphore, #tpu.memory_space<semaphore_mem>>) src(%dma_wait3A_242 : memref<2048xf32, #tpu.memory_space<hbm>>) dst(%arg10 : memref<2048xf32, #tpu.memory_space<vmem>>)
      tpu.yield
    }) : () -> ()
    %parallel_loop3A_184 = arith.constant 0 : i32
    %parallel_loop3A_185 = arith.constant 128 : i32
    %parallel_loop3A_186 = arith.constant 1 : i32
    scf.for %parallel_loop3A_230 = %parallel_loop3A_184 to %parallel_loop3A_185 step %parallel_loop3A_186  : i32 {
      %parallel_loop3A_231 = arith.constant 16 : i32
      %parallel_loop3A_232 = arith.muli %parallel_loop3A_230, %parallel_loop3A_231 : i32
      %parallel_loop3A_233 = arith.index_cast %parallel_loop3A_232 : i32 to index
      %parallel_loop3A_234 = tpu.vector_load %arg9[%parallel_loop3A_233] {strides = array<i32>} : memref<2048xf32, #tpu.memory_space<vmem>>, vector<16xf32>,
      %parallel_loop3A_235 = arith.index_cast %parallel_loop3A_232 : i32 to index
      %parallel_loop3A_236 = tpu.vector_load %arg10[%parallel_loop3A_235] {strides = array<i32>} : memref<2048xf32, #tpu.memory_space<vmem>>, vector<16xf32>,
      %parallel_loop3A_237 = arith.constant 0.000000e+00 : f32
      %parallel_loop3A_238 = vector.broadcast %parallel_loop3A_237 : f32 to vector<16xf32>
      %parallel_loop3A_239 = arith.cmpf oge, %parallel_loop3A_234, %parallel_loop3A_238 : vector<16xf32>
      %parallel_loop3A_240 = arith.constant 0.000000e+00 : f32
      %parallel_loop3A_241 = vector.broadcast %parallel_loop3A_240 : f32 to vector<16xf32>
      %parallel_loop3A_242 = arith.cmpf oge, %parallel_loop3A_236, %parallel_loop3A_241 : vector<16xf32>
      %parallel_loop3A_243 = arith.andi %parallel_loop3A_239, %parallel_loop3A_242 : vector<16xi1>
      %parallel_loop3A_244 = arith.constant 2.560000e+02 : f32
      %parallel_loop3A_245 = vector.broadcast %parallel_loop3A_244 : f32 to vector<16xf32>
      %parallel_loop3A_246 = arith.cmpf olt, %parallel_loop3A_234, %parallel_loop3A_245 : vector<16xf32>
      %parallel_loop3A_247 = arith.andi %parallel_loop3A_243, %parallel_loop3A_246 : vector<16xi1>
      %parallel_loop3A_248 = arith.constant 2.560000e+02 : f32
      %parallel_loop3A_249 = vector.broadcast %parallel_loop3A_248 : f32 to vector<16xf32>
      %parallel_loop3A_250 = arith.cmpf olt, %parallel_loop3A_236, %parallel_loop3A_249 : vector<16xf32>
      %parallel_loop3A_251 = arith.andi %parallel_loop3A_247, %parallel_loop3A_250 : vector<16xi1>
      %parallel_loop3A_252 = arith.constant 1.000000e+00 : f32
      %parallel_loop3A_253 = vector.broadcast %parallel_loop3A_252 : f32 to vector<16xf32>
      %parallel_loop3A_254 = arith.maximumf %parallel_loop3A_234, %parallel_loop3A_253 : vector<16xf32>
      %parallel_loop3A_255 = arith.constant 2.540000e+02 : f32
      %parallel_loop3A_256 = vector.broadcast %parallel_loop3A_255 : f32 to vector<16xf32>
      %parallel_loop3A_257 = arith.minimumf %parallel_loop3A_254, %parallel_loop3A_256 : vector<16xf32>
      %parallel_loop3A_258 = arith.constant 1.000000e+00 : f32
      %parallel_loop3A_259 = vector.broadcast %parallel_loop3A_258 : f32 to vector<16xf32>
      %parallel_loop3A_260 = arith.maximumf %parallel_loop3A_236, %parallel_loop3A_259 : vector<16xf32>
      %parallel_loop3A_261 = arith.constant 2.540000e+02 : f32
      %parallel_loop3A_262 = vector.broadcast %parallel_loop3A_261 : f32 to vector<16xf32>
      %parallel_loop3A_263 = arith.minimumf %parallel_loop3A_260, %parallel_loop3A_262 : vector<16xf32>
      %parallel_loop3A_264 = arith.fptosi %parallel_loop3A_257 : vector<16xf32> to vector<16xi32>
      %parallel_loop3A_265 = arith.fptosi %parallel_loop3A_263 : vector<16xf32> to vector<16xi32>
      %parallel_loop3A_266 = arith.sitofp %parallel_loop3A_264 : vector<16xi32> to vector<16xf32>
      %parallel_loop3A_267 = arith.subf %parallel_loop3A_257, %parallel_loop3A_266 : vector<16xf32>
      %parallel_loop3A_268 = arith.sitofp %parallel_loop3A_265 : vector<16xi32> to vector<16xf32>
      %parallel_loop3A_269 = arith.subf %parallel_loop3A_263, %parallel_loop3A_268 : vector<16xf32>
      %parallel_loop3A_270 = arith.constant 256 : i32
      %parallel_loop3A_271 = vector.broadcast %parallel_loop3A_270 : i32 to vector<16xi32>
      %parallel_loop3A_272 = arith.muli %parallel_loop3A_265, %parallel_loop3A_271 : vector<16xi32>
      %parallel_loop3A_273 = arith.addi %parallel_loop3A_272, %parallel_loop3A_264 : vector<16xi32>
      %parallel_loop3A_274 = arith.constant 65536 : i32
      %parallel_loop3A_275 = vector.broadcast %parallel_loop3A_274 : i32 to vector<16xi32>
      %parallel_loop3A_276 = arith.select %parallel_loop3A_251, %parallel_loop3A_273, %parallel_loop3A_275 : vector<16xi1>, vector<16xi32>
      %parallel_loop3A_277 = arith.constant 4096 : i32
      %parallel_loop3A_278 = arith.addi %parallel_loop3A_277, %parallel_loop3A_232 : i32
      %parallel_loop3A_279 = arith.index_cast %parallel_loop3A_278 : i32 to index
      %parallel_loop3A_280 = tpu.vector_load %arg6[%parallel_loop3A_279] {strides = array<i32>} : memref<16384xi32, #tpu.memory_space<vmem>>, vector<16xi32>,
      tpu.vector_store %arg6[%parallel_loop3A_279], %parallel_loop3A_276 {strides = array<i32>} : memref<16384xi32, #tpu.memory_space<vmem>>, vector<16xi32>,
      %parallel_loop3A_281 = arith.constant 0.000000e+00 : f32
      %parallel_loop3A_282 = vector.broadcast %parallel_loop3A_281 : f32 to vector<16xf32>
      %parallel_loop3A_283 = arith.select %parallel_loop3A_251, %parallel_loop3A_267, %parallel_loop3A_282 : vector<16xi1>, vector<16xf32>
      %parallel_loop3A_284 = arith.constant 4096 : i32
      %parallel_loop3A_285 = arith.addi %parallel_loop3A_284, %parallel_loop3A_232 : i32
      %parallel_loop3A_286 = arith.index_cast %parallel_loop3A_285 : i32 to index
      %parallel_loop3A_287 = tpu.vector_load %arg7[%parallel_loop3A_286] {strides = array<i32>} : memref<16384xf32, #tpu.memory_space<vmem>>, vector<16xf32>,
      tpu.vector_store %arg7[%parallel_loop3A_286], %parallel_loop3A_283 {strides = array<i32>} : memref<16384xf32, #tpu.memory_space<vmem>>, vector<16xf32>,
      %parallel_loop3A_288 = arith.constant 0.000000e+00 : f32
      %parallel_loop3A_289 = vector.broadcast %parallel_loop3A_288 : f32 to vector<16xf32>
      %parallel_loop3A_290 = arith.select %parallel_loop3A_251, %parallel_loop3A_269, %parallel_loop3A_289 : vector<16xi1>, vector<16xf32>
      %parallel_loop3A_291 = arith.constant 4096 : i32
      %parallel_loop3A_292 = arith.addi %parallel_loop3A_291, %parallel_loop3A_232 : i32
      %parallel_loop3A_293 = arith.index_cast %parallel_loop3A_292 : i32 to index
      %parallel_loop3A_294 = tpu.vector_load %arg8[%parallel_loop3A_293] {strides = array<i32>} : memref<16384xf32, #tpu.memory_space<vmem>>, vector<16xf32>,
      tpu.vector_store %arg8[%parallel_loop3A_293], %parallel_loop3A_290 {strides = array<i32>} : memref<16384xf32, #tpu.memory_space<vmem>>, vector<16xf32>,
    } {sc.loop_unroll_factor = 4 : i64, sc.parallel_access}
    %run_scoped3A_187 = arith.constant 0 : i32
    "tpu.region"() ({
      %run_scoped3A_230 = tpu.sem_alloc : memref<!tpu.dma_semaphore, #tpu.memory_space<semaphore_mem>>
      %dma_start3A_231 = arith.constant 6144 : i32
      %dma_start3A_232 = tpu.memref_slice %arg3[%select_n3A, %run_scoped3A_187, %dma_start3A_231] : memref<4x2x16384xf32, #tpu.memory_space<hbm>> -> memref<1x1x2048xf32, #tpu.memory_space<hbm>>
      %dma_start3A_233 = tpu.memref_squeeze %dma_start3A_232 : memref<1x1x2048xf32, #tpu.memory_space<hbm>> -> memref<2048xf32, #tpu.memory_space<hbm>>
      %dma_start3A_234 = arith.constant 6144 : i32
      %dma_start3A_235 = tpu.memref_slice %arg3[%select_n3A, %run_scoped3A_187, %dma_start3A_234] : memref<4x2x16384xf32, #tpu.memory_space<hbm>> -> memref<1x1x2048xf32, #tpu.memory_space<hbm>>
      %dma_start3A_236 = tpu.memref_squeeze %dma_start3A_235 : memref<1x1x2048xf32, #tpu.memory_space<hbm>> -> memref<2048xf32, #tpu.memory_space<hbm>>
      tpu.enqueue_dma source(%dma_start3A_236 : memref<2048xf32, #tpu.memory_space<hbm>>) target(%arg9 : memref<2048xf32, #tpu.memory_space<vmem>>) target_semaphore(%run_scoped3A_230 : memref<!tpu.dma_semaphore, #tpu.memory_space<semaphore_mem>>)
      %dma_wait3A_237 = arith.constant 6144 : i32
      %dma_wait3A_238 = tpu.memref_slice %arg3[%select_n3A, %run_scoped3A_187, %dma_wait3A_237] : memref<4x2x16384xf32, #tpu.memory_space<hbm>> -> memref<1x1x2048xf32, #tpu.memory_space<hbm>>
      %dma_wait3A_239 = tpu.memref_squeeze %dma_wait3A_238 : memref<1x1x2048xf32, #tpu.memory_space<hbm>> -> memref<2048xf32, #tpu.memory_space<hbm>>
      %dma_wait3A_240 = arith.constant 6144 : i32
      %dma_wait3A_241 = tpu.memref_slice %arg3[%select_n3A, %run_scoped3A_187, %dma_wait3A_240] : memref<4x2x16384xf32, #tpu.memory_space<hbm>> -> memref<1x1x2048xf32, #tpu.memory_space<hbm>>
      %dma_wait3A_242 = tpu.memref_squeeze %dma_wait3A_241 : memref<1x1x2048xf32, #tpu.memory_space<hbm>> -> memref<2048xf32, #tpu.memory_space<hbm>>
      tpu.wait_dma2 semaphore(%run_scoped3A_230 : memref<!tpu.dma_semaphore, #tpu.memory_space<semaphore_mem>>) src(%dma_wait3A_242 : memref<2048xf32, #tpu.memory_space<hbm>>) dst(%arg9 : memref<2048xf32, #tpu.memory_space<vmem>>)
      tpu.yield
    }) : () -> ()
    %run_scoped3A_188 = arith.constant 1 : i32
    "tpu.region"() ({
      %run_scoped3A_230 = tpu.sem_alloc : memref<!tpu.dma_semaphore, #tpu.memory_space<semaphore_mem>>
      %dma_start3A_231 = arith.constant 6144 : i32
      %dma_start3A_232 = tpu.memref_slice %arg3[%select_n3A, %run_scoped3A_188, %dma_start3A_231] : memref<4x2x16384xf32, #tpu.memory_space<hbm>> -> memref<1x1x2048xf32, #tpu.memory_space<hbm>>
      %dma_start3A_233 = tpu.memref_squeeze %dma_start3A_232 : memref<1x1x2048xf32, #tpu.memory_space<hbm>> -> memref<2048xf32, #tpu.memory_space<hbm>>
      %dma_start3A_234 = arith.constant 6144 : i32
      %dma_start3A_235 = tpu.memref_slice %arg3[%select_n3A, %run_scoped3A_188, %dma_start3A_234] : memref<4x2x16384xf32, #tpu.memory_space<hbm>> -> memref<1x1x2048xf32, #tpu.memory_space<hbm>>
      %dma_start3A_236 = tpu.memref_squeeze %dma_start3A_235 : memref<1x1x2048xf32, #tpu.memory_space<hbm>> -> memref<2048xf32, #tpu.memory_space<hbm>>
      tpu.enqueue_dma source(%dma_start3A_236 : memref<2048xf32, #tpu.memory_space<hbm>>) target(%arg10 : memref<2048xf32, #tpu.memory_space<vmem>>) target_semaphore(%run_scoped3A_230 : memref<!tpu.dma_semaphore, #tpu.memory_space<semaphore_mem>>)
      %dma_wait3A_237 = arith.constant 6144 : i32
      %dma_wait3A_238 = tpu.memref_slice %arg3[%select_n3A, %run_scoped3A_188, %dma_wait3A_237] : memref<4x2x16384xf32, #tpu.memory_space<hbm>> -> memref<1x1x2048xf32, #tpu.memory_space<hbm>>
      %dma_wait3A_239 = tpu.memref_squeeze %dma_wait3A_238 : memref<1x1x2048xf32, #tpu.memory_space<hbm>> -> memref<2048xf32, #tpu.memory_space<hbm>>
      %dma_wait3A_240 = arith.constant 6144 : i32
      %dma_wait3A_241 = tpu.memref_slice %arg3[%select_n3A, %run_scoped3A_188, %dma_wait3A_240] : memref<4x2x16384xf32, #tpu.memory_space<hbm>> -> memref<1x1x2048xf32, #tpu.memory_space<hbm>>
      %dma_wait3A_242 = tpu.memref_squeeze %dma_wait3A_241 : memref<1x1x2048xf32, #tpu.memory_space<hbm>> -> memref<2048xf32, #tpu.memory_space<hbm>>
      tpu.wait_dma2 semaphore(%run_scoped3A_230 : memref<!tpu.dma_semaphore, #tpu.memory_space<semaphore_mem>>) src(%dma_wait3A_242 : memref<2048xf32, #tpu.memory_space<hbm>>) dst(%arg10 : memref<2048xf32, #tpu.memory_space<vmem>>)
      tpu.yield
    }) : () -> ()
    %parallel_loop3A_189 = arith.constant 0 : i32
    %parallel_loop3A_190 = arith.constant 128 : i32
    %parallel_loop3A_191 = arith.constant 1 : i32
    scf.for %parallel_loop3A_230 = %parallel_loop3A_189 to %parallel_loop3A_190 step %parallel_loop3A_191  : i32 {
      %parallel_loop3A_231 = arith.constant 16 : i32
      %parallel_loop3A_232 = arith.muli %parallel_loop3A_230, %parallel_loop3A_231 : i32
      %parallel_loop3A_233 = arith.index_cast %parallel_loop3A_232 : i32 to index
      %parallel_loop3A_234 = tpu.vector_load %arg9[%parallel_loop3A_233] {strides = array<i32>} : memref<2048xf32, #tpu.memory_space<vmem>>, vector<16xf32>,
      %parallel_loop3A_235 = arith.index_cast %parallel_loop3A_232 : i32 to index
      %parallel_loop3A_236 = tpu.vector_load %arg10[%parallel_loop3A_235] {strides = array<i32>} : memref<2048xf32, #tpu.memory_space<vmem>>, vector<16xf32>,
      %parallel_loop3A_237 = arith.constant 0.000000e+00 : f32
      %parallel_loop3A_238 = vector.broadcast %parallel_loop3A_237 : f32 to vector<16xf32>
      %parallel_loop3A_239 = arith.cmpf oge, %parallel_loop3A_234, %parallel_loop3A_238 : vector<16xf32>
      %parallel_loop3A_240 = arith.constant 0.000000e+00 : f32
      %parallel_loop3A_241 = vector.broadcast %parallel_loop3A_240 : f32 to vector<16xf32>
      %parallel_loop3A_242 = arith.cmpf oge, %parallel_loop3A_236, %parallel_loop3A_241 : vector<16xf32>
      %parallel_loop3A_243 = arith.andi %parallel_loop3A_239, %parallel_loop3A_242 : vector<16xi1>
      %parallel_loop3A_244 = arith.constant 2.560000e+02 : f32
      %parallel_loop3A_245 = vector.broadcast %parallel_loop3A_244 : f32 to vector<16xf32>
      %parallel_loop3A_246 = arith.cmpf olt, %parallel_loop3A_234, %parallel_loop3A_245 : vector<16xf32>
      %parallel_loop3A_247 = arith.andi %parallel_loop3A_243, %parallel_loop3A_246 : vector<16xi1>
      %parallel_loop3A_248 = arith.constant 2.560000e+02 : f32
      %parallel_loop3A_249 = vector.broadcast %parallel_loop3A_248 : f32 to vector<16xf32>
      %parallel_loop3A_250 = arith.cmpf olt, %parallel_loop3A_236, %parallel_loop3A_249 : vector<16xf32>
      %parallel_loop3A_251 = arith.andi %parallel_loop3A_247, %parallel_loop3A_250 : vector<16xi1>
      %parallel_loop3A_252 = arith.constant 1.000000e+00 : f32
      %parallel_loop3A_253 = vector.broadcast %parallel_loop3A_252 : f32 to vector<16xf32>
      %parallel_loop3A_254 = arith.maximumf %parallel_loop3A_234, %parallel_loop3A_253 : vector<16xf32>
      %parallel_loop3A_255 = arith.constant 2.540000e+02 : f32
      %parallel_loop3A_256 = vector.broadcast %parallel_loop3A_255 : f32 to vector<16xf32>
      %parallel_loop3A_257 = arith.minimumf %parallel_loop3A_254, %parallel_loop3A_256 : vector<16xf32>
      %parallel_loop3A_258 = arith.constant 1.000000e+00 : f32
      %parallel_loop3A_259 = vector.broadcast %parallel_loop3A_258 : f32 to vector<16xf32>
      %parallel_loop3A_260 = arith.maximumf %parallel_loop3A_236, %parallel_loop3A_259 : vector<16xf32>
      %parallel_loop3A_261 = arith.constant 2.540000e+02 : f32
      %parallel_loop3A_262 = vector.broadcast %parallel_loop3A_261 : f32 to vector<16xf32>
      %parallel_loop3A_263 = arith.minimumf %parallel_loop3A_260, %parallel_loop3A_262 : vector<16xf32>
      %parallel_loop3A_264 = arith.fptosi %parallel_loop3A_257 : vector<16xf32> to vector<16xi32>
      %parallel_loop3A_265 = arith.fptosi %parallel_loop3A_263 : vector<16xf32> to vector<16xi32>
      %parallel_loop3A_266 = arith.sitofp %parallel_loop3A_264 : vector<16xi32> to vector<16xf32>
      %parallel_loop3A_267 = arith.subf %parallel_loop3A_257, %parallel_loop3A_266 : vector<16xf32>
      %parallel_loop3A_268 = arith.sitofp %parallel_loop3A_265 : vector<16xi32> to vector<16xf32>
      %parallel_loop3A_269 = arith.subf %parallel_loop3A_263, %parallel_loop3A_268 : vector<16xf32>
      %parallel_loop3A_270 = arith.constant 256 : i32
      %parallel_loop3A_271 = vector.broadcast %parallel_loop3A_270 : i32 to vector<16xi32>
      %parallel_loop3A_272 = arith.muli %parallel_loop3A_265, %parallel_loop3A_271 : vector<16xi32>
      %parallel_loop3A_273 = arith.addi %parallel_loop3A_272, %parallel_loop3A_264 : vector<16xi32>
      %parallel_loop3A_274 = arith.constant 65536 : i32
      %parallel_loop3A_275 = vector.broadcast %parallel_loop3A_274 : i32 to vector<16xi32>
      %parallel_loop3A_276 = arith.select %parallel_loop3A_251, %parallel_loop3A_273, %parallel_loop3A_275 : vector<16xi1>, vector<16xi32>
      %parallel_loop3A_277 = arith.constant 6144 : i32
      %parallel_loop3A_278 = arith.addi %parallel_loop3A_277, %parallel_loop3A_232 : i32
      %parallel_loop3A_279 = arith.index_cast %parallel_loop3A_278 : i32 to index
      %parallel_loop3A_280 = tpu.vector_load %arg6[%parallel_loop3A_279] {strides = array<i32>} : memref<16384xi32, #tpu.memory_space<vmem>>, vector<16xi32>,
      tpu.vector_store %arg6[%parallel_loop3A_279], %parallel_loop3A_276 {strides = array<i32>} : memref<16384xi32, #tpu.memory_space<vmem>>, vector<16xi32>,
      %parallel_loop3A_281 = arith.constant 0.000000e+00 : f32
      %parallel_loop3A_282 = vector.broadcast %parallel_loop3A_281 : f32 to vector<16xf32>
      %parallel_loop3A_283 = arith.select %parallel_loop3A_251, %parallel_loop3A_267, %parallel_loop3A_282 : vector<16xi1>, vector<16xf32>
      %parallel_loop3A_284 = arith.constant 6144 : i32
      %parallel_loop3A_285 = arith.addi %parallel_loop3A_284, %parallel_loop3A_232 : i32
      %parallel_loop3A_286 = arith.index_cast %parallel_loop3A_285 : i32 to index
      %parallel_loop3A_287 = tpu.vector_load %arg7[%parallel_loop3A_286] {strides = array<i32>} : memref<16384xf32, #tpu.memory_space<vmem>>, vector<16xf32>,
      tpu.vector_store %arg7[%parallel_loop3A_286], %parallel_loop3A_283 {strides = array<i32>} : memref<16384xf32, #tpu.memory_space<vmem>>, vector<16xf32>,
      %parallel_loop3A_288 = arith.constant 0.000000e+00 : f32
      %parallel_loop3A_289 = vector.broadcast %parallel_loop3A_288 : f32 to vector<16xf32>
      %parallel_loop3A_290 = arith.select %parallel_loop3A_251, %parallel_loop3A_269, %parallel_loop3A_289 : vector<16xi1>, vector<16xf32>
      %parallel_loop3A_291 = arith.constant 6144 : i32
      %parallel_loop3A_292 = arith.addi %parallel_loop3A_291, %parallel_loop3A_232 : i32
      %parallel_loop3A_293 = arith.index_cast %parallel_loop3A_292 : i32 to index
      %parallel_loop3A_294 = tpu.vector_load %arg8[%parallel_loop3A_293] {strides = array<i32>} : memref<16384xf32, #tpu.memory_space<vmem>>, vector<16xf32>,
      tpu.vector_store %arg8[%parallel_loop3A_293], %parallel_loop3A_290 {strides = array<i32>} : memref<16384xf32, #tpu.memory_space<vmem>>, vector<16xf32>,
    } {sc.loop_unroll_factor = 4 : i64, sc.parallel_access}
    %run_scoped3A_192 = arith.constant 0 : i32
    "tpu.region"() ({
      %run_scoped3A_230 = tpu.sem_alloc : memref<!tpu.dma_semaphore, #tpu.memory_space<semaphore_mem>>
      %dma_start3A_231 = arith.constant 8192 : i32
      %dma_start3A_232 = tpu.memref_slice %arg3[%select_n3A, %run_scoped3A_192, %dma_start3A_231] : memref<4x2x16384xf32, #tpu.memory_space<hbm>> -> memref<1x1x2048xf32, #tpu.memory_space<hbm>>
      %dma_start3A_233 = tpu.memref_squeeze %dma_start3A_232 : memref<1x1x2048xf32, #tpu.memory_space<hbm>> -> memref<2048xf32, #tpu.memory_space<hbm>>
      %dma_start3A_234 = arith.constant 8192 : i32
      %dma_start3A_235 = tpu.memref_slice %arg3[%select_n3A, %run_scoped3A_192, %dma_start3A_234] : memref<4x2x16384xf32, #tpu.memory_space<hbm>> -> memref<1x1x2048xf32, #tpu.memory_space<hbm>>
      %dma_start3A_236 = tpu.memref_squeeze %dma_start3A_235 : memref<1x1x2048xf32, #tpu.memory_space<hbm>> -> memref<2048xf32, #tpu.memory_space<hbm>>
      tpu.enqueue_dma source(%dma_start3A_236 : memref<2048xf32, #tpu.memory_space<hbm>>) target(%arg9 : memref<2048xf32, #tpu.memory_space<vmem>>) target_semaphore(%run_scoped3A_230 : memref<!tpu.dma_semaphore, #tpu.memory_space<semaphore_mem>>)
      %dma_wait3A_237 = arith.constant 8192 : i32
      %dma_wait3A_238 = tpu.memref_slice %arg3[%select_n3A, %run_scoped3A_192, %dma_wait3A_237] : memref<4x2x16384xf32, #tpu.memory_space<hbm>> -> memref<1x1x2048xf32, #tpu.memory_space<hbm>>
      %dma_wait3A_239 = tpu.memref_squeeze %dma_wait3A_238 : memref<1x1x2048xf32, #tpu.memory_space<hbm>> -> memref<2048xf32, #tpu.memory_space<hbm>>
      %dma_wait3A_240 = arith.constant 8192 : i32
      %dma_wait3A_241 = tpu.memref_slice %arg3[%select_n3A, %run_scoped3A_192, %dma_wait3A_240] : memref<4x2x16384xf32, #tpu.memory_space<hbm>> -> memref<1x1x2048xf32, #tpu.memory_space<hbm>>
      %dma_wait3A_242 = tpu.memref_squeeze %dma_wait3A_241 : memref<1x1x2048xf32, #tpu.memory_space<hbm>> -> memref<2048xf32, #tpu.memory_space<hbm>>
      tpu.wait_dma2 semaphore(%run_scoped3A_230 : memref<!tpu.dma_semaphore, #tpu.memory_space<semaphore_mem>>) src(%dma_wait3A_242 : memref<2048xf32, #tpu.memory_space<hbm>>) dst(%arg9 : memref<2048xf32, #tpu.memory_space<vmem>>)
      tpu.yield
    }) : () -> ()
    %run_scoped3A_193 = arith.constant 1 : i32
    "tpu.region"() ({
      %run_scoped3A_230 = tpu.sem_alloc : memref<!tpu.dma_semaphore, #tpu.memory_space<semaphore_mem>>
      %dma_start3A_231 = arith.constant 8192 : i32
      %dma_start3A_232 = tpu.memref_slice %arg3[%select_n3A, %run_scoped3A_193, %dma_start3A_231] : memref<4x2x16384xf32, #tpu.memory_space<hbm>> -> memref<1x1x2048xf32, #tpu.memory_space<hbm>>
      %dma_start3A_233 = tpu.memref_squeeze %dma_start3A_232 : memref<1x1x2048xf32, #tpu.memory_space<hbm>> -> memref<2048xf32, #tpu.memory_space<hbm>>
      %dma_start3A_234 = arith.constant 8192 : i32
      %dma_start3A_235 = tpu.memref_slice %arg3[%select_n3A, %run_scoped3A_193, %dma_start3A_234] : memref<4x2x16384xf32, #tpu.memory_space<hbm>> -> memref<1x1x2048xf32, #tpu.memory_space<hbm>>
      %dma_start3A_236 = tpu.memref_squeeze %dma_start3A_235 : memref<1x1x2048xf32, #tpu.memory_space<hbm>> -> memref<2048xf32, #tpu.memory_space<hbm>>
      tpu.enqueue_dma source(%dma_start3A_236 : memref<2048xf32, #tpu.memory_space<hbm>>) target(%arg10 : memref<2048xf32, #tpu.memory_space<vmem>>) target_semaphore(%run_scoped3A_230 : memref<!tpu.dma_semaphore, #tpu.memory_space<semaphore_mem>>)
      %dma_wait3A_237 = arith.constant 8192 : i32
      %dma_wait3A_238 = tpu.memref_slice %arg3[%select_n3A, %run_scoped3A_193, %dma_wait3A_237] : memref<4x2x16384xf32, #tpu.memory_space<hbm>> -> memref<1x1x2048xf32, #tpu.memory_space<hbm>>
      %dma_wait3A_239 = tpu.memref_squeeze %dma_wait3A_238 : memref<1x1x2048xf32, #tpu.memory_space<hbm>> -> memref<2048xf32, #tpu.memory_space<hbm>>
      %dma_wait3A_240 = arith.constant 8192 : i32
      %dma_wait3A_241 = tpu.memref_slice %arg3[%select_n3A, %run_scoped3A_193, %dma_wait3A_240] : memref<4x2x16384xf32, #tpu.memory_space<hbm>> -> memref<1x1x2048xf32, #tpu.memory_space<hbm>>
      %dma_wait3A_242 = tpu.memref_squeeze %dma_wait3A_241 : memref<1x1x2048xf32, #tpu.memory_space<hbm>> -> memref<2048xf32, #tpu.memory_space<hbm>>
      tpu.wait_dma2 semaphore(%run_scoped3A_230 : memref<!tpu.dma_semaphore, #tpu.memory_space<semaphore_mem>>) src(%dma_wait3A_242 : memref<2048xf32, #tpu.memory_space<hbm>>) dst(%arg10 : memref<2048xf32, #tpu.memory_space<vmem>>)
      tpu.yield
    }) : () -> ()
    %parallel_loop3A_194 = arith.constant 0 : i32
    %parallel_loop3A_195 = arith.constant 128 : i32
    %parallel_loop3A_196 = arith.constant 1 : i32
    scf.for %parallel_loop3A_230 = %parallel_loop3A_194 to %parallel_loop3A_195 step %parallel_loop3A_196  : i32 {
      %parallel_loop3A_231 = arith.constant 16 : i32
      %parallel_loop3A_232 = arith.muli %parallel_loop3A_230, %parallel_loop3A_231 : i32
      %parallel_loop3A_233 = arith.index_cast %parallel_loop3A_232 : i32 to index
      %parallel_loop3A_234 = tpu.vector_load %arg9[%parallel_loop3A_233] {strides = array<i32>} : memref<2048xf32, #tpu.memory_space<vmem>>, vector<16xf32>,
      %parallel_loop3A_235 = arith.index_cast %parallel_loop3A_232 : i32 to index
      %parallel_loop3A_236 = tpu.vector_load %arg10[%parallel_loop3A_235] {strides = array<i32>} : memref<2048xf32, #tpu.memory_space<vmem>>, vector<16xf32>,
      %parallel_loop3A_237 = arith.constant 0.000000e+00 : f32
      %parallel_loop3A_238 = vector.broadcast %parallel_loop3A_237 : f32 to vector<16xf32>
      %parallel_loop3A_239 = arith.cmpf oge, %parallel_loop3A_234, %parallel_loop3A_238 : vector<16xf32>
      %parallel_loop3A_240 = arith.constant 0.000000e+00 : f32
      %parallel_loop3A_241 = vector.broadcast %parallel_loop3A_240 : f32 to vector<16xf32>
      %parallel_loop3A_242 = arith.cmpf oge, %parallel_loop3A_236, %parallel_loop3A_241 : vector<16xf32>
      %parallel_loop3A_243 = arith.andi %parallel_loop3A_239, %parallel_loop3A_242 : vector<16xi1>
      %parallel_loop3A_244 = arith.constant 2.560000e+02 : f32
      %parallel_loop3A_245 = vector.broadcast %parallel_loop3A_244 : f32 to vector<16xf32>
      %parallel_loop3A_246 = arith.cmpf olt, %parallel_loop3A_234, %parallel_loop3A_245 : vector<16xf32>
      %parallel_loop3A_247 = arith.andi %parallel_loop3A_243, %parallel_loop3A_246 : vector<16xi1>
      %parallel_loop3A_248 = arith.constant 2.560000e+02 : f32
      %parallel_loop3A_249 = vector.broadcast %parallel_loop3A_248 : f32 to vector<16xf32>
      %parallel_loop3A_250 = arith.cmpf olt, %parallel_loop3A_236, %parallel_loop3A_249 : vector<16xf32>
      %parallel_loop3A_251 = arith.andi %parallel_loop3A_247, %parallel_loop3A_250 : vector<16xi1>
      %parallel_loop3A_252 = arith.constant 1.000000e+00 : f32
      %parallel_loop3A_253 = vector.broadcast %parallel_loop3A_252 : f32 to vector<16xf32>
      %parallel_loop3A_254 = arith.maximumf %parallel_loop3A_234, %parallel_loop3A_253 : vector<16xf32>
      %parallel_loop3A_255 = arith.constant 2.540000e+02 : f32
      %parallel_loop3A_256 = vector.broadcast %parallel_loop3A_255 : f32 to vector<16xf32>
      %parallel_loop3A_257 = arith.minimumf %parallel_loop3A_254, %parallel_loop3A_256 : vector<16xf32>
      %parallel_loop3A_258 = arith.constant 1.000000e+00 : f32
      %parallel_loop3A_259 = vector.broadcast %parallel_loop3A_258 : f32 to vector<16xf32>
      %parallel_loop3A_260 = arith.maximumf %parallel_loop3A_236, %parallel_loop3A_259 : vector<16xf32>
      %parallel_loop3A_261 = arith.constant 2.540000e+02 : f32
      %parallel_loop3A_262 = vector.broadcast %parallel_loop3A_261 : f32 to vector<16xf32>
      %parallel_loop3A_263 = arith.minimumf %parallel_loop3A_260, %parallel_loop3A_262 : vector<16xf32>
      %parallel_loop3A_264 = arith.fptosi %parallel_loop3A_257 : vector<16xf32> to vector<16xi32>
      %parallel_loop3A_265 = arith.fptosi %parallel_loop3A_263 : vector<16xf32> to vector<16xi32>
      %parallel_loop3A_266 = arith.sitofp %parallel_loop3A_264 : vector<16xi32> to vector<16xf32>
      %parallel_loop3A_267 = arith.subf %parallel_loop3A_257, %parallel_loop3A_266 : vector<16xf32>
      %parallel_loop3A_268 = arith.sitofp %parallel_loop3A_265 : vector<16xi32> to vector<16xf32>
      %parallel_loop3A_269 = arith.subf %parallel_loop3A_263, %parallel_loop3A_268 : vector<16xf32>
      %parallel_loop3A_270 = arith.constant 256 : i32
      %parallel_loop3A_271 = vector.broadcast %parallel_loop3A_270 : i32 to vector<16xi32>
      %parallel_loop3A_272 = arith.muli %parallel_loop3A_265, %parallel_loop3A_271 : vector<16xi32>
      %parallel_loop3A_273 = arith.addi %parallel_loop3A_272, %parallel_loop3A_264 : vector<16xi32>
      %parallel_loop3A_274 = arith.constant 65536 : i32
      %parallel_loop3A_275 = vector.broadcast %parallel_loop3A_274 : i32 to vector<16xi32>
      %parallel_loop3A_276 = arith.select %parallel_loop3A_251, %parallel_loop3A_273, %parallel_loop3A_275 : vector<16xi1>, vector<16xi32>
      %parallel_loop3A_277 = arith.constant 8192 : i32
      %parallel_loop3A_278 = arith.addi %parallel_loop3A_277, %parallel_loop3A_232 : i32
      %parallel_loop3A_279 = arith.index_cast %parallel_loop3A_278 : i32 to index
      %parallel_loop3A_280 = tpu.vector_load %arg6[%parallel_loop3A_279] {strides = array<i32>} : memref<16384xi32, #tpu.memory_space<vmem>>, vector<16xi32>,
      tpu.vector_store %arg6[%parallel_loop3A_279], %parallel_loop3A_276 {strides = array<i32>} : memref<16384xi32, #tpu.memory_space<vmem>>, vector<16xi32>,
      %parallel_loop3A_281 = arith.constant 0.000000e+00 : f32
      %parallel_loop3A_282 = vector.broadcast %parallel_loop3A_281 : f32 to vector<16xf32>
      %parallel_loop3A_283 = arith.select %parallel_loop3A_251, %parallel_loop3A_267, %parallel_loop3A_282 : vector<16xi1>, vector<16xf32>
      %parallel_loop3A_284 = arith.constant 8192 : i32
      %parallel_loop3A_285 = arith.addi %parallel_loop3A_284, %parallel_loop3A_232 : i32
      %parallel_loop3A_286 = arith.index_cast %parallel_loop3A_285 : i32 to index
      %parallel_loop3A_287 = tpu.vector_load %arg7[%parallel_loop3A_286] {strides = array<i32>} : memref<16384xf32, #tpu.memory_space<vmem>>, vector<16xf32>,
      tpu.vector_store %arg7[%parallel_loop3A_286], %parallel_loop3A_283 {strides = array<i32>} : memref<16384xf32, #tpu.memory_space<vmem>>, vector<16xf32>,
      %parallel_loop3A_288 = arith.constant 0.000000e+00 : f32
      %parallel_loop3A_289 = vector.broadcast %parallel_loop3A_288 : f32 to vector<16xf32>
      %parallel_loop3A_290 = arith.select %parallel_loop3A_251, %parallel_loop3A_269, %parallel_loop3A_289 : vector<16xi1>, vector<16xf32>
      %parallel_loop3A_291 = arith.constant 8192 : i32
      %parallel_loop3A_292 = arith.addi %parallel_loop3A_291, %parallel_loop3A_232 : i32
      %parallel_loop3A_293 = arith.index_cast %parallel_loop3A_292 : i32 to index
      %parallel_loop3A_294 = tpu.vector_load %arg8[%parallel_loop3A_293] {strides = array<i32>} : memref<16384xf32, #tpu.memory_space<vmem>>, vector<16xf32>,
      tpu.vector_store %arg8[%parallel_loop3A_293], %parallel_loop3A_290 {strides = array<i32>} : memref<16384xf32, #tpu.memory_space<vmem>>, vector<16xf32>,
    } {sc.loop_unroll_factor = 4 : i64, sc.parallel_access}
    %run_scoped3A_197 = arith.constant 0 : i32
    "tpu.region"() ({
      %run_scoped3A_230 = tpu.sem_alloc : memref<!tpu.dma_semaphore, #tpu.memory_space<semaphore_mem>>
      %dma_start3A_231 = arith.constant 10240 : i32
      %dma_start3A_232 = tpu.memref_slice %arg3[%select_n3A, %run_scoped3A_197, %dma_start3A_231] : memref<4x2x16384xf32, #tpu.memory_space<hbm>> -> memref<1x1x2048xf32, #tpu.memory_space<hbm>>
      %dma_start3A_233 = tpu.memref_squeeze %dma_start3A_232 : memref<1x1x2048xf32, #tpu.memory_space<hbm>> -> memref<2048xf32, #tpu.memory_space<hbm>>
      %dma_start3A_234 = arith.constant 10240 : i32
      %dma_start3A_235 = tpu.memref_slice %arg3[%select_n3A, %run_scoped3A_197, %dma_start3A_234] : memref<4x2x16384xf32, #tpu.memory_space<hbm>> -> memref<1x1x2048xf32, #tpu.memory_space<hbm>>
      %dma_start3A_236 = tpu.memref_squeeze %dma_start3A_235 : memref<1x1x2048xf32, #tpu.memory_space<hbm>> -> memref<2048xf32, #tpu.memory_space<hbm>>
      tpu.enqueue_dma source(%dma_start3A_236 : memref<2048xf32, #tpu.memory_space<hbm>>) target(%arg9 : memref<2048xf32, #tpu.memory_space<vmem>>) target_semaphore(%run_scoped3A_230 : memref<!tpu.dma_semaphore, #tpu.memory_space<semaphore_mem>>)
      %dma_wait3A_237 = arith.constant 10240 : i32
      %dma_wait3A_238 = tpu.memref_slice %arg3[%select_n3A, %run_scoped3A_197, %dma_wait3A_237] : memref<4x2x16384xf32, #tpu.memory_space<hbm>> -> memref<1x1x2048xf32, #tpu.memory_space<hbm>>
      %dma_wait3A_239 = tpu.memref_squeeze %dma_wait3A_238 : memref<1x1x2048xf32, #tpu.memory_space<hbm>> -> memref<2048xf32, #tpu.memory_space<hbm>>
      %dma_wait3A_240 = arith.constant 10240 : i32
      %dma_wait3A_241 = tpu.memref_slice %arg3[%select_n3A, %run_scoped3A_197, %dma_wait3A_240] : memref<4x2x16384xf32, #tpu.memory_space<hbm>> -> memref<1x1x2048xf32, #tpu.memory_space<hbm>>
      %dma_wait3A_242 = tpu.memref_squeeze %dma_wait3A_241 : memref<1x1x2048xf32, #tpu.memory_space<hbm>> -> memref<2048xf32, #tpu.memory_space<hbm>>
      tpu.wait_dma2 semaphore(%run_scoped3A_230 : memref<!tpu.dma_semaphore, #tpu.memory_space<semaphore_mem>>) src(%dma_wait3A_242 : memref<2048xf32, #tpu.memory_space<hbm>>) dst(%arg9 : memref<2048xf32, #tpu.memory_space<vmem>>)
      tpu.yield
    }) : () -> ()
    %run_scoped3A_198 = arith.constant 1 : i32
    "tpu.region"() ({
      %run_scoped3A_230 = tpu.sem_alloc : memref<!tpu.dma_semaphore, #tpu.memory_space<semaphore_mem>>
      %dma_start3A_231 = arith.constant 10240 : i32
      %dma_start3A_232 = tpu.memref_slice %arg3[%select_n3A, %run_scoped3A_198, %dma_start3A_231] : memref<4x2x16384xf32, #tpu.memory_space<hbm>> -> memref<1x1x2048xf32, #tpu.memory_space<hbm>>
      %dma_start3A_233 = tpu.memref_squeeze %dma_start3A_232 : memref<1x1x2048xf32, #tpu.memory_space<hbm>> -> memref<2048xf32, #tpu.memory_space<hbm>>
      %dma_start3A_234 = arith.constant 10240 : i32
      %dma_start3A_235 = tpu.memref_slice %arg3[%select_n3A, %run_scoped3A_198, %dma_start3A_234] : memref<4x2x16384xf32, #tpu.memory_space<hbm>> -> memref<1x1x2048xf32, #tpu.memory_space<hbm>>
      %dma_start3A_236 = tpu.memref_squeeze %dma_start3A_235 : memref<1x1x2048xf32, #tpu.memory_space<hbm>> -> memref<2048xf32, #tpu.memory_space<hbm>>
      tpu.enqueue_dma source(%dma_start3A_236 : memref<2048xf32, #tpu.memory_space<hbm>>) target(%arg10 : memref<2048xf32, #tpu.memory_space<vmem>>) target_semaphore(%run_scoped3A_230 : memref<!tpu.dma_semaphore, #tpu.memory_space<semaphore_mem>>)
      %dma_wait3A_237 = arith.constant 10240 : i32
      %dma_wait3A_238 = tpu.memref_slice %arg3[%select_n3A, %run_scoped3A_198, %dma_wait3A_237] : memref<4x2x16384xf32, #tpu.memory_space<hbm>> -> memref<1x1x2048xf32, #tpu.memory_space<hbm>>
      %dma_wait3A_239 = tpu.memref_squeeze %dma_wait3A_238 : memref<1x1x2048xf32, #tpu.memory_space<hbm>> -> memref<2048xf32, #tpu.memory_space<hbm>>
      %dma_wait3A_240 = arith.constant 10240 : i32
      %dma_wait3A_241 = tpu.memref_slice %arg3[%select_n3A, %run_scoped3A_198, %dma_wait3A_240] : memref<4x2x16384xf32, #tpu.memory_space<hbm>> -> memref<1x1x2048xf32, #tpu.memory_space<hbm>>
      %dma_wait3A_242 = tpu.memref_squeeze %dma_wait3A_241 : memref<1x1x2048xf32, #tpu.memory_space<hbm>> -> memref<2048xf32, #tpu.memory_space<hbm>>
      tpu.wait_dma2 semaphore(%run_scoped3A_230 : memref<!tpu.dma_semaphore, #tpu.memory_space<semaphore_mem>>) src(%dma_wait3A_242 : memref<2048xf32, #tpu.memory_space<hbm>>) dst(%arg10 : memref<2048xf32, #tpu.memory_space<vmem>>)
      tpu.yield
    }) : () -> ()
    %parallel_loop3A_199 = arith.constant 0 : i32
    %parallel_loop3A_200 = arith.constant 128 : i32
    %parallel_loop3A_201 = arith.constant 1 : i32
    scf.for %parallel_loop3A_230 = %parallel_loop3A_199 to %parallel_loop3A_200 step %parallel_loop3A_201  : i32 {
      %parallel_loop3A_231 = arith.constant 16 : i32
      %parallel_loop3A_232 = arith.muli %parallel_loop3A_230, %parallel_loop3A_231 : i32
      %parallel_loop3A_233 = arith.index_cast %parallel_loop3A_232 : i32 to index
      %parallel_loop3A_234 = tpu.vector_load %arg9[%parallel_loop3A_233] {strides = array<i32>} : memref<2048xf32, #tpu.memory_space<vmem>>, vector<16xf32>,
      %parallel_loop3A_235 = arith.index_cast %parallel_loop3A_232 : i32 to index
      %parallel_loop3A_236 = tpu.vector_load %arg10[%parallel_loop3A_235] {strides = array<i32>} : memref<2048xf32, #tpu.memory_space<vmem>>, vector<16xf32>,
      %parallel_loop3A_237 = arith.constant 0.000000e+00 : f32
      %parallel_loop3A_238 = vector.broadcast %parallel_loop3A_237 : f32 to vector<16xf32>
      %parallel_loop3A_239 = arith.cmpf oge, %parallel_loop3A_234, %parallel_loop3A_238 : vector<16xf32>
      %parallel_loop3A_240 = arith.constant 0.000000e+00 : f32
      %parallel_loop3A_241 = vector.broadcast %parallel_loop3A_240 : f32 to vector<16xf32>
      %parallel_loop3A_242 = arith.cmpf oge, %parallel_loop3A_236, %parallel_loop3A_241 : vector<16xf32>
      %parallel_loop3A_243 = arith.andi %parallel_loop3A_239, %parallel_loop3A_242 : vector<16xi1>
      %parallel_loop3A_244 = arith.constant 2.560000e+02 : f32
      %parallel_loop3A_245 = vector.broadcast %parallel_loop3A_244 : f32 to vector<16xf32>
      %parallel_loop3A_246 = arith.cmpf olt, %parallel_loop3A_234, %parallel_loop3A_245 : vector<16xf32>
      %parallel_loop3A_247 = arith.andi %parallel_loop3A_243, %parallel_loop3A_246 : vector<16xi1>
      %parallel_loop3A_248 = arith.constant 2.560000e+02 : f32
      %parallel_loop3A_249 = vector.broadcast %parallel_loop3A_248 : f32 to vector<16xf32>
      %parallel_loop3A_250 = arith.cmpf olt, %parallel_loop3A_236, %parallel_loop3A_249 : vector<16xf32>
      %parallel_loop3A_251 = arith.andi %parallel_loop3A_247, %parallel_loop3A_250 : vector<16xi1>
      %parallel_loop3A_252 = arith.constant 1.000000e+00 : f32
      %parallel_loop3A_253 = vector.broadcast %parallel_loop3A_252 : f32 to vector<16xf32>
      %parallel_loop3A_254 = arith.maximumf %parallel_loop3A_234, %parallel_loop3A_253 : vector<16xf32>
      %parallel_loop3A_255 = arith.constant 2.540000e+02 : f32
      %parallel_loop3A_256 = vector.broadcast %parallel_loop3A_255 : f32 to vector<16xf32>
      %parallel_loop3A_257 = arith.minimumf %parallel_loop3A_254, %parallel_loop3A_256 : vector<16xf32>
      %parallel_loop3A_258 = arith.constant 1.000000e+00 : f32
      %parallel_loop3A_259 = vector.broadcast %parallel_loop3A_258 : f32 to vector<16xf32>
      %parallel_loop3A_260 = arith.maximumf %parallel_loop3A_236, %parallel_loop3A_259 : vector<16xf32>
      %parallel_loop3A_261 = arith.constant 2.540000e+02 : f32
      %parallel_loop3A_262 = vector.broadcast %parallel_loop3A_261 : f32 to vector<16xf32>
      %parallel_loop3A_263 = arith.minimumf %parallel_loop3A_260, %parallel_loop3A_262 : vector<16xf32>
      %parallel_loop3A_264 = arith.fptosi %parallel_loop3A_257 : vector<16xf32> to vector<16xi32>
      %parallel_loop3A_265 = arith.fptosi %parallel_loop3A_263 : vector<16xf32> to vector<16xi32>
      %parallel_loop3A_266 = arith.sitofp %parallel_loop3A_264 : vector<16xi32> to vector<16xf32>
      %parallel_loop3A_267 = arith.subf %parallel_loop3A_257, %parallel_loop3A_266 : vector<16xf32>
      %parallel_loop3A_268 = arith.sitofp %parallel_loop3A_265 : vector<16xi32> to vector<16xf32>
      %parallel_loop3A_269 = arith.subf %parallel_loop3A_263, %parallel_loop3A_268 : vector<16xf32>
      %parallel_loop3A_270 = arith.constant 256 : i32
      %parallel_loop3A_271 = vector.broadcast %parallel_loop3A_270 : i32 to vector<16xi32>
      %parallel_loop3A_272 = arith.muli %parallel_loop3A_265, %parallel_loop3A_271 : vector<16xi32>
      %parallel_loop3A_273 = arith.addi %parallel_loop3A_272, %parallel_loop3A_264 : vector<16xi32>
      %parallel_loop3A_274 = arith.constant 65536 : i32
      %parallel_loop3A_275 = vector.broadcast %parallel_loop3A_274 : i32 to vector<16xi32>
      %parallel_loop3A_276 = arith.select %parallel_loop3A_251, %parallel_loop3A_273, %parallel_loop3A_275 : vector<16xi1>, vector<16xi32>
      %parallel_loop3A_277 = arith.constant 10240 : i32
      %parallel_loop3A_278 = arith.addi %parallel_loop3A_277, %parallel_loop3A_232 : i32
      %parallel_loop3A_279 = arith.index_cast %parallel_loop3A_278 : i32 to index
      %parallel_loop3A_280 = tpu.vector_load %arg6[%parallel_loop3A_279] {strides = array<i32>} : memref<16384xi32, #tpu.memory_space<vmem>>, vector<16xi32>,
      tpu.vector_store %arg6[%parallel_loop3A_279], %parallel_loop3A_276 {strides = array<i32>} : memref<16384xi32, #tpu.memory_space<vmem>>, vector<16xi32>,
      %parallel_loop3A_281 = arith.constant 0.000000e+00 : f32
      %parallel_loop3A_282 = vector.broadcast %parallel_loop3A_281 : f32 to vector<16xf32>
      %parallel_loop3A_283 = arith.select %parallel_loop3A_251, %parallel_loop3A_267, %parallel_loop3A_282 : vector<16xi1>, vector<16xf32>
      %parallel_loop3A_284 = arith.constant 10240 : i32
      %parallel_loop3A_285 = arith.addi %parallel_loop3A_284, %parallel_loop3A_232 : i32
      %parallel_loop3A_286 = arith.index_cast %parallel_loop3A_285 : i32 to index
      %parallel_loop3A_287 = tpu.vector_load %arg7[%parallel_loop3A_286] {strides = array<i32>} : memref<16384xf32, #tpu.memory_space<vmem>>, vector<16xf32>,
      tpu.vector_store %arg7[%parallel_loop3A_286], %parallel_loop3A_283 {strides = array<i32>} : memref<16384xf32, #tpu.memory_space<vmem>>, vector<16xf32>,
      %parallel_loop3A_288 = arith.constant 0.000000e+00 : f32
      %parallel_loop3A_289 = vector.broadcast %parallel_loop3A_288 : f32 to vector<16xf32>
      %parallel_loop3A_290 = arith.select %parallel_loop3A_251, %parallel_loop3A_269, %parallel_loop3A_289 : vector<16xi1>, vector<16xf32>
      %parallel_loop3A_291 = arith.constant 10240 : i32
      %parallel_loop3A_292 = arith.addi %parallel_loop3A_291, %parallel_loop3A_232 : i32
      %parallel_loop3A_293 = arith.index_cast %parallel_loop3A_292 : i32 to index
      %parallel_loop3A_294 = tpu.vector_load %arg8[%parallel_loop3A_293] {strides = array<i32>} : memref<16384xf32, #tpu.memory_space<vmem>>, vector<16xf32>,
      tpu.vector_store %arg8[%parallel_loop3A_293], %parallel_loop3A_290 {strides = array<i32>} : memref<16384xf32, #tpu.memory_space<vmem>>, vector<16xf32>,
    } {sc.loop_unroll_factor = 4 : i64, sc.parallel_access}
    %run_scoped3A_202 = arith.constant 0 : i32
    "tpu.region"() ({
      %run_scoped3A_230 = tpu.sem_alloc : memref<!tpu.dma_semaphore, #tpu.memory_space<semaphore_mem>>
      %dma_start3A_231 = arith.constant 12288 : i32
      %dma_start3A_232 = tpu.memref_slice %arg3[%select_n3A, %run_scoped3A_202, %dma_start3A_231] : memref<4x2x16384xf32, #tpu.memory_space<hbm>> -> memref<1x1x2048xf32, #tpu.memory_space<hbm>>
      %dma_start3A_233 = tpu.memref_squeeze %dma_start3A_232 : memref<1x1x2048xf32, #tpu.memory_space<hbm>> -> memref<2048xf32, #tpu.memory_space<hbm>>
      %dma_start3A_234 = arith.constant 12288 : i32
      %dma_start3A_235 = tpu.memref_slice %arg3[%select_n3A, %run_scoped3A_202, %dma_start3A_234] : memref<4x2x16384xf32, #tpu.memory_space<hbm>> -> memref<1x1x2048xf32, #tpu.memory_space<hbm>>
      %dma_start3A_236 = tpu.memref_squeeze %dma_start3A_235 : memref<1x1x2048xf32, #tpu.memory_space<hbm>> -> memref<2048xf32, #tpu.memory_space<hbm>>
      tpu.enqueue_dma source(%dma_start3A_236 : memref<2048xf32, #tpu.memory_space<hbm>>) target(%arg9 : memref<2048xf32, #tpu.memory_space<vmem>>) target_semaphore(%run_scoped3A_230 : memref<!tpu.dma_semaphore, #tpu.memory_space<semaphore_mem>>)
      %dma_wait3A_237 = arith.constant 12288 : i32
      %dma_wait3A_238 = tpu.memref_slice %arg3[%select_n3A, %run_scoped3A_202, %dma_wait3A_237] : memref<4x2x16384xf32, #tpu.memory_space<hbm>> -> memref<1x1x2048xf32, #tpu.memory_space<hbm>>
      %dma_wait3A_239 = tpu.memref_squeeze %dma_wait3A_238 : memref<1x1x2048xf32, #tpu.memory_space<hbm>> -> memref<2048xf32, #tpu.memory_space<hbm>>
      %dma_wait3A_240 = arith.constant 12288 : i32
      %dma_wait3A_241 = tpu.memref_slice %arg3[%select_n3A, %run_scoped3A_202, %dma_wait3A_240] : memref<4x2x16384xf32, #tpu.memory_space<hbm>> -> memref<1x1x2048xf32, #tpu.memory_space<hbm>>
      %dma_wait3A_242 = tpu.memref_squeeze %dma_wait3A_241 : memref<1x1x2048xf32, #tpu.memory_space<hbm>> -> memref<2048xf32, #tpu.memory_space<hbm>>
      tpu.wait_dma2 semaphore(%run_scoped3A_230 : memref<!tpu.dma_semaphore, #tpu.memory_space<semaphore_mem>>) src(%dma_wait3A_242 : memref<2048xf32, #tpu.memory_space<hbm>>) dst(%arg9 : memref<2048xf32, #tpu.memory_space<vmem>>)
      tpu.yield
    }) : () -> ()
    %run_scoped3A_203 = arith.constant 1 : i32
    "tpu.region"() ({
      %run_scoped3A_230 = tpu.sem_alloc : memref<!tpu.dma_semaphore, #tpu.memory_space<semaphore_mem>>
      %dma_start3A_231 = arith.constant 12288 : i32
      %dma_start3A_232 = tpu.memref_slice %arg3[%select_n3A, %run_scoped3A_203, %dma_start3A_231] : memref<4x2x16384xf32, #tpu.memory_space<hbm>> -> memref<1x1x2048xf32, #tpu.memory_space<hbm>>
      %dma_start3A_233 = tpu.memref_squeeze %dma_start3A_232 : memref<1x1x2048xf32, #tpu.memory_space<hbm>> -> memref<2048xf32, #tpu.memory_space<hbm>>
      %dma_start3A_234 = arith.constant 12288 : i32
      %dma_start3A_235 = tpu.memref_slice %arg3[%select_n3A, %run_scoped3A_203, %dma_start3A_234] : memref<4x2x16384xf32, #tpu.memory_space<hbm>> -> memref<1x1x2048xf32, #tpu.memory_space<hbm>>
      %dma_start3A_236 = tpu.memref_squeeze %dma_start3A_235 : memref<1x1x2048xf32, #tpu.memory_space<hbm>> -> memref<2048xf32, #tpu.memory_space<hbm>>
      tpu.enqueue_dma source(%dma_start3A_236 : memref<2048xf32, #tpu.memory_space<hbm>>) target(%arg10 : memref<2048xf32, #tpu.memory_space<vmem>>) target_semaphore(%run_scoped3A_230 : memref<!tpu.dma_semaphore, #tpu.memory_space<semaphore_mem>>)
      %dma_wait3A_237 = arith.constant 12288 : i32
      %dma_wait3A_238 = tpu.memref_slice %arg3[%select_n3A, %run_scoped3A_203, %dma_wait3A_237] : memref<4x2x16384xf32, #tpu.memory_space<hbm>> -> memref<1x1x2048xf32, #tpu.memory_space<hbm>>
      %dma_wait3A_239 = tpu.memref_squeeze %dma_wait3A_238 : memref<1x1x2048xf32, #tpu.memory_space<hbm>> -> memref<2048xf32, #tpu.memory_space<hbm>>
      %dma_wait3A_240 = arith.constant 12288 : i32
      %dma_wait3A_241 = tpu.memref_slice %arg3[%select_n3A, %run_scoped3A_203, %dma_wait3A_240] : memref<4x2x16384xf32, #tpu.memory_space<hbm>> -> memref<1x1x2048xf32, #tpu.memory_space<hbm>>
      %dma_wait3A_242 = tpu.memref_squeeze %dma_wait3A_241 : memref<1x1x2048xf32, #tpu.memory_space<hbm>> -> memref<2048xf32, #tpu.memory_space<hbm>>
      tpu.wait_dma2 semaphore(%run_scoped3A_230 : memref<!tpu.dma_semaphore, #tpu.memory_space<semaphore_mem>>) src(%dma_wait3A_242 : memref<2048xf32, #tpu.memory_space<hbm>>) dst(%arg10 : memref<2048xf32, #tpu.memory_space<vmem>>)
      tpu.yield
    }) : () -> ()
    %parallel_loop3A_204 = arith.constant 0 : i32
    %parallel_loop3A_205 = arith.constant 128 : i32
    %parallel_loop3A_206 = arith.constant 1 : i32
    scf.for %parallel_loop3A_230 = %parallel_loop3A_204 to %parallel_loop3A_205 step %parallel_loop3A_206  : i32 {
      %parallel_loop3A_231 = arith.constant 16 : i32
      %parallel_loop3A_232 = arith.muli %parallel_loop3A_230, %parallel_loop3A_231 : i32
      %parallel_loop3A_233 = arith.index_cast %parallel_loop3A_232 : i32 to index
      %parallel_loop3A_234 = tpu.vector_load %arg9[%parallel_loop3A_233] {strides = array<i32>} : memref<2048xf32, #tpu.memory_space<vmem>>, vector<16xf32>,
      %parallel_loop3A_235 = arith.index_cast %parallel_loop3A_232 : i32 to index
      %parallel_loop3A_236 = tpu.vector_load %arg10[%parallel_loop3A_235] {strides = array<i32>} : memref<2048xf32, #tpu.memory_space<vmem>>, vector<16xf32>,
      %parallel_loop3A_237 = arith.constant 0.000000e+00 : f32
      %parallel_loop3A_238 = vector.broadcast %parallel_loop3A_237 : f32 to vector<16xf32>
      %parallel_loop3A_239 = arith.cmpf oge, %parallel_loop3A_234, %parallel_loop3A_238 : vector<16xf32>
      %parallel_loop3A_240 = arith.constant 0.000000e+00 : f32
      %parallel_loop3A_241 = vector.broadcast %parallel_loop3A_240 : f32 to vector<16xf32>
      %parallel_loop3A_242 = arith.cmpf oge, %parallel_loop3A_236, %parallel_loop3A_241 : vector<16xf32>
      %parallel_loop3A_243 = arith.andi %parallel_loop3A_239, %parallel_loop3A_242 : vector<16xi1>
      %parallel_loop3A_244 = arith.constant 2.560000e+02 : f32
      %parallel_loop3A_245 = vector.broadcast %parallel_loop3A_244 : f32 to vector<16xf32>
      %parallel_loop3A_246 = arith.cmpf olt, %parallel_loop3A_234, %parallel_loop3A_245 : vector<16xf32>
      %parallel_loop3A_247 = arith.andi %parallel_loop3A_243, %parallel_loop3A_246 : vector<16xi1>
      %parallel_loop3A_248 = arith.constant 2.560000e+02 : f32
      %parallel_loop3A_249 = vector.broadcast %parallel_loop3A_248 : f32 to vector<16xf32>
      %parallel_loop3A_250 = arith.cmpf olt, %parallel_loop3A_236, %parallel_loop3A_249 : vector<16xf32>
      %parallel_loop3A_251 = arith.andi %parallel_loop3A_247, %parallel_loop3A_250 : vector<16xi1>
      %parallel_loop3A_252 = arith.constant 1.000000e+00 : f32
      %parallel_loop3A_253 = vector.broadcast %parallel_loop3A_252 : f32 to vector<16xf32>
      %parallel_loop3A_254 = arith.maximumf %parallel_loop3A_234, %parallel_loop3A_253 : vector<16xf32>
      %parallel_loop3A_255 = arith.constant 2.540000e+02 : f32
      %parallel_loop3A_256 = vector.broadcast %parallel_loop3A_255 : f32 to vector<16xf32>
      %parallel_loop3A_257 = arith.minimumf %parallel_loop3A_254, %parallel_loop3A_256 : vector<16xf32>
      %parallel_loop3A_258 = arith.constant 1.000000e+00 : f32
      %parallel_loop3A_259 = vector.broadcast %parallel_loop3A_258 : f32 to vector<16xf32>
      %parallel_loop3A_260 = arith.maximumf %parallel_loop3A_236, %parallel_loop3A_259 : vector<16xf32>
      %parallel_loop3A_261 = arith.constant 2.540000e+02 : f32
      %parallel_loop3A_262 = vector.broadcast %parallel_loop3A_261 : f32 to vector<16xf32>
      %parallel_loop3A_263 = arith.minimumf %parallel_loop3A_260, %parallel_loop3A_262 : vector<16xf32>
      %parallel_loop3A_264 = arith.fptosi %parallel_loop3A_257 : vector<16xf32> to vector<16xi32>
      %parallel_loop3A_265 = arith.fptosi %parallel_loop3A_263 : vector<16xf32> to vector<16xi32>
      %parallel_loop3A_266 = arith.sitofp %parallel_loop3A_264 : vector<16xi32> to vector<16xf32>
      %parallel_loop3A_267 = arith.subf %parallel_loop3A_257, %parallel_loop3A_266 : vector<16xf32>
      %parallel_loop3A_268 = arith.sitofp %parallel_loop3A_265 : vector<16xi32> to vector<16xf32>
      %parallel_loop3A_269 = arith.subf %parallel_loop3A_263, %parallel_loop3A_268 : vector<16xf32>
      %parallel_loop3A_270 = arith.constant 256 : i32
      %parallel_loop3A_271 = vector.broadcast %parallel_loop3A_270 : i32 to vector<16xi32>
      %parallel_loop3A_272 = arith.muli %parallel_loop3A_265, %parallel_loop3A_271 : vector<16xi32>
      %parallel_loop3A_273 = arith.addi %parallel_loop3A_272, %parallel_loop3A_264 : vector<16xi32>
      %parallel_loop3A_274 = arith.constant 65536 : i32
      %parallel_loop3A_275 = vector.broadcast %parallel_loop3A_274 : i32 to vector<16xi32>
      %parallel_loop3A_276 = arith.select %parallel_loop3A_251, %parallel_loop3A_273, %parallel_loop3A_275 : vector<16xi1>, vector<16xi32>
      %parallel_loop3A_277 = arith.constant 12288 : i32
      %parallel_loop3A_278 = arith.addi %parallel_loop3A_277, %parallel_loop3A_232 : i32
      %parallel_loop3A_279 = arith.index_cast %parallel_loop3A_278 : i32 to index
      %parallel_loop3A_280 = tpu.vector_load %arg6[%parallel_loop3A_279] {strides = array<i32>} : memref<16384xi32, #tpu.memory_space<vmem>>, vector<16xi32>,
      tpu.vector_store %arg6[%parallel_loop3A_279], %parallel_loop3A_276 {strides = array<i32>} : memref<16384xi32, #tpu.memory_space<vmem>>, vector<16xi32>,
      %parallel_loop3A_281 = arith.constant 0.000000e+00 : f32
      %parallel_loop3A_282 = vector.broadcast %parallel_loop3A_281 : f32 to vector<16xf32>
      %parallel_loop3A_283 = arith.select %parallel_loop3A_251, %parallel_loop3A_267, %parallel_loop3A_282 : vector<16xi1>, vector<16xf32>
      %parallel_loop3A_284 = arith.constant 12288 : i32
      %parallel_loop3A_285 = arith.addi %parallel_loop3A_284, %parallel_loop3A_232 : i32
      %parallel_loop3A_286 = arith.index_cast %parallel_loop3A_285 : i32 to index
      %parallel_loop3A_287 = tpu.vector_load %arg7[%parallel_loop3A_286] {strides = array<i32>} : memref<16384xf32, #tpu.memory_space<vmem>>, vector<16xf32>,
      tpu.vector_store %arg7[%parallel_loop3A_286], %parallel_loop3A_283 {strides = array<i32>} : memref<16384xf32, #tpu.memory_space<vmem>>, vector<16xf32>,
      %parallel_loop3A_288 = arith.constant 0.000000e+00 : f32
      %parallel_loop3A_289 = vector.broadcast %parallel_loop3A_288 : f32 to vector<16xf32>
      %parallel_loop3A_290 = arith.select %parallel_loop3A_251, %parallel_loop3A_269, %parallel_loop3A_289 : vector<16xi1>, vector<16xf32>
      %parallel_loop3A_291 = arith.constant 12288 : i32
      %parallel_loop3A_292 = arith.addi %parallel_loop3A_291, %parallel_loop3A_232 : i32
      %parallel_loop3A_293 = arith.index_cast %parallel_loop3A_292 : i32 to index
      %parallel_loop3A_294 = tpu.vector_load %arg8[%parallel_loop3A_293] {strides = array<i32>} : memref<16384xf32, #tpu.memory_space<vmem>>, vector<16xf32>,
      tpu.vector_store %arg8[%parallel_loop3A_293], %parallel_loop3A_290 {strides = array<i32>} : memref<16384xf32, #tpu.memory_space<vmem>>, vector<16xf32>,
    } {sc.loop_unroll_factor = 4 : i64, sc.parallel_access}
    %run_scoped3A_207 = arith.constant 0 : i32
    "tpu.region"() ({
      %run_scoped3A_230 = tpu.sem_alloc : memref<!tpu.dma_semaphore, #tpu.memory_space<semaphore_mem>>
      %dma_start3A_231 = arith.constant 14336 : i32
      %dma_start3A_232 = tpu.memref_slice %arg3[%select_n3A, %run_scoped3A_207, %dma_start3A_231] : memref<4x2x16384xf32, #tpu.memory_space<hbm>> -> memref<1x1x2048xf32, #tpu.memory_space<hbm>>
      %dma_start3A_233 = tpu.memref_squeeze %dma_start3A_232 : memref<1x1x2048xf32, #tpu.memory_space<hbm>> -> memref<2048xf32, #tpu.memory_space<hbm>>
      %dma_start3A_234 = arith.constant 14336 : i32
      %dma_start3A_235 = tpu.memref_slice %arg3[%select_n3A, %run_scoped3A_207, %dma_start3A_234] : memref<4x2x16384xf32, #tpu.memory_space<hbm>> -> memref<1x1x2048xf32, #tpu.memory_space<hbm>>
      %dma_start3A_236 = tpu.memref_squeeze %dma_start3A_235 : memref<1x1x2048xf32, #tpu.memory_space<hbm>> -> memref<2048xf32, #tpu.memory_space<hbm>>
      tpu.enqueue_dma source(%dma_start3A_236 : memref<2048xf32, #tpu.memory_space<hbm>>) target(%arg9 : memref<2048xf32, #tpu.memory_space<vmem>>) target_semaphore(%run_scoped3A_230 : memref<!tpu.dma_semaphore, #tpu.memory_space<semaphore_mem>>)
      %dma_wait3A_237 = arith.constant 14336 : i32
      %dma_wait3A_238 = tpu.memref_slice %arg3[%select_n3A, %run_scoped3A_207, %dma_wait3A_237] : memref<4x2x16384xf32, #tpu.memory_space<hbm>> -> memref<1x1x2048xf32, #tpu.memory_space<hbm>>
      %dma_wait3A_239 = tpu.memref_squeeze %dma_wait3A_238 : memref<1x1x2048xf32, #tpu.memory_space<hbm>> -> memref<2048xf32, #tpu.memory_space<hbm>>
      %dma_wait3A_240 = arith.constant 14336 : i32
      %dma_wait3A_241 = tpu.memref_slice %arg3[%select_n3A, %run_scoped3A_207, %dma_wait3A_240] : memref<4x2x16384xf32, #tpu.memory_space<hbm>> -> memref<1x1x2048xf32, #tpu.memory_space<hbm>>
      %dma_wait3A_242 = tpu.memref_squeeze %dma_wait3A_241 : memref<1x1x2048xf32, #tpu.memory_space<hbm>> -> memref<2048xf32, #tpu.memory_space<hbm>>
      tpu.wait_dma2 semaphore(%run_scoped3A_230 : memref<!tpu.dma_semaphore, #tpu.memory_space<semaphore_mem>>) src(%dma_wait3A_242 : memref<2048xf32, #tpu.memory_space<hbm>>) dst(%arg9 : memref<2048xf32, #tpu.memory_space<vmem>>)
      tpu.yield
    }) : () -> ()
    %run_scoped3A_208 = arith.constant 1 : i32
    "tpu.region"() ({
      %run_scoped3A_230 = tpu.sem_alloc : memref<!tpu.dma_semaphore, #tpu.memory_space<semaphore_mem>>
      %dma_start3A_231 = arith.constant 14336 : i32
      %dma_start3A_232 = tpu.memref_slice %arg3[%select_n3A, %run_scoped3A_208, %dma_start3A_231] : memref<4x2x16384xf32, #tpu.memory_space<hbm>> -> memref<1x1x2048xf32, #tpu.memory_space<hbm>>
      %dma_start3A_233 = tpu.memref_squeeze %dma_start3A_232 : memref<1x1x2048xf32, #tpu.memory_space<hbm>> -> memref<2048xf32, #tpu.memory_space<hbm>>
      %dma_start3A_234 = arith.constant 14336 : i32
      %dma_start3A_235 = tpu.memref_slice %arg3[%select_n3A, %run_scoped3A_208, %dma_start3A_234] : memref<4x2x16384xf32, #tpu.memory_space<hbm>> -> memref<1x1x2048xf32, #tpu.memory_space<hbm>>
      %dma_start3A_236 = tpu.memref_squeeze %dma_start3A_235 : memref<1x1x2048xf32, #tpu.memory_space<hbm>> -> memref<2048xf32, #tpu.memory_space<hbm>>
      tpu.enqueue_dma source(%dma_start3A_236 : memref<2048xf32, #tpu.memory_space<hbm>>) target(%arg10 : memref<2048xf32, #tpu.memory_space<vmem>>) target_semaphore(%run_scoped3A_230 : memref<!tpu.dma_semaphore, #tpu.memory_space<semaphore_mem>>)
      %dma_wait3A_237 = arith.constant 14336 : i32
      %dma_wait3A_238 = tpu.memref_slice %arg3[%select_n3A, %run_scoped3A_208, %dma_wait3A_237] : memref<4x2x16384xf32, #tpu.memory_space<hbm>> -> memref<1x1x2048xf32, #tpu.memory_space<hbm>>
      %dma_wait3A_239 = tpu.memref_squeeze %dma_wait3A_238 : memref<1x1x2048xf32, #tpu.memory_space<hbm>> -> memref<2048xf32, #tpu.memory_space<hbm>>
      %dma_wait3A_240 = arith.constant 14336 : i32
      %dma_wait3A_241 = tpu.memref_slice %arg3[%select_n3A, %run_scoped3A_208, %dma_wait3A_240] : memref<4x2x16384xf32, #tpu.memory_space<hbm>> -> memref<1x1x2048xf32, #tpu.memory_space<hbm>>
      %dma_wait3A_242 = tpu.memref_squeeze %dma_wait3A_241 : memref<1x1x2048xf32, #tpu.memory_space<hbm>> -> memref<2048xf32, #tpu.memory_space<hbm>>
      tpu.wait_dma2 semaphore(%run_scoped3A_230 : memref<!tpu.dma_semaphore, #tpu.memory_space<semaphore_mem>>) src(%dma_wait3A_242 : memref<2048xf32, #tpu.memory_space<hbm>>) dst(%arg10 : memref<2048xf32, #tpu.memory_space<vmem>>)
      tpu.yield
    }) : () -> ()
    %parallel_loop3A_209 = arith.constant 0 : i32
    %parallel_loop3A_210 = arith.constant 128 : i32
    %parallel_loop3A_211 = arith.constant 1 : i32
    scf.for %parallel_loop3A_230 = %parallel_loop3A_209 to %parallel_loop3A_210 step %parallel_loop3A_211  : i32 {
      %parallel_loop3A_231 = arith.constant 16 : i32
      %parallel_loop3A_232 = arith.muli %parallel_loop3A_230, %parallel_loop3A_231 : i32
      %parallel_loop3A_233 = arith.index_cast %parallel_loop3A_232 : i32 to index
      %parallel_loop3A_234 = tpu.vector_load %arg9[%parallel_loop3A_233] {strides = array<i32>} : memref<2048xf32, #tpu.memory_space<vmem>>, vector<16xf32>,
      %parallel_loop3A_235 = arith.index_cast %parallel_loop3A_232 : i32 to index
      %parallel_loop3A_236 = tpu.vector_load %arg10[%parallel_loop3A_235] {strides = array<i32>} : memref<2048xf32, #tpu.memory_space<vmem>>, vector<16xf32>,
      %parallel_loop3A_237 = arith.constant 0.000000e+00 : f32
      %parallel_loop3A_238 = vector.broadcast %parallel_loop3A_237 : f32 to vector<16xf32>
      %parallel_loop3A_239 = arith.cmpf oge, %parallel_loop3A_234, %parallel_loop3A_238 : vector<16xf32>
      %parallel_loop3A_240 = arith.constant 0.000000e+00 : f32
      %parallel_loop3A_241 = vector.broadcast %parallel_loop3A_240 : f32 to vector<16xf32>
      %parallel_loop3A_242 = arith.cmpf oge, %parallel_loop3A_236, %parallel_loop3A_241 : vector<16xf32>
      %parallel_loop3A_243 = arith.andi %parallel_loop3A_239, %parallel_loop3A_242 : vector<16xi1>
      %parallel_loop3A_244 = arith.constant 2.560000e+02 : f32
      %parallel_loop3A_245 = vector.broadcast %parallel_loop3A_244 : f32 to vector<16xf32>
      %parallel_loop3A_246 = arith.cmpf olt, %parallel_loop3A_234, %parallel_loop3A_245 : vector<16xf32>
      %parallel_loop3A_247 = arith.andi %parallel_loop3A_243, %parallel_loop3A_246 : vector<16xi1>
      %parallel_loop3A_248 = arith.constant 2.560000e+02 : f32
      %parallel_loop3A_249 = vector.broadcast %parallel_loop3A_248 : f32 to vector<16xf32>
      %parallel_loop3A_250 = arith.cmpf olt, %parallel_loop3A_236, %parallel_loop3A_249 : vector<16xf32>
      %parallel_loop3A_251 = arith.andi %parallel_loop3A_247, %parallel_loop3A_250 : vector<16xi1>
      %parallel_loop3A_252 = arith.constant 1.000000e+00 : f32
      %parallel_loop3A_253 = vector.broadcast %parallel_loop3A_252 : f32 to vector<16xf32>
      %parallel_loop3A_254 = arith.maximumf %parallel_loop3A_234, %parallel_loop3A_253 : vector<16xf32>
      %parallel_loop3A_255 = arith.constant 2.540000e+02 : f32
      %parallel_loop3A_256 = vector.broadcast %parallel_loop3A_255 : f32 to vector<16xf32>
      %parallel_loop3A_257 = arith.minimumf %parallel_loop3A_254, %parallel_loop3A_256 : vector<16xf32>
      %parallel_loop3A_258 = arith.constant 1.000000e+00 : f32
      %parallel_loop3A_259 = vector.broadcast %parallel_loop3A_258 : f32 to vector<16xf32>
      %parallel_loop3A_260 = arith.maximumf %parallel_loop3A_236, %parallel_loop3A_259 : vector<16xf32>
      %parallel_loop3A_261 = arith.constant 2.540000e+02 : f32
      %parallel_loop3A_262 = vector.broadcast %parallel_loop3A_261 : f32 to vector<16xf32>
      %parallel_loop3A_263 = arith.minimumf %parallel_loop3A_260, %parallel_loop3A_262 : vector<16xf32>
      %parallel_loop3A_264 = arith.fptosi %parallel_loop3A_257 : vector<16xf32> to vector<16xi32>
      %parallel_loop3A_265 = arith.fptosi %parallel_loop3A_263 : vector<16xf32> to vector<16xi32>
      %parallel_loop3A_266 = arith.sitofp %parallel_loop3A_264 : vector<16xi32> to vector<16xf32>
      %parallel_loop3A_267 = arith.subf %parallel_loop3A_257, %parallel_loop3A_266 : vector<16xf32>
      %parallel_loop3A_268 = arith.sitofp %parallel_loop3A_265 : vector<16xi32> to vector<16xf32>
      %parallel_loop3A_269 = arith.subf %parallel_loop3A_263, %parallel_loop3A_268 : vector<16xf32>
      %parallel_loop3A_270 = arith.constant 256 : i32
      %parallel_loop3A_271 = vector.broadcast %parallel_loop3A_270 : i32 to vector<16xi32>
      %parallel_loop3A_272 = arith.muli %parallel_loop3A_265, %parallel_loop3A_271 : vector<16xi32>
      %parallel_loop3A_273 = arith.addi %parallel_loop3A_272, %parallel_loop3A_264 : vector<16xi32>
      %parallel_loop3A_274 = arith.constant 65536 : i32
      %parallel_loop3A_275 = vector.broadcast %parallel_loop3A_274 : i32 to vector<16xi32>
      %parallel_loop3A_276 = arith.select %parallel_loop3A_251, %parallel_loop3A_273, %parallel_loop3A_275 : vector<16xi1>, vector<16xi32>
      %parallel_loop3A_277 = arith.constant 14336 : i32
      %parallel_loop3A_278 = arith.addi %parallel_loop3A_277, %parallel_loop3A_232 : i32
      %parallel_loop3A_279 = arith.index_cast %parallel_loop3A_278 : i32 to index
      %parallel_loop3A_280 = tpu.vector_load %arg6[%parallel_loop3A_279] {strides = array<i32>} : memref<16384xi32, #tpu.memory_space<vmem>>, vector<16xi32>,
      tpu.vector_store %arg6[%parallel_loop3A_279], %parallel_loop3A_276 {strides = array<i32>} : memref<16384xi32, #tpu.memory_space<vmem>>, vector<16xi32>,
      %parallel_loop3A_281 = arith.constant 0.000000e+00 : f32
      %parallel_loop3A_282 = vector.broadcast %parallel_loop3A_281 : f32 to vector<16xf32>
      %parallel_loop3A_283 = arith.select %parallel_loop3A_251, %parallel_loop3A_267, %parallel_loop3A_282 : vector<16xi1>, vector<16xf32>
      %parallel_loop3A_284 = arith.constant 14336 : i32
      %parallel_loop3A_285 = arith.addi %parallel_loop3A_284, %parallel_loop3A_232 : i32
      %parallel_loop3A_286 = arith.index_cast %parallel_loop3A_285 : i32 to index
      %parallel_loop3A_287 = tpu.vector_load %arg7[%parallel_loop3A_286] {strides = array<i32>} : memref<16384xf32, #tpu.memory_space<vmem>>, vector<16xf32>,
      tpu.vector_store %arg7[%parallel_loop3A_286], %parallel_loop3A_283 {strides = array<i32>} : memref<16384xf32, #tpu.memory_space<vmem>>, vector<16xf32>,
      %parallel_loop3A_288 = arith.constant 0.000000e+00 : f32
      %parallel_loop3A_289 = vector.broadcast %parallel_loop3A_288 : f32 to vector<16xf32>
      %parallel_loop3A_290 = arith.select %parallel_loop3A_251, %parallel_loop3A_269, %parallel_loop3A_289 : vector<16xi1>, vector<16xf32>
      %parallel_loop3A_291 = arith.constant 14336 : i32
      %parallel_loop3A_292 = arith.addi %parallel_loop3A_291, %parallel_loop3A_232 : i32
      %parallel_loop3A_293 = arith.index_cast %parallel_loop3A_292 : i32 to index
      %parallel_loop3A_294 = tpu.vector_load %arg8[%parallel_loop3A_293] {strides = array<i32>} : memref<16384xf32, #tpu.memory_space<vmem>>, vector<16xf32>,
      tpu.vector_store %arg8[%parallel_loop3A_293], %parallel_loop3A_290 {strides = array<i32>} : memref<16384xf32, #tpu.memory_space<vmem>>, vector<16xf32>,
    } {sc.loop_unroll_factor = 4 : i64, sc.parallel_access}
    %scan3A = arith.constant 0 : i32
    %scan3A_212 = arith.constant 0 : i32
    %scan3A_213 = arith.constant 16 : i32
    %scan3A_214 = arith.addi %scan3A_212, %scan3A_213 : i32
    %scan3A_215 = arith.constant 1 : i32
    scf.for %scan3A_230 = %scan3A_212 to %scan3A_214 step %scan3A_215  : i32 {
      %add3A_231 = arith.addi %mul3A_32, %scan3A_230 : i32
      %mul3A_232 = arith.constant 128 : i32
      %mul3A_233 = arith.muli %select_n3A, %mul3A_232 : i32
      %add3A_234 = arith.addi %mul3A_233, %add3A_231 : i32
      %dma_wait3A_235 = arith.constant 0 : i32
      %dma_wait3A_236 = arith.constant 0 : i32
      %dma_wait3A_237 = tpu.memref_slice %arg5[%dma_wait3A_235, %dma_wait3A_236] : memref<258x256xf32, #tpu.memory_space<vmem>> -> memref<256x256xf32, #tpu.memory_space<vmem>>
      %dma_wait3A_238 = arith.constant 0 : i32
      %dma_wait3A_239 = arith.constant 0 : i32
      %dma_wait3A_240 = tpu.memref_slice %arg2[%select_n3A, %add3A_231, %dma_wait3A_238, %dma_wait3A_239] : memref<4x128x256x256xf32, #tpu.memory_space<hbm>> -> memref<1x1x256x256xf32, #tpu.memory_space<hbm>>
      %dma_wait3A_241 = tpu.memref_squeeze %dma_wait3A_240 : memref<1x1x256x256xf32, #tpu.memory_space<hbm>> -> memref<256x256xf32, #tpu.memory_space<hbm>>
      %dma_wait3A_242 = arith.constant 0 : i32
      %dma_wait3A_243 = arith.constant 0 : i32
      %dma_wait3A_244 = tpu.memref_slice %arg5[%dma_wait3A_242, %dma_wait3A_243] : memref<258x256xf32, #tpu.memory_space<vmem>> -> memref<256x256xf32, #tpu.memory_space<vmem>>
      %dma_wait3A_245 = arith.constant 0 : i32
      %dma_wait3A_246 = arith.constant 0 : i32
      %dma_wait3A_247 = tpu.memref_slice %arg2[%select_n3A, %add3A_231, %dma_wait3A_245, %dma_wait3A_246] : memref<4x128x256x256xf32, #tpu.memory_space<hbm>> -> memref<1x1x256x256xf32, #tpu.memory_space<hbm>>
      %dma_wait3A_248 = tpu.memref_squeeze %dma_wait3A_247 : memref<1x1x256x256xf32, #tpu.memory_space<hbm>> -> memref<256x256xf32, #tpu.memory_space<hbm>>
      tpu.wait_dma2 semaphore(%arg15 : memref<!tpu.dma_semaphore, #tpu.memory_space<semaphore_mem>>) src(%dma_wait3A_248 : memref<256x256xf32, #tpu.memory_space<hbm>>) dst(%dma_wait3A_244 : memref<256x256xf32, #tpu.memory_space<vmem>>)
      %parallel_loop3A_249 = arith.constant 0 : i32
      %parallel_loop3A_250 = arith.constant 256 : i32
      %parallel_loop3A_251 = arith.constant 1 : i32
      scf.for %parallel_loop3A_327 = %parallel_loop3A_249 to %parallel_loop3A_250 step %parallel_loop3A_251  : i32 {
        %parallel_loop3A_328 = arith.constant 16 : i32
        %parallel_loop3A_329 = arith.muli %parallel_loop3A_327, %parallel_loop3A_328 : i32
        %parallel_loop3A_330 = arith.constant 0 : i32
        %parallel_loop3A_331 = arith.addi %parallel_loop3A_330, %parallel_loop3A_329 : i32
        %parallel_loop3A_332 = arith.index_cast %parallel_loop3A_331 : i32 to index
        %parallel_loop3A_333 = tpu.vector_load %arg6[%parallel_loop3A_332] {strides = array<i32>} : memref<16384xi32, #tpu.memory_space<vmem>>, vector<16xi32>,
        %parallel_loop3A_334 = arith.constant 0 : i32
        %parallel_loop3A_335 = arith.addi %parallel_loop3A_334, %parallel_loop3A_329 : i32
        %parallel_loop3A_336 = arith.index_cast %parallel_loop3A_335 : i32 to index
        %parallel_loop3A_337 = tpu.vector_load %arg7[%parallel_loop3A_336] {strides = array<i32>} : memref<16384xf32, #tpu.memory_space<vmem>>, vector<16xf32>,
        %parallel_loop3A_338 = arith.constant 0 : i32
        %parallel_loop3A_339 = arith.addi %parallel_loop3A_338, %parallel_loop3A_329 : i32
        %parallel_loop3A_340 = arith.index_cast %parallel_loop3A_339 : i32 to index
        %parallel_loop3A_341 = tpu.vector_load %arg8[%parallel_loop3A_340] {strides = array<i32>} : memref<16384xf32, #tpu.memory_space<vmem>>, vector<16xf32>,
        %parallel_loop3A_342 = arith.constant 8 : i32
        %parallel_loop3A_343 = vector.broadcast %parallel_loop3A_342 : i32 to vector<16xi32>
        %parallel_loop3A_344 = arith.shrui %parallel_loop3A_333, %parallel_loop3A_343 : vector<16xi32>
        %parallel_loop3A_345 = arith.constant 255 : i32
        %parallel_loop3A_346 = vector.broadcast %parallel_loop3A_345 : i32 to vector<16xi32>
        %parallel_loop3A_347 = arith.andi %parallel_loop3A_333, %parallel_loop3A_346 : vector<16xi32>
        %parallel_loop3A_348 = arith.constant 1 : i32
        %parallel_loop3A_349 = vector.broadcast %parallel_loop3A_348 : i32 to vector<16xi32>
        %parallel_loop3A_350 = arith.addi %parallel_loop3A_344, %parallel_loop3A_349 : vector<16xi32>
        %parallel_loop3A_351 = arith.constant 1 : i32
        %parallel_loop3A_352 = vector.broadcast %parallel_loop3A_351 : i32 to vector<16xi32>
        %parallel_loop3A_353 = arith.addi %parallel_loop3A_347, %parallel_loop3A_352 : vector<16xi32>
        %parallel_loop3A_354 = tpu.vector_load_idx %arg5[%parallel_loop3A_344, %parallel_loop3A_347] : memref<258x256xf32, #tpu.memory_space<vmem>>[vector<16xi32>, vector<16xi32>], vector<16xf32>,
        %parallel_loop3A_355 = tpu.vector_load_idx %arg5[%parallel_loop3A_344, %parallel_loop3A_353] : memref<258x256xf32, #tpu.memory_space<vmem>>[vector<16xi32>, vector<16xi32>], vector<16xf32>,
        %parallel_loop3A_356 = tpu.vector_load_idx %arg5[%parallel_loop3A_350, %parallel_loop3A_347] : memref<258x256xf32, #tpu.memory_space<vmem>>[vector<16xi32>, vector<16xi32>], vector<16xf32>,
        %parallel_loop3A_357 = tpu.vector_load_idx %arg5[%parallel_loop3A_350, %parallel_loop3A_353] : memref<258x256xf32, #tpu.memory_space<vmem>>[vector<16xi32>, vector<16xi32>], vector<16xf32>,
        %parallel_loop3A_358 = arith.subf %parallel_loop3A_355, %parallel_loop3A_354 : vector<16xf32>
        %parallel_loop3A_359 = arith.mulf %parallel_loop3A_358, %parallel_loop3A_337 : vector<16xf32>
        %parallel_loop3A_360 = arith.addf %parallel_loop3A_354, %parallel_loop3A_359 : vector<16xf32>
        %parallel_loop3A_361 = arith.subf %parallel_loop3A_357, %parallel_loop3A_356 : vector<16xf32>
        %parallel_loop3A_362 = arith.mulf %parallel_loop3A_361, %parallel_loop3A_337 : vector<16xf32>
        %parallel_loop3A_363 = arith.addf %parallel_loop3A_356, %parallel_loop3A_362 : vector<16xf32>
        %parallel_loop3A_364 = arith.subf %parallel_loop3A_363, %parallel_loop3A_360 : vector<16xf32>
        %parallel_loop3A_365 = arith.mulf %parallel_loop3A_364, %parallel_loop3A_341 : vector<16xf32>
        %parallel_loop3A_366 = arith.addf %parallel_loop3A_360, %parallel_loop3A_365 : vector<16xf32>
        %parallel_loop3A_367 = arith.index_cast %parallel_loop3A_329 : i32 to index
        %parallel_loop3A_368 = tpu.vector_load %arg11[%parallel_loop3A_367] {strides = array<i32>} : memref<4096xf32, #tpu.memory_space<vmem>>, vector<16xf32>,
        tpu.vector_store %arg11[%parallel_loop3A_367], %parallel_loop3A_366 {strides = array<i32>} : memref<4096xf32, #tpu.memory_space<vmem>>, vector<16xf32>,
      } {sc.loop_unroll_factor = 4 : i64, sc.parallel_access}
      %dma_start3A_252 = arith.constant 0 : i32
      %dma_start3A_253 = tpu.memref_slice %arg4[%add3A_234, %dma_start3A_252] : memref<512x16384xf32, #tpu.memory_space<hbm>> -> memref<1x4096xf32, #tpu.memory_space<hbm>>
      %dma_start3A_254 = tpu.memref_squeeze %dma_start3A_253 : memref<1x4096xf32, #tpu.memory_space<hbm>> -> memref<4096xf32, #tpu.memory_space<hbm>>
      %dma_start3A_255 = arith.constant 0 : i32
      %dma_start3A_256 = tpu.memref_slice %arg4[%add3A_234, %dma_start3A_255] : memref<512x16384xf32, #tpu.memory_space<hbm>> -> memref<1x4096xf32, #tpu.memory_space<hbm>>
      %dma_start3A_257 = tpu.memref_squeeze %dma_start3A_256 : memref<1x4096xf32, #tpu.memory_space<hbm>> -> memref<4096xf32, #tpu.memory_space<hbm>>
      tpu.enqueue_dma source(%arg11 : memref<4096xf32, #tpu.memory_space<vmem>>) target(%dma_start3A_257 : memref<4096xf32, #tpu.memory_space<hbm>>) target_semaphore(%arg13 : memref<!tpu.dma_semaphore, #tpu.memory_space<semaphore_mem>>)
      %parallel_loop3A_258 = arith.constant 0 : i32
      %parallel_loop3A_259 = arith.constant 256 : i32
      %parallel_loop3A_260 = arith.constant 1 : i32
      scf.for %parallel_loop3A_327 = %parallel_loop3A_258 to %parallel_loop3A_259 step %parallel_loop3A_260  : i32 {
        %parallel_loop3A_328 = arith.constant 16 : i32
        %parallel_loop3A_329 = arith.muli %parallel_loop3A_327, %parallel_loop3A_328 : i32
        %parallel_loop3A_330 = arith.constant 4096 : i32
        %parallel_loop3A_331 = arith.addi %parallel_loop3A_330, %parallel_loop3A_329 : i32
        %parallel_loop3A_332 = arith.index_cast %parallel_loop3A_331 : i32 to index
        %parallel_loop3A_333 = tpu.vector_load %arg6[%parallel_loop3A_332] {strides = array<i32>} : memref<16384xi32, #tpu.memory_space<vmem>>, vector<16xi32>,
        %parallel_loop3A_334 = arith.constant 4096 : i32
        %parallel_loop3A_335 = arith.addi %parallel_loop3A_334, %parallel_loop3A_329 : i32
        %parallel_loop3A_336 = arith.index_cast %parallel_loop3A_335 : i32 to index
        %parallel_loop3A_337 = tpu.vector_load %arg7[%parallel_loop3A_336] {strides = array<i32>} : memref<16384xf32, #tpu.memory_space<vmem>>, vector<16xf32>,
        %parallel_loop3A_338 = arith.constant 4096 : i32
        %parallel_loop3A_339 = arith.addi %parallel_loop3A_338, %parallel_loop3A_329 : i32
        %parallel_loop3A_340 = arith.index_cast %parallel_loop3A_339 : i32 to index
        %parallel_loop3A_341 = tpu.vector_load %arg8[%parallel_loop3A_340] {strides = array<i32>} : memref<16384xf32, #tpu.memory_space<vmem>>, vector<16xf32>,
        %parallel_loop3A_342 = arith.constant 8 : i32
        %parallel_loop3A_343 = vector.broadcast %parallel_loop3A_342 : i32 to vector<16xi32>
        %parallel_loop3A_344 = arith.shrui %parallel_loop3A_333, %parallel_loop3A_343 : vector<16xi32>
        %parallel_loop3A_345 = arith.constant 255 : i32
        %parallel_loop3A_346 = vector.broadcast %parallel_loop3A_345 : i32 to vector<16xi32>
        %parallel_loop3A_347 = arith.andi %parallel_loop3A_333, %parallel_loop3A_346 : vector<16xi32>
        %parallel_loop3A_348 = arith.constant 1 : i32
        %parallel_loop3A_349 = vector.broadcast %parallel_loop3A_348 : i32 to vector<16xi32>
        %parallel_loop3A_350 = arith.addi %parallel_loop3A_344, %parallel_loop3A_349 : vector<16xi32>
        %parallel_loop3A_351 = arith.constant 1 : i32
        %parallel_loop3A_352 = vector.broadcast %parallel_loop3A_351 : i32 to vector<16xi32>
        %parallel_loop3A_353 = arith.addi %parallel_loop3A_347, %parallel_loop3A_352 : vector<16xi32>
        %parallel_loop3A_354 = tpu.vector_load_idx %arg5[%parallel_loop3A_344, %parallel_loop3A_347] : memref<258x256xf32, #tpu.memory_space<vmem>>[vector<16xi32>, vector<16xi32>], vector<16xf32>,
        %parallel_loop3A_355 = tpu.vector_load_idx %arg5[%parallel_loop3A_344, %parallel_loop3A_353] : memref<258x256xf32, #tpu.memory_space<vmem>>[vector<16xi32>, vector<16xi32>], vector<16xf32>,
        %parallel_loop3A_356 = tpu.vector_load_idx %arg5[%parallel_loop3A_350, %parallel_loop3A_347] : memref<258x256xf32, #tpu.memory_space<vmem>>[vector<16xi32>, vector<16xi32>], vector<16xf32>,
        %parallel_loop3A_357 = tpu.vector_load_idx %arg5[%parallel_loop3A_350, %parallel_loop3A_353] : memref<258x256xf32, #tpu.memory_space<vmem>>[vector<16xi32>, vector<16xi32>], vector<16xf32>,
        %parallel_loop3A_358 = arith.subf %parallel_loop3A_355, %parallel_loop3A_354 : vector<16xf32>
        %parallel_loop3A_359 = arith.mulf %parallel_loop3A_358, %parallel_loop3A_337 : vector<16xf32>
        %parallel_loop3A_360 = arith.addf %parallel_loop3A_354, %parallel_loop3A_359 : vector<16xf32>
        %parallel_loop3A_361 = arith.subf %parallel_loop3A_357, %parallel_loop3A_356 : vector<16xf32>
        %parallel_loop3A_362 = arith.mulf %parallel_loop3A_361, %parallel_loop3A_337 : vector<16xf32>
        %parallel_loop3A_363 = arith.addf %parallel_loop3A_356, %parallel_loop3A_362 : vector<16xf32>
        %parallel_loop3A_364 = arith.subf %parallel_loop3A_363, %parallel_loop3A_360 : vector<16xf32>
        %parallel_loop3A_365 = arith.mulf %parallel_loop3A_364, %parallel_loop3A_341 : vector<16xf32>
        %parallel_loop3A_366 = arith.addf %parallel_loop3A_360, %parallel_loop3A_365 : vector<16xf32>
        %parallel_loop3A_367 = arith.index_cast %parallel_loop3A_329 : i32 to index
        %parallel_loop3A_368 = tpu.vector_load %arg12[%parallel_loop3A_367] {strides = array<i32>} : memref<4096xf32, #tpu.memory_space<vmem>>, vector<16xf32>,
        tpu.vector_store %arg12[%parallel_loop3A_367], %parallel_loop3A_366 {strides = array<i32>} : memref<4096xf32, #tpu.memory_space<vmem>>, vector<16xf32>,
      } {sc.loop_unroll_factor = 4 : i64, sc.parallel_access}
      %dma_start3A_261 = arith.constant 4096 : i32
      %dma_start3A_262 = tpu.memref_slice %arg4[%add3A_234, %dma_start3A_261] : memref<512x16384xf32, #tpu.memory_space<hbm>> -> memref<1x4096xf32, #tpu.memory_space<hbm>>
      %dma_start3A_263 = tpu.memref_squeeze %dma_start3A_262 : memref<1x4096xf32, #tpu.memory_space<hbm>> -> memref<4096xf32, #tpu.memory_space<hbm>>
      %dma_start3A_264 = arith.constant 4096 : i32
      %dma_start3A_265 = tpu.memref_slice %arg4[%add3A_234, %dma_start3A_264] : memref<512x16384xf32, #tpu.memory_space<hbm>> -> memref<1x4096xf32, #tpu.memory_space<hbm>>
      %dma_start3A_266 = tpu.memref_squeeze %dma_start3A_265 : memref<1x4096xf32, #tpu.memory_space<hbm>> -> memref<4096xf32, #tpu.memory_space<hbm>>
      tpu.enqueue_dma source(%arg12 : memref<4096xf32, #tpu.memory_space<vmem>>) target(%dma_start3A_266 : memref<4096xf32, #tpu.memory_space<hbm>>) target_semaphore(%arg14 : memref<!tpu.dma_semaphore, #tpu.memory_space<semaphore_mem>>)
      %dma_wait3A_267 = arith.constant 0 : i32
      %dma_wait3A_268 = tpu.memref_slice %arg4[%add3A_234, %dma_wait3A_267] : memref<512x16384xf32, #tpu.memory_space<hbm>> -> memref<1x4096xf32, #tpu.memory_space<hbm>>
      %dma_wait3A_269 = tpu.memref_squeeze %dma_wait3A_268 : memref<1x4096xf32, #tpu.memory_space<hbm>> -> memref<4096xf32, #tpu.memory_space<hbm>>
      %dma_wait3A_270 = arith.constant 0 : i32
      %dma_wait3A_271 = tpu.memref_slice %arg4[%add3A_234, %dma_wait3A_270] : memref<512x16384xf32, #tpu.memory_space<hbm>> -> memref<1x4096xf32, #tpu.memory_space<hbm>>
      %dma_wait3A_272 = tpu.memref_squeeze %dma_wait3A_271 : memref<1x4096xf32, #tpu.memory_space<hbm>> -> memref<4096xf32, #tpu.memory_space<hbm>>
      tpu.wait_dma2 semaphore(%arg13 : memref<!tpu.dma_semaphore, #tpu.memory_space<semaphore_mem>>) src(%arg11 : memref<4096xf32, #tpu.memory_space<vmem>>) dst(%dma_wait3A_272 : memref<4096xf32, #tpu.memory_space<hbm>>)
      %parallel_loop3A_273 = arith.constant 0 : i32
      %parallel_loop3A_274 = arith.constant 256 : i32
      %parallel_loop3A_275 = arith.constant 1 : i32
      scf.for %parallel_loop3A_327 = %parallel_loop3A_273 to %parallel_loop3A_274 step %parallel_loop3A_275  : i32 {
        %parallel_loop3A_328 = arith.constant 16 : i32
        %parallel_loop3A_329 = arith.muli %parallel_loop3A_327, %parallel_loop3A_328 : i32
        %parallel_loop3A_330 = arith.constant 8192 : i32
        %parallel_loop3A_331 = arith.addi %parallel_loop3A_330, %parallel_loop3A_329 : i32
        %parallel_loop3A_332 = arith.index_cast %parallel_loop3A_331 : i32 to index
        %parallel_loop3A_333 = tpu.vector_load %arg6[%parallel_loop3A_332] {strides = array<i32>} : memref<16384xi32, #tpu.memory_space<vmem>>, vector<16xi32>,
        %parallel_loop3A_334 = arith.constant 8192 : i32
        %parallel_loop3A_335 = arith.addi %parallel_loop3A_334, %parallel_loop3A_329 : i32
        %parallel_loop3A_336 = arith.index_cast %parallel_loop3A_335 : i32 to index
        %parallel_loop3A_337 = tpu.vector_load %arg7[%parallel_loop3A_336] {strides = array<i32>} : memref<16384xf32, #tpu.memory_space<vmem>>, vector<16xf32>,
        %parallel_loop3A_338 = arith.constant 8192 : i32
        %parallel_loop3A_339 = arith.addi %parallel_loop3A_338, %parallel_loop3A_329 : i32
        %parallel_loop3A_340 = arith.index_cast %parallel_loop3A_339 : i32 to index
        %parallel_loop3A_341 = tpu.vector_load %arg8[%parallel_loop3A_340] {strides = array<i32>} : memref<16384xf32, #tpu.memory_space<vmem>>, vector<16xf32>,
        %parallel_loop3A_342 = arith.constant 8 : i32
        %parallel_loop3A_343 = vector.broadcast %parallel_loop3A_342 : i32 to vector<16xi32>
        %parallel_loop3A_344 = arith.shrui %parallel_loop3A_333, %parallel_loop3A_343 : vector<16xi32>
        %parallel_loop3A_345 = arith.constant 255 : i32
        %parallel_loop3A_346 = vector.broadcast %parallel_loop3A_345 : i32 to vector<16xi32>
        %parallel_loop3A_347 = arith.andi %parallel_loop3A_333, %parallel_loop3A_346 : vector<16xi32>
        %parallel_loop3A_348 = arith.constant 1 : i32
        %parallel_loop3A_349 = vector.broadcast %parallel_loop3A_348 : i32 to vector<16xi32>
        %parallel_loop3A_350 = arith.addi %parallel_loop3A_344, %parallel_loop3A_349 : vector<16xi32>
        %parallel_loop3A_351 = arith.constant 1 : i32
        %parallel_loop3A_352 = vector.broadcast %parallel_loop3A_351 : i32 to vector<16xi32>
        %parallel_loop3A_353 = arith.addi %parallel_loop3A_347, %parallel_loop3A_352 : vector<16xi32>
        %parallel_loop3A_354 = tpu.vector_load_idx %arg5[%parallel_loop3A_344, %parallel_loop3A_347] : memref<258x256xf32, #tpu.memory_space<vmem>>[vector<16xi32>, vector<16xi32>], vector<16xf32>,
        %parallel_loop3A_355 = tpu.vector_load_idx %arg5[%parallel_loop3A_344, %parallel_loop3A_353] : memref<258x256xf32, #tpu.memory_space<vmem>>[vector<16xi32>, vector<16xi32>], vector<16xf32>,
        %parallel_loop3A_356 = tpu.vector_load_idx %arg5[%parallel_loop3A_350, %parallel_loop3A_347] : memref<258x256xf32, #tpu.memory_space<vmem>>[vector<16xi32>, vector<16xi32>], vector<16xf32>,
        %parallel_loop3A_357 = tpu.vector_load_idx %arg5[%parallel_loop3A_350, %parallel_loop3A_353] : memref<258x256xf32, #tpu.memory_space<vmem>>[vector<16xi32>, vector<16xi32>], vector<16xf32>,
        %parallel_loop3A_358 = arith.subf %parallel_loop3A_355, %parallel_loop3A_354 : vector<16xf32>
        %parallel_loop3A_359 = arith.mulf %parallel_loop3A_358, %parallel_loop3A_337 : vector<16xf32>
        %parallel_loop3A_360 = arith.addf %parallel_loop3A_354, %parallel_loop3A_359 : vector<16xf32>
        %parallel_loop3A_361 = arith.subf %parallel_loop3A_357, %parallel_loop3A_356 : vector<16xf32>
        %parallel_loop3A_362 = arith.mulf %parallel_loop3A_361, %parallel_loop3A_337 : vector<16xf32>
        %parallel_loop3A_363 = arith.addf %parallel_loop3A_356, %parallel_loop3A_362 : vector<16xf32>
        %parallel_loop3A_364 = arith.subf %parallel_loop3A_363, %parallel_loop3A_360 : vector<16xf32>
        %parallel_loop3A_365 = arith.mulf %parallel_loop3A_364, %parallel_loop3A_341 : vector<16xf32>
        %parallel_loop3A_366 = arith.addf %parallel_loop3A_360, %parallel_loop3A_365 : vector<16xf32>
        %parallel_loop3A_367 = arith.index_cast %parallel_loop3A_329 : i32 to index
        %parallel_loop3A_368 = tpu.vector_load %arg11[%parallel_loop3A_367] {strides = array<i32>} : memref<4096xf32, #tpu.memory_space<vmem>>, vector<16xf32>,
        tpu.vector_store %arg11[%parallel_loop3A_367], %parallel_loop3A_366 {strides = array<i32>} : memref<4096xf32, #tpu.memory_space<vmem>>, vector<16xf32>,
      } {sc.loop_unroll_factor = 4 : i64, sc.parallel_access}
      %dma_start3A_276 = arith.constant 8192 : i32
      %dma_start3A_277 = tpu.memref_slice %arg4[%add3A_234, %dma_start3A_276] : memref<512x16384xf32, #tpu.memory_space<hbm>> -> memref<1x4096xf32, #tpu.memory_space<hbm>>
      %dma_start3A_278 = tpu.memref_squeeze %dma_start3A_277 : memref<1x4096xf32, #tpu.memory_space<hbm>> -> memref<4096xf32, #tpu.memory_space<hbm>>
      %dma_start3A_279 = arith.constant 8192 : i32
      %dma_start3A_280 = tpu.memref_slice %arg4[%add3A_234, %dma_start3A_279] : memref<512x16384xf32, #tpu.memory_space<hbm>> -> memref<1x4096xf32, #tpu.memory_space<hbm>>
      %dma_start3A_281 = tpu.memref_squeeze %dma_start3A_280 : memref<1x4096xf32, #tpu.memory_space<hbm>> -> memref<4096xf32, #tpu.memory_space<hbm>>
      tpu.enqueue_dma source(%arg11 : memref<4096xf32, #tpu.memory_space<vmem>>) target(%dma_start3A_281 : memref<4096xf32, #tpu.memory_space<hbm>>) target_semaphore(%arg13 : memref<!tpu.dma_semaphore, #tpu.memory_space<semaphore_mem>>)
      %dma_wait3A_282 = arith.constant 4096 : i32
      %dma_wait3A_283 = tpu.memref_slice %arg4[%add3A_234, %dma_wait3A_282] : memref<512x16384xf32, #tpu.memory_space<hbm>> -> memref<1x4096xf32, #tpu.memory_space<hbm>>
      %dma_wait3A_284 = tpu.memref_squeeze %dma_wait3A_283 : memref<1x4096xf32, #tpu.memory_space<hbm>> -> memref<4096xf32, #tpu.memory_space<hbm>>
      %dma_wait3A_285 = arith.constant 4096 : i32
      %dma_wait3A_286 = tpu.memref_slice %arg4[%add3A_234, %dma_wait3A_285] : memref<512x16384xf32, #tpu.memory_space<hbm>> -> memref<1x4096xf32, #tpu.memory_space<hbm>>
      %dma_wait3A_287 = tpu.memref_squeeze %dma_wait3A_286 : memref<1x4096xf32, #tpu.memory_space<hbm>> -> memref<4096xf32, #tpu.memory_space<hbm>>
      tpu.wait_dma2 semaphore(%arg14 : memref<!tpu.dma_semaphore, #tpu.memory_space<semaphore_mem>>) src(%arg12 : memref<4096xf32, #tpu.memory_space<vmem>>) dst(%dma_wait3A_287 : memref<4096xf32, #tpu.memory_space<hbm>>)
      %parallel_loop3A_288 = arith.constant 0 : i32
      %parallel_loop3A_289 = arith.constant 256 : i32
      %parallel_loop3A_290 = arith.constant 1 : i32
      scf.for %parallel_loop3A_327 = %parallel_loop3A_288 to %parallel_loop3A_289 step %parallel_loop3A_290  : i32 {
        %parallel_loop3A_328 = arith.constant 16 : i32
        %parallel_loop3A_329 = arith.muli %parallel_loop3A_327, %parallel_loop3A_328 : i32
        %parallel_loop3A_330 = arith.constant 12288 : i32
        %parallel_loop3A_331 = arith.addi %parallel_loop3A_330, %parallel_loop3A_329 : i32
        %parallel_loop3A_332 = arith.index_cast %parallel_loop3A_331 : i32 to index
        %parallel_loop3A_333 = tpu.vector_load %arg6[%parallel_loop3A_332] {strides = array<i32>} : memref<16384xi32, #tpu.memory_space<vmem>>, vector<16xi32>,
        %parallel_loop3A_334 = arith.constant 12288 : i32
        %parallel_loop3A_335 = arith.addi %parallel_loop3A_334, %parallel_loop3A_329 : i32
        %parallel_loop3A_336 = arith.index_cast %parallel_loop3A_335 : i32 to index
        %parallel_loop3A_337 = tpu.vector_load %arg7[%parallel_loop3A_336] {strides = array<i32>} : memref<16384xf32, #tpu.memory_space<vmem>>, vector<16xf32>,
        %parallel_loop3A_338 = arith.constant 12288 : i32
        %parallel_loop3A_339 = arith.addi %parallel_loop3A_338, %parallel_loop3A_329 : i32
        %parallel_loop3A_340 = arith.index_cast %parallel_loop3A_339 : i32 to index
        %parallel_loop3A_341 = tpu.vector_load %arg8[%parallel_loop3A_340] {strides = array<i32>} : memref<16384xf32, #tpu.memory_space<vmem>>, vector<16xf32>,
        %parallel_loop3A_342 = arith.constant 8 : i32
        %parallel_loop3A_343 = vector.broadcast %parallel_loop3A_342 : i32 to vector<16xi32>
        %parallel_loop3A_344 = arith.shrui %parallel_loop3A_333, %parallel_loop3A_343 : vector<16xi32>
        %parallel_loop3A_345 = arith.constant 255 : i32
        %parallel_loop3A_346 = vector.broadcast %parallel_loop3A_345 : i32 to vector<16xi32>
        %parallel_loop3A_347 = arith.andi %parallel_loop3A_333, %parallel_loop3A_346 : vector<16xi32>
        %parallel_loop3A_348 = arith.constant 1 : i32
        %parallel_loop3A_349 = vector.broadcast %parallel_loop3A_348 : i32 to vector<16xi32>
        %parallel_loop3A_350 = arith.addi %parallel_loop3A_344, %parallel_loop3A_349 : vector<16xi32>
        %parallel_loop3A_351 = arith.constant 1 : i32
        %parallel_loop3A_352 = vector.broadcast %parallel_loop3A_351 : i32 to vector<16xi32>
        %parallel_loop3A_353 = arith.addi %parallel_loop3A_347, %parallel_loop3A_352 : vector<16xi32>
        %parallel_loop3A_354 = tpu.vector_load_idx %arg5[%parallel_loop3A_344, %parallel_loop3A_347] : memref<258x256xf32, #tpu.memory_space<vmem>>[vector<16xi32>, vector<16xi32>], vector<16xf32>,
        %parallel_loop3A_355 = tpu.vector_load_idx %arg5[%parallel_loop3A_344, %parallel_loop3A_353] : memref<258x256xf32, #tpu.memory_space<vmem>>[vector<16xi32>, vector<16xi32>], vector<16xf32>,
        %parallel_loop3A_356 = tpu.vector_load_idx %arg5[%parallel_loop3A_350, %parallel_loop3A_347] : memref<258x256xf32, #tpu.memory_space<vmem>>[vector<16xi32>, vector<16xi32>], vector<16xf32>,
        %parallel_loop3A_357 = tpu.vector_load_idx %arg5[%parallel_loop3A_350, %parallel_loop3A_353] : memref<258x256xf32, #tpu.memory_space<vmem>>[vector<16xi32>, vector<16xi32>], vector<16xf32>,
        %parallel_loop3A_358 = arith.subf %parallel_loop3A_355, %parallel_loop3A_354 : vector<16xf32>
        %parallel_loop3A_359 = arith.mulf %parallel_loop3A_358, %parallel_loop3A_337 : vector<16xf32>
        %parallel_loop3A_360 = arith.addf %parallel_loop3A_354, %parallel_loop3A_359 : vector<16xf32>
        %parallel_loop3A_361 = arith.subf %parallel_loop3A_357, %parallel_loop3A_356 : vector<16xf32>
        %parallel_loop3A_362 = arith.mulf %parallel_loop3A_361, %parallel_loop3A_337 : vector<16xf32>
        %parallel_loop3A_363 = arith.addf %parallel_loop3A_356, %parallel_loop3A_362 : vector<16xf32>
        %parallel_loop3A_364 = arith.subf %parallel_loop3A_363, %parallel_loop3A_360 : vector<16xf32>
        %parallel_loop3A_365 = arith.mulf %parallel_loop3A_364, %parallel_loop3A_341 : vector<16xf32>
        %parallel_loop3A_366 = arith.addf %parallel_loop3A_360, %parallel_loop3A_365 : vector<16xf32>
        %parallel_loop3A_367 = arith.index_cast %parallel_loop3A_329 : i32 to index
        %parallel_loop3A_368 = tpu.vector_load %arg12[%parallel_loop3A_367] {strides = array<i32>} : memref<4096xf32, #tpu.memory_space<vmem>>, vector<16xf32>,
        tpu.vector_store %arg12[%parallel_loop3A_367], %parallel_loop3A_366 {strides = array<i32>} : memref<4096xf32, #tpu.memory_space<vmem>>, vector<16xf32>,
      } {sc.loop_unroll_factor = 4 : i64, sc.parallel_access}
      %dma_start3A_291 = arith.constant 12288 : i32
      %dma_start3A_292 = tpu.memref_slice %arg4[%add3A_234, %dma_start3A_291] : memref<512x16384xf32, #tpu.memory_space<hbm>> -> memref<1x4096xf32, #tpu.memory_space<hbm>>
      %dma_start3A_293 = tpu.memref_squeeze %dma_start3A_292 : memref<1x4096xf32, #tpu.memory_space<hbm>> -> memref<4096xf32, #tpu.memory_space<hbm>>
      %dma_start3A_294 = arith.constant 12288 : i32
      %dma_start3A_295 = tpu.memref_slice %arg4[%add3A_234, %dma_start3A_294] : memref<512x16384xf32, #tpu.memory_space<hbm>> -> memref<1x4096xf32, #tpu.memory_space<hbm>>
      %dma_start3A_296 = tpu.memref_squeeze %dma_start3A_295 : memref<1x4096xf32, #tpu.memory_space<hbm>> -> memref<4096xf32, #tpu.memory_space<hbm>>
      tpu.enqueue_dma source(%arg12 : memref<4096xf32, #tpu.memory_space<vmem>>) target(%dma_start3A_296 : memref<4096xf32, #tpu.memory_space<hbm>>) target_semaphore(%arg14 : memref<!tpu.dma_semaphore, #tpu.memory_space<semaphore_mem>>)
      %add3A_297 = arith.constant 1 : i32
      %add3A_298 = arith.addi %scan3A_230, %add3A_297 : i32
      %min3A = arith.constant 15 : i32
      %min3A_299 = arith.minsi %add3A_298, %min3A : i32
      %add3A_300 = arith.addi %mul3A_32, %min3A_299 : i32
      %dma_start3A_301 = arith.constant 0 : i32
      %dma_start3A_302 = arith.constant 0 : i32
      %dma_start3A_303 = tpu.memref_slice %arg5[%dma_start3A_301, %dma_start3A_302] : memref<258x256xf32, #tpu.memory_space<vmem>> -> memref<256x256xf32, #tpu.memory_space<vmem>>
      %dma_start3A_304 = arith.constant 0 : i32
      %dma_start3A_305 = arith.constant 0 : i32
      %dma_start3A_306 = tpu.memref_slice %arg2[%select_n3A, %add3A_300, %dma_start3A_304, %dma_start3A_305] : memref<4x128x256x256xf32, #tpu.memory_space<hbm>> -> memref<1x1x256x256xf32, #tpu.memory_space<hbm>>
      %dma_start3A_307 = tpu.memref_squeeze %dma_start3A_306 : memref<1x1x256x256xf32, #tpu.memory_space<hbm>> -> memref<256x256xf32, #tpu.memory_space<hbm>>
      %dma_start3A_308 = arith.constant 0 : i32
      %dma_start3A_309 = arith.constant 0 : i32
      %dma_start3A_310 = tpu.memref_slice %arg5[%dma_start3A_308, %dma_start3A_309] : memref<258x256xf32, #tpu.memory_space<vmem>> -> memref<256x256xf32, #tpu.memory_space<vmem>>
      %dma_start3A_311 = arith.constant 0 : i32
      %dma_start3A_312 = arith.constant 0 : i32
      %dma_start3A_313 = tpu.memref_slice %arg2[%select_n3A, %add3A_300, %dma_start3A_311, %dma_start3A_312] : memref<4x128x256x256xf32, #tpu.memory_space<hbm>> -> memref<1x1x256x256xf32, #tpu.memory_space<hbm>>
      %dma_start3A_314 = tpu.memref_squeeze %dma_start3A_313 : memref<1x1x256x256xf32, #tpu.memory_space<hbm>> -> memref<256x256xf32, #tpu.memory_space<hbm>>
      tpu.enqueue_dma source(%dma_start3A_314 : memref<256x256xf32, #tpu.memory_space<hbm>>) target(%dma_start3A_310 : memref<256x256xf32, #tpu.memory_space<vmem>>) target_semaphore(%arg15 : memref<!tpu.dma_semaphore, #tpu.memory_space<semaphore_mem>>)
      %dma_wait3A_315 = arith.constant 8192 : i32
      %dma_wait3A_316 = tpu.memref_slice %arg4[%add3A_234, %dma_wait3A_315] : memref<512x16384xf32, #tpu.memory_space<hbm>> -> memref<1x4096xf32, #tpu.memory_space<hbm>>
      %dma_wait3A_317 = tpu.memref_squeeze %dma_wait3A_316 : memref<1x4096xf32, #tpu.memory_space<hbm>> -> memref<4096xf32, #tpu.memory_space<hbm>>
      %dma_wait3A_318 = arith.constant 8192 : i32
      %dma_wait3A_319 = tpu.memref_slice %arg4[%add3A_234, %dma_wait3A_318] : memref<512x16384xf32, #tpu.memory_space<hbm>> -> memref<1x4096xf32, #tpu.memory_space<hbm>>
      %dma_wait3A_320 = tpu.memref_squeeze %dma_wait3A_319 : memref<1x4096xf32, #tpu.memory_space<hbm>> -> memref<4096xf32, #tpu.memory_space<hbm>>
      tpu.wait_dma2 semaphore(%arg13 : memref<!tpu.dma_semaphore, #tpu.memory_space<semaphore_mem>>) src(%arg11 : memref<4096xf32, #tpu.memory_space<vmem>>) dst(%dma_wait3A_320 : memref<4096xf32, #tpu.memory_space<hbm>>)
      %dma_wait3A_321 = arith.constant 12288 : i32
      %dma_wait3A_322 = tpu.memref_slice %arg4[%add3A_234, %dma_wait3A_321] : memref<512x16384xf32, #tpu.memory_space<hbm>> -> memref<1x4096xf32, #tpu.memory_space<hbm>>
      %dma_wait3A_323 = tpu.memref_squeeze %dma_wait3A_322 : memref<1x4096xf32, #tpu.memory_space<hbm>> -> memref<4096xf32, #tpu.memory_space<hbm>>
      %dma_wait3A_324 = arith.constant 12288 : i32
      %dma_wait3A_325 = tpu.memref_slice %arg4[%add3A_234, %dma_wait3A_324] : memref<512x16384xf32, #tpu.memory_space<hbm>> -> memref<1x4096xf32, #tpu.memory_space<hbm>>
      %dma_wait3A_326 = tpu.memref_squeeze %dma_wait3A_325 : memref<1x4096xf32, #tpu.memory_space<hbm>> -> memref<4096xf32, #tpu.memory_space<hbm>>
      tpu.wait_dma2 semaphore(%arg14 : memref<!tpu.dma_semaphore, #tpu.memory_space<semaphore_mem>>) src(%arg12 : memref<4096xf32, #tpu.memory_space<vmem>>) dst(%dma_wait3A_326 : memref<4096xf32, #tpu.memory_space<hbm>>)
    }
    %scan3A_216 = arith.constant 16 : i32
    %dma_wait3A = arith.constant 0 : i32
    %dma_wait3A_217 = arith.constant 0 : i32
    %dma_wait3A_218 = tpu.memref_slice %arg5[%dma_wait3A, %dma_wait3A_217] : memref<258x256xf32, #tpu.memory_space<vmem>> -> memref<256x256xf32, #tpu.memory_space<vmem>>
    %dma_wait3A_219 = arith.constant 0 : i32
    %dma_wait3A_220 = arith.constant 0 : i32
    %dma_wait3A_221 = tpu.memref_slice %arg2[%select_n3A, %mul3A_32, %dma_wait3A_219, %dma_wait3A_220] : memref<4x128x256x256xf32, #tpu.memory_space<hbm>> -> memref<1x1x256x256xf32, #tpu.memory_space<hbm>>
    %dma_wait3A_222 = tpu.memref_squeeze %dma_wait3A_221 : memref<1x1x256x256xf32, #tpu.memory_space<hbm>> -> memref<256x256xf32, #tpu.memory_space<hbm>>
    %dma_wait3A_223 = arith.constant 0 : i32
    %dma_wait3A_224 = arith.constant 0 : i32
    %dma_wait3A_225 = tpu.memref_slice %arg5[%dma_wait3A_223, %dma_wait3A_224] : memref<258x256xf32, #tpu.memory_space<vmem>> -> memref<256x256xf32, #tpu.memory_space<vmem>>
    %dma_wait3A_226 = arith.constant 0 : i32
    %dma_wait3A_227 = arith.constant 0 : i32
    %dma_wait3A_228 = tpu.memref_slice %arg2[%select_n3A, %mul3A_32, %dma_wait3A_226, %dma_wait3A_227] : memref<4x128x256x256xf32, #tpu.memory_space<hbm>> -> memref<1x1x256x256xf32, #tpu.memory_space<hbm>>
    %dma_wait3A_229 = tpu.memref_squeeze %dma_wait3A_228 : memref<1x1x256x256xf32, #tpu.memory_space<hbm>> -> memref<256x256xf32, #tpu.memory_space<hbm>>
    tpu.wait_dma2 semaphore(%arg15 : memref<!tpu.dma_semaphore, #tpu.memory_space<semaphore_mem>>) src(%dma_wait3A_229 : memref<256x256xf32, #tpu.memory_space<hbm>>) dst(%dma_wait3A_225 : memref<256x256xf32, #tpu.memory_space<vmem>>)
    return
  }
}

</mosaic_0001>

<sc_bundles>
// kernel: kernel.3.cloned.1.call-start
scs
__scs_entry_jumppad:
0x0: {  	(pc) =	sbr.rel $0x88, $3  }
0x1: {  	(tag) =	ssettag $0x0;
	lr =	simm.s32 $0x1  }
0x2: {  	[smem:$0x3F9D] =	sst lr;
	_ =	strace $0xD0000000  }
0x3: {  	_ = 	snop  }
0x4: {  	_ = 	snop  }
0x5: {  	_ = 	snop  }
0x6: {  	_ = 	snop  }
0x7: {  	_ = 	snop  }
__scs_overlays_trampoline_lowered:
0x8: {  	[smem:$0x3FAC] =	sst s0  }
0x9: {  	[smem:$0x3FAD] =	sst s1  }
0xa: {  	[smem:$0x3FAE] =	sst s2  }
0xb: {  	[smem:$0x3FAF] =	sst s3  }
0xc: {  	[smem:$0x3FB0] =	sst s4  }
0xd: {  	[smem:$0x3FB1] =	sst s5  }
0xe: {  	[smem:$0x3FB2] =	sst s6  }
0xf: {  	[smem:$0x3FB3] =	sst s7  }
0x10: {  	[smem:$0x3FB4] =	sst s8  }
0x11: {  	[smem:$0x3FB5] =	sst s9;
	s0 =	simm.s32 @!p0 $0x0  }
0x12: {  	s1 =	sld [smem:$0x3F9B];
	s0 =	simm.s32 @p0 $0x1  }
0x13: {  	[smem:$0x3FB6] =	sst s0;
	s0 =	simm.s32 @!p1 $0x0  }
0x14: {  	s2 =	sld [smem:$0x3F9A];
	s0 =	simm.s32 @p1 $0x1  }
0x15: {  	[smem:$0x3FB7] =	sst s0;
	s0 =	simm.s32 @!p2 $0x0  }
0x16: {  	s3 =	sld [smem:$0x3FDB];
	s0 =	simm.s32 @p2 $0x1  }
0x17: {  	s4 =	simm.s32 $0x1BF5;
	[smem:$0x3FB9] =	sst s0  }
0x18: {  	s0 =	sld [smem:$0x3F9C];
	_ =	swait.ge [sflag:s4], $0x0  }
0x19: {  	s7 =	sld [smem:$0x3F9D]  }
0x1a: {  	s8 =	sadd.s32 $0xFFFFE003, lr  }
0x1b: {  	s9 =	sadd.s32 $0xFFFFFEF7, lr;
	s5 =	simm.s32 $0xFFFFFFFF;
	p2 =	slt.u32 s8, $0xFFFFF086  }
0x1c: {  	p1 =	slt.u32 s9, $0xF7A;
	s5 =	simm.s32 @!p2 $0x0  }
0x1d: {  	s5 =	simm.s32 @p1 $0x1;
	p0 =	seq.s32 s7, s2  }
0x1e: {  	s7 =	smul.u32 @!p0 $0xF7A, s2;
	p2 =	seq.s32 @!p0 s5, $0x0  }
0x1f: {  	s9 =	smul.u32 $0xF7A, s1;
	s8 =	simm.s32 @!p0 $0x1BF5;
	p2 =	por !p2, p0  }
0x20: {  	[sflag:s8] =	ssyncset.s32 @!p0 $0xFFFFF086;
	s6 =	sadd.s32 @!p0 s3, s7;
	s7 =	simm.s32 @!p0 $0x108  }
0x21: {  	s3 =	sadd.s32 s3, s9;
	s6 =	sadd.s32 @!p0 $0x88, s6;
	s7 =	simm.s32 @p2 $0x1082  }
0x22: {  	[simem:s7], [sflag:s8] =	dma.local @!p0 [hbm:s6], $0xF7A  }
0x23: {  	s9 =	sor.u32 $0xD0000000, s2;
	s6 =	simm.s32 $0x108;
	_ =	swait.ge @!p0 [sflag:s8], $0x0  }
0x24: {  	s3 =	sadd.s32 $0x88, s3;
	s6 =	simm.s32 @!p1 $0x1082;
	[sflag:s4] =	ssyncset.s32 $0xFFFFF086  }
0x25: {  	[simem:s6], [sflag:s4] =	dma.local [hbm:s3], $0xF7A  }
0x26: {  	[smem:$0x3F9D] =	sst s1;
	(tag) =	ssettag s2;
	_ =	strace s9  }
0x27: {  	s1 =	sld [smem:$0x3FAD]  }
0x28: {  	s2 =	sld [smem:$0x3FAE]  }
0x29: {  	s4 =	sld [smem:$0x3FB0]  }
0x2a: {  	p0 =	seq.s32 s5, $0x0;
	s5 =	sld [smem:$0x3FB1]  }
0x2b: {  	s6 =	sld [smem:$0x3FB2]  }
0x2c: {  	s7 =	sld [smem:$0x3FB3]  }
0x2d: {  	s3 =	simm.s32 $0x108;
	s8 =	sld [smem:$0x3FB4]  }
0x2e: {  	s3 =	simm.s32 @!p0 $0x1082;
	s9 =	sld [smem:$0x3FB5]  }
0x2f: {  	lr =	sadd.s32 s0, s3;
	s0 =	sld [smem:$0x3FAC]  }
0x30: {  	s3 =	sld [smem:$0x3FAF]  }
0x31: {  	[smem:$0x3FB8] =	sst s10  }
0x32: {  	s10 =	sld [smem:$0x3FB6];
	_ =	sdelay $0x3  }
0x33: {  	p0 =	seq.s32 s10, $0x1;
	s10 =	sld [smem:$0x3FB8];
	_ =	sdelay $0x3  }
0x34: {  	[smem:$0x3FB8] =	sst s10  }
0x35: {  	s10 =	sld [smem:$0x3FB7];
	_ =	sdelay $0x3  }
0x36: {  	p1 =	seq.s32 s10, $0x1;
	s10 =	sld [smem:$0x3FB8];
	_ =	sdelay $0x3  }
0x37: {  	[smem:$0x3FB8] =	sst s10  }
0x38: {  	s10 =	sld [smem:$0x3FB9]  }
0x39: {  	_ = 	snop;
	(pc) =	sbr.ind lr, $3  }
0x3a: {  	_ = 	snop  }
0x3b: {  	_ = 	snop  }
0x3c: {  	p2 =	seq.s32 s10, $0x1;
	s10 =	sld [smem:$0x3FB8]  }
0x3d: {  	_ =	shalt  }
0x3e: {  	_ =	shalt  }
0x3f: {  	_ =	shalt  }
0x40: {  	_ =	shalt  }
0x41: {  	_ =	shalt  }
0x42: {  	_ =	shalt  }
0x43: {  	_ =	shalt  }
0x44: {  	_ =	shalt  }
0x45: {  	_ =	shalt  }
0x46: {  	_ =	shalt  }
0x47: {  	_ =	shalt  }
0x48: {  	_ =	shalt  }
0x49: {  	_ =	shalt  }
0x4a: {  	_ =	shalt  }
0x4b: {  	_ =	shalt  }
0x4c: {  	_ =	shalt  }
0x4d: {  	_ =	shalt  }
0x4e: {  	_ =	shalt  }
0x4f: {  	_ =	shalt  }
0x50: {  	_ =	shalt  }
0x51: {  	_ =	shalt  }
0x52: {  	_ =	shalt  }
0x53: {  	_ =	shalt  }
0x54: {  	_ =	shalt  }
0x55: {  	_ =	shalt  }
0x56: {  	_ =	shalt  }
0x57: {  	_ =	shalt  }
0x58: {  	_ =	shalt  }
0x59: {  	_ =	shalt  }
0x5a: {  	_ =	shalt  }
0x5b: {  	_ =	shalt  }
0x5c: {  	_ =	shalt  }
0x5d: {  	_ =	shalt  }
0x5e: {  	_ =	shalt  }
0x5f: {  	_ =	shalt  }
0x60: {  	_ =	shalt  }
0x61: {  	_ =	shalt  }
0x62: {  	_ =	shalt  }
0x63: {  	_ =	shalt  }
0x64: {  	_ =	shalt  }
0x65: {  	_ =	shalt  }
0x66: {  	_ =	shalt  }
0x67: {  	_ =	shalt  }
0x68: {  	_ =	shalt  }
0x69: {  	_ =	shalt  }
0x6a: {  	_ =	shalt  }
0x6b: {  	_ =	shalt  }
0x6c: {  	_ =	shalt  }
0x6d: {  	_ =	shalt  }
0x6e: {  	_ =	shalt  }
0x6f: {  	_ =	shalt  }
0x70: {  	_ =	shalt  }
0x71: {  	_ =	shalt  }
0x72: {  	_ =	shalt  }
0x73: {  	_ =	shalt  }
0x74: {  	_ =	shalt  }
0x75: {  	_ =	shalt  }
0x76: {  	_ =	shalt  }
0x77: {  	_ =	shalt  }
0x78: {  	_ =	shalt  }
0x79: {  	_ =	shalt  }
0x7a: {  	_ =	shalt  }
0x7b: {  	_ =	shalt  }
0x7c: {  	_ =	shalt  }
0x7d: {  	_ =	shalt  }
0x7e: {  	_ =	shalt  }
0x7f: {  	_ =	shalt  }
0x80: {  	_ =	shalt  }
0x81: {  	_ =	shalt  }
0x82: {  	_ =	shalt  }
0x83: {  	_ =	shalt  }
0x84: {  	_ =	shalt  }
0x85: {  	_ =	shalt  }
0x86: {  	_ =	shalt  }
0x87: {  	_ =	shalt  }
.Lfunc_end0:
.L_simem_size_0:
called_computation_lowered:
.L_overlay_start_0:
0x88: {  	s2 =	sld [smem:$0x3FD9]  }
0x89: {  	s3 =	sld [smem:$0x3FFE];
	_ =	sdelay $0x1  }
0x8a: {  	s1 =	srdreg.scid  }
0x8b: {  	s0 =	sand.u32 $0x1, s1  }
0x8c: {  	s17 =	sshll.u32 s0, $0xA;
	s2 =	sadd.s32 s3, s2  }
0x8d: {  	s2 =	sadd.s32 s2, s17  }
0x8e: {  	[smem:$0x3FC4] =	sst s2  }
0x8f: {  	_ = 	snop  }
0x90: {  	s2 =	sld [smem:$0x3FC8]  }
0x91: {  	s18 =	sld [smem:$0x3FD0];
	(tm) =	ssettm $0x1  }
0x92: {  	s4 =	sld [smem:$0x3FFB];
	_ =	sdelay $0x3  }
0x93: {  	_ =	strace s4  }
0x94: {  	s4 =	sld [smem:$0x3FFC];
	_ =	sdelay $0x3  }
0x95: {  	_ =	strace s4  }
0x96: {  	s4 =	sld [smem:$0x3FFD];
	_ =	sdelay $0x3  }
0x97: {  	_ =	strace s4  }
0x98: {  	_ =	strace $0x8FFFFFFF  }
0x99: {  	s19 =	sld [smem:$0x3FDB];
	_ =	sdelay $0x1  }
0x9a: {  	s5 =	simm.s32 $_scs_section_size  }
0x9b: {  	s6 =	simm.s32 $_size__tile_overlayer_lowered;
	s7 =	simm.s32 $_tile_overlayer_lowered  }
0x9c: {  	s22 =	simm.s32 $0x1BFF;
	s21 =	sshll.u32 s7, $0x1;
	s4 =	sadd.s32 s5, s19  }
0x9d: {  	s8 =	simm.s32 $0x0;
	s20 =	sshll.u32 s6, $0x1;
	s6 =	sadd.s32 s21, s4  }
0x9e: {  	[timem:s8], [sflag:s22] =	dma.local [hbm:s6], s20  }
0x9f: {  	_ =	swait.ge [sflag:s22], s20  }
0xa0: {  	s5 =	ssub.s32 $0x0, s20;
	[sflag:s22] =	ssyncset.done $0x0  }
0xa1: {  	[sflag:s22] =	ssyncadd.s32 s5;
	_ =	sdelay $0x1  }
0xa2: {  	s23 =	simm.s32 $0x1B8B  }
0xa3: {  	_ =	swait.ge [sflag:s23], $0x1  }
0xa4: {  	[sflag:s23] =	ssyncset.done $0x0  }
0xa5: {  	s25 =	simm.s32 $0x1B8E;
	s24 =	sld [smem:$0x3FFE];
	[sflag:s23] =	ssyncadd.s32 $0xFFFFFFFF  }
0xa6: {  	s26 =	simm.s32 $execute0_lowered;
	[smem:$0x3FD2] =	sst s25  }
0xa7: {  	s6 =	sshll.u32 s26, $0x1;
	_ =	strace $0x80000046;
	[dreg:$0x1] =	wrdreg $0xFFFFFFFF  }
0xa8: {  	s28 =	simm.s32 $_size_execute0_lowered;
	s4 =	sadd.s32 s4, s6;
	[dreg:$0x0] =	wrdreg $0x0  }
0xa9: {  	s6 =	sshll.u32 s28, $0x1;
	[dreg:$0x2] =	wrdreg s4  }
0xaa: {  	[dreg:$0x3] =	wrdreg s6  }
0xab: {  	[dreg:$0x4] =	wrdreg $0xC0  }
0xac: {  	_ =	task [dreg:s8], $0x5FFFF  }
0xad: {  	[dreg:$0x1] =	wrdreg $0xFFFFFFFF  }
0xae: {  	[dreg:$0x0] =	wrdreg $0x60  }
0xaf: {  	[dreg:$0x2] =	wrdreg s2  }
0xb0: {  	[dreg:$0x3] =	wrdreg s24  }
0xb1: {  	[dreg:$0x4] =	wrdreg s18  }
0xb2: {  	[dreg:$0x5] =	wrdreg $0x9  }
0xb3: {  	_ =	task.clear_ibuf [dreg:s8], $0x6FFFF;
	_ =	strace $0x90000046  }
0xb4: {  	s29 =	simm.s32 $0x9;
	_ =	strace $0x80000048  }
0xb5: {  	_ =	swait.ge [sflag:s29], $0x1  }
0xb6: {  	[sflag:s29] =	ssyncadd.s32 $0xFFFFFFFF  }
0xb7: {  	_ =	strace $0x90000048  }
0xb8: {  	_ =	sfence  }
0xb9: {  	s30 =	sld [smem:$0x0];
	_ =	sdelay $0x2  }
0xba: {  	s31 =	sshll.u32 s1, $0xD;
	s1 =	sshrl.u32 s1, $0x2  }
0xbb: {  	s3 =	sand.u32 $0x4000, s31;
	s1 =	sadd.s32 s1, s30  }
0xbc: {  	s0 =	sor.u32 s3, s0;
	s1 =	sshll.u32 s1, $0x11  }
0xbd: {  	s0 =	sor.u32 s1, s0  }
0xbe: {  	s0 =	sadd.s32 $0x8F2B, s0  }
0xbf: {  	[sflag:s0] =	ssyncadd.remote.s32 $0x1  }
0xc0: {  	_ =	sfence.sel $0xFFFF  }
0xc1: {  	[dreg:$0x0] =	wrdreg $0xFFFFFFFF;
	(pc) =	sbr.abs _section_cstart, $3  }
0xc2: {  	[dreg:$0x1] =	wrdreg $0xFFFFFFFF  }
0xc3: {  	_ =	task.clear_ibuf [dreg:s8], $0x2FFFF;
	_ =	strace $0x9FFFFFFF  }
0xc4: {  	(tm) =	ssettm $0x7FFFFFFF  }
0xc5: {  	_ =	shalt  }
tec
execute0_lowered:
.L_overlay_start_1:
0x0: {  	(tag) =	ssettag $0x1  }
0x1: {  	s2 =	rddreg [dreg:$0x0];
	s6 =	stileid.u32  }
0x2: {  	s0 =	rddreg [dreg:$0x1];
	s7 =	sshrl.u32 s6, $0x2  }
0x3: {  	s3 =	rddreg [dreg:$0x2];
	s9 =	sshll.u32 s7, $0xC  }
0x4: {  	s1 =	srdreg.scid;
	s4 =	simm.s32 $0x0;
	s0 =	sadd.s32 s9, s0  }
0x5: {  	s30 =	simm.s32 $0x80;
	[smem:$0x7FF] =	sst s4;
	s11 =	sadd.s32 $0xC00, s0  }
0x6: {  	_ =	strace $0x80000047;
	s12 =	sadd.s32 $0xC10, s0;
	[dreg:$0x5] =	wrdreg s11  }
0x7: {  	s31 =	simm.s32 $0x100;
	s13 =	sadd.s32 $0xE00, s0;
	[dreg:$0x6] =	wrdreg s12  }
0x8: {  	s5 =	sshll.u32 s6, $0x1;
	s14 =	sadd.s32 $0xE10, s0;
	[dreg:$0x7] =	wrdreg s13  }
0x9: {  	s1 =	sand.u32 $0x1, s1;
	s15 =	sadd.s32 $0x1000, s0;
	[dreg:$0x8] =	wrdreg s14  }
0xa: {  	s28 =	sadd.s32 $0x2000, s3;
	s16 =	sadd.s32 $0x1010, s0;
	[dreg:$0x9] =	wrdreg s15  }
0xb: {  	s29 =	sadd.s32 $0x3000, s3;
	s17 =	sadd.s32 $0x1200, s0;
	[dreg:$0xa] =	wrdreg s16  }
0xc: {  	s5 =	sand.u32 $0x6, s5;
	s18 =	sadd.s32 $0x1210, s0;
	[dreg:$0xb] =	wrdreg s17  }
0xd: {  	s26 =	sor.u32 s1, s5;
	s19 =	sadd.s32 $0x1400, s0;
	[dreg:$0xc] =	wrdreg s18  }
0xe: {  	s5 =	sshll.u32 s7, $0x17;
	s20 =	sadd.s32 $0x1410, s0;
	[dreg:$0xd] =	wrdreg s19  }
0xf: {  	s1 =	ssub.s32 $0x2, s1;
	s21 =	sadd.s32 $0x1600, s0;
	[dreg:$0xe] =	wrdreg s20  }
0x10: {  	s9 =	simm.s32 $0x400;
	s22 =	sadd.s32 $0x1610, s0;
	[dreg:$0xf] =	wrdreg s21  }
0x11: {  	s8 =	sshll.u32 s26, $0x14;
	s23 =	sadd.s32 $0x1800, s0;
	[dreg:$0x10] =	wrdreg s22  }
0x12: {  	s10 =	sshrl.u32 s1, $0x1;
	s24 =	sadd.s32 $0x1810, s0;
	[dreg:$0x11] =	wrdreg s23  }
0x13: {  	s6 =	sshll.u32 s26, $0x4;
	s25 =	sadd.s32 $0x1A00, s0;
	[dreg:$0x12] =	wrdreg s24  }
0x14: {  	s0 =	sadd.s32 $0x1A10, s0;
	s8 =	sor.u32 s5, s8;
	[dreg:$0x13] =	wrdreg s25  }
0x15: {  	s1 =	ssub.s32 s1, s10;
	[dreg:$0x14] =	wrdreg s0;
	s24 =	sshll.u32 s7, $0x12  }
0x16: {  	s0 =	simm.s32 $0x1C800;
	s7 =	simm.s32 $0x1D000;
	s10 =	simm.s32 $0x1D800  }
0x17: {  	s11 =	simm.s32 $0x1E800;
	s12 =	simm.s32 $0x1;
	s13 =	simm.s32 $0x2  }
0x18: {  	s14 =	simm.s32 $0x0;
	s8 =	sshrl.u32 s8, $0x3;
	s26 =	smax.u32 s1, $0x1  }
0x19: {  	s1 =	simm.s32 $0x4;
	s8 =	sadd.s32 s2, s8;
	[dreg:$0x15] =	wrdreg s26  }
0x1a: {  	v0 =	vimm.f32 $0.0e+00;
	s26 =	sadd.s32 $0x1000, s3;
	[dreg:$0x4] =	wrdreg s8;
	s8 =	simm.s32 $0x3  }
.LBB2_1:
0x1b: {  	[tilespmem:$0x10000] =	vst v0  }
0x1c: {  	[tilespmem:$0x10010] =	vst v0  }
0x1d: {  	[tilespmem:$0x10020] =	vst v0  }
0x1e: {  	[tilespmem:$0x10030] =	vst v0  }
0x1f: {  	[tilespmem:$0x10040] =	vst v0  }
0x20: {  	[tilespmem:$0x10050] =	vst v0  }
0x21: {  	[tilespmem:$0x10060] =	vst v0  }
0x22: {  	[tilespmem:$0x10070] =	vst v0  }
0x23: {  	[tilespmem:$0x10400] =	vst v0  }
0x24: {  	[tilespmem:$0x10410] =	vst v0  }
0x25: {  	[tilespmem:$0x10420] =	vst v0  }
0x26: {  	[tilespmem:$0x10430] =	vst v0  }
0x27: {  	[tilespmem:$0x10440] =	vst v0  }
0x28: {  	[tilespmem:$0x10450] =	vst v0  }
0x29: {  	[tilespmem:$0x10460] =	vst v0  }
0x2a: {  	[tilespmem:$0x10470] =	vst v0  }
0x2b: {  	[tilespmem:$0x10080] =	vst v0  }
0x2c: {  	[tilespmem:$0x10090] =	vst v0  }
0x2d: {  	[tilespmem:$0x100A0] =	vst v0  }
0x2e: {  	[tilespmem:$0x100B0] =	vst v0  }
0x2f: {  	[tilespmem:$0x100C0] =	vst v0  }
0x30: {  	[tilespmem:$0x100D0] =	vst v0  }
0x31: {  	[tilespmem:$0x100E0] =	vst v0  }
0x32: {  	[tilespmem:$0x100F0] =	vst v0  }
0x33: {  	[tilespmem:$0x10480] =	vst v0  }
0x34: {  	[tilespmem:$0x10490] =	vst v0  }
0x35: {  	[tilespmem:$0x104A0] =	vst v0  }
0x36: {  	[tilespmem:$0x104B0] =	vst v0  }
0x37: {  	[tilespmem:$0x104C0] =	vst v0  }
0x38: {  	[tilespmem:$0x104D0] =	vst v0  }
0x39: {  	[tilespmem:$0x104E0] =	vst v0  }
0x3a: {  	[tilespmem:$0x104F0] =	vst v0;
	s15 =	rddreg [dreg:$0x4]  }
0x3b: {  	[tilespmem:s4], [sflag:$0x3] =	stream.linear.gather [hbm4b:s15+s4], $0x10000, $0x38;
	[tilespmem:$0x1F800] =	vst v63  }
0x3c: {  	s22 =	rddreg [dreg:$0x5]  }
0x3d: {  	[tilespmem:s0], [sflag:$0x4] =	stream.strided.gather [hbm4b:s22+s30], $0x800, s31, s30, $0x38;
	[tilespmem:$0x1F800] =	vst v63  }
0x3e: {  	_ =	swait.ge [sflag:s1], $0x800  }
0x3f: {  	[sflag:s1] =	ssyncset.done $0x0  }
0x40: {  	s23 =	rddreg [dreg:$0x6];
	[sflag:s1] =	ssyncadd.s32 $0xFFFFF800  }
0x41: {  	[tilespmem:s7], [sflag:$0x4] =	stream.strided.gather [hbm4b:s23+s30], $0x800, s31, s30, $0x38;
	[tilespmem:$0x1F800] =	vst v63  }
0x42: {  	_ =	swait.ge [sflag:s1], $0x800  }
0x43: {  	[sflag:s1] =	ssyncset.done $0x0  }
0x44: {  	s25 =	simm.s32 $0x1C820;
	[sflag:s1] =	ssyncadd.s32 $0xFFFFF800  }
0x45: {  	s16 =	simm.s32 $0x1D020;
	v1 =	vld [tilespmem:s25+$0xFFFFFFE0]  }
0x46: {  	v10 =	vld [tilespmem:s16+$0x0]  }
0x47: {  	v11 =	vld [tilespmem:s16+$0xFFFFFFF0]  }
0x48: {  	v3 =	vld [tilespmem:s25+$0x0]  }
0x49: {  	v6 =	vld [tilespmem:s16+$0xFFFFFFE0]  }
0x4a: {  	v4 =	vld [tilespmem:s16+$0x10]  }
0x4b: {  	v9 =	vld [tilespmem:s25+$0x10]  }
0x4c: {  	v8 =	vld [tilespmem:s25+$0xFFFFFFF0]  }
0x4d: {  	vm2 =	vlt.f32 v1, $2.560000000e+02;
	v2 =	vmax.f32 v1, $1.000000000e+00  }
0x4e: {  	vm5 =	vge.f32 v1, $0.0e+00;
	v1 =	vmax.f32 v10, $1.000000000e+00;
	v12 =	vmax.f32 v11, $1.000000000e+00  }
0x4f: {  	vm3 =	vge.f32 v3, $0.0e+00;
	v13 =	vmax.f32 v3, $1.000000000e+00;
	vm0 =	vlt.f32 v6, $2.560000000e+02  }
0x50: {  	vm1 =	vlt.f32 v3, $2.560000000e+02;
	vm4 =	vge.f32 v4, $0.0e+00;
	v3 =	vmax.f32 v4, $1.000000000e+00  }
0x51: {  	v15 =	vmax.f32 v9, $1.000000000e+00;
	v17 =	vmax.f32 v8, $1.000000000e+00;
	v19 =	vmax.f32 v6, $1.000000000e+00  }
0x52: {  	vm6 =	vlt.f32 v4, $2.560000000e+02;
	vm7 =	vlt.f32 v8, $2.560000000e+02;
	vm8 =	vge.f32 v10, $0.0e+00  }
0x53: {  	vm9 =	vge.f32 v6, $0.0e+00;
	vm14 =	vge.f32 v11, $0.0e+00;
	vm15 =	vlt.f32 v11, $2.560000000e+02  }
0x54: {  	v5 =	vmin.f32 v2, $2.540000000e+02;
	v2 =	vmin.f32 v1, $2.540000000e+02;
	v12 =	vmin.f32 v12, $2.540000000e+02  }
0x55: {  	v16 =	vmin.f32 v3, $2.540000000e+02;
	v13 =	vmin.f32 v13, $2.540000000e+02;
	v4 =	vmin.f32 v19, $2.540000000e+02  }
0x56: {  	v15 =	vmin.f32 v15, $2.540000000e+02;
	vm3 =	vmand vm3, vm8;
	vm5 =	vmand vm5, vm9  }
0x57: {  	vm8 =	vlt.f32 v9, $2.560000000e+02;
	v7 =	vtrunc.f32 v5;
	v6 =	vtrunc.f32 v13  }
0x58: {  	v17 =	vmin.f32 v17, $2.540000000e+02;
	v19 =	vtrunc.f32 v4;
	v20 =	vtrunc.f32 v15  }
0x59: {  	vm2 =	vmand vm2, vm5;
	v21 =	vtrunc.f32 v17;
	v1 =	vcvt.f32.s32 v7  }
0x5a: {  	vm5 =	vge.f32 v8, $0.0e+00;
	v7 =	vtrunc.f32 v12;
	v8 =	vcvt.f32.s32 v6  }
0x5b: {  	vm5 =	vmand vm5, vm14;
	v11 =	vcvt.f32.s32 v21;
	v18 =	vcvt.f32.s32 v7  }
0x5c: {  	v7 =	vtrunc.f32 v16;
	vm7 =	vmand vm7, vm5;
	vm5 =	vge.f32 v9, $0.0e+00  }
0x5d: {  	v9 =	vcvt.f32.s32 v20;
	v14 =	vcvt.s32.f32 v1;
	vm4 =	vmand vm5, vm4  }
0x5e: {  	vm5 =	vlt.f32 v10, $2.560000000e+02;
	v10 =	vcvt.s32.f32 v8;
	vm4 =	vmand vm8, vm4  }
0x5f: {  	v3 =	vsub.f32 v5, v14;
	v5 =	vcvt.f32.s32 v7;
	v14 =	vcvt.s32.f32 v18  }
0x60: {  	vm6 =	vmand vm6, vm4;
	vm4 =	vmand vm15, vm7;
	v13 =	vsub.f32 v13, v10  }
0x61: {  	v7 =	vcvt.s32.f32 v5;
	v6 =	vsub.f32 v12, v14;
	v14 =	vcvt.f32.s32 v19  }
0x62: {  	v12 =	vshll.u32 v18, $0x8;
	v18 =	vcvt.s32.f32 v9;
	v19 =	vcvt.s32.f32 v11  }
0x63: {  	v11 =	vadd.s32 v11, v12;
	v7 =	vsub.f32 v16, v7;
	v16 =	vtrunc.f32 v2  }
0x64: {  	s18 =	simm.s32 $0x18820;
	s19 =	simm.s32 $0x14820;
	s20 =	simm.s32 $0x0;
	v5 =	vshll.u32 v5, $0x8;
	v62 =	vnsel vm4, $0x10000, v11;
	v63 =	vcvt.f32.s32 v16  }
0x65: {  	s21 =	simm.s32 $0x10860;
	s17 =	simm.s32 $0x14820;
	s15 =	simm.s32 $0x10820;
	v11 =	vcvt.s32.f32 v14;
	v12 =	vsub.f32 v17, v19;
	v16 =	vsub.f32 v15, v18  }
0x66: {  	s22 =	simm.s32 $0x1D060;
	s23 =	simm.s32 $0x1C860;
	s16 =	simm.s32 $0x18820;
	v10 =	vshll.u32 v14, $0x8;
	[tilespmem:s15+$0xFFFFFFF0] =	vst v62;
	v14 =	vcvt.s32.f32 v63;
	v15 =	vshll.u32 v63, $0x8  }
.LBB2_2:
0x67: {  	v17 =	vld [tilespmem:s23+$0xFFFFFFE0];
	s20 =	sadd.s32 $0x4, s20;
	vm1 =	vmand vm1, vm3;
	v16 =	vnsel vm6, $0x0, v16;
	v7 =	vnsel vm6, $0x0, v7;
	s18 =	sadd.s32 $0x40, s18;
	s19 =	sadd.s32 $0x40, s19  }
0x68: {  	v5 =	vadd.s32 v9, v5;
	v18 =	vld [tilespmem:s22+$0x10];
	p0 =	slt.u32 s20, $0x7C;
	vm1 =	vmand vm5, vm1;
	v2 =	vsub.f32 v2, v14  }
0x69: {  	v4 =	vsub.f32 v4, v11;
	v5 =	vnsel vm6, $0x10000, v5;
	v14 =	vld [tilespmem:s22+$0x0];
	v9 =	vnsel vm1, $0x0, v13  }
0x6a: {  	v12 =	vnsel vm4, $0x0, v12;
	v8 =	vadd.s32 v8, v15;
	v11 =	vld [tilespmem:s22+$0xFFFFFFF0];
	v13 =	vnsel vm1, $0x0, v2;
	[tilespmem:s15+$0x10] =	vst v5  }
0x6b: {  	vm0 =	vmand vm0, vm2;
	v6 =	vnsel vm4, $0x0, v6;
	v2 =	vnsel vm1, $0x10000, v8;
	v5 =	vld [tilespmem:s23+$0x0];
	[tilespmem:s17+$0x10] =	vst v16  }
0x6c: {  	v3 =	vnsel vm0, $0x0, v3;
	v8 =	vld [tilespmem:s22+$0xFFFFFFE0];
	vm2 =	vlt.f32 v17, $2.560000000e+02;
	v15 =	vmax.f32 v17, $1.000000000e+00;
	[tilespmem:s15+$0x0] =	vst v2  }
0x6d: {  	v1 =	vadd.s32 v1, v10;
	vm4 =	vge.f32 v17, $0.0e+00;
	v15 =	vmin.f32 v15, $2.540000000e+02;
	v16 =	vld [tilespmem:s23+$0x10];
	[tilespmem:s16+$0x10] =	vst v7  }
0x6e: {  	v4 =	vnsel vm0, $0x0, v4;
	v7 =	vtrunc.f32 v15;
	v2 =	vmax.f32 v14, $1.000000000e+00;
	[tilespmem:s17+$0xFFFFFFF0] =	vst v12  }
0x6f: {  	v1 =	vnsel vm0, $0x10000, v1;
	v10 =	vld [tilespmem:s23+$0xFFFFFFF0];
	v12 =	vmax.f32 v11, $1.000000000e+00;
	v2 =	vmin.f32 v2, $2.540000000e+02;
	[tilespmem:s17+$0x0] =	vst v9  }
0x70: {  	v9 =	vmin.f32 v12, $2.540000000e+02;
	vm3 =	vge.f32 v5, $0.0e+00;
	v12 =	vmax.f32 v5, $1.000000000e+00;
	[tilespmem:s15+$0xFFFFFFE0] =	vst v1;
	s15 =	smov.u32 s21  }
0x71: {  	v1 =	vcvt.f32.s32 v7;
	vm0 =	vlt.f32 v8, $2.560000000e+02;
	v7 =	vtrunc.f32 v9;
	[tilespmem:s17+$0xFFFFFFE0] =	vst v3;
	s17 =	smov.u32 s19  }
0x72: {  	vm5 =	vge.f32 v18, $0.0e+00;
	vm1 =	vlt.f32 v5, $2.560000000e+02;
	v3 =	vmax.f32 v18, $1.000000000e+00;
	[tilespmem:s16+$0x0] =	vst v13  }
0x73: {  	v5 =	vcvt.s32.f32 v1;
	v13 =	vmax.f32 v16, $1.000000000e+00;
	v17 =	vmin.f32 v3, $2.540000000e+02;
	[tilespmem:s16+$0xFFFFFFE0] =	vst v4  }
0x74: {  	v20 =	vcvt.f32.s32 v7;
	v4 =	vtrunc.f32 v17;
	v19 =	vmax.f32 v10, $1.000000000e+00;
	[tilespmem:s16+$0xFFFFFFF0] =	vst v6;
	s16 =	smov.u32 s18  }
0x75: {  	v6 =	vmax.f32 v8, $1.000000000e+00;
	v3 =	vsub.f32 v15, v5;
	v4 =	vcvt.f32.s32 v4  }
0x76: {  	vm6 =	vlt.f32 v18, $2.560000000e+02;
	v21 =	vmin.f32 v12, $2.540000000e+02;
	v15 =	vcvt.s32.f32 v20  }
0x77: {  	vm7 =	vlt.f32 v10, $2.560000000e+02;
	v7 =	vcvt.s32.f32 v4;
	v5 =	vshll.u32 v4, $0x8  }
0x78: {  	vm8 =	vge.f32 v14, $0.0e+00;
	v12 =	vmin.f32 v13, $2.540000000e+02;
	v4 =	vmin.f32 v6, $2.540000000e+02  }
0x79: {  	vm9 =	vge.f32 v8, $0.0e+00;
	vm3 =	vmand vm3, vm8;
	v7 =	vsub.f32 v17, v7  }
0x7a: {  	vm4 =	vmand vm4, vm9;
	vm8 =	vlt.f32 v16, $2.560000000e+02;
	v6 =	vtrunc.f32 v21  }
0x7b: {  	vm9 =	vge.f32 v11, $0.0e+00;
	vm2 =	vmand vm2, vm4;
	vm4 =	vge.f32 v10, $0.0e+00  }
0x7c: {  	v13 =	vtrunc.f32 v2;
	vm4 =	vmand vm4, vm9;
	v10 =	vmin.f32 v19, $2.540000000e+02  }
0x7d: {  	v18 =	vtrunc.f32 v12;
	vm4 =	vmand vm7, vm4;
	v17 =	vtrunc.f32 v4  }
0x7e: {  	v19 =	vtrunc.f32 v10;
	vm7 =	vge.f32 v16, $0.0e+00;
	v8 =	vcvt.f32.s32 v6  }
0x7f: {  	v6 =	vsub.f32 v9, v15;
	vm7 =	vmand vm7, vm5;
	v9 =	vcvt.f32.s32 v18  }
0x80: {  	vm5 =	vlt.f32 v14, $2.560000000e+02;
	v15 =	vcvt.f32.s32 v17;
	v14 =	vcvt.s32.f32 v8  }
0x81: {  	vm9 =	vlt.f32 v11, $2.560000000e+02;
	v11 =	vcvt.f32.s32 v19;
	vm7 =	vmand vm8, vm7  }
.Ltmp0:
0x82: {  	v16 =	vshll.u32 v20, $0x8;
	vm6 =	vmand vm6, vm7;
	v17 =	vcvt.s32.f32 v9;
	(pc) =	sbr.rel @p0 .LBB2_2-.Ltmp0, $4  }
0x83: {  	vm4 =	vmand vm9, vm4;
	v18 =	vcvt.s32.f32 v11;
	v11 =	vadd.s32 v11, v16  }
0x84: {  	v20 =	vcvt.f32.s32 v13;
	v19 =	vnsel vm4, $0x10000, v11;
	v16 =	vsub.f32 v12, v17  }
0x85: {  	v11 =	vcvt.s32.f32 v15;
	v12 =	vsub.f32 v10, v18;
	v13 =	vsub.f32 v21, v14  }
0x86: {  	s22 =	sadd.s32 $0x40, s22;
	s23 =	sadd.s32 $0x40, s23;
	s21 =	sadd.s32 $0x40, s21;
	v10 =	vshll.u32 v15, $0x8;
	v14 =	vcvt.s32.f32 v20;
	v15 =	vshll.u32 v20, $0x8;
	[tilespmem:s15+$0xFFFFFFF0] =	vst v19  }
0x87: {  	v5 =	vadd.s32 v9, v5  }
0x88: {  	vm0 =	vmand vm0, vm2;
	v1 =	vadd.s32 v1, v10;
	v5 =	vnsel vm6, $0x10000, v5  }
0x89: {  	vm1 =	vmand vm1, vm3;
	v1 =	vnsel vm0, $0x10000, v1;
	[tilespmem:s15+$0x10] =	vst v5  }
0x8a: {  	v9 =	vnsel vm6, $0x0, v16;
	v8 =	vadd.s32 v8, v15;
	vm1 =	vmand vm5, vm1;
	[tilespmem:s15+$0xFFFFFFE0] =	vst v1  }
0x8b: {  	v5 =	vnsel vm1, $0x10000, v8;
	[tilespmem:s17+$0x10] =	vst v9  }
0x8c: {  	v3 =	vnsel vm0, $0x0, v3;
	[tilespmem:s15+$0x0] =	vst v5  }
0x8d: {  	v7 =	vnsel vm6, $0x0, v7;
	v4 =	vsub.f32 v4, v11;
	v2 =	vsub.f32 v2, v14;
	[tilespmem:s17+$0xFFFFFFE0] =	vst v3  }
0x8e: {  	v5 =	vnsel vm4, $0x0, v12;
	[tilespmem:s16+$0x10] =	vst v7  }
0x8f: {  	v1 =	vnsel vm1, $0x0, v2;
	v2 =	vnsel vm0, $0x0, v4;
	[tilespmem:s17+$0xFFFFFFF0] =	vst v5  }
0x90: {  	v7 =	vnsel vm1, $0x0, v13;
	[tilespmem:s16+$0xFFFFFFE0] =	vst v2  }
0x91: {  	[tilespmem:s17+$0x0] =	vst v7  }
0x92: {  	[tilespmem:s16+$0x0] =	vst v1;
	v1 =	vnsel vm4, $0x0, v6  }
0x93: {  	[tilespmem:s16+$0xFFFFFFF0] =	vst v1  }
0x94: {  	s15 =	rddreg [dreg:$0x7]  }
0x95: {  	[tilespmem:s0], [sflag:$0x4] =	stream.strided.gather [hbm4b:s15+s30], $0x800, s31, s30, $0x38;
	[tilespmem:$0x1F800] =	vst v63  }
0x96: {  	_ =	swait.ge [sflag:s1], $0x800  }
0x97: {  	[sflag:s1] =	ssyncset.done $0x0  }
0x98: {  	s22 =	rddreg [dreg:$0x8];
	[sflag:s1] =	ssyncadd.s32 $0xFFFFF800  }
0x99: {  	[tilespmem:s7], [sflag:$0x4] =	stream.strided.gather [hbm4b:s22+s30], $0x800, s31, s30, $0x38;
	[tilespmem:$0x1F800] =	vst v63  }
0x9a: {  	_ =	swait.ge [sflag:s1], $0x800  }
0x9b: {  	[sflag:s1] =	ssyncset.done $0x0  }
0x9c: {  	s23 =	simm.s32 $0x1C820;
	[sflag:s1] =	ssyncadd.s32 $0xFFFFF800  }
0x9d: {  	s25 =	simm.s32 $0x1D020;
	v1 =	vld [tilespmem:s23+$0xFFFFFFE0]  }
0x9e: {  	v10 =	vld [tilespmem:s25+$0x0]  }
0x9f: {  	v11 =	vld [tilespmem:s25+$0xFFFFFFF0]  }
0xa0: {  	v3 =	vld [tilespmem:s23+$0x0]  }
0xa1: {  	v6 =	vld [tilespmem:s25+$0xFFFFFFE0]  }
0xa2: {  	v4 =	vld [tilespmem:s25+$0x10]  }
0xa3: {  	v9 =	vld [tilespmem:s23+$0x10]  }
0xa4: {  	v8 =	vld [tilespmem:s23+$0xFFFFFFF0]  }
0xa5: {  	vm2 =	vlt.f32 v1, $2.560000000e+02;
	v2 =	vmax.f32 v1, $1.000000000e+00  }
0xa6: {  	vm5 =	vge.f32 v1, $0.0e+00;
	v1 =	vmax.f32 v10, $1.000000000e+00;
	v12 =	vmax.f32 v11, $1.000000000e+00  }
0xa7: {  	vm3 =	vge.f32 v3, $0.0e+00;
	v13 =	vmax.f32 v3, $1.000000000e+00;
	vm0 =	vlt.f32 v6, $2.560000000e+02  }
0xa8: {  	vm1 =	vlt.f32 v3, $2.560000000e+02;
	vm4 =	vge.f32 v4, $0.0e+00;
	v3 =	vmax.f32 v4, $1.000000000e+00  }
0xa9: {  	v15 =	vmax.f32 v9, $1.000000000e+00;
	v17 =	vmax.f32 v8, $1.000000000e+00;
	v19 =	vmax.f32 v6, $1.000000000e+00  }
0xaa: {  	vm6 =	vlt.f32 v4, $2.560000000e+02;
	vm7 =	vlt.f32 v8, $2.560000000e+02;
	vm8 =	vge.f32 v10, $0.0e+00  }
0xab: {  	vm9 =	vge.f32 v6, $0.0e+00;
	vm14 =	vge.f32 v11, $0.0e+00;
	vm15 =	vlt.f32 v11, $2.560000000e+02  }
0xac: {  	v5 =	vmin.f32 v2, $2.540000000e+02;
	v2 =	vmin.f32 v1, $2.540000000e+02;
	v12 =	vmin.f32 v12, $2.540000000e+02  }
0xad: {  	v16 =	vmin.f32 v3, $2.540000000e+02;
	v13 =	vmin.f32 v13, $2.540000000e+02;
	v4 =	vmin.f32 v19, $2.540000000e+02  }
0xae: {  	v15 =	vmin.f32 v15, $2.540000000e+02;
	vm3 =	vmand vm3, vm8;
	vm5 =	vmand vm5, vm9  }
0xaf: {  	vm8 =	vlt.f32 v9, $2.560000000e+02;
	v7 =	vtrunc.f32 v5;
	v6 =	vtrunc.f32 v13  }
0xb0: {  	v17 =	vmin.f32 v17, $2.540000000e+02;
	v19 =	vtrunc.f32 v4;
	v20 =	vtrunc.f32 v15  }
0xb1: {  	vm2 =	vmand vm2, vm5;
	v21 =	vtrunc.f32 v17;
	v1 =	vcvt.f32.s32 v7  }
0xb2: {  	vm5 =	vge.f32 v8, $0.0e+00;
	v7 =	vtrunc.f32 v12;
	v8 =	vcvt.f32.s32 v6  }
0xb3: {  	vm5 =	vmand vm5, vm14;
	v11 =	vcvt.f32.s32 v21;
	v18 =	vcvt.f32.s32 v7  }
0xb4: {  	v7 =	vtrunc.f32 v16;
	vm7 =	vmand vm7, vm5;
	vm5 =	vge.f32 v9, $0.0e+00  }
0xb5: {  	v9 =	vcvt.f32.s32 v20;
	v14 =	vcvt.s32.f32 v1;
	vm4 =	vmand vm5, vm4  }
0xb6: {  	vm5 =	vlt.f32 v10, $2.560000000e+02;
	v10 =	vcvt.s32.f32 v8;
	vm4 =	vmand vm8, vm4  }
0xb7: {  	v3 =	vsub.f32 v5, v14;
	v5 =	vcvt.f32.s32 v7;
	v14 =	vcvt.s32.f32 v18  }
0xb8: {  	vm6 =	vmand vm6, vm4;
	vm4 =	vmand vm15, vm7;
	v13 =	vsub.f32 v13, v10  }
0xb9: {  	v7 =	vcvt.s32.f32 v5;
	v6 =	vsub.f32 v12, v14;
	v14 =	vcvt.f32.s32 v19  }
0xba: {  	v12 =	vshll.u32 v18, $0x8;
	v18 =	vcvt.s32.f32 v9;
	v19 =	vcvt.s32.f32 v11  }
0xbb: {  	v11 =	vadd.s32 v11, v12;
	v7 =	vsub.f32 v16, v7;
	v16 =	vtrunc.f32 v2  }
0xbc: {  	s18 =	simm.s32 $0x19030;
	s19 =	simm.s32 $0x15030;
	s20 =	simm.s32 $0x0;
	v5 =	vshll.u32 v5, $0x8;
	v62 =	vnsel vm4, $0x10000, v11;
	v63 =	vcvt.f32.s32 v16  }
0xbd: {  	s21 =	simm.s32 $0x1C860;
	s17 =	simm.s32 $0x15030;
	s15 =	simm.s32 $0x11030;
	v11 =	vcvt.s32.f32 v14;
	v12 =	vsub.f32 v17, v19;
	v16 =	vsub.f32 v15, v18  }
0xbe: {  	s16 =	simm.s32 $0x19030;
	s22 =	simm.s32 $0x1D060;
	s23 =	simm.s32 $0x11070;
	v10 =	vshll.u32 v14, $0x8;
	[tilespmem:s15+$0xFFFFFFE0] =	vst v62;
	v14 =	vcvt.s32.f32 v63;
	v15 =	vshll.u32 v63, $0x8  }
.LBB2_4:
0xbf: {  	v17 =	vld [tilespmem:s21+$0xFFFFFFE0];
	s20 =	sadd.s32 $0x4, s20;
	vm1 =	vmand vm1, vm3;
	v16 =	vnsel vm6, $0x0, v16;
	v7 =	vnsel vm6, $0x0, v7;
	s18 =	sadd.s32 $0x40, s18;
	s19 =	sadd.s32 $0x40, s19  }
0xc0: {  	v5 =	vadd.s32 v9, v5;
	v18 =	vld [tilespmem:s22+$0x10];
	p0 =	slt.u32 s20, $0x7C;
	vm1 =	vmand vm5, vm1;
	v2 =	vsub.f32 v2, v14  }
0xc1: {  	v4 =	vsub.f32 v4, v11;
	v5 =	vnsel vm6, $0x10000, v5;
	v14 =	vld [tilespmem:s22+$0x0];
	v9 =	vnsel vm1, $0x0, v13  }
0xc2: {  	v12 =	vnsel vm4, $0x0, v12;
	v8 =	vadd.s32 v8, v15;
	v11 =	vld [tilespmem:s22+$0xFFFFFFF0];
	v13 =	vnsel vm1, $0x0, v2;
	[tilespmem:s15+$0x0] =	vst v5  }
0xc3: {  	vm0 =	vmand vm0, vm2;
	v6 =	vnsel vm4, $0x0, v6;
	v2 =	vnsel vm1, $0x10000, v8;
	v5 =	vld [tilespmem:s21+$0x0];
	[tilespmem:s17+$0x0] =	vst v16  }
0xc4: {  	v3 =	vnsel vm0, $0x0, v3;
	v8 =	vld [tilespmem:s22+$0xFFFFFFE0];
	vm2 =	vlt.f32 v17, $2.560000000e+02;
	v15 =	vmax.f32 v17, $1.000000000e+00;
	[tilespmem:s15+$0xFFFFFFF0] =	vst v2  }
0xc5: {  	v1 =	vadd.s32 v1, v10;
	vm4 =	vge.f32 v17, $0.0e+00;
	v15 =	vmin.f32 v15, $2.540000000e+02;
	v16 =	vld [tilespmem:s21+$0x10];
	[tilespmem:s16+$0x0] =	vst v7  }
0xc6: {  	v4 =	vnsel vm0, $0x0, v4;
	v7 =	vtrunc.f32 v15;
	v2 =	vmax.f32 v14, $1.000000000e+00;
	[tilespmem:s17+$0xFFFFFFE0] =	vst v12  }
0xc7: {  	v1 =	vnsel vm0, $0x10000, v1;
	v10 =	vld [tilespmem:s21+$0xFFFFFFF0];
	v12 =	vmax.f32 v11, $1.000000000e+00;
	v2 =	vmin.f32 v2, $2.540000000e+02;
	[tilespmem:s17+$0xFFFFFFF0] =	vst v9  }
0xc8: {  	v9 =	vmin.f32 v12, $2.540000000e+02;
	vm3 =	vge.f32 v5, $0.0e+00;
	v12 =	vmax.f32 v5, $1.000000000e+00;
	[tilespmem:s15+$0xFFFFFFD0] =	vst v1;
	s15 =	smov.u32 s23  }
0xc9: {  	v1 =	vcvt.f32.s32 v7;
	vm0 =	vlt.f32 v8, $2.560000000e+02;
	v7 =	vtrunc.f32 v9;
	[tilespmem:s17+$0xFFFFFFD0] =	vst v3;
	s17 =	smov.u32 s19  }
0xca: {  	vm5 =	vge.f32 v18, $0.0e+00;
	vm1 =	vlt.f32 v5, $2.560000000e+02;
	v3 =	vmax.f32 v18, $1.000000000e+00;
	[tilespmem:s16+$0xFFFFFFF0] =	vst v13  }
0xcb: {  	v5 =	vcvt.s32.f32 v1;
	v13 =	vmax.f32 v16, $1.000000000e+00;
	v17 =	vmin.f32 v3, $2.540000000e+02;
	[tilespmem:s16+$0xFFFFFFD0] =	vst v4  }
0xcc: {  	v20 =	vcvt.f32.s32 v7;
	v4 =	vtrunc.f32 v17;
	v19 =	vmax.f32 v10, $1.000000000e+00;
	[tilespmem:s16+$0xFFFFFFE0] =	vst v6;
	s16 =	smov.u32 s18  }
0xcd: {  	v6 =	vmax.f32 v8, $1.000000000e+00;
	v3 =	vsub.f32 v15, v5;
	v4 =	vcvt.f32.s32 v4  }
0xce: {  	vm6 =	vlt.f32 v18, $2.560000000e+02;
	v21 =	vmin.f32 v12, $2.540000000e+02;
	v15 =	vcvt.s32.f32 v20  }
0xcf: {  	vm7 =	vlt.f32 v10, $2.560000000e+02;
	v7 =	vcvt.s32.f32 v4;
	v5 =	vshll.u32 v4, $0x8  }
0xd0: {  	vm8 =	vge.f32 v14, $0.0e+00;
	v12 =	vmin.f32 v13, $2.540000000e+02;
	v4 =	vmin.f32 v6, $2.540000000e+02  }
0xd1: {  	vm9 =	vge.f32 v8, $0.0e+00;
	vm3 =	vmand vm3, vm8;
	v7 =	vsub.f32 v17, v7  }
0xd2: {  	vm4 =	vmand vm4, vm9;
	vm8 =	vlt.f32 v16, $2.560000000e+02;
	v6 =	vtrunc.f32 v21  }
0xd3: {  	vm9 =	vge.f32 v11, $0.0e+00;
	vm2 =	vmand vm2, vm4;
	vm4 =	vge.f32 v10, $0.0e+00  }
0xd4: {  	v13 =	vtrunc.f32 v2;
	vm4 =	vmand vm4, vm9;
	v10 =	vmin.f32 v19, $2.540000000e+02  }
0xd5: {  	v18 =	vtrunc.f32 v12;
	vm4 =	vmand vm7, vm4;
	v17 =	vtrunc.f32 v4  }
0xd6: {  	v19 =	vtrunc.f32 v10;
	vm7 =	vge.f32 v16, $0.0e+00;
	v8 =	vcvt.f32.s32 v6  }
0xd7: {  	v6 =	vsub.f32 v9, v15;
	vm7 =	vmand vm7, vm5;
	v9 =	vcvt.f32.s32 v18  }
0xd8: {  	vm5 =	vlt.f32 v14, $2.560000000e+02;
	v15 =	vcvt.f32.s32 v17;
	v14 =	vcvt.s32.f32 v8  }
0xd9: {  	vm9 =	vlt.f32 v11, $2.560000000e+02;
	v11 =	vcvt.f32.s32 v19;
	vm7 =	vmand vm8, vm7  }
.Ltmp1:
0xda: {  	v16 =	vshll.u32 v20, $0x8;
	vm6 =	vmand vm6, vm7;
	v17 =	vcvt.s32.f32 v9;
	(pc) =	sbr.rel @p0 .LBB2_4-.Ltmp1, $4  }
0xdb: {  	vm4 =	vmand vm9, vm4;
	v18 =	vcvt.s32.f32 v11;
	v11 =	vadd.s32 v11, v16  }
0xdc: {  	v20 =	vcvt.f32.s32 v13;
	v19 =	vnsel vm4, $0x10000, v11;
	v16 =	vsub.f32 v12, v17  }
0xdd: {  	v11 =	vcvt.s32.f32 v15;
	v12 =	vsub.f32 v10, v18;
	v13 =	vsub.f32 v21, v14  }
0xde: {  	s22 =	sadd.s32 $0x40, s22;
	s21 =	sadd.s32 $0x40, s21;
	s23 =	sadd.s32 $0x40, s23;
	v10 =	vshll.u32 v15, $0x8;
	v14 =	vcvt.s32.f32 v20;
	v15 =	vshll.u32 v20, $0x8;
	[tilespmem:s15+$0xFFFFFFE0] =	vst v19  }
0xdf: {  	v5 =	vadd.s32 v9, v5  }
0xe0: {  	vm0 =	vmand vm0, vm2;
	v1 =	vadd.s32 v1, v10;
	v5 =	vnsel vm6, $0x10000, v5  }
0xe1: {  	vm1 =	vmand vm1, vm3;
	v1 =	vnsel vm0, $0x10000, v1;
	[tilespmem:s15+$0x0] =	vst v5  }
0xe2: {  	v9 =	vnsel vm6, $0x0, v16;
	v8 =	vadd.s32 v8, v15;
	vm1 =	vmand vm5, vm1;
	[tilespmem:s15+$0xFFFFFFD0] =	vst v1  }
0xe3: {  	v5 =	vnsel vm1, $0x10000, v8;
	[tilespmem:s17+$0x0] =	vst v9  }
0xe4: {  	v3 =	vnsel vm0, $0x0, v3;
	[tilespmem:s15+$0xFFFFFFF0] =	vst v5  }
0xe5: {  	v7 =	vnsel vm6, $0x0, v7;
	v4 =	vsub.f32 v4, v11;
	v2 =	vsub.f32 v2, v14;
	[tilespmem:s17+$0xFFFFFFD0] =	vst v3  }
0xe6: {  	v5 =	vnsel vm4, $0x0, v12;
	[tilespmem:s16+$0x0] =	vst v7  }
0xe7: {  	v1 =	vnsel vm1, $0x0, v2;
	v2 =	vnsel vm0, $0x0, v4;
	[tilespmem:s17+$0xFFFFFFE0] =	vst v5  }
0xe8: {  	v7 =	vnsel vm1, $0x0, v13;
	[tilespmem:s16+$0xFFFFFFD0] =	vst v2  }
0xe9: {  	[tilespmem:s17+$0xFFFFFFF0] =	vst v7  }
0xea: {  	[tilespmem:s16+$0xFFFFFFF0] =	vst v1;
	v1 =	vnsel vm4, $0x0, v6  }
0xeb: {  	[tilespmem:s16+$0xFFFFFFE0] =	vst v1  }
0xec: {  	s15 =	rddreg [dreg:$0x9]  }
0xed: {  	[tilespmem:s0], [sflag:$0x4] =	stream.strided.gather [hbm4b:s15+s30], $0x800, s31, s30, $0x38;
	[tilespmem:$0x1F800] =	vst v63  }
0xee: {  	_ =	swait.ge [sflag:s1], $0x800  }
0xef: {  	[sflag:s1] =	ssyncset.done $0x0  }
0xf0: {  	s22 =	rddreg [dreg:$0xa];
	[sflag:s1] =	ssyncadd.s32 $0xFFFFF800  }
0xf1: {  	[tilespmem:s7], [sflag:$0x4] =	stream.strided.gather [hbm4b:s22+s30], $0x800, s31, s30, $0x38;
	[tilespmem:$0x1F800] =	vst v63  }
0xf2: {  	_ =	swait.ge [sflag:s1], $0x800  }
0xf3: {  	[sflag:s1] =	ssyncset.done $0x0  }
0xf4: {  	s23 =	simm.s32 $0x1C820;
	[sflag:s1] =	ssyncadd.s32 $0xFFFFF800  }
0xf5: {  	s25 =	simm.s32 $0x1D020;
	v1 =	vld [tilespmem:s23+$0xFFFFFFE0]  }
0xf6: {  	v10 =	vld [tilespmem:s25+$0x0]  }
0xf7: {  	v11 =	vld [tilespmem:s25+$0xFFFFFFF0]  }
0xf8: {  	v3 =	vld [tilespmem:s23+$0x0]  }
0xf9: {  	v6 =	vld [tilespmem:s25+$0xFFFFFFE0]  }
0xfa: {  	v4 =	vld [tilespmem:s25+$0x10]  }
0xfb: {  	v9 =	vld [tilespmem:s23+$0x10]  }
0xfc: {  	v8 =	vld [tilespmem:s23+$0xFFFFFFF0]  }
0xfd: {  	vm2 =	vlt.f32 v1, $2.560000000e+02;
	v2 =	vmax.f32 v1, $1.000000000e+00  }
0xfe: {  	vm5 =	vge.f32 v1, $0.0e+00;
	v1 =	vmax.f32 v10, $1.000000000e+00;
	v12 =	vmax.f32 v11, $1.000000000e+00  }
0xff: {  	vm3 =	vge.f32 v3, $0.0e+00;
	v13 =	vmax.f32 v3, $1.000000000e+00;
	vm0 =	vlt.f32 v6, $2.560000000e+02  }
0x100: {  	vm1 =	vlt.f32 v3, $2.560000000e+02;
	vm4 =	vge.f32 v4, $0.0e+00;
	v3 =	vmax.f32 v4, $1.000000000e+00  }
0x101: {  	v15 =	vmax.f32 v9, $1.000000000e+00;
	v17 =	vmax.f32 v8, $1.000000000e+00;
	v19 =	vmax.f32 v6, $1.000000000e+00  }
0x102: {  	vm6 =	vlt.f32 v4, $2.560000000e+02;
	vm7 =	vlt.f32 v8, $2.560000000e+02;
	vm8 =	vge.f32 v10, $0.0e+00  }
0x103: {  	vm9 =	vge.f32 v6, $0.0e+00;
	vm14 =	vge.f32 v11, $0.0e+00;
	vm15 =	vlt.f32 v11, $2.560000000e+02  }
0x104: {  	v5 =	vmin.f32 v2, $2.540000000e+02;
	v2 =	vmin.f32 v1, $2.540000000e+02;
	v12 =	vmin.f32 v12, $2.540000000e+02  }
0x105: {  	v16 =	vmin.f32 v3, $2.540000000e+02;
	v13 =	vmin.f32 v13, $2.540000000e+02;
	v4 =	vmin.f32 v19, $2.540000000e+02  }
0x106: {  	v15 =	vmin.f32 v15, $2.540000000e+02;
	vm3 =	vmand vm3, vm8;
	vm5 =	vmand vm5, vm9  }
0x107: {  	vm8 =	vlt.f32 v9, $2.560000000e+02;
	v7 =	vtrunc.f32 v5;
	v6 =	vtrunc.f32 v13  }
0x108: {  	v17 =	vmin.f32 v17, $2.540000000e+02;
	v19 =	vtrunc.f32 v4;
	v20 =	vtrunc.f32 v15  }
0x109: {  	vm2 =	vmand vm2, vm5;
	v21 =	vtrunc.f32 v17;
	v1 =	vcvt.f32.s32 v7  }
0x10a: {  	vm5 =	vge.f32 v8, $0.0e+00;
	v7 =	vtrunc.f32 v12;
	v8 =	vcvt.f32.s32 v6  }
0x10b: {  	vm5 =	vmand vm5, vm14;
	v11 =	vcvt.f32.s32 v21;
	v18 =	vcvt.f32.s32 v7  }
0x10c: {  	v7 =	vtrunc.f32 v16;
	vm7 =	vmand vm7, vm5;
	vm5 =	vge.f32 v9, $0.0e+00  }
0x10d: {  	v9 =	vcvt.f32.s32 v20;
	v14 =	vcvt.s32.f32 v1;
	vm4 =	vmand vm5, vm4  }
0x10e: {  	vm5 =	vlt.f32 v10, $2.560000000e+02;
	v10 =	vcvt.s32.f32 v8;
	vm4 =	vmand vm8, vm4  }
0x10f: {  	v3 =	vsub.f32 v5, v14;
	v5 =	vcvt.f32.s32 v7;
	v14 =	vcvt.s32.f32 v18  }
0x110: {  	vm6 =	vmand vm6, vm4;
	vm4 =	vmand vm15, vm7;
	v13 =	vsub.f32 v13, v10  }
0x111: {  	v7 =	vcvt.s32.f32 v5;
	v6 =	vsub.f32 v12, v14;
	v14 =	vcvt.f32.s32 v19  }
0x112: {  	v12 =	vshll.u32 v18, $0x8;
	v18 =	vcvt.s32.f32 v9;
	v19 =	vcvt.s32.f32 v11  }
0x113: {  	v11 =	vadd.s32 v11, v12;
	v7 =	vsub.f32 v16, v7;
	v16 =	vtrunc.f32 v2  }
0x114: {  	s18 =	simm.s32 $0x19830;
	s19 =	simm.s32 $0x15830;
	s20 =	simm.s32 $0x0;
	v5 =	vshll.u32 v5, $0x8;
	v62 =	vnsel vm4, $0x10000, v11;
	v63 =	vcvt.f32.s32 v16  }
0x115: {  	s21 =	simm.s32 $0x1C860;
	s17 =	simm.s32 $0x15830;
	s15 =	simm.s32 $0x11830;
	v11 =	vcvt.s32.f32 v14;
	v12 =	vsub.f32 v17, v19;
	v16 =	vsub.f32 v15, v18  }
0x116: {  	s16 =	simm.s32 $0x19830;
	s22 =	simm.s32 $0x1D060;
	s23 =	simm.s32 $0x11870;
	v10 =	vshll.u32 v14, $0x8;
	[tilespmem:s15+$0xFFFFFFE0] =	vst v62;
	v14 =	vcvt.s32.f32 v63;
	v15 =	vshll.u32 v63, $0x8  }
.LBB2_6:
0x117: {  	v17 =	vld [tilespmem:s21+$0xFFFFFFE0];
	s20 =	sadd.s32 $0x4, s20;
	vm1 =	vmand vm1, vm3;
	v16 =	vnsel vm6, $0x0, v16;
	v7 =	vnsel vm6, $0x0, v7;
	s18 =	sadd.s32 $0x40, s18;
	s19 =	sadd.s32 $0x40, s19  }
0x118: {  	v5 =	vadd.s32 v9, v5;
	v18 =	vld [tilespmem:s22+$0x10];
	p0 =	slt.u32 s20, $0x7C;
	vm1 =	vmand vm5, vm1;
	v2 =	vsub.f32 v2, v14  }
0x119: {  	v4 =	vsub.f32 v4, v11;
	v5 =	vnsel vm6, $0x10000, v5;
	v14 =	vld [tilespmem:s22+$0x0];
	v9 =	vnsel vm1, $0x0, v13  }
0x11a: {  	v12 =	vnsel vm4, $0x0, v12;
	v8 =	vadd.s32 v8, v15;
	v11 =	vld [tilespmem:s22+$0xFFFFFFF0];
	v13 =	vnsel vm1, $0x0, v2;
	[tilespmem:s15+$0x0] =	vst v5  }
0x11b: {  	vm0 =	vmand vm0, vm2;
	v6 =	vnsel vm4, $0x0, v6;
	v2 =	vnsel vm1, $0x10000, v8;
	v5 =	vld [tilespmem:s21+$0x0];
	[tilespmem:s17+$0x0] =	vst v16  }
0x11c: {  	v3 =	vnsel vm0, $0x0, v3;
	v8 =	vld [tilespmem:s22+$0xFFFFFFE0];
	vm2 =	vlt.f32 v17, $2.560000000e+02;
	v15 =	vmax.f32 v17, $1.000000000e+00;
	[tilespmem:s15+$0xFFFFFFF0] =	vst v2  }
0x11d: {  	v1 =	vadd.s32 v1, v10;
	vm4 =	vge.f32 v17, $0.0e+00;
	v15 =	vmin.f32 v15, $2.540000000e+02;
	v16 =	vld [tilespmem:s21+$0x10];
	[tilespmem:s16+$0x0] =	vst v7  }
0x11e: {  	v4 =	vnsel vm0, $0x0, v4;
	v7 =	vtrunc.f32 v15;
	v2 =	vmax.f32 v14, $1.000000000e+00;
	[tilespmem:s17+$0xFFFFFFE0] =	vst v12  }
0x11f: {  	v1 =	vnsel vm0, $0x10000, v1;
	v10 =	vld [tilespmem:s21+$0xFFFFFFF0];
	v12 =	vmax.f32 v11, $1.000000000e+00;
	v2 =	vmin.f32 v2, $2.540000000e+02;
	[tilespmem:s17+$0xFFFFFFF0] =	vst v9  }
0x120: {  	v9 =	vmin.f32 v12, $2.540000000e+02;
	vm3 =	vge.f32 v5, $0.0e+00;
	v12 =	vmax.f32 v5, $1.000000000e+00;
	[tilespmem:s15+$0xFFFFFFD0] =	vst v1;
	s15 =	smov.u32 s23  }
0x121: {  	v1 =	vcvt.f32.s32 v7;
	vm0 =	vlt.f32 v8, $2.560000000e+02;
	v7 =	vtrunc.f32 v9;
	[tilespmem:s17+$0xFFFFFFD0] =	vst v3;
	s17 =	smov.u32 s19  }
0x122: {  	vm5 =	vge.f32 v18, $0.0e+00;
	vm1 =	vlt.f32 v5, $2.560000000e+02;
	v3 =	vmax.f32 v18, $1.000000000e+00;
	[tilespmem:s16+$0xFFFFFFF0] =	vst v13  }
0x123: {  	v5 =	vcvt.s32.f32 v1;
	v13 =	vmax.f32 v16, $1.000000000e+00;
	v17 =	vmin.f32 v3, $2.540000000e+02;
	[tilespmem:s16+$0xFFFFFFD0] =	vst v4  }
0x124: {  	v20 =	vcvt.f32.s32 v7;
	v4 =	vtrunc.f32 v17;
	v19 =	vmax.f32 v10, $1.000000000e+00;
	[tilespmem:s16+$0xFFFFFFE0] =	vst v6;
	s16 =	smov.u32 s18  }
0x125: {  	v6 =	vmax.f32 v8, $1.000000000e+00;
	v3 =	vsub.f32 v15, v5;
	v4 =	vcvt.f32.s32 v4  }
0x126: {  	vm6 =	vlt.f32 v18, $2.560000000e+02;
	v21 =	vmin.f32 v12, $2.540000000e+02;
	v15 =	vcvt.s32.f32 v20  }
0x127: {  	vm7 =	vlt.f32 v10, $2.560000000e+02;
	v7 =	vcvt.s32.f32 v4;
	v5 =	vshll.u32 v4, $0x8  }
0x128: {  	vm8 =	vge.f32 v14, $0.0e+00;
	v12 =	vmin.f32 v13, $2.540000000e+02;
	v4 =	vmin.f32 v6, $2.540000000e+02  }
0x129: {  	vm9 =	vge.f32 v8, $0.0e+00;
	vm3 =	vmand vm3, vm8;
	v7 =	vsub.f32 v17, v7  }
0x12a: {  	vm4 =	vmand vm4, vm9;
	vm8 =	vlt.f32 v16, $2.560000000e+02;
	v6 =	vtrunc.f32 v21  }
0x12b: {  	vm9 =	vge.f32 v11, $0.0e+00;
	vm2 =	vmand vm2, vm4;
	vm4 =	vge.f32 v10, $0.0e+00  }
0x12c: {  	v13 =	vtrunc.f32 v2;
	vm4 =	vmand vm4, vm9;
	v10 =	vmin.f32 v19, $2.540000000e+02  }
0x12d: {  	v18 =	vtrunc.f32 v12;
	vm4 =	vmand vm7, vm4;
	v17 =	vtrunc.f32 v4  }
0x12e: {  	v19 =	vtrunc.f32 v10;
	vm7 =	vge.f32 v16, $0.0e+00;
	v8 =	vcvt.f32.s32 v6  }
0x12f: {  	v6 =	vsub.f32 v9, v15;
	vm7 =	vmand vm7, vm5;
	v9 =	vcvt.f32.s32 v18  }
0x130: {  	vm5 =	vlt.f32 v14, $2.560000000e+02;
	v15 =	vcvt.f32.s32 v17;
	v14 =	vcvt.s32.f32 v8  }
0x131: {  	vm9 =	vlt.f32 v11, $2.560000000e+02;
	v11 =	vcvt.f32.s32 v19;
	vm7 =	vmand vm8, vm7  }
.Ltmp2:
0x132: {  	v16 =	vshll.u32 v20, $0x8;
	vm6 =	vmand vm6, vm7;
	v17 =	vcvt.s32.f32 v9;
	(pc) =	sbr.rel @p0 .LBB2_6-.Ltmp2, $4  }
0x133: {  	vm4 =	vmand vm9, vm4;
	v18 =	vcvt.s32.f32 v11;
	v11 =	vadd.s32 v11, v16  }
0x134: {  	v20 =	vcvt.f32.s32 v13;
	v19 =	vnsel vm4, $0x10000, v11;
	v16 =	vsub.f32 v12, v17  }
0x135: {  	v11 =	vcvt.s32.f32 v15;
	v12 =	vsub.f32 v10, v18;
	v13 =	vsub.f32 v21, v14  }
0x136: {  	s22 =	sadd.s32 $0x40, s22;
	s21 =	sadd.s32 $0x40, s21;
	s23 =	sadd.s32 $0x40, s23;
	v10 =	vshll.u32 v15, $0x8;
	v14 =	vcvt.s32.f32 v20;
	v15 =	vshll.u32 v20, $0x8;
	[tilespmem:s15+$0xFFFFFFE0] =	vst v19  }
0x137: {  	v5 =	vadd.s32 v9, v5  }
0x138: {  	vm0 =	vmand vm0, vm2;
	v1 =	vadd.s32 v1, v10;
	v5 =	vnsel vm6, $0x10000, v5  }
0x139: {  	vm1 =	vmand vm1, vm3;
	v1 =	vnsel vm0, $0x10000, v1;
	[tilespmem:s15+$0x0] =	vst v5  }
0x13a: {  	v9 =	vnsel vm6, $0x0, v16;
	v8 =	vadd.s32 v8, v15;
	vm1 =	vmand vm5, vm1;
	[tilespmem:s15+$0xFFFFFFD0] =	vst v1  }
0x13b: {  	v5 =	vnsel vm1, $0x10000, v8;
	[tilespmem:s17+$0x0] =	vst v9  }
0x13c: {  	v3 =	vnsel vm0, $0x0, v3;
	[tilespmem:s15+$0xFFFFFFF0] =	vst v5  }
0x13d: {  	v7 =	vnsel vm6, $0x0, v7;
	v4 =	vsub.f32 v4, v11;
	v2 =	vsub.f32 v2, v14;
	[tilespmem:s17+$0xFFFFFFD0] =	vst v3  }
0x13e: {  	v5 =	vnsel vm4, $0x0, v12;
	[tilespmem:s16+$0x0] =	vst v7  }
0x13f: {  	v1 =	vnsel vm1, $0x0, v2;
	v2 =	vnsel vm0, $0x0, v4;
	[tilespmem:s17+$0xFFFFFFE0] =	vst v5  }
0x140: {  	v7 =	vnsel vm1, $0x0, v13;
	[tilespmem:s16+$0xFFFFFFD0] =	vst v2  }
0x141: {  	[tilespmem:s17+$0xFFFFFFF0] =	vst v7  }
0x142: {  	[tilespmem:s16+$0xFFFFFFF0] =	vst v1;
	v1 =	vnsel vm4, $0x0, v6  }
0x143: {  	[tilespmem:s16+$0xFFFFFFE0] =	vst v1  }
0x144: {  	s15 =	rddreg [dreg:$0xb]  }
0x145: {  	[tilespmem:s0], [sflag:$0x4] =	stream.strided.gather [hbm4b:s15+s30], $0x800, s31, s30, $0x38;
	[tilespmem:$0x1F800] =	vst v63  }
0x146: {  	_ =	swait.ge [sflag:s1], $0x800  }
0x147: {  	[sflag:s1] =	ssyncset.done $0x0  }
0x148: {  	s22 =	rddreg [dreg:$0xc];
	[sflag:s1] =	ssyncadd.s32 $0xFFFFF800  }
0x149: {  	[tilespmem:s7], [sflag:$0x4] =	stream.strided.gather [hbm4b:s22+s30], $0x800, s31, s30, $0x38;
	[tilespmem:$0x1F800] =	vst v63  }
0x14a: {  	_ =	swait.ge [sflag:s1], $0x800  }
0x14b: {  	[sflag:s1] =	ssyncset.done $0x0  }
0x14c: {  	s23 =	simm.s32 $0x1C820;
	[sflag:s1] =	ssyncadd.s32 $0xFFFFF800  }
0x14d: {  	s25 =	simm.s32 $0x1D020;
	v1 =	vld [tilespmem:s23+$0xFFFFFFE0]  }
0x14e: {  	v10 =	vld [tilespmem:s25+$0x0]  }
0x14f: {  	v11 =	vld [tilespmem:s25+$0xFFFFFFF0]  }
0x150: {  	v3 =	vld [tilespmem:s23+$0x0]  }
0x151: {  	v6 =	vld [tilespmem:s25+$0xFFFFFFE0]  }
0x152: {  	v4 =	vld [tilespmem:s25+$0x10]  }
0x153: {  	v9 =	vld [tilespmem:s23+$0x10]  }
0x154: {  	v8 =	vld [tilespmem:s23+$0xFFFFFFF0]  }
0x155: {  	vm2 =	vlt.f32 v1, $2.560000000e+02;
	v2 =	vmax.f32 v1, $1.000000000e+00  }
0x156: {  	vm5 =	vge.f32 v1, $0.0e+00;
	v1 =	vmax.f32 v10, $1.000000000e+00;
	v12 =	vmax.f32 v11, $1.000000000e+00  }
0x157: {  	vm3 =	vge.f32 v3, $0.0e+00;
	v13 =	vmax.f32 v3, $1.000000000e+00;
	vm0 =	vlt.f32 v6, $2.560000000e+02  }
0x158: {  	vm1 =	vlt.f32 v3, $2.560000000e+02;
	vm4 =	vge.f32 v4, $0.0e+00;
	v3 =	vmax.f32 v4, $1.000000000e+00  }
0x159: {  	v15 =	vmax.f32 v9, $1.000000000e+00;
	v17 =	vmax.f32 v8, $1.000000000e+00;
	v19 =	vmax.f32 v6, $1.000000000e+00  }
0x15a: {  	vm6 =	vlt.f32 v4, $2.560000000e+02;
	vm7 =	vlt.f32 v8, $2.560000000e+02;
	vm8 =	vge.f32 v10, $0.0e+00  }
0x15b: {  	vm9 =	vge.f32 v6, $0.0e+00;
	vm14 =	vge.f32 v11, $0.0e+00;
	vm15 =	vlt.f32 v11, $2.560000000e+02  }
0x15c: {  	v5 =	vmin.f32 v2, $2.540000000e+02;
	v2 =	vmin.f32 v1, $2.540000000e+02;
	v12 =	vmin.f32 v12, $2.540000000e+02  }
0x15d: {  	v16 =	vmin.f32 v3, $2.540000000e+02;
	v13 =	vmin.f32 v13, $2.540000000e+02;
	v4 =	vmin.f32 v19, $2.540000000e+02  }
0x15e: {  	v15 =	vmin.f32 v15, $2.540000000e+02;
	vm3 =	vmand vm3, vm8;
	vm5 =	vmand vm5, vm9  }
0x15f: {  	vm8 =	vlt.f32 v9, $2.560000000e+02;
	v7 =	vtrunc.f32 v5;
	v6 =	vtrunc.f32 v13  }
0x160: {  	v17 =	vmin.f32 v17, $2.540000000e+02;
	v19 =	vtrunc.f32 v4;
	v20 =	vtrunc.f32 v15  }
0x161: {  	vm2 =	vmand vm2, vm5;
	v21 =	vtrunc.f32 v17;
	v1 =	vcvt.f32.s32 v7  }
0x162: {  	vm5 =	vge.f32 v8, $0.0e+00;
	v7 =	vtrunc.f32 v12;
	v8 =	vcvt.f32.s32 v6  }
0x163: {  	vm5 =	vmand vm5, vm14;
	v11 =	vcvt.f32.s32 v21;
	v18 =	vcvt.f32.s32 v7  }
0x164: {  	v7 =	vtrunc.f32 v16;
	vm7 =	vmand vm7, vm5;
	vm5 =	vge.f32 v9, $0.0e+00  }
0x165: {  	v9 =	vcvt.f32.s32 v20;
	v14 =	vcvt.s32.f32 v1;
	vm4 =	vmand vm5, vm4  }
0x166: {  	vm5 =	vlt.f32 v10, $2.560000000e+02;
	v10 =	vcvt.s32.f32 v8;
	vm4 =	vmand vm8, vm4  }
0x167: {  	v3 =	vsub.f32 v5, v14;
	v5 =	vcvt.f32.s32 v7;
	v14 =	vcvt.s32.f32 v18  }
0x168: {  	vm6 =	vmand vm6, vm4;
	vm4 =	vmand vm15, vm7;
	v13 =	vsub.f32 v13, v10  }
0x169: {  	v7 =	vcvt.s32.f32 v5;
	v6 =	vsub.f32 v12, v14;
	v14 =	vcvt.f32.s32 v19  }
0x16a: {  	v12 =	vshll.u32 v18, $0x8;
	v18 =	vcvt.s32.f32 v9;
	v19 =	vcvt.s32.f32 v11  }
0x16b: {  	v11 =	vadd.s32 v11, v12;
	v7 =	vsub.f32 v16, v7;
	v16 =	vtrunc.f32 v2  }
0x16c: {  	s18 =	simm.s32 $0x1A030;
	s19 =	simm.s32 $0x16030;
	s20 =	simm.s32 $0x0;
	v5 =	vshll.u32 v5, $0x8;
	v62 =	vnsel vm4, $0x10000, v11;
	v63 =	vcvt.f32.s32 v16  }
0x16d: {  	s21 =	simm.s32 $0x1C860;
	s17 =	simm.s32 $0x16030;
	s15 =	simm.s32 $0x12030;
	v11 =	vcvt.s32.f32 v14;
	v12 =	vsub.f32 v17, v19;
	v16 =	vsub.f32 v15, v18  }
0x16e: {  	s16 =	simm.s32 $0x1A030;
	s22 =	simm.s32 $0x1D060;
	s23 =	simm.s32 $0x12070;
	v10 =	vshll.u32 v14, $0x8;
	[tilespmem:s15+$0xFFFFFFE0] =	vst v62;
	v14 =	vcvt.s32.f32 v63;
	v15 =	vshll.u32 v63, $0x8  }
.LBB2_8:
0x16f: {  	v17 =	vld [tilespmem:s21+$0xFFFFFFE0];
	s20 =	sadd.s32 $0x4, s20;
	vm1 =	vmand vm1, vm3;
	v16 =	vnsel vm6, $0x0, v16;
	v7 =	vnsel vm6, $0x0, v7;
	s18 =	sadd.s32 $0x40, s18;
	s19 =	sadd.s32 $0x40, s19  }
0x170: {  	v5 =	vadd.s32 v9, v5;
	v18 =	vld [tilespmem:s22+$0x10];
	p0 =	slt.u32 s20, $0x7C;
	vm1 =	vmand vm5, vm1;
	v2 =	vsub.f32 v2, v14  }
0x171: {  	v4 =	vsub.f32 v4, v11;
	v5 =	vnsel vm6, $0x10000, v5;
	v14 =	vld [tilespmem:s22+$0x0];
	v9 =	vnsel vm1, $0x0, v13  }
0x172: {  	v12 =	vnsel vm4, $0x0, v12;
	v8 =	vadd.s32 v8, v15;
	v11 =	vld [tilespmem:s22+$0xFFFFFFF0];
	v13 =	vnsel vm1, $0x0, v2;
	[tilespmem:s15+$0x0] =	vst v5  }
0x173: {  	vm0 =	vmand vm0, vm2;
	v6 =	vnsel vm4, $0x0, v6;
	v2 =	vnsel vm1, $0x10000, v8;
	v5 =	vld [tilespmem:s21+$0x0];
	[tilespmem:s17+$0x0] =	vst v16  }
0x174: {  	v3 =	vnsel vm0, $0x0, v3;
	v8 =	vld [tilespmem:s22+$0xFFFFFFE0];
	vm2 =	vlt.f32 v17, $2.560000000e+02;
	v15 =	vmax.f32 v17, $1.000000000e+00;
	[tilespmem:s15+$0xFFFFFFF0] =	vst v2  }
0x175: {  	v1 =	vadd.s32 v1, v10;
	vm4 =	vge.f32 v17, $0.0e+00;
	v15 =	vmin.f32 v15, $2.540000000e+02;
	v16 =	vld [tilespmem:s21+$0x10];
	[tilespmem:s16+$0x0] =	vst v7  }
0x176: {  	v4 =	vnsel vm0, $0x0, v4;
	v7 =	vtrunc.f32 v15;
	v2 =	vmax.f32 v14, $1.000000000e+00;
	[tilespmem:s17+$0xFFFFFFE0] =	vst v12  }
0x177: {  	v1 =	vnsel vm0, $0x10000, v1;
	v10 =	vld [tilespmem:s21+$0xFFFFFFF0];
	v12 =	vmax.f32 v11, $1.000000000e+00;
	v2 =	vmin.f32 v2, $2.540000000e+02;
	[tilespmem:s17+$0xFFFFFFF0] =	vst v9  }
0x178: {  	v9 =	vmin.f32 v12, $2.540000000e+02;
	vm3 =	vge.f32 v5, $0.0e+00;
	v12 =	vmax.f32 v5, $1.000000000e+00;
	[tilespmem:s15+$0xFFFFFFD0] =	vst v1;
	s15 =	smov.u32 s23  }
0x179: {  	v1 =	vcvt.f32.s32 v7;
	vm0 =	vlt.f32 v8, $2.560000000e+02;
	v7 =	vtrunc.f32 v9;
	[tilespmem:s17+$0xFFFFFFD0] =	vst v3;
	s17 =	smov.u32 s19  }
0x17a: {  	vm5 =	vge.f32 v18, $0.0e+00;
	vm1 =	vlt.f32 v5, $2.560000000e+02;
	v3 =	vmax.f32 v18, $1.000000000e+00;
	[tilespmem:s16+$0xFFFFFFF0] =	vst v13  }
0x17b: {  	v5 =	vcvt.s32.f32 v1;
	v13 =	vmax.f32 v16, $1.000000000e+00;
	v17 =	vmin.f32 v3, $2.540000000e+02;
	[tilespmem:s16+$0xFFFFFFD0] =	vst v4  }
0x17c: {  	v20 =	vcvt.f32.s32 v7;
	v4 =	vtrunc.f32 v17;
	v19 =	vmax.f32 v10, $1.000000000e+00;
	[tilespmem:s16+$0xFFFFFFE0] =	vst v6;
	s16 =	smov.u32 s18  }
0x17d: {  	v6 =	vmax.f32 v8, $1.000000000e+00;
	v3 =	vsub.f32 v15, v5;
	v4 =	vcvt.f32.s32 v4  }
0x17e: {  	vm6 =	vlt.f32 v18, $2.560000000e+02;
	v21 =	vmin.f32 v12, $2.540000000e+02;
	v15 =	vcvt.s32.f32 v20  }
0x17f: {  	vm7 =	vlt.f32 v10, $2.560000000e+02;
	v7 =	vcvt.s32.f32 v4;
	v5 =	vshll.u32 v4, $0x8  }
0x180: {  	vm8 =	vge.f32 v14, $0.0e+00;
	v12 =	vmin.f32 v13, $2.540000000e+02;
	v4 =	vmin.f32 v6, $2.540000000e+02  }
0x181: {  	vm9 =	vge.f32 v8, $0.0e+00;
	vm3 =	vmand vm3, vm8;
	v7 =	vsub.f32 v17, v7  }
0x182: {  	vm4 =	vmand vm4, vm9;
	vm8 =	vlt.f32 v16, $2.560000000e+02;
	v6 =	vtrunc.f32 v21  }
0x183: {  	vm9 =	vge.f32 v11, $0.0e+00;
	vm2 =	vmand vm2, vm4;
	vm4 =	vge.f32 v10, $0.0e+00  }
0x184: {  	v13 =	vtrunc.f32 v2;
	vm4 =	vmand vm4, vm9;
	v10 =	vmin.f32 v19, $2.540000000e+02  }
0x185: {  	v18 =	vtrunc.f32 v12;
	vm4 =	vmand vm7, vm4;
	v17 =	vtrunc.f32 v4  }
0x186: {  	v19 =	vtrunc.f32 v10;
	vm7 =	vge.f32 v16, $0.0e+00;
	v8 =	vcvt.f32.s32 v6  }
0x187: {  	v6 =	vsub.f32 v9, v15;
	vm7 =	vmand vm7, vm5;
	v9 =	vcvt.f32.s32 v18  }
0x188: {  	vm5 =	vlt.f32 v14, $2.560000000e+02;
	v15 =	vcvt.f32.s32 v17;
	v14 =	vcvt.s32.f32 v8  }
0x189: {  	vm9 =	vlt.f32 v11, $2.560000000e+02;
	v11 =	vcvt.f32.s32 v19;
	vm7 =	vmand vm8, vm7  }
.Ltmp3:
0x18a: {  	v16 =	vshll.u32 v20, $0x8;
	vm6 =	vmand vm6, vm7;
	v17 =	vcvt.s32.f32 v9;
	(pc) =	sbr.rel @p0 .LBB2_8-.Ltmp3, $4  }
0x18b: {  	vm4 =	vmand vm9, vm4;
	v18 =	vcvt.s32.f32 v11;
	v11 =	vadd.s32 v11, v16  }
0x18c: {  	v20 =	vcvt.f32.s32 v13;
	v19 =	vnsel vm4, $0x10000, v11;
	v16 =	vsub.f32 v12, v17  }
0x18d: {  	v11 =	vcvt.s32.f32 v15;
	v12 =	vsub.f32 v10, v18;
	v13 =	vsub.f32 v21, v14  }
0x18e: {  	s22 =	sadd.s32 $0x40, s22;
	s21 =	sadd.s32 $0x40, s21;
	s23 =	sadd.s32 $0x40, s23;
	v10 =	vshll.u32 v15, $0x8;
	v14 =	vcvt.s32.f32 v20;
	v15 =	vshll.u32 v20, $0x8;
	[tilespmem:s15+$0xFFFFFFE0] =	vst v19  }
0x18f: {  	v5 =	vadd.s32 v9, v5  }
0x190: {  	vm0 =	vmand vm0, vm2;
	v1 =	vadd.s32 v1, v10;
	v5 =	vnsel vm6, $0x10000, v5  }
0x191: {  	vm1 =	vmand vm1, vm3;
	v1 =	vnsel vm0, $0x10000, v1;
	[tilespmem:s15+$0x0] =	vst v5  }
0x192: {  	v9 =	vnsel vm6, $0x0, v16;
	v8 =	vadd.s32 v8, v15;
	vm1 =	vmand vm5, vm1;
	[tilespmem:s15+$0xFFFFFFD0] =	vst v1  }
0x193: {  	v5 =	vnsel vm1, $0x10000, v8;
	[tilespmem:s17+$0x0] =	vst v9  }
0x194: {  	v3 =	vnsel vm0, $0x0, v3;
	[tilespmem:s15+$0xFFFFFFF0] =	vst v5  }
0x195: {  	v7 =	vnsel vm6, $0x0, v7;
	v4 =	vsub.f32 v4, v11;
	v2 =	vsub.f32 v2, v14;
	[tilespmem:s17+$0xFFFFFFD0] =	vst v3  }
0x196: {  	v5 =	vnsel vm4, $0x0, v12;
	[tilespmem:s16+$0x0] =	vst v7  }
0x197: {  	v1 =	vnsel vm1, $0x0, v2;
	v2 =	vnsel vm0, $0x0, v4;
	[tilespmem:s17+$0xFFFFFFE0] =	vst v5  }
0x198: {  	v7 =	vnsel vm1, $0x0, v13;
	[tilespmem:s16+$0xFFFFFFD0] =	vst v2  }
0x199: {  	[tilespmem:s17+$0xFFFFFFF0] =	vst v7  }
0x19a: {  	[tilespmem:s16+$0xFFFFFFF0] =	vst v1;
	v1 =	vnsel vm4, $0x0, v6  }
0x19b: {  	[tilespmem:s16+$0xFFFFFFE0] =	vst v1  }
0x19c: {  	s15 =	rddreg [dreg:$0xd]  }
0x19d: {  	[tilespmem:s0], [sflag:$0x4] =	stream.strided.gather [hbm4b:s15+s30], $0x800, s31, s30, $0x38;
	[tilespmem:$0x1F800] =	vst v63  }
0x19e: {  	_ =	swait.ge [sflag:s1], $0x800  }
0x19f: {  	[sflag:s1] =	ssyncset.done $0x0  }
0x1a0: {  	s22 =	rddreg [dreg:$0xe];
	[sflag:s1] =	ssyncadd.s32 $0xFFFFF800  }
0x1a1: {  	[tilespmem:s7], [sflag:$0x4] =	stream.strided.gather [hbm4b:s22+s30], $0x800, s31, s30, $0x38;
	[tilespmem:$0x1F800] =	vst v63  }
0x1a2: {  	_ =	swait.ge [sflag:s1], $0x800  }
0x1a3: {  	[sflag:s1] =	ssyncset.done $0x0  }
0x1a4: {  	s23 =	simm.s32 $0x1C820;
	[sflag:s1] =	ssyncadd.s32 $0xFFFFF800  }
0x1a5: {  	s25 =	simm.s32 $0x1D020;
	v1 =	vld [tilespmem:s23+$0xFFFFFFE0]  }
0x1a6: {  	v10 =	vld [tilespmem:s25+$0x0]  }
0x1a7: {  	v11 =	vld [tilespmem:s25+$0xFFFFFFF0]  }
0x1a8: {  	v3 =	vld [tilespmem:s23+$0x0]  }
0x1a9: {  	v6 =	vld [tilespmem:s25+$0xFFFFFFE0]  }
0x1aa: {  	v4 =	vld [tilespmem:s25+$0x10]  }
0x1ab: {  	v9 =	vld [tilespmem:s23+$0x10]  }
0x1ac: {  	v8 =	vld [tilespmem:s23+$0xFFFFFFF0]  }
0x1ad: {  	vm2 =	vlt.f32 v1, $2.560000000e+02;
	v2 =	vmax.f32 v1, $1.000000000e+00  }
0x1ae: {  	vm5 =	vge.f32 v1, $0.0e+00;
	v1 =	vmax.f32 v10, $1.000000000e+00;
	v12 =	vmax.f32 v11, $1.000000000e+00  }
0x1af: {  	vm3 =	vge.f32 v3, $0.0e+00;
	v13 =	vmax.f32 v3, $1.000000000e+00;
	vm0 =	vlt.f32 v6, $2.560000000e+02  }
0x1b0: {  	vm1 =	vlt.f32 v3, $2.560000000e+02;
	vm4 =	vge.f32 v4, $0.0e+00;
	v3 =	vmax.f32 v4, $1.000000000e+00  }
0x1b1: {  	v15 =	vmax.f32 v9, $1.000000000e+00;
	v17 =	vmax.f32 v8, $1.000000000e+00;
	v19 =	vmax.f32 v6, $1.000000000e+00  }
0x1b2: {  	vm6 =	vlt.f32 v4, $2.560000000e+02;
	vm7 =	vlt.f32 v8, $2.560000000e+02;
	vm8 =	vge.f32 v10, $0.0e+00  }
0x1b3: {  	vm9 =	vge.f32 v6, $0.0e+00;
	vm14 =	vge.f32 v11, $0.0e+00;
	vm15 =	vlt.f32 v11, $2.560000000e+02  }
0x1b4: {  	v5 =	vmin.f32 v2, $2.540000000e+02;
	v2 =	vmin.f32 v1, $2.540000000e+02;
	v12 =	vmin.f32 v12, $2.540000000e+02  }
0x1b5: {  	v16 =	vmin.f32 v3, $2.540000000e+02;
	v13 =	vmin.f32 v13, $2.540000000e+02;
	v4 =	vmin.f32 v19, $2.540000000e+02  }
0x1b6: {  	v15 =	vmin.f32 v15, $2.540000000e+02;
	vm3 =	vmand vm3, vm8;
	vm5 =	vmand vm5, vm9  }
0x1b7: {  	vm8 =	vlt.f32 v9, $2.560000000e+02;
	v7 =	vtrunc.f32 v5;
	v6 =	vtrunc.f32 v13  }
0x1b8: {  	v17 =	vmin.f32 v17, $2.540000000e+02;
	v19 =	vtrunc.f32 v4;
	v20 =	vtrunc.f32 v15  }
0x1b9: {  	vm2 =	vmand vm2, vm5;
	v21 =	vtrunc.f32 v17;
	v1 =	vcvt.f32.s32 v7  }
0x1ba: {  	vm5 =	vge.f32 v8, $0.0e+00;
	v7 =	vtrunc.f32 v12;
	v8 =	vcvt.f32.s32 v6  }
0x1bb: {  	vm5 =	vmand vm5, vm14;
	v11 =	vcvt.f32.s32 v21;
	v18 =	vcvt.f32.s32 v7  }
0x1bc: {  	v7 =	vtrunc.f32 v16;
	vm7 =	vmand vm7, vm5;
	vm5 =	vge.f32 v9, $0.0e+00  }
0x1bd: {  	v9 =	vcvt.f32.s32 v20;
	v14 =	vcvt.s32.f32 v1;
	vm4 =	vmand vm5, vm4  }
0x1be: {  	vm5 =	vlt.f32 v10, $2.560000000e+02;
	v10 =	vcvt.s32.f32 v8;
	vm4 =	vmand vm8, vm4  }
0x1bf: {  	v3 =	vsub.f32 v5, v14;
	v5 =	vcvt.f32.s32 v7;
	v14 =	vcvt.s32.f32 v18  }
0x1c0: {  	vm6 =	vmand vm6, vm4;
	vm4 =	vmand vm15, vm7;
	v13 =	vsub.f32 v13, v10  }
0x1c1: {  	v7 =	vcvt.s32.f32 v5;
	v6 =	vsub.f32 v12, v14;
	v14 =	vcvt.f32.s32 v19  }
0x1c2: {  	v12 =	vshll.u32 v18, $0x8;
	v18 =	vcvt.s32.f32 v9;
	v19 =	vcvt.s32.f32 v11  }
0x1c3: {  	v11 =	vadd.s32 v11, v12;
	v7 =	vsub.f32 v16, v7;
	v16 =	vtrunc.f32 v2  }
0x1c4: {  	s18 =	simm.s32 $0x1A830;
	s19 =	simm.s32 $0x16830;
	s20 =	simm.s32 $0x0;
	v5 =	vshll.u32 v5, $0x8;
	v62 =	vnsel vm4, $0x10000, v11;
	v63 =	vcvt.f32.s32 v16  }
0x1c5: {  	s21 =	simm.s32 $0x1C860;
	s17 =	simm.s32 $0x16830;
	s15 =	simm.s32 $0x12830;
	v11 =	vcvt.s32.f32 v14;
	v12 =	vsub.f32 v17, v19;
	v16 =	vsub.f32 v15, v18  }
0x1c6: {  	s16 =	simm.s32 $0x1A830;
	s22 =	simm.s32 $0x1D060;
	s23 =	simm.s32 $0x12870;
	v10 =	vshll.u32 v14, $0x8;
	[tilespmem:s15+$0xFFFFFFE0] =	vst v62;
	v14 =	vcvt.s32.f32 v63;
	v15 =	vshll.u32 v63, $0x8  }
.LBB2_10:
0x1c7: {  	v17 =	vld [tilespmem:s21+$0xFFFFFFE0];
	s20 =	sadd.s32 $0x4, s20;
	vm1 =	vmand vm1, vm3;
	v16 =	vnsel vm6, $0x0, v16;
	v7 =	vnsel vm6, $0x0, v7;
	s18 =	sadd.s32 $0x40, s18;
	s19 =	sadd.s32 $0x40, s19  }
0x1c8: {  	v5 =	vadd.s32 v9, v5;
	v18 =	vld [tilespmem:s22+$0x10];
	p0 =	slt.u32 s20, $0x7C;
	vm1 =	vmand vm5, vm1;
	v2 =	vsub.f32 v2, v14  }
0x1c9: {  	v4 =	vsub.f32 v4, v11;
	v5 =	vnsel vm6, $0x10000, v5;
	v14 =	vld [tilespmem:s22+$0x0];
	v9 =	vnsel vm1, $0x0, v13  }
0x1ca: {  	v12 =	vnsel vm4, $0x0, v12;
	v8 =	vadd.s32 v8, v15;
	v11 =	vld [tilespmem:s22+$0xFFFFFFF0];
	v13 =	vnsel vm1, $0x0, v2;
	[tilespmem:s15+$0x0] =	vst v5  }
0x1cb: {  	vm0 =	vmand vm0, vm2;
	v6 =	vnsel vm4, $0x0, v6;
	v2 =	vnsel vm1, $0x10000, v8;
	v5 =	vld [tilespmem:s21+$0x0];
	[tilespmem:s17+$0x0] =	vst v16  }
0x1cc: {  	v3 =	vnsel vm0, $0x0, v3;
	v8 =	vld [tilespmem:s22+$0xFFFFFFE0];
	vm2 =	vlt.f32 v17, $2.560000000e+02;
	v15 =	vmax.f32 v17, $1.000000000e+00;
	[tilespmem:s15+$0xFFFFFFF0] =	vst v2  }
0x1cd: {  	v1 =	vadd.s32 v1, v10;
	vm4 =	vge.f32 v17, $0.0e+00;
	v15 =	vmin.f32 v15, $2.540000000e+02;
	v16 =	vld [tilespmem:s21+$0x10];
	[tilespmem:s16+$0x0] =	vst v7  }
0x1ce: {  	v4 =	vnsel vm0, $0x0, v4;
	v7 =	vtrunc.f32 v15;
	v2 =	vmax.f32 v14, $1.000000000e+00;
	[tilespmem:s17+$0xFFFFFFE0] =	vst v12  }
0x1cf: {  	v1 =	vnsel vm0, $0x10000, v1;
	v10 =	vld [tilespmem:s21+$0xFFFFFFF0];
	v12 =	vmax.f32 v11, $1.000000000e+00;
	v2 =	vmin.f32 v2, $2.540000000e+02;
	[tilespmem:s17+$0xFFFFFFF0] =	vst v9  }
0x1d0: {  	v9 =	vmin.f32 v12, $2.540000000e+02;
	vm3 =	vge.f32 v5, $0.0e+00;
	v12 =	vmax.f32 v5, $1.000000000e+00;
	[tilespmem:s15+$0xFFFFFFD0] =	vst v1;
	s15 =	smov.u32 s23  }
0x1d1: {  	v1 =	vcvt.f32.s32 v7;
	vm0 =	vlt.f32 v8, $2.560000000e+02;
	v7 =	vtrunc.f32 v9;
	[tilespmem:s17+$0xFFFFFFD0] =	vst v3;
	s17 =	smov.u32 s19  }
0x1d2: {  	vm5 =	vge.f32 v18, $0.0e+00;
	vm1 =	vlt.f32 v5, $2.560000000e+02;
	v3 =	vmax.f32 v18, $1.000000000e+00;
	[tilespmem:s16+$0xFFFFFFF0] =	vst v13  }
0x1d3: {  	v5 =	vcvt.s32.f32 v1;
	v13 =	vmax.f32 v16, $1.000000000e+00;
	v17 =	vmin.f32 v3, $2.540000000e+02;
	[tilespmem:s16+$0xFFFFFFD0] =	vst v4  }
0x1d4: {  	v20 =	vcvt.f32.s32 v7;
	v4 =	vtrunc.f32 v17;
	v19 =	vmax.f32 v10, $1.000000000e+00;
	[tilespmem:s16+$0xFFFFFFE0] =	vst v6;
	s16 =	smov.u32 s18  }
0x1d5: {  	v6 =	vmax.f32 v8, $1.000000000e+00;
	v3 =	vsub.f32 v15, v5;
	v4 =	vcvt.f32.s32 v4  }
0x1d6: {  	vm6 =	vlt.f32 v18, $2.560000000e+02;
	v21 =	vmin.f32 v12, $2.540000000e+02;
	v15 =	vcvt.s32.f32 v20  }
0x1d7: {  	vm7 =	vlt.f32 v10, $2.560000000e+02;
	v7 =	vcvt.s32.f32 v4;
	v5 =	vshll.u32 v4, $0x8  }
0x1d8: {  	vm8 =	vge.f32 v14, $0.0e+00;
	v12 =	vmin.f32 v13, $2.540000000e+02;
	v4 =	vmin.f32 v6, $2.540000000e+02  }
0x1d9: {  	vm9 =	vge.f32 v8, $0.0e+00;
	vm3 =	vmand vm3, vm8;
	v7 =	vsub.f32 v17, v7  }
0x1da: {  	vm4 =	vmand vm4, vm9;
	vm8 =	vlt.f32 v16, $2.560000000e+02;
	v6 =	vtrunc.f32 v21  }
0x1db: {  	vm9 =	vge.f32 v11, $0.0e+00;
	vm2 =	vmand vm2, vm4;
	vm4 =	vge.f32 v10, $0.0e+00  }
0x1dc: {  	v13 =	vtrunc.f32 v2;
	vm4 =	vmand vm4, vm9;
	v10 =	vmin.f32 v19, $2.540000000e+02  }
0x1dd: {  	v18 =	vtrunc.f32 v12;
	vm4 =	vmand vm7, vm4;
	v17 =	vtrunc.f32 v4  }
0x1de: {  	v19 =	vtrunc.f32 v10;
	vm7 =	vge.f32 v16, $0.0e+00;
	v8 =	vcvt.f32.s32 v6  }
0x1df: {  	v6 =	vsub.f32 v9, v15;
	vm7 =	vmand vm7, vm5;
	v9 =	vcvt.f32.s32 v18  }
0x1e0: {  	vm5 =	vlt.f32 v14, $2.560000000e+02;
	v15 =	vcvt.f32.s32 v17;
	v14 =	vcvt.s32.f32 v8  }
0x1e1: {  	vm9 =	vlt.f32 v11, $2.560000000e+02;
	v11 =	vcvt.f32.s32 v19;
	vm7 =	vmand vm8, vm7  }
.Ltmp4:
0x1e2: {  	v16 =	vshll.u32 v20, $0x8;
	vm6 =	vmand vm6, vm7;
	v17 =	vcvt.s32.f32 v9;
	(pc) =	sbr.rel @p0 .LBB2_10-.Ltmp4, $4  }
0x1e3: {  	vm4 =	vmand vm9, vm4;
	v18 =	vcvt.s32.f32 v11;
	v11 =	vadd.s32 v11, v16  }
0x1e4: {  	v20 =	vcvt.f32.s32 v13;
	v19 =	vnsel vm4, $0x10000, v11;
	v16 =	vsub.f32 v12, v17  }
0x1e5: {  	v11 =	vcvt.s32.f32 v15;
	v12 =	vsub.f32 v10, v18;
	v13 =	vsub.f32 v21, v14  }
0x1e6: {  	s22 =	sadd.s32 $0x40, s22;
	s21 =	sadd.s32 $0x40, s21;
	s23 =	sadd.s32 $0x40, s23;
	v10 =	vshll.u32 v15, $0x8;
	v14 =	vcvt.s32.f32 v20;
	v15 =	vshll.u32 v20, $0x8;
	[tilespmem:s15+$0xFFFFFFE0] =	vst v19  }
0x1e7: {  	v5 =	vadd.s32 v9, v5  }
0x1e8: {  	vm0 =	vmand vm0, vm2;
	v1 =	vadd.s32 v1, v10;
	v5 =	vnsel vm6, $0x10000, v5  }
0x1e9: {  	vm1 =	vmand vm1, vm3;
	v1 =	vnsel vm0, $0x10000, v1;
	[tilespmem:s15+$0x0] =	vst v5  }
0x1ea: {  	v9 =	vnsel vm6, $0x0, v16;
	v8 =	vadd.s32 v8, v15;
	vm1 =	vmand vm5, vm1;
	[tilespmem:s15+$0xFFFFFFD0] =	vst v1  }
0x1eb: {  	v5 =	vnsel vm1, $0x10000, v8;
	[tilespmem:s17+$0x0] =	vst v9  }
0x1ec: {  	v3 =	vnsel vm0, $0x0, v3;
	[tilespmem:s15+$0xFFFFFFF0] =	vst v5  }
0x1ed: {  	v7 =	vnsel vm6, $0x0, v7;
	v4 =	vsub.f32 v4, v11;
	v2 =	vsub.f32 v2, v14;
	[tilespmem:s17+$0xFFFFFFD0] =	vst v3  }
0x1ee: {  	v5 =	vnsel vm4, $0x0, v12;
	[tilespmem:s16+$0x0] =	vst v7  }
0x1ef: {  	v1 =	vnsel vm1, $0x0, v2;
	v2 =	vnsel vm0, $0x0, v4;
	[tilespmem:s17+$0xFFFFFFE0] =	vst v5  }
0x1f0: {  	v7 =	vnsel vm1, $0x0, v13;
	[tilespmem:s16+$0xFFFFFFD0] =	vst v2  }
0x1f1: {  	[tilespmem:s17+$0xFFFFFFF0] =	vst v7  }
0x1f2: {  	[tilespmem:s16+$0xFFFFFFF0] =	vst v1;
	v1 =	vnsel vm4, $0x0, v6  }
0x1f3: {  	[tilespmem:s16+$0xFFFFFFE0] =	vst v1  }
0x1f4: {  	s15 =	rddreg [dreg:$0xf]  }
0x1f5: {  	[tilespmem:s0], [sflag:$0x4] =	stream.strided.gather [hbm4b:s15+s30], $0x800, s31, s30, $0x38;
	[tilespmem:$0x1F800] =	vst v63  }
0x1f6: {  	_ =	swait.ge [sflag:s1], $0x800  }
0x1f7: {  	[sflag:s1] =	ssyncset.done $0x0  }
0x1f8: {  	s22 =	rddreg [dreg:$0x10];
	[sflag:s1] =	ssyncadd.s32 $0xFFFFF800  }
0x1f9: {  	[tilespmem:s7], [sflag:$0x4] =	stream.strided.gather [hbm4b:s22+s30], $0x800, s31, s30, $0x38;
	[tilespmem:$0x1F800] =	vst v63  }
0x1fa: {  	_ =	swait.ge [sflag:s1], $0x800  }
0x1fb: {  	[sflag:s1] =	ssyncset.done $0x0  }
0x1fc: {  	s23 =	simm.s32 $0x1C820;
	[sflag:s1] =	ssyncadd.s32 $0xFFFFF800  }
0x1fd: {  	s25 =	simm.s32 $0x1D020;
	v1 =	vld [tilespmem:s23+$0xFFFFFFE0]  }
0x1fe: {  	v10 =	vld [tilespmem:s25+$0x0]  }
0x1ff: {  	v11 =	vld [tilespmem:s25+$0xFFFFFFF0]  }
0x200: {  	v3 =	vld [tilespmem:s23+$0x0]  }
0x201: {  	v6 =	vld [tilespmem:s25+$0xFFFFFFE0]  }
0x202: {  	v4 =	vld [tilespmem:s25+$0x10]  }
0x203: {  	v9 =	vld [tilespmem:s23+$0x10]  }
0x204: {  	v8 =	vld [tilespmem:s23+$0xFFFFFFF0]  }
0x205: {  	vm2 =	vlt.f32 v1, $2.560000000e+02;
	v2 =	vmax.f32 v1, $1.000000000e+00  }
0x206: {  	vm5 =	vge.f32 v1, $0.0e+00;
	v1 =	vmax.f32 v10, $1.000000000e+00;
	v12 =	vmax.f32 v11, $1.000000000e+00  }
0x207: {  	vm3 =	vge.f32 v3, $0.0e+00;
	v13 =	vmax.f32 v3, $1.000000000e+00;
	vm0 =	vlt.f32 v6, $2.560000000e+02  }
0x208: {  	vm1 =	vlt.f32 v3, $2.560000000e+02;
	vm4 =	vge.f32 v4, $0.0e+00;
	v3 =	vmax.f32 v4, $1.000000000e+00  }
0x209: {  	v15 =	vmax.f32 v9, $1.000000000e+00;
	v17 =	vmax.f32 v8, $1.000000000e+00;
	v19 =	vmax.f32 v6, $1.000000000e+00  }
0x20a: {  	vm6 =	vlt.f32 v4, $2.560000000e+02;
	vm7 =	vlt.f32 v8, $2.560000000e+02;
	vm8 =	vge.f32 v10, $0.0e+00  }
0x20b: {  	vm9 =	vge.f32 v6, $0.0e+00;
	vm14 =	vge.f32 v11, $0.0e+00;
	vm15 =	vlt.f32 v11, $2.560000000e+02  }
0x20c: {  	v5 =	vmin.f32 v2, $2.540000000e+02;
	v2 =	vmin.f32 v1, $2.540000000e+02;
	v12 =	vmin.f32 v12, $2.540000000e+02  }
0x20d: {  	v16 =	vmin.f32 v3, $2.540000000e+02;
	v13 =	vmin.f32 v13, $2.540000000e+02;
	v4 =	vmin.f32 v19, $2.540000000e+02  }
0x20e: {  	v15 =	vmin.f32 v15, $2.540000000e+02;
	vm3 =	vmand vm3, vm8;
	vm5 =	vmand vm5, vm9  }
0x20f: {  	vm8 =	vlt.f32 v9, $2.560000000e+02;
	v7 =	vtrunc.f32 v5;
	v6 =	vtrunc.f32 v13  }
0x210: {  	v17 =	vmin.f32 v17, $2.540000000e+02;
	v19 =	vtrunc.f32 v4;
	v20 =	vtrunc.f32 v15  }
0x211: {  	vm2 =	vmand vm2, vm5;
	v21 =	vtrunc.f32 v17;
	v1 =	vcvt.f32.s32 v7  }
0x212: {  	vm5 =	vge.f32 v8, $0.0e+00;
	v7 =	vtrunc.f32 v12;
	v8 =	vcvt.f32.s32 v6  }
0x213: {  	vm5 =	vmand vm5, vm14;
	v11 =	vcvt.f32.s32 v21;
	v18 =	vcvt.f32.s32 v7  }
0x214: {  	v7 =	vtrunc.f32 v16;
	vm7 =	vmand vm7, vm5;
	vm5 =	vge.f32 v9, $0.0e+00  }
0x215: {  	v9 =	vcvt.f32.s32 v20;
	v14 =	vcvt.s32.f32 v1;
	vm4 =	vmand vm5, vm4  }
0x216: {  	vm5 =	vlt.f32 v10, $2.560000000e+02;
	v10 =	vcvt.s32.f32 v8;
	vm4 =	vmand vm8, vm4  }
0x217: {  	v3 =	vsub.f32 v5, v14;
	v5 =	vcvt.f32.s32 v7;
	v14 =	vcvt.s32.f32 v18  }
0x218: {  	vm6 =	vmand vm6, vm4;
	vm4 =	vmand vm15, vm7;
	v13 =	vsub.f32 v13, v10  }
0x219: {  	v7 =	vcvt.s32.f32 v5;
	v6 =	vsub.f32 v12, v14;
	v14 =	vcvt.f32.s32 v19  }
0x21a: {  	v12 =	vshll.u32 v18, $0x8;
	v18 =	vcvt.s32.f32 v9;
	v19 =	vcvt.s32.f32 v11  }
0x21b: {  	v11 =	vadd.s32 v11, v12;
	v7 =	vsub.f32 v16, v7;
	v16 =	vtrunc.f32 v2  }
0x21c: {  	s18 =	simm.s32 $0x1B030;
	s19 =	simm.s32 $0x17030;
	s20 =	simm.s32 $0x0;
	v5 =	vshll.u32 v5, $0x8;
	v62 =	vnsel vm4, $0x10000, v11;
	v63 =	vcvt.f32.s32 v16  }
0x21d: {  	s21 =	simm.s32 $0x1C860;
	s17 =	simm.s32 $0x17030;
	s15 =	simm.s32 $0x13030;
	v11 =	vcvt.s32.f32 v14;
	v12 =	vsub.f32 v17, v19;
	v16 =	vsub.f32 v15, v18  }
0x21e: {  	s16 =	simm.s32 $0x1B030;
	s22 =	simm.s32 $0x1D060;
	s23 =	simm.s32 $0x13070;
	v10 =	vshll.u32 v14, $0x8;
	[tilespmem:s15+$0xFFFFFFE0] =	vst v62;
	v14 =	vcvt.s32.f32 v63;
	v15 =	vshll.u32 v63, $0x8  }
.LBB2_12:
0x21f: {  	v17 =	vld [tilespmem:s21+$0xFFFFFFE0];
	s20 =	sadd.s32 $0x4, s20;
	vm1 =	vmand vm1, vm3;
	v16 =	vnsel vm6, $0x0, v16;
	v7 =	vnsel vm6, $0x0, v7;
	s18 =	sadd.s32 $0x40, s18;
	s19 =	sadd.s32 $0x40, s19  }
0x220: {  	v5 =	vadd.s32 v9, v5;
	v18 =	vld [tilespmem:s22+$0x10];
	p0 =	slt.u32 s20, $0x7C;
	vm1 =	vmand vm5, vm1;
	v2 =	vsub.f32 v2, v14  }
0x221: {  	v4 =	vsub.f32 v4, v11;
	v5 =	vnsel vm6, $0x10000, v5;
	v14 =	vld [tilespmem:s22+$0x0];
	v9 =	vnsel vm1, $0x0, v13  }
0x222: {  	v12 =	vnsel vm4, $0x0, v12;
	v8 =	vadd.s32 v8, v15;
	v11 =	vld [tilespmem:s22+$0xFFFFFFF0];
	v13 =	vnsel vm1, $0x0, v2;
	[tilespmem:s15+$0x0] =	vst v5  }
0x223: {  	vm0 =	vmand vm0, vm2;
	v6 =	vnsel vm4, $0x0, v6;
	v2 =	vnsel vm1, $0x10000, v8;
	v5 =	vld [tilespmem:s21+$0x0];
	[tilespmem:s17+$0x0] =	vst v16  }
0x224: {  	v3 =	vnsel vm0, $0x0, v3;
	v8 =	vld [tilespmem:s22+$0xFFFFFFE0];
	vm2 =	vlt.f32 v17, $2.560000000e+02;
	v15 =	vmax.f32 v17, $1.000000000e+00;
	[tilespmem:s15+$0xFFFFFFF0] =	vst v2  }
0x225: {  	v1 =	vadd.s32 v1, v10;
	vm4 =	vge.f32 v17, $0.0e+00;
	v15 =	vmin.f32 v15, $2.540000000e+02;
	v16 =	vld [tilespmem:s21+$0x10];
	[tilespmem:s16+$0x0] =	vst v7  }
0x226: {  	v4 =	vnsel vm0, $0x0, v4;
	v7 =	vtrunc.f32 v15;
	v2 =	vmax.f32 v14, $1.000000000e+00;
	[tilespmem:s17+$0xFFFFFFE0] =	vst v12  }
0x227: {  	v1 =	vnsel vm0, $0x10000, v1;
	v10 =	vld [tilespmem:s21+$0xFFFFFFF0];
	v12 =	vmax.f32 v11, $1.000000000e+00;
	v2 =	vmin.f32 v2, $2.540000000e+02;
	[tilespmem:s17+$0xFFFFFFF0] =	vst v9  }
0x228: {  	v9 =	vmin.f32 v12, $2.540000000e+02;
	vm3 =	vge.f32 v5, $0.0e+00;
	v12 =	vmax.f32 v5, $1.000000000e+00;
	[tilespmem:s15+$0xFFFFFFD0] =	vst v1;
	s15 =	smov.u32 s23  }
0x229: {  	v1 =	vcvt.f32.s32 v7;
	vm0 =	vlt.f32 v8, $2.560000000e+02;
	v7 =	vtrunc.f32 v9;
	[tilespmem:s17+$0xFFFFFFD0] =	vst v3;
	s17 =	smov.u32 s19  }
0x22a: {  	vm5 =	vge.f32 v18, $0.0e+00;
	vm1 =	vlt.f32 v5, $2.560000000e+02;
	v3 =	vmax.f32 v18, $1.000000000e+00;
	[tilespmem:s16+$0xFFFFFFF0] =	vst v13  }
0x22b: {  	v5 =	vcvt.s32.f32 v1;
	v13 =	vmax.f32 v16, $1.000000000e+00;
	v17 =	vmin.f32 v3, $2.540000000e+02;
	[tilespmem:s16+$0xFFFFFFD0] =	vst v4  }
0x22c: {  	v20 =	vcvt.f32.s32 v7;
	v4 =	vtrunc.f32 v17;
	v19 =	vmax.f32 v10, $1.000000000e+00;
	[tilespmem:s16+$0xFFFFFFE0] =	vst v6;
	s16 =	smov.u32 s18  }
0x22d: {  	v6 =	vmax.f32 v8, $1.000000000e+00;
	v3 =	vsub.f32 v15, v5;
	v4 =	vcvt.f32.s32 v4  }
0x22e: {  	vm6 =	vlt.f32 v18, $2.560000000e+02;
	v21 =	vmin.f32 v12, $2.540000000e+02;
	v15 =	vcvt.s32.f32 v20  }
0x22f: {  	vm7 =	vlt.f32 v10, $2.560000000e+02;
	v7 =	vcvt.s32.f32 v4;
	v5 =	vshll.u32 v4, $0x8  }
0x230: {  	vm8 =	vge.f32 v14, $0.0e+00;
	v12 =	vmin.f32 v13, $2.540000000e+02;
	v4 =	vmin.f32 v6, $2.540000000e+02  }
0x231: {  	vm9 =	vge.f32 v8, $0.0e+00;
	vm3 =	vmand vm3, vm8;
	v7 =	vsub.f32 v17, v7  }
0x232: {  	vm4 =	vmand vm4, vm9;
	vm8 =	vlt.f32 v16, $2.560000000e+02;
	v6 =	vtrunc.f32 v21  }
0x233: {  	vm9 =	vge.f32 v11, $0.0e+00;
	vm2 =	vmand vm2, vm4;
	vm4 =	vge.f32 v10, $0.0e+00  }
0x234: {  	v13 =	vtrunc.f32 v2;
	vm4 =	vmand vm4, vm9;
	v10 =	vmin.f32 v19, $2.540000000e+02  }
0x235: {  	v18 =	vtrunc.f32 v12;
	vm4 =	vmand vm7, vm4;
	v17 =	vtrunc.f32 v4  }
0x236: {  	v19 =	vtrunc.f32 v10;
	vm7 =	vge.f32 v16, $0.0e+00;
	v8 =	vcvt.f32.s32 v6  }
0x237: {  	v6 =	vsub.f32 v9, v15;
	vm7 =	vmand vm7, vm5;
	v9 =	vcvt.f32.s32 v18  }
0x238: {  	vm5 =	vlt.f32 v14, $2.560000000e+02;
	v15 =	vcvt.f32.s32 v17;
	v14 =	vcvt.s32.f32 v8  }
0x239: {  	vm9 =	vlt.f32 v11, $2.560000000e+02;
	v11 =	vcvt.f32.s32 v19;
	vm7 =	vmand vm8, vm7  }
.Ltmp5:
0x23a: {  	v16 =	vshll.u32 v20, $0x8;
	vm6 =	vmand vm6, vm7;
	v17 =	vcvt.s32.f32 v9;
	(pc) =	sbr.rel @p0 .LBB2_12-.Ltmp5, $4  }
0x23b: {  	vm4 =	vmand vm9, vm4;
	v18 =	vcvt.s32.f32 v11;
	v11 =	vadd.s32 v11, v16  }
0x23c: {  	v20 =	vcvt.f32.s32 v13;
	v19 =	vnsel vm4, $0x10000, v11;
	v16 =	vsub.f32 v12, v17  }
0x23d: {  	v11 =	vcvt.s32.f32 v15;
	v12 =	vsub.f32 v10, v18;
	v13 =	vsub.f32 v21, v14  }
0x23e: {  	s22 =	sadd.s32 $0x40, s22;
	s21 =	sadd.s32 $0x40, s21;
	s23 =	sadd.s32 $0x40, s23;
	v10 =	vshll.u32 v15, $0x8;
	v14 =	vcvt.s32.f32 v20;
	v15 =	vshll.u32 v20, $0x8;
	[tilespmem:s15+$0xFFFFFFE0] =	vst v19  }
0x23f: {  	v5 =	vadd.s32 v9, v5  }
0x240: {  	vm0 =	vmand vm0, vm2;
	v1 =	vadd.s32 v1, v10;
	v5 =	vnsel vm6, $0x10000, v5  }
0x241: {  	vm1 =	vmand vm1, vm3;
	v1 =	vnsel vm0, $0x10000, v1;
	[tilespmem:s15+$0x0] =	vst v5  }
0x242: {  	v9 =	vnsel vm6, $0x0, v16;
	v8 =	vadd.s32 v8, v15;
	vm1 =	vmand vm5, vm1;
	[tilespmem:s15+$0xFFFFFFD0] =	vst v1  }
0x243: {  	v5 =	vnsel vm1, $0x10000, v8;
	[tilespmem:s17+$0x0] =	vst v9  }
0x244: {  	v3 =	vnsel vm0, $0x0, v3;
	[tilespmem:s15+$0xFFFFFFF0] =	vst v5  }
0x245: {  	v7 =	vnsel vm6, $0x0, v7;
	v4 =	vsub.f32 v4, v11;
	v2 =	vsub.f32 v2, v14;
	[tilespmem:s17+$0xFFFFFFD0] =	vst v3  }
0x246: {  	v5 =	vnsel vm4, $0x0, v12;
	[tilespmem:s16+$0x0] =	vst v7  }
0x247: {  	v1 =	vnsel vm1, $0x0, v2;
	v2 =	vnsel vm0, $0x0, v4;
	[tilespmem:s17+$0xFFFFFFE0] =	vst v5  }
0x248: {  	v7 =	vnsel vm1, $0x0, v13;
	[tilespmem:s16+$0xFFFFFFD0] =	vst v2  }
0x249: {  	[tilespmem:s17+$0xFFFFFFF0] =	vst v7  }
0x24a: {  	[tilespmem:s16+$0xFFFFFFF0] =	vst v1;
	v1 =	vnsel vm4, $0x0, v6  }
0x24b: {  	[tilespmem:s16+$0xFFFFFFE0] =	vst v1  }
0x24c: {  	s15 =	rddreg [dreg:$0x11]  }
0x24d: {  	[tilespmem:s0], [sflag:$0x4] =	stream.strided.gather [hbm4b:s15+s30], $0x800, s31, s30, $0x38;
	[tilespmem:$0x1F800] =	vst v63  }
0x24e: {  	_ =	swait.ge [sflag:s1], $0x800  }
0x24f: {  	[sflag:s1] =	ssyncset.done $0x0  }
0x250: {  	s22 =	rddreg [dreg:$0x12];
	[sflag:s1] =	ssyncadd.s32 $0xFFFFF800  }
0x251: {  	[tilespmem:s7], [sflag:$0x4] =	stream.strided.gather [hbm4b:s22+s30], $0x800, s31, s30, $0x38;
	[tilespmem:$0x1F800] =	vst v63  }
0x252: {  	_ =	swait.ge [sflag:s1], $0x800  }
0x253: {  	[sflag:s1] =	ssyncset.done $0x0  }
0x254: {  	s23 =	simm.s32 $0x1C820;
	[sflag:s1] =	ssyncadd.s32 $0xFFFFF800  }
0x255: {  	s25 =	simm.s32 $0x1D020;
	v1 =	vld [tilespmem:s23+$0xFFFFFFE0]  }
0x256: {  	v10 =	vld [tilespmem:s25+$0x0]  }
0x257: {  	v11 =	vld [tilespmem:s25+$0xFFFFFFF0]  }
0x258: {  	v3 =	vld [tilespmem:s23+$0x0]  }
0x259: {  	v6 =	vld [tilespmem:s25+$0xFFFFFFE0]  }
0x25a: {  	v4 =	vld [tilespmem:s25+$0x10]  }
0x25b: {  	v9 =	vld [tilespmem:s23+$0x10]  }
0x25c: {  	v8 =	vld [tilespmem:s23+$0xFFFFFFF0]  }
0x25d: {  	vm2 =	vlt.f32 v1, $2.560000000e+02;
	v2 =	vmax.f32 v1, $1.000000000e+00  }
0x25e: {  	vm5 =	vge.f32 v1, $0.0e+00;
	v1 =	vmax.f32 v10, $1.000000000e+00;
	v12 =	vmax.f32 v11, $1.000000000e+00  }
0x25f: {  	vm3 =	vge.f32 v3, $0.0e+00;
	v13 =	vmax.f32 v3, $1.000000000e+00;
	vm0 =	vlt.f32 v6, $2.560000000e+02  }
0x260: {  	vm1 =	vlt.f32 v3, $2.560000000e+02;
	vm4 =	vge.f32 v4, $0.0e+00;
	v3 =	vmax.f32 v4, $1.000000000e+00  }
0x261: {  	v15 =	vmax.f32 v9, $1.000000000e+00;
	v17 =	vmax.f32 v8, $1.000000000e+00;
	v19 =	vmax.f32 v6, $1.000000000e+00  }
0x262: {  	vm6 =	vlt.f32 v4, $2.560000000e+02;
	vm7 =	vlt.f32 v8, $2.560000000e+02;
	vm8 =	vge.f32 v10, $0.0e+00  }
0x263: {  	vm9 =	vge.f32 v6, $0.0e+00;
	vm14 =	vge.f32 v11, $0.0e+00;
	vm15 =	vlt.f32 v11, $2.560000000e+02  }
0x264: {  	v5 =	vmin.f32 v2, $2.540000000e+02;
	v2 =	vmin.f32 v1, $2.540000000e+02;
	v12 =	vmin.f32 v12, $2.540000000e+02  }
0x265: {  	v16 =	vmin.f32 v3, $2.540000000e+02;
	v13 =	vmin.f32 v13, $2.540000000e+02;
	v4 =	vmin.f32 v19, $2.540000000e+02  }
0x266: {  	v15 =	vmin.f32 v15, $2.540000000e+02;
	vm3 =	vmand vm3, vm8;
	vm5 =	vmand vm5, vm9  }
0x267: {  	vm8 =	vlt.f32 v9, $2.560000000e+02;
	v7 =	vtrunc.f32 v5;
	v6 =	vtrunc.f32 v13  }
0x268: {  	v17 =	vmin.f32 v17, $2.540000000e+02;
	v19 =	vtrunc.f32 v4;
	v20 =	vtrunc.f32 v15  }
0x269: {  	vm2 =	vmand vm2, vm5;
	v21 =	vtrunc.f32 v17;
	v1 =	vcvt.f32.s32 v7  }
0x26a: {  	vm5 =	vge.f32 v8, $0.0e+00;
	v7 =	vtrunc.f32 v12;
	v8 =	vcvt.f32.s32 v6  }
0x26b: {  	vm5 =	vmand vm5, vm14;
	v11 =	vcvt.f32.s32 v21;
	v18 =	vcvt.f32.s32 v7  }
0x26c: {  	v7 =	vtrunc.f32 v16;
	vm7 =	vmand vm7, vm5;
	vm5 =	vge.f32 v9, $0.0e+00  }
0x26d: {  	v9 =	vcvt.f32.s32 v20;
	v14 =	vcvt.s32.f32 v1;
	vm4 =	vmand vm5, vm4  }
0x26e: {  	vm5 =	vlt.f32 v10, $2.560000000e+02;
	v10 =	vcvt.s32.f32 v8;
	vm4 =	vmand vm8, vm4  }
0x26f: {  	v3 =	vsub.f32 v5, v14;
	v5 =	vcvt.f32.s32 v7;
	v14 =	vcvt.s32.f32 v18  }
0x270: {  	vm6 =	vmand vm6, vm4;
	vm4 =	vmand vm15, vm7;
	v13 =	vsub.f32 v13, v10  }
0x271: {  	v7 =	vcvt.s32.f32 v5;
	v6 =	vsub.f32 v12, v14;
	v14 =	vcvt.f32.s32 v19  }
0x272: {  	v12 =	vshll.u32 v18, $0x8;
	v18 =	vcvt.s32.f32 v9;
	v19 =	vcvt.s32.f32 v11  }
0x273: {  	v11 =	vadd.s32 v11, v12;
	v7 =	vsub.f32 v16, v7;
	v16 =	vtrunc.f32 v2  }
0x274: {  	s18 =	simm.s32 $0x1B830;
	s19 =	simm.s32 $0x17830;
	s20 =	simm.s32 $0x0;
	v5 =	vshll.u32 v5, $0x8;
	v62 =	vnsel vm4, $0x10000, v11;
	v63 =	vcvt.f32.s32 v16  }
0x275: {  	s21 =	simm.s32 $0x1C860;
	s17 =	simm.s32 $0x17830;
	s15 =	simm.s32 $0x13830;
	v11 =	vcvt.s32.f32 v14;
	v12 =	vsub.f32 v17, v19;
	v16 =	vsub.f32 v15, v18  }
0x276: {  	s16 =	simm.s32 $0x1B830;
	s22 =	simm.s32 $0x1D060;
	s23 =	simm.s32 $0x13870;
	v10 =	vshll.u32 v14, $0x8;
	[tilespmem:s15+$0xFFFFFFE0] =	vst v62;
	v14 =	vcvt.s32.f32 v63;
	v15 =	vshll.u32 v63, $0x8  }
.LBB2_14:
0x277: {  	v17 =	vld [tilespmem:s21+$0xFFFFFFE0];
	s20 =	sadd.s32 $0x4, s20;
	vm1 =	vmand vm1, vm3;
	v16 =	vnsel vm6, $0x0, v16;
	v7 =	vnsel vm6, $0x0, v7;
	s18 =	sadd.s32 $0x40, s18;
	s19 =	sadd.s32 $0x40, s19  }
0x278: {  	v5 =	vadd.s32 v9, v5;
	v18 =	vld [tilespmem:s22+$0x10];
	p0 =	slt.u32 s20, $0x7C;
	vm1 =	vmand vm5, vm1;
	v2 =	vsub.f32 v2, v14  }
0x279: {  	v4 =	vsub.f32 v4, v11;
	v5 =	vnsel vm6, $0x10000, v5;
	v14 =	vld [tilespmem:s22+$0x0];
	v9 =	vnsel vm1, $0x0, v13  }
0x27a: {  	v12 =	vnsel vm4, $0x0, v12;
	v8 =	vadd.s32 v8, v15;
	v11 =	vld [tilespmem:s22+$0xFFFFFFF0];
	v13 =	vnsel vm1, $0x0, v2;
	[tilespmem:s15+$0x0] =	vst v5  }
0x27b: {  	vm0 =	vmand vm0, vm2;
	v6 =	vnsel vm4, $0x0, v6;
	v2 =	vnsel vm1, $0x10000, v8;
	v5 =	vld [tilespmem:s21+$0x0];
	[tilespmem:s17+$0x0] =	vst v16  }
0x27c: {  	v3 =	vnsel vm0, $0x0, v3;
	v8 =	vld [tilespmem:s22+$0xFFFFFFE0];
	vm2 =	vlt.f32 v17, $2.560000000e+02;
	v15 =	vmax.f32 v17, $1.000000000e+00;
	[tilespmem:s15+$0xFFFFFFF0] =	vst v2  }
0x27d: {  	v1 =	vadd.s32 v1, v10;
	vm4 =	vge.f32 v17, $0.0e+00;
	v15 =	vmin.f32 v15, $2.540000000e+02;
	v16 =	vld [tilespmem:s21+$0x10];
	[tilespmem:s16+$0x0] =	vst v7  }
0x27e: {  	v4 =	vnsel vm0, $0x0, v4;
	v7 =	vtrunc.f32 v15;
	v2 =	vmax.f32 v14, $1.000000000e+00;
	[tilespmem:s17+$0xFFFFFFE0] =	vst v12  }
0x27f: {  	v1 =	vnsel vm0, $0x10000, v1;
	v10 =	vld [tilespmem:s21+$0xFFFFFFF0];
	v12 =	vmax.f32 v11, $1.000000000e+00;
	v2 =	vmin.f32 v2, $2.540000000e+02;
	[tilespmem:s17+$0xFFFFFFF0] =	vst v9  }
0x280: {  	v9 =	vmin.f32 v12, $2.540000000e+02;
	vm3 =	vge.f32 v5, $0.0e+00;
	v12 =	vmax.f32 v5, $1.000000000e+00;
	[tilespmem:s15+$0xFFFFFFD0] =	vst v1;
	s15 =	smov.u32 s23  }
0x281: {  	v1 =	vcvt.f32.s32 v7;
	vm0 =	vlt.f32 v8, $2.560000000e+02;
	v7 =	vtrunc.f32 v9;
	[tilespmem:s17+$0xFFFFFFD0] =	vst v3;
	s17 =	smov.u32 s19  }
0x282: {  	vm5 =	vge.f32 v18, $0.0e+00;
	vm1 =	vlt.f32 v5, $2.560000000e+02;
	v3 =	vmax.f32 v18, $1.000000000e+00;
	[tilespmem:s16+$0xFFFFFFF0] =	vst v13  }
0x283: {  	v5 =	vcvt.s32.f32 v1;
	v13 =	vmax.f32 v16, $1.000000000e+00;
	v17 =	vmin.f32 v3, $2.540000000e+02;
	[tilespmem:s16+$0xFFFFFFD0] =	vst v4  }
0x284: {  	v20 =	vcvt.f32.s32 v7;
	v4 =	vtrunc.f32 v17;
	v19 =	vmax.f32 v10, $1.000000000e+00;
	[tilespmem:s16+$0xFFFFFFE0] =	vst v6;
	s16 =	smov.u32 s18  }
0x285: {  	v6 =	vmax.f32 v8, $1.000000000e+00;
	v3 =	vsub.f32 v15, v5;
	v4 =	vcvt.f32.s32 v4  }
0x286: {  	vm6 =	vlt.f32 v18, $2.560000000e+02;
	v21 =	vmin.f32 v12, $2.540000000e+02;
	v15 =	vcvt.s32.f32 v20  }
0x287: {  	vm7 =	vlt.f32 v10, $2.560000000e+02;
	v7 =	vcvt.s32.f32 v4;
	v5 =	vshll.u32 v4, $0x8  }
0x288: {  	vm8 =	vge.f32 v14, $0.0e+00;
	v12 =	vmin.f32 v13, $2.540000000e+02;
	v4 =	vmin.f32 v6, $2.540000000e+02  }
0x289: {  	vm9 =	vge.f32 v8, $0.0e+00;
	vm3 =	vmand vm3, vm8;
	v7 =	vsub.f32 v17, v7  }
0x28a: {  	vm4 =	vmand vm4, vm9;
	vm8 =	vlt.f32 v16, $2.560000000e+02;
	v6 =	vtrunc.f32 v21  }
0x28b: {  	vm9 =	vge.f32 v11, $0.0e+00;
	vm2 =	vmand vm2, vm4;
	vm4 =	vge.f32 v10, $0.0e+00  }
0x28c: {  	v13 =	vtrunc.f32 v2;
	vm4 =	vmand vm4, vm9;
	v10 =	vmin.f32 v19, $2.540000000e+02  }
0x28d: {  	v18 =	vtrunc.f32 v12;
	vm4 =	vmand vm7, vm4;
	v17 =	vtrunc.f32 v4  }
0x28e: {  	v19 =	vtrunc.f32 v10;
	vm7 =	vge.f32 v16, $0.0e+00;
	v8 =	vcvt.f32.s32 v6  }
0x28f: {  	v6 =	vsub.f32 v9, v15;
	vm7 =	vmand vm7, vm5;
	v9 =	vcvt.f32.s32 v18  }
0x290: {  	vm5 =	vlt.f32 v14, $2.560000000e+02;
	v15 =	vcvt.f32.s32 v17;
	v14 =	vcvt.s32.f32 v8  }
0x291: {  	vm9 =	vlt.f32 v11, $2.560000000e+02;
	v11 =	vcvt.f32.s32 v19;
	vm7 =	vmand vm8, vm7  }
.Ltmp6:
0x292: {  	v16 =	vshll.u32 v20, $0x8;
	vm6 =	vmand vm6, vm7;
	v17 =	vcvt.s32.f32 v9;
	(pc) =	sbr.rel @p0 .LBB2_14-.Ltmp6, $4  }
0x293: {  	vm4 =	vmand vm9, vm4;
	v18 =	vcvt.s32.f32 v11;
	v11 =	vadd.s32 v11, v16  }
0x294: {  	v20 =	vcvt.f32.s32 v13;
	v19 =	vnsel vm4, $0x10000, v11;
	v16 =	vsub.f32 v12, v17  }
0x295: {  	v11 =	vcvt.s32.f32 v15;
	v12 =	vsub.f32 v10, v18;
	v13 =	vsub.f32 v21, v14  }
0x296: {  	s22 =	sadd.s32 $0x40, s22;
	s21 =	sadd.s32 $0x40, s21;
	s23 =	sadd.s32 $0x40, s23;
	v10 =	vshll.u32 v15, $0x8;
	v14 =	vcvt.s32.f32 v20;
	v15 =	vshll.u32 v20, $0x8;
	[tilespmem:s15+$0xFFFFFFE0] =	vst v19  }
0x297: {  	v5 =	vadd.s32 v9, v5  }
0x298: {  	vm0 =	vmand vm0, vm2;
	v1 =	vadd.s32 v1, v10;
	v5 =	vnsel vm6, $0x10000, v5  }
0x299: {  	vm1 =	vmand vm1, vm3;
	v1 =	vnsel vm0, $0x10000, v1;
	[tilespmem:s15+$0x0] =	vst v5  }
0x29a: {  	v9 =	vnsel vm6, $0x0, v16;
	v8 =	vadd.s32 v8, v15;
	vm1 =	vmand vm5, vm1;
	[tilespmem:s15+$0xFFFFFFD0] =	vst v1  }
0x29b: {  	v5 =	vnsel vm1, $0x10000, v8;
	[tilespmem:s17+$0x0] =	vst v9  }
0x29c: {  	v3 =	vnsel vm0, $0x0, v3;
	[tilespmem:s15+$0xFFFFFFF0] =	vst v5  }
0x29d: {  	v7 =	vnsel vm6, $0x0, v7;
	v4 =	vsub.f32 v4, v11;
	v2 =	vsub.f32 v2, v14;
	[tilespmem:s17+$0xFFFFFFD0] =	vst v3  }
0x29e: {  	v5 =	vnsel vm4, $0x0, v12;
	[tilespmem:s16+$0x0] =	vst v7  }
0x29f: {  	v1 =	vnsel vm1, $0x0, v2;
	v2 =	vnsel vm0, $0x0, v4;
	[tilespmem:s17+$0xFFFFFFE0] =	vst v5  }
0x2a0: {  	v7 =	vnsel vm1, $0x0, v13;
	[tilespmem:s16+$0xFFFFFFD0] =	vst v2  }
0x2a1: {  	[tilespmem:s17+$0xFFFFFFF0] =	vst v7  }
0x2a2: {  	[tilespmem:s16+$0xFFFFFFF0] =	vst v1;
	v1 =	vnsel vm4, $0x0, v6  }
0x2a3: {  	[tilespmem:s16+$0xFFFFFFE0] =	vst v1  }
0x2a4: {  	s15 =	rddreg [dreg:$0x13]  }
0x2a5: {  	[tilespmem:s0], [sflag:$0x4] =	stream.strided.gather [hbm4b:s15+s30], $0x800, s31, s30, $0x38;
	[tilespmem:$0x1F800] =	vst v63  }
0x2a6: {  	_ =	swait.ge [sflag:s1], $0x800  }
0x2a7: {  	[sflag:s1] =	ssyncset.done $0x0  }
0x2a8: {  	s22 =	rddreg [dreg:$0x14];
	[sflag:s1] =	ssyncadd.s32 $0xFFFFF800  }
0x2a9: {  	[tilespmem:s7], [sflag:$0x4] =	stream.strided.gather [hbm4b:s22+s30], $0x800, s31, s30, $0x38;
	[tilespmem:$0x1F800] =	vst v63  }
0x2aa: {  	_ =	swait.ge [sflag:s1], $0x800  }
0x2ab: {  	[sflag:s1] =	ssyncset.done $0x0  }
0x2ac: {  	s23 =	simm.s32 $0x1C820;
	[sflag:s1] =	ssyncadd.s32 $0xFFFFF800  }
0x2ad: {  	s25 =	simm.s32 $0x1D020;
	v2 =	vld [tilespmem:s23+$0xFFFFFFF0]  }
0x2ae: {  	v6 =	vld [tilespmem:s25+$0x0]  }
0x2af: {  	v9 =	vld [tilespmem:s25+$0x10]  }
0x2b0: {  	v3 =	vld [tilespmem:s23+$0xFFFFFFE0]  }
0x2b1: {  	v10 =	vld [tilespmem:s25+$0xFFFFFFE0]  }
0x2b2: {  	v1 =	vld [tilespmem:s25+$0xFFFFFFF0]  }
0x2b3: {  	v12 =	vld [tilespmem:s23+$0x10]  }
0x2b4: {  	v61 =	vld [tilespmem:s23+$0x0];
	vm0 =	vge.f32 v2, $0.0e+00;
	v4 =	vmax.f32 v2, $1.000000000e+00  }
0x2b5: {  	vm1 =	vlt.f32 v2, $2.560000000e+02;
	v2 =	vmax.f32 v9, $1.000000000e+00;
	vm2 =	vge.f32 v9, $0.0e+00  }
0x2b6: {  	vm3 =	vge.f32 v3, $0.0e+00;
	vm4 =	vlt.f32 v3, $2.560000000e+02;
	vm5 =	vge.f32 v10, $0.0e+00  }
0x2b7: {  	v7 =	vmax.f32 v1, $1.000000000e+00;
	v8 =	vmax.f32 v3, $1.000000000e+00;
	v14 =	vmax.f32 v10, $1.000000000e+00  }
0x2b8: {  	vm6 =	vlt.f32 v6, $2.560000000e+02;
	vm7 =	vlt.f32 v12, $2.560000000e+02;
	vm8 =	vlt.f32 v9, $2.560000000e+02  }
0x2b9: {  	vm9 =	vge.f32 v61, $0.0e+00;
	v4 =	vmin.f32 v4, $2.540000000e+02;
	v11 =	vmin.f32 v2, $2.540000000e+02  }
0x2ba: {  	vm3 =	vmand vm3, vm5;
	vm5 =	vge.f32 v6, $0.0e+00;
	v5 =	vtrunc.f32 v4  }
0x2bb: {  	vm3 =	vmand vm4, vm3;
	vm4 =	vge.f32 v12, $0.0e+00;
	vm5 =	vmand vm9, vm5  }
0x2bc: {  	v2 =	vcvt.f32.s32 v5;
	v5 =	vmax.f32 v6, $1.000000000e+00;
	v6 =	vtrunc.f32 v11  }
0x2bd: {  	vm4 =	vmand vm4, vm2;
	vm2 =	vlt.f32 v10, $2.560000000e+02;
	v10 =	vmax.f32 v61, $1.000000000e+00  }
0x2be: {  	v13 =	vmin.f32 v5, $2.540000000e+02;
	v6 =	vcvt.f32.s32 v6;
	vm2 =	vmand vm2, vm3  }
0x2bf: {  	vm3 =	vlt.f32 v61, $2.560000000e+02;
	v10 =	vmin.f32 v10, $2.540000000e+02;
	v5 =	vtrunc.f32 v13  }
0x2c0: {  	vm4 =	vmand vm7, vm4;
	v3 =	vcvt.s32.f32 v2;
	v15 =	vcvt.f32.s32 v5  }
0x2c1: {  	vm3 =	vmand vm3, vm5;
	vm4 =	vmand vm8, vm4;
	vm5 =	vlt.f32 v1, $2.560000000e+02  }
0x2c2: {  	v5 =	vmin.f32 v8, $2.540000000e+02;
	v3 =	vsub.f32 v4, v3;
	v8 =	vcvt.s32.f32 v15  }
0x2c3: {  	v17 =	vtrunc.f32 v5;
	v18 =	vshll.u32 v15, $0x8;
	v15 =	vmax.f32 v12, $1.000000000e+00  }
0x2c4: {  	v12 =	vcvt.s32.f32 v6;
	v15 =	vmin.f32 v15, $2.540000000e+02;
	v8 =	vsub.f32 v13, v8  }
0x2c5: {  	v13 =	vshll.u32 v6, $0x8;
	v6 =	vmin.f32 v14, $2.540000000e+02;
	v14 =	vtrunc.f32 v15  }
0x2c6: {  	v4 =	vmin.f32 v7, $2.540000000e+02;
	v9 =	vcvt.f32.s32 v14;
	v14 =	vtrunc.f32 v10  }
0x2c7: {  	v11 =	vsub.f32 v11, v12;
	v12 =	vtrunc.f32 v6;
	v14 =	vcvt.f32.s32 v14  }
0x2c8: {  	vm3 =	vmand vm6, vm3;
	v7 =	vtrunc.f32 v4;
	v19 =	vcvt.f32.s32 v12  }
0x2c9: {  	v62 =	vcvt.s32.f32 v9;
	v9 =	vadd.s32 v9, v13;
	v20 =	vcvt.s32.f32 v14  }
0x2ca: {  	v17 =	vcvt.f32.s32 v17;
	v13 =	vadd.s32 v14, v18;
	v9 =	vnsel vm4, $0x10000, v9  }
0x2cb: {  	s19 =	simm.s32 $0x1C030;
	s20 =	simm.s32 $0x0;
	s17 =	simm.s32 $0x14030;
	v14 =	vshll.u32 v19, $0x8;
	v12 =	vsub.f32 v15, v62;
	v15 =	vsub.f32 v10, v20  }
0x2cc: {  	s21 =	simm.s32 $0x1C860;
	s18 =	simm.s32 $0x1C030;
	s16 =	simm.s32 $0x18030;
	v63 =	vnsel vm3, $0x10000, v13;
	[tilespmem:s17+$0x0] =	vst v9;
	v13 =	vcvt.s32.f32 v17;
	v9 =	vcvt.s32.f32 v19  }
0x2cd: {  	s22 =	simm.s32 $0x1D060;
	s23 =	simm.s32 $0x14070;
	s25 =	simm.s32 $0x18030;
	v10 =	vnsel vm4, $0x0, v11;
	v11 =	vadd.s32 v17, v14;
	[tilespmem:s17+$0xFFFFFFF0] =	vst v63;
	v14 =	vnsel vm3, $0x0, v15  }
.LBB2_16:
0x2ce: {  	v15 =	vld [tilespmem:s21+$0xFFFFFFF0];
	s20 =	sadd.s32 $0x4, s20;
	vm6 =	vge.f32 v1, $0.0e+00;
	v1 =	vcvt.f32.s32 v7;
	[tilespmem:s16+$0xFFFFFFF0] =	vst v14;
	v7 =	vnsel vm4, $0x0, v12;
	s19 =	sadd.s32 $0x40, s19;
	s25 =	sadd.s32 $0x40, s25  }
0x2cf: {  	v5 =	vsub.f32 v5, v13;
	v8 =	vnsel vm3, $0x0, v8;
	v12 =	vld [tilespmem:s22+$0x0];
	p0 =	slt.u32 s20, $0x7C;
	vm0 =	vmand vm0, vm6  }
0x2d0: {  	v13 =	vld [tilespmem:s22+$0x10];
	vm0 =	vmand vm1, vm0;
	v14 =	vcvt.s32.f32 v1;
	v1 =	vshll.u32 v1, $0x8;
	[tilespmem:s16+$0x0] =	vst v7  }
0x2d1: {  	v5 =	vnsel vm2, $0x0, v5;
	v7 =	vld [tilespmem:s21+$0xFFFFFFE0];
	vm3 =	vmand vm5, vm0;
	v2 =	vadd.s32 v2, v1;
	[tilespmem:s18+$0xFFFFFFF0] =	vst v8  }
0x2d2: {  	v8 =	vnsel vm2, $0x10000, v11;
	v1 =	vld [tilespmem:s22+$0xFFFFFFF0];
	v4 =	vsub.f32 v4, v14;
	v2 =	vnsel vm3, $0x10000, v2;
	[tilespmem:s18+$0x0] =	vst v10  }
0x2d3: {  	v10 =	vld [tilespmem:s22+$0xFFFFFFE0];
	vm0 =	vge.f32 v15, $0.0e+00;
	v11 =	vmax.f32 v15, $1.000000000e+00;
	[tilespmem:s17+$0xFFFFFFE0] =	vst v2;
	v2 =	vnsel vm3, $0x0, v3  }
0x2d4: {  	vm1 =	vlt.f32 v15, $2.560000000e+02;
	v3 =	vsub.f32 v6, v9;
	v14 =	vld [tilespmem:s21+$0x10];
	[tilespmem:s17+$0xFFFFFFD0] =	vst v8;
	v4 =	vnsel vm3, $0x0, v4;
	s17 =	smov.u32 s23  }
0x2d5: {  	v6 =	vmin.f32 v11, $2.540000000e+02;
	vm3 =	vge.f32 v13, $0.0e+00;
	v8 =	vmax.f32 v13, $1.000000000e+00;
	[tilespmem:s16+$0xFFFFFFD0] =	vst v5  }
0x2d6: {  	v5 =	vtrunc.f32 v6;
	v3 =	vnsel vm2, $0x0, v3;
	v9 =	vmin.f32 v8, $2.540000000e+02;
	[tilespmem:s16+$0xFFFFFFE0] =	vst v2;
	s16 =	smov.u32 s25  }
0x2d7: {  	vm2 =	vge.f32 v7, $0.0e+00;
	vm4 =	vlt.f32 v7, $2.560000000e+02;
	v2 =	vcvt.f32.s32 v5;
	[tilespmem:s18+$0xFFFFFFE0] =	vst v4  }
0x2d8: {  	v5 =	vmax.f32 v12, $1.000000000e+00;
	v4 =	vmax.f32 v1, $1.000000000e+00;
	vm5 =	vge.f32 v10, $0.0e+00;
	[tilespmem:s18+$0xFFFFFFD0] =	vst v3;
	s18 =	smov.u32 s19  }
0x2d9: {  	v7 =	vmax.f32 v7, $1.000000000e+00;
	v8 =	vmin.f32 v5, $2.540000000e+02;
	v3 =	vcvt.s32.f32 v2  }
0x2da: {  	v11 =	vmax.f32 v10, $1.000000000e+00;
	v5 =	vtrunc.f32 v8;
	vm2 =	vmand vm2, vm5  }
0x2db: {  	vm2 =	vmand vm4, vm2;
	v3 =	vsub.f32 v6, v3;
	v6 =	vcvt.f32.s32 v5  }
0x2dc: {  	v4 =	vmin.f32 v4, $2.540000000e+02;
	vm6 =	vge.f32 v14, $0.0e+00;
	v5 =	vmin.f32 v7, $2.540000000e+02;
	v15 =	vld [tilespmem:s21+$0x0]  }
0x2dd: {  	vm5 =	vge.f32 v12, $0.0e+00;
	v16 =	vtrunc.f32 v5;
	v17 =	vshll.u32 v6, $0x8  }
0x2de: {  	v18 =	vmax.f32 v14, $1.000000000e+00;
	v7 =	vtrunc.f32 v4;
	v6 =	vcvt.s32.f32 v6  }
0x2df: {  	vm4 =	vlt.f32 v12, $2.560000000e+02;
	v12 =	vmin.f32 v18, $2.540000000e+02;
	v18 =	vtrunc.f32 v9  }
0x2e0: {  	vm6 =	vmand vm6, vm3;
	v8 =	vsub.f32 v8, v6;
	v6 =	vcvt.f32.s32 v18  }
0x2e1: {  	vm7 =	vlt.f32 v14, $2.560000000e+02;
	vm3 =	vlt.f32 v10, $2.560000000e+02;
	v10 =	vmax.f32 v15, $1.000000000e+00  }
0x2e2: {  	vm2 =	vmand vm3, vm2;
	v14 =	vcvt.s32.f32 v6;
	v18 =	vshll.u32 v6, $0x8  }
0x2e3: {  	v6 =	vmin.f32 v11, $2.540000000e+02;
	v11 =	vtrunc.f32 v12;
	vm3 =	vlt.f32 v15, $2.560000000e+02  }
0x2e4: {  	vm8 =	vlt.f32 v13, $2.560000000e+02;
	v10 =	vmin.f32 v10, $2.540000000e+02;
	v14 =	vsub.f32 v9, v14  }
0x2e5: {  	v16 =	vcvt.f32.s32 v16;
	vm9 =	vge.f32 v15, $0.0e+00;
	v9 =	vcvt.f32.s32 v11  }
0x2e6: {  	v11 =	vtrunc.f32 v6;
	vm5 =	vmand vm9, vm5;
	v13 =	vtrunc.f32 v10  }
0x2e7: {  	vm3 =	vmand vm3, vm5;
	v13 =	vcvt.f32.s32 v13;
	v15 =	vcvt.s32.f32 v9  }
0x2e8: {  	v11 =	vcvt.f32.s32 v11;
	vm3 =	vmand vm4, vm3;
	vm4 =	vmand vm7, vm6  }
.Ltmp7:
0x2e9: {  	v9 =	vadd.s32 v9, v18;
	vm4 =	vmand vm8, vm4;
	v19 =	vcvt.s32.f32 v13;
	(pc) =	sbr.rel @p0 .LBB2_16-.Ltmp7, $4  }
0x2ea: {  	v13 =	vadd.s32 v13, v17;
	v12 =	vsub.f32 v12, v15;
	v9 =	vnsel vm4, $0x10000, v9  }
0x2eb: {  	v15 =	vshll.u32 v11, $0x8;
	v18 =	vnsel vm3, $0x10000, v13;
	v17 =	vsub.f32 v10, v19;
	[tilespmem:s23+$0x0] =	vst v9  }
0x2ec: {  	s15 =	simm.s32 $0x0;
	v13 =	vcvt.s32.f32 v16;
	v10 =	vnsel vm4, $0x0, v14;
	v9 =	vcvt.s32.f32 v11  }
0x2ed: {  	s22 =	sadd.s32 $0x40, s22;
	s21 =	sadd.s32 $0x40, s21;
	vm5 =	vlt.f32 v1, $2.560000000e+02;
	v14 =	vnsel vm3, $0x0, v17;
	v11 =	vadd.s32 v16, v15;
	s23 =	sadd.s32 $0x40, s23;
	[tilespmem:s17+$0xFFFFFFF0] =	vst v18  }
0x2ee: {  	vm6 =	vge.f32 v1, $0.0e+00;
	v1 =	vcvt.f32.s32 v7;
	[tilespmem:s16+$0xFFFFFFF0] =	vst v14;
	v60 =	vnsel vm4, $0x0, v12  }
0x2ef: {  	v8 =	vnsel vm3, $0x0, v8;
	v5 =	vsub.f32 v5, v13;
	vm0 =	vmand vm0, vm6;
	[tilespmem:s16+$0x0] =	vst v60  }
0x2f0: {  	v62 =	vnsel vm2, $0x10000, v11;
	[tilespmem:s18+$0xFFFFFFF0] =	vst v8;
	vm0 =	vmand vm1, vm0;
	v61 =	vshll.u32 v1, $0x8  }
0x2f1: {  	[tilespmem:s17+$0xFFFFFFD0] =	vst v62;
	v1 =	vcvt.s32.f32 v1;
	vm0 =	vmand vm5, vm0;
	v2 =	vadd.s32 v2, v61  }
0x2f2: {  	[tilespmem:s18+$0x0] =	vst v10;
	v2 =	vnsel vm0, $0x10000, v2  }
0x2f3: {  	v1 =	vsub.f32 v4, v1;
	[tilespmem:s17+$0xFFFFFFE0] =	vst v2;
	v2 =	vnsel vm2, $0x0, v5  }
0x2f4: {  	v63 =	vsub.f32 v6, v9;
	v3 =	vnsel vm0, $0x0, v3;
	[tilespmem:s16+$0xFFFFFFD0] =	vst v2  }
0x2f5: {  	v1 =	vnsel vm0, $0x0, v1;
	[tilespmem:s16+$0xFFFFFFE0] =	vst v3  }
0x2f6: {  	v2 =	vnsel vm2, $0x0, v63;
	[tilespmem:s18+$0xFFFFFFE0] =	vst v1  }
0x2f7: {  	[tilespmem:s18+$0xFFFFFFD0] =	vst v2  }
.LBB2_18:
0x2f8: {  	_ =	swait.ge [sflag:s8], $0x10000  }
0x2f9: {  	[sflag:s8] =	ssyncset.done $0x0  }
0x2fa: {  	s16 =	simm.s32 $0x10820;
	[sflag:s8] =	ssyncadd.s32 $0xFFFF0000  }
0x2fb: {  	v1 =	vld [tilespmem:s16+$0x10]  }
0x2fc: {  	v7 =	vld [tilespmem:s16+$0xFFFFFFE0]  }
0x2fd: {  	v11 =	vld [tilespmem:s16+$0x0]  }
0x2fe: {  	v9 =	vld [tilespmem:s16+$0xFFFFFFF0];
	_ =	sdelay $0x1  }
0x2ff: {  	v2 =	vand.u32 $0xFFFFF800, v1;
	v3 =	vand.u32 $0x7F, v1  }
0x300: {  	v4 =	vshll.u32 v1, $0x3;
	v5 =	vshrl.u32 v1, $0x1;
	v6 =	vshrl.u32 v1, $0x8  }
0x301: {  	v1 =	vand.u32 $0xFF, v1;
	v12 =	vshrl.u32 v11, $0x8;
	v13 =	vand.u32 $0xFF, v11  }
0x302: {  	v20 =	vshll.u32 v7, $0x3;
	v21 =	vshll.u32 v9, $0x3;
	v22 =	vshll.u32 v11, $0x3  }
0x303: {  	v24 =	vand.u32 $0xFFFFF800, v7;
	v25 =	vand.u32 $0x7F, v7;
	v26 =	vand.u32 $0xFFFFF800, v9  }
0x304: {  	v27 =	vand.u32 $0x7F, v9;
	v28 =	vand.u32 $0x7F, v11;
	v5 =	vand.u32 $0x380, v5  }
0x305: {  	v6 =	vadd.s32 $0x1, v6;
	v1 =	vadd.s32 $0x1, v1;
	v4 =	vand.u32 $0x400, v4  }
0x306: {  	v3 =	vor.u32 v3, v4;
	v4 =	vand.u32 $0x7F, v1;
	v8 =	vshll.u32 v6, $0x7  }
0x307: {  	v1 =	vshll.u32 v1, $0x3;
	v6 =	vshll.u32 v6, $0x8;
	v10 =	vor.u32 v2, v3  }
0x308: {  	v1 =	vand.u32 $0xC00, v1;
	v6 =	vand.u32 $0xFFFFF800, v6;
	v8 =	vand.u32 $0x380, v8  }
0x309: {  	v10 =	vor.u32 v5, v10;
	v2 =	vadd.s32 v2, v1;
	v3 =	vor.u32 v6, v3  }
0x30a: {  	v1 =	vadd.s32 v1, v6;
	v2 =	vor.u32 v5, v2;
	v3 =	vor.u32 v8, v3  }
0x30b: {  	v12 =	vadd.s32 $0x1, v12;
	v1 =	vor.u32 v8, v1;
	v2 =	vor.u32 v4, v2  }
0x30c: {  	v13 =	vadd.s32 $0x1, v13;
	v20 =	vand.u32 $0x400, v20;
	v1 =	vor.u32 v4, v1  }
0x30d: {  	v21 =	vand.u32 $0x400, v21;
	v22 =	vand.u32 $0x400, v22;
	v18 =	vshll.u32 v13, $0x3  }
0x30e: {  	v19 =	vshll.u32 v12, $0x8;
	v12 =	vshll.u32 v12, $0x7;
	v20 =	vor.u32 v25, v20;
	v10 =	vld.idx.msk [tilespmem:v10+s4+$0x0], $0xffff  }
0x30f: {  	v21 =	vor.u32 v27, v21;
	v22 =	vor.u32 v28, v22;
	v13 =	vand.u32 $0x7F, v13;
	v3 =	vld.idx.msk [tilespmem:v3+s4+$0x0], $0xffff  }
0x310: {  	v18 =	vand.u32 $0xC00, v18;
	v19 =	vand.u32 $0xFFFFF800, v19;
	v12 =	vand.u32 $0x380, v12;
	v2 =	vld.idx.msk [tilespmem:v2+s4+$0x0], $0xffff  }
0x311: {  	v6 =	vand.u32 $0xFF, v7;
	v5 =	vshrl.u32 v7, $0x8;
	v8 =	vshrl.u32 v9, $0x8;
	v1 =	vld.idx.msk [tilespmem:v1+s4+$0x0], $0xffff  }
0x312: {  	s17 =	simm.s32 $0x14820;
	v6 =	vadd.s32 $0x1, v6;
	v7 =	vshrl.u32 v7, $0x1;
	v4 =	vand.u32 $0xFF, v9  }
0x313: {  	v23 =	vld [tilespmem:s17+$0x10];
	v5 =	vadd.s32 $0x1, v5;
	v8 =	vadd.s32 $0x1, v8;
	v14 =	vshll.u32 v6, $0x3  }
0x314: {  	v9 =	vshrl.u32 v9, $0x1;
	v7 =	vand.u32 $0x380, v7;
	v6 =	vand.u32 $0x7F, v6  }
0x315: {  	v4 =	vadd.s32 $0x1, v4;
	v15 =	vshll.u32 v5, $0x8;
	v17 =	vshll.u32 v8, $0x8  }
0x316: {  	v14 =	vand.u32 $0xC00, v14;
	v2 =	vsub.f32 v2, v10;
	v1 =	vsub.f32 v1, v3  }
0x317: {  	v5 =	vshll.u32 v5, $0x7;
	v8 =	vshll.u32 v8, $0x7;
	v9 =	vand.u32 $0x380, v9  }
0x318: {  	s22 =	simm.s32 $0x18820;
	v16 =	vshll.u32 v4, $0x3;
	v2 =	vmul.f32 v2, v23;
	v1 =	vmul.f32 v1, v23  }
0x319: {  	v29 =	vld [tilespmem:s22+$0x10];
	v15 =	vand.u32 $0xFFFFF800, v15;
	v17 =	vand.u32 $0xFFFFF800, v17;
	v5 =	vand.u32 $0x380, v5  }
0x31a: {  	v31 =	vand.u32 $0x380, v8;
	v2 =	vadd.f32 v2, v10;
	v1 =	vadd.f32 v1, v3  }
0x31b: {  	v4 =	vand.u32 $0x7F, v4;
	v16 =	vand.u32 $0xC00, v16;
	v23 =	vand.u32 $0xFFFFF800, v11  }
0x31c: {  	v11 =	vshrl.u32 v11, $0x1;
	v30 =	vadd.s32 v23, v18;
	v1 =	vsub.f32 v1, v2  }
0x31d: {  	v18 =	vadd.s32 v18, v19;
	v11 =	vand.u32 $0x380, v11;
	v3 =	vadd.s32 v24, v14  }
0x31e: {  	v10 =	vadd.s32 v14, v15;
	v14 =	vadd.s32 v26, v16;
	v1 =	vmul.f32 v1, v29  }
0x31f: {  	v16 =	vadd.s32 v16, v17;
	v15 =	vor.u32 v15, v20;
	v17 =	vor.u32 v17, v21  }
0x320: {  	v8 =	vadd.f32 v1, v2;
	v1 =	vor.u32 v7, v3;
	v2 =	vor.u32 v5, v10  }
0x321: {  	s18 =	simm.s32 $0x10860;
	v10 =	vor.u32 v31, v16;
	v16 =	vor.u32 v12, v18;
	v18 =	vor.u32 v19, v22  }
0x322: {  	v19 =	vor.u32 v24, v20;
	v20 =	vor.u32 v26, v21;
	v21 =	vor.u32 v23, v22;
	v22 =	vld [tilespmem:s18+$0x10]  }
0x323: {  	v3 =	vor.u32 v9, v14;
	v14 =	vor.u32 v11, v30;
	v5 =	vor.u32 v5, v15  }
0x324: {  	v23 =	vor.u32 v6, v1;
	v6 =	vor.u32 v6, v2;
	v3 =	vor.u32 v4, v3  }
0x325: {  	v4 =	vor.u32 v4, v10;
	v10 =	vor.u32 v13, v14;
	v7 =	vor.u32 v7, v19;
	v19 =	vld [tilespmem:s18+$0xFFFFFFE0]  }
0x326: {  	v13 =	vor.u32 v13, v16;
	v1 =	vor.u32 v12, v18;
	v12 =	vor.u32 v9, v20;
	v20 =	vld [tilespmem:s18+$0xFFFFFFF0]  }
0x327: {  	v14 =	vor.u32 v31, v17;
	v2 =	vor.u32 v11, v21;
	v9 =	vand.u32 $0xFFFFF800, v22  }
0x328: {  	v11 =	vand.u32 $0x7F, v22;
	v15 =	vshll.u32 v22, $0x3;
	v16 =	vshrl.u32 v22, $0x1  }
0x329: {  	v17 =	vshrl.u32 v22, $0x8;
	v18 =	vand.u32 $0xFF, v22;
	v16 =	vand.u32 $0x380, v16  }
0x32a: {  	v18 =	vadd.s32 $0x1, v18;
	v15 =	vand.u32 $0x400, v15;
	v17 =	vadd.s32 $0x1, v17  }
0x32b: {  	v33 =	vshll.u32 v19, $0x3;
	v34 =	vshll.u32 v20, $0x3;
	v37 =	vand.u32 $0xFFFFF800, v19  }
0x32c: {  	v38 =	vand.u32 $0x7F, v19;
	v40 =	vand.u32 $0xFFFFF800, v20;
	v41 =	vand.u32 $0x7F, v20  }
0x32d: {  	v11 =	vor.u32 v11, v15;
	v15 =	vand.u32 $0x7F, v18;
	v21 =	vshll.u32 v17, $0x7  }
0x32e: {  	v22 =	vld [tilespmem:s18+$0x0];
	v18 =	vshll.u32 v18, $0x3;
	v17 =	vshll.u32 v17, $0x8;
	v33 =	vand.u32 $0x400, v33  }
0x32f: {  	v34 =	vand.u32 $0x400, v34;
	v24 =	vor.u32 v9, v11;
	v18 =	vand.u32 $0xC00, v18  }
0x330: {  	v17 =	vand.u32 $0xFFFFF800, v17;
	v21 =	vand.u32 $0x380, v21;
	v9 =	vadd.s32 v9, v18  }
0x331: {  	v5 =	vld.idx.msk [tilespmem:v5+s4+$0x0], $0xffff;
	v11 =	vor.u32 v17, v11;
	v24 =	vor.u32 v16, v24;
	v9 =	vor.u32 v16, v9  }
0x332: {  	v6 =	vld.idx.msk [tilespmem:v6+s4+$0x0], $0xffff;
	v11 =	vor.u32 v21, v11;
	v16 =	vadd.s32 v18, v17;
	v17 =	vshrl.u32 v19, $0x8  }
0x333: {  	v3 =	vld.idx.msk [tilespmem:v3+s4+$0x0], $0xffff;
	v18 =	vand.u32 $0xFF, v19;
	v25 =	vshrl.u32 v22, $0x8;
	v26 =	vand.u32 $0xFF, v22  }
0x334: {  	v56 =	vld.idx.msk [tilespmem:v12+s4+$0x0], $0xffff;
	v35 =	vshll.u32 v22, $0x3;
	v19 =	vshrl.u32 v19, $0x1;
	v51 =	vand.u32 $0xFFFFF800, v22  }
0x335: {  	v43 =	vand.u32 $0x7F, v22;
	v9 =	vor.u32 v15, v9;
	v16 =	vor.u32 v21, v16  }
0x336: {  	v22 =	vshrl.u32 v22, $0x1;
	v21 =	vshrl.u32 v20, $0x8;
	v15 =	vor.u32 v15, v16  }
0x337: {  	v39 =	vld [tilespmem:s17+$0xFFFFFFE0];
	v17 =	vadd.s32 $0x1, v17;
	v18 =	vadd.s32 $0x1, v18;
	v25 =	vadd.s32 $0x1, v25  }
0x338: {  	v26 =	vadd.s32 $0x1, v26;
	v35 =	vand.u32 $0x400, v35;
	v19 =	vand.u32 $0x380, v19;
	v24 =	vld.idx.msk [tilespmem:v24+s4+$0x0], $0xffff  }
0x339: {  	v54 =	vand.u32 $0x380, v22;
	v6 =	vsub.f32 v6, v5;
	v3 =	vsub.f32 v3, v56;
	v11 =	vld.idx.msk [tilespmem:v11+s4+$0x0], $0xffff  }
0x33a: {  	v16 =	vand.u32 $0xFF, v20;
	v21 =	vadd.s32 $0x1, v21;
	v27 =	vshll.u32 v18, $0x3;
	v9 =	vld.idx.msk [tilespmem:v9+s4+$0x0], $0xffff  }
0x33b: {  	v28 =	vshll.u32 v17, $0x8;
	v31 =	vshll.u32 v26, $0x3;
	v32 =	vshll.u32 v25, $0x8;
	v15 =	vld.idx.msk [tilespmem:v15+s4+$0x0], $0xffff  }
0x33c: {  	s23 =	simm.s32 $0x14860;
	v42 =	vld [tilespmem:s17+$0xFFFFFFF0];
	v17 =	vshll.u32 v17, $0x7;
	v25 =	vshll.u32 v25, $0x7;
	v20 =	vshrl.u32 v20, $0x1  }
0x33d: {  	v36 =	vld [tilespmem:s23+$0x10];
	v53 =	vor.u32 v43, v35;
	v16 =	vadd.s32 $0x1, v16;
	v30 =	vshll.u32 v21, $0x8  }
0x33e: {  	v27 =	vand.u32 $0xC00, v27;
	v28 =	vand.u32 $0xFFFFF800, v28;
	v31 =	vand.u32 $0xC00, v31  }
0x33f: {  	v32 =	vand.u32 $0xFFFFF800, v32;
	v21 =	vshll.u32 v21, $0x7;
	v46 =	vand.u32 $0x380, v17  }
0x340: {  	v25 =	vand.u32 $0x380, v25;
	v9 =	vsub.f32 v9, v24;
	v15 =	vsub.f32 v15, v11  }
0x341: {  	v20 =	vand.u32 $0x380, v20;
	v6 =	vmul.f32 v6, v39;
	v3 =	vmul.f32 v3, v42  }
0x342: {  	s19 =	simm.s32 $0x18860;
	v29 =	vshll.u32 v16, $0x3;
	v9 =	vmul.f32 v9, v36;
	v15 =	vmul.f32 v15, v36  }
0x343: {  	v44 =	vld [tilespmem:s19+$0x10];
	v30 =	vand.u32 $0xFFFFF800, v30;
	v45 =	vadd.s32 v51, v31;
	v21 =	vand.u32 $0x380, v21  }
0x344: {  	v17 =	vadd.s32 v31, v32;
	v9 =	vadd.f32 v9, v24;
	v11 =	vadd.f32 v15, v11  }
0x345: {  	v31 =	vor.u32 v38, v33;
	v32 =	vor.u32 v32, v53;
	v12 =	vand.u32 $0x7F, v16  }
0x346: {  	v23 =	vld.idx.msk [tilespmem:v23+s4+$0x0], $0xffff;
	v29 =	vand.u32 $0xC00, v29;
	v55 =	vor.u32 v25, v17;
	v11 =	vsub.f32 v11, v9  }
0x347: {  	v52 =	vld.idx.msk [tilespmem:v10+s4+$0x0], $0xffff;
	v5 =	vadd.f32 v6, v5;
	v25 =	vor.u32 v25, v32;
	v24 =	vadd.s32 v27, v28  }
0x348: {  	v13 =	vld.idx.msk [tilespmem:v13+s4+$0x0], $0xffff;
	v15 =	vadd.s32 v37, v27;
	v10 =	vmul.f32 v11, v44;
	v11 =	vor.u32 v41, v34  }
0x349: {  	v7 =	vld.idx.msk [tilespmem:v7+s4+$0x0], $0xffff;
	v27 =	vadd.s32 v40, v29;
	v29 =	vadd.s32 v29, v30;
	v30 =	vor.u32 v30, v11  }
0x34a: {  	v57 =	vor.u32 v40, v11;
	v11 =	vand.u32 $0x7F, v18;
	v18 =	vld.idx.msk [tilespmem:v1+s4+$0x0], $0xffff;
	v1 =	vand.u32 $0x7F, v26  }
0x34b: {  	v2 =	vld.idx.msk [tilespmem:v2+s4+$0x0], $0xffff;
	v9 =	vadd.f32 v10, v9;
	v10 =	vor.u32 v19, v15;
	v15 =	vor.u32 v46, v24  }
0x34c: {  	v24 =	vld.idx.msk [tilespmem:v14+s4+$0x0], $0xffff;
	v14 =	vor.u32 v20, v27;
	v27 =	vor.u32 v21, v29;
	v29 =	vor.u32 v54, v45  }
0x34d: {  	v4 =	vld.idx.msk [tilespmem:v4+s4+$0x0], $0xffff;
	v36 =	vor.u32 v11, v15;
	v22 =	vor.u32 v12, v14;
	v17 =	vor.u32 v12, v27  }
0x34e: {  	s25 =	simm.s32 $0x108A0;
	v15 =	vld [tilespmem:s17+$0x0];
	v14 =	vor.u32 v1, v29;
	v12 =	vor.u32 v1, v55;
	v1 =	vsub.f32 v23, v7  }
0x34f: {  	v28 =	vor.u32 v28, v31;
	v31 =	vor.u32 v37, v31;
	v34 =	vor.u32 v51, v53;
	v29 =	vld [tilespmem:s25+$0x0]  }
0x350: {  	v26 =	vor.u32 v11, v10;
	v10 =	vor.u32 v46, v28;
	v1 =	vmul.f32 v1, v39  }
0x351: {  	v11 =	vor.u32 v21, v30;
	v21 =	vsub.f32 v52, v2;
	v13 =	vsub.f32 v13, v18  }
0x352: {  	v23 =	vor.u32 v19, v31;
	v4 =	vsub.f32 v4, v24;
	v16 =	vadd.f32 v1, v7  }
0x353: {  	v1 =	vadd.f32 v3, v56;
	v7 =	vmul.f32 v21, v15;
	v3 =	vmul.f32 v13, v15  }
0x354: {  	v27 =	vld [tilespmem:s22+$0xFFFFFFE0];
	v15 =	vor.u32 v54, v34;
	v59 =	vshrl.u32 v29, $0x8;
	v60 =	vand.u32 $0xFF, v29  }
0x355: {  	v21 =	vld [tilespmem:s25+$0x10];
	v4 =	vmul.f32 v4, v42;
	v5 =	vsub.f32 v5, v16;
	v33 =	vadd.s32 $0x1, v59  }
0x356: {  	v34 =	vadd.s32 $0x1, v60;
	v59 =	vshll.u32 v29, $0x3;
	v2 =	vadd.f32 v7, v2  }
0x357: {  	v28 =	vld [tilespmem:s22+$0xFFFFFFF0];
	v3 =	vadd.f32 v3, v18;
	v18 =	vor.u32 v20, v57;
	v54 =	vshll.u32 v34, $0x3  }
0x358: {  	v46 =	vand.u32 $0x400, v59;
	v34 =	vand.u32 $0x7F, v34;
	v4 =	vadd.f32 v4, v24  }
0x359: {  	v19 =	vmul.f32 v5, v27;
	v41 =	vand.u32 $0xC00, v54;
	v13 =	vsub.f32 v3, v2  }
0x35a: {  	v27 =	vld [tilespmem:s25+$0xFFFFFFE0];
	v4 =	vsub.f32 v4, v1;
	v5 =	vand.u32 $0xFFFFF800, v21;
	v7 =	vshrl.u32 v21, $0x1  }
0x35b: {  	v6 =	vshll.u32 v21, $0x3;
	v20 =	vshrl.u32 v21, $0x8;
	v7 =	vand.u32 $0x380, v7  }
0x35c: {  	v6 =	vand.u32 $0x400, v6;
	v20 =	vadd.s32 $0x1, v20;
	v3 =	vmul.f32 v4, v28  }
0x35d: {  	v4 =	vand.u32 $0x7F, v21;
	v21 =	vand.u32 $0xFF, v21;
	v24 =	vshll.u32 v20, $0x7  }
0x35e: {  	v20 =	vshll.u32 v20, $0x8;
	v21 =	vadd.s32 $0x1, v21;
	v4 =	vor.u32 v4, v6  }
0x35f: {  	v20 =	vand.u32 $0xFFFFF800, v20;
	v24 =	vand.u32 $0x380, v24;
	v31 =	vand.u32 $0xFF, v27  }
0x360: {  	v56 =	vshll.u32 v27, $0x3;
	v6 =	vand.u32 $0x7F, v21;
	v21 =	vshll.u32 v21, $0x3  }
0x361: {  	s16 =	simm.s32 $0x148A0;
	v28 =	vld [tilespmem:s25+$0xFFFFFFF0];
	v51 =	vand.u32 $0xFFFFF800, v27;
	v30 =	vor.u32 v5, v4;
	v21 =	vand.u32 $0xC00, v21  }
0x362: {  	s20 =	simm.s32 $0x1D820;
	v49 =	vld [tilespmem:s16+$0x10];
	s18 =	simm.s32 $0x188A0;
	v4 =	vor.u32 v20, v4;
	v30 =	vor.u32 v7, v30;
	v5 =	vadd.s32 v5, v21  }
0x363: {  	[tilespmem:s20+$0x10] =	vst v8;
	v8 =	vld [tilespmem:s18+$0x0];
	v4 =	vor.u32 v24, v4;
	v5 =	vor.u32 v7, v5;
	v7 =	vadd.s32 v21, v20  }
0x364: {  	v26 =	vld.idx.msk [tilespmem:v26+s4+$0x0], $0xffff;
	v52 =	vand.u32 $0x7F, v27;
	v5 =	vor.u32 v6, v5;
	v7 =	vor.u32 v24, v7  }
0x365: {  	v10 =	vld.idx.msk [tilespmem:v10+s4+$0x0], $0xffff;
	v31 =	vadd.s32 $0x1, v31;
	v43 =	vand.u32 $0x400, v56;
	v6 =	vor.u32 v6, v7  }
0x366: {  	v59 =	vld.idx.msk [tilespmem:v12+s4+$0x0], $0xffff;
	v20 =	vshrl.u32 v27, $0x8;
	v58 =	vshrl.u32 v28, $0x8;
	v57 =	vshll.u32 v28, $0x3  }
0x367: {  	v27 =	vshrl.u32 v27, $0x1;
	v54 =	vand.u32 $0x7F, v28;
	v61 =	vadd.s32 $0x1, v20;
	v30 =	vld.idx.msk [tilespmem:v30+s4+$0x0], $0xffff  }
0x368: {  	v32 =	vadd.s32 $0x1, v58;
	v44 =	vand.u32 $0x400, v57;
	v7 =	vand.u32 $0xFF, v28;
	v63 =	vld.idx.msk [tilespmem:v4+s4+$0x0], $0xffff  }
0x369: {  	v62 =	vshll.u32 v61, $0x8;
	v53 =	vshll.u32 v32, $0x8;
	v35 =	vshll.u32 v61, $0x7;
	v55 =	vld.idx.msk [tilespmem:v5+s4+$0x0], $0xffff  }
0x36a: {  	v32 =	vshll.u32 v32, $0x7;
	v61 =	vand.u32 $0x7F, v29;
	v37 =	vadd.s32 $0x1, v7;
	v58 =	vld.idx.msk [tilespmem:v6+s4+$0x0], $0xffff  }
0x36b: {  	v12 =	vld.idx.msk [tilespmem:v11+s4+$0x0], $0xffff;
	v7 =	vshll.u32 v31, $0x3;
	v38 =	vand.u32 $0xFFFFF800, v62;
	v40 =	vand.u32 $0xFFFFF800, v53  }
0x36c: {  	v11 =	vld.idx.msk [tilespmem:v25+s4+$0x0], $0xffff;
	v53 =	vand.u32 $0xFFFFF800, v28;
	v28 =	vshrl.u32 v28, $0x1;
	v35 =	vand.u32 $0x380, v35  }
0x36d: {  	v25 =	vld [tilespmem:s16+$0xFFFFFFE0];
	v32 =	vand.u32 $0x380, v32;
	v61 =	vor.u32 v61, v46;
	v4 =	vshll.u32 v37, $0x3  }
0x36e: {  	v56 =	vld [tilespmem:s18+$0x10];
	v47 =	vand.u32 $0xC00, v7;
	v46 =	vand.u32 $0x380, v28;
	v42 =	vsub.f32 v55, v30  }
0x36f: {  	v21 =	vld [tilespmem:s23+$0xFFFFFFE0];
	v48 =	vand.u32 $0xC00, v4;
	v62 =	vadd.s32 v51, v47;
	v45 =	vsub.f32 v58, v63  }
0x370: {  	v4 =	vld [tilespmem:s19+$0x0];
	v5 =	vshll.u32 v33, $0x8;
	v33 =	vshll.u32 v33, $0x7;
	v42 =	vmul.f32 v42, v49  }
0x371: {  	v50 =	vand.u32 $0xFFFFF800, v5;
	v5 =	vld [tilespmem:s19+$0xFFFFFFE0];
	v33 =	vand.u32 $0x380, v33;
	v60 =	vmul.f32 v45, v49  }
0x372: {  	v55 =	vld.idx.msk [tilespmem:v36+s4+$0x0], $0xffff;
	v45 =	vand.u32 $0xFFFFF800, v29;
	v29 =	vshrl.u32 v29, $0x1;
	v30 =	vadd.f32 v42, v30  }
0x373: {  	v42 =	vld.idx.msk [tilespmem:v22+s4+$0x0], $0xffff;
	v57 =	vadd.s32 v45, v41;
	v29 =	vand.u32 $0x380, v29;
	v22 =	vadd.f32 v60, v63  }
0x374: {  	v63 =	vadd.s32 v47, v38;
	v47 =	vld.idx.msk [tilespmem:v17+s4+$0x0], $0xffff;
	v17 =	vadd.s32 v53, v48;
	v48 =	vadd.s32 v48, v40  }
0x375: {  	v49 =	vld.idx.msk [tilespmem:v23+s4+$0x0], $0xffff;
	v60 =	vor.u32 v52, v43;
	v43 =	vand.u32 $0x380, v27;
	v27 =	vor.u32 v54, v44  }
0x376: {  	v58 =	vld.idx.msk [tilespmem:v14+s4+$0x0], $0xffff;
	v44 =	vor.u32 v45, v61;
	v28 =	vor.u32 v43, v62;
	v14 =	vsub.f32 v22, v30  }
0x377: {  	v23 =	vor.u32 v46, v17;
	v36 =	vor.u32 v32, v48;
	v62 =	vor.u32 v29, v57;
	v17 =	vld.idx.msk [tilespmem:v18+s4+$0x0], $0xffff  }
0x378: {  	v38 =	vor.u32 v38, v60;
	v18 =	vld.idx.msk [tilespmem:v15+s4+$0x0], $0xffff;
	v15 =	vor.u32 v50, v61;
	v14 =	vmul.f32 v14, v56  }
0x379: {  	v6 =	vld [tilespmem:s19+$0xFFFFFFF0];
	s19 =	simm.s32 $0x1D860;
	v57 =	vor.u32 v53, v27;
	v22 =	vadd.s32 v41, v50;
	v41 =	vor.u32 v51, v60  }
0x37a: {  	v24 =	vld [tilespmem:s22+$0x0];
	[tilespmem:s19+$0x10] =	vst v9;
	v38 =	vor.u32 v35, v38;
	v9 =	vsub.f32 v26, v49;
	v14 =	vadd.f32 v14, v30  }
0x37b: {  	v20 =	vld [tilespmem:s23+$0xFFFFFFF0];
	v30 =	vor.u32 v35, v63;
	v63 =	vor.u32 v33, v22;
	v22 =	vand.u32 $0x7F, v31  }
0x37c: {  	v7 =	vld [tilespmem:s23+$0x0];
	v26 =	vsub.f32 v55, v10;
	v56 =	vor.u32 v40, v27;
	v60 =	vor.u32 v22, v28  }
0x37d: {  	v27 =	vld [tilespmem:s16+$0xFFFFFFF0];
	v40 =	vor.u32 v34, v62;
	v31 =	vand.u32 $0x7F, v37;
	v30 =	vor.u32 v22, v30  }
0x37e: {  	v9 =	vmul.f32 v9, v21;
	v37 =	vor.u32 v32, v56;
	v28 =	vld [tilespmem:s16+$0x0];
	v61 =	vor.u32 v31, v23  }
0x37f: {  	v35 =	vor.u32 v46, v57;
	v62 =	vsub.f32 v42, v17;
	v31 =	vor.u32 v31, v36;
	v22 =	vld [tilespmem:s18+$0xFFFFFFE0]  }
0x380: {  	v39 =	vor.u32 v34, v63;
	v23 =	vld [tilespmem:s18+$0xFFFFFFF0];
	v34 =	vor.u32 v33, v15;
	v36 =	vor.u32 v43, v41  }
0x381: {  	s17 =	simm.s32 $0x1D8A0;
	v33 =	vor.u32 v29, v44;
	v41 =	vmul.f32 v13, v24;
	v63 =	vsub.f32 v47, v12;
	v13 =	vld.idx.msk [tilespmem:v60+s4+$0x0], $0xffff  }
0x382: {  	v24 =	vsub.f32 v59, v11;
	[tilespmem:s17+$0x10] =	vst v14;
	v14 =	vld.idx.msk [tilespmem:v30+s4+$0x0], $0xffff;
	v30 =	vsub.f32 v58, v18  }
0x383: {  	v29 =	vmul.f32 v26, v21;
	v21 =	vadd.f32 v19, v16;
	v26 =	vmul.f32 v62, v20;
	v15 =	vld.idx.msk [tilespmem:v61+s4+$0x0], $0xffff  }
0x384: {  	s21 =	simm.s32 $0x8;
	s22 =	simm.s32 $0x108E0;
	v9 =	vadd.f32 v9, v49;
	v20 =	vmul.f32 v63, v20;
	v16 =	vld.idx.msk [tilespmem:v31+s4+$0x0], $0xffff;
	v19 =	vmul.f32 v30, v7  }
.LBB2_19:
0x385: {  	v30 =	vld [tilespmem:s22+$0x10];
	v10 =	vadd.f32 v29, v10;
	v17 =	vadd.f32 v26, v17;
	v24 =	vmul.f32 v24, v7;
	[tilespmem:s20+$0xFFFFFFE0] =	vst v21  }
0x386: {  	v7 =	vmovc v28;
	v31 =	vld [tilespmem:s22+$0xFFFFFFF0];
	v12 =	vadd.f32 v20, v12;
	v18 =	vadd.f32 v19, v18;
	v20 =	vmovc v25;
	v19 =	vmov v27  }
0x387: {  	v32 =	vld [tilespmem:s22+$0x0];
	v10 =	vsub.f32 v10, v9;
	v11 =	vadd.f32 v24, v11  }
0x388: {  	v25 =	vadd.f32 v3, v1;
	v1 =	vmov v17;
	v42 =	vld [tilespmem:s22+$0xFFFFFFE0];
	v12 =	vsub.f32 v12, v17  }
0x389: {  	s21 =	sadd.s32 $0x4, s21;
	v24 =	vld.idx.msk [tilespmem:v40+s4+$0x0], $0xffff;
	v21 =	vmul.f32 v10, v5;
	v29 =	vsub.f32 v11, v18;
	v11 =	vadd.f32 v41, v2  }
0x38a: {  	p0 =	slt.u32 s21, $0xFC;
	v2 =	vmovc v18;
	v5 =	vmov v22;
	v27 =	vand.u32 $0xFFFFF800, v30;
	v26 =	vld.idx.msk [tilespmem:v39+s4+$0x0], $0xffff;
	v3 =	vmul.f32 v12, v6;
	[tilespmem:s20+$0xFFFFFFF0] =	vst v25  }
0x38b: {  	v17 =	vand.u32 $0x7F, v30;
	v18 =	vshll.u32 v30, $0x3;
	v12 =	vshrl.u32 v30, $0x1;
	v6 =	vmovc v23;
	v10 =	vld.idx.msk [tilespmem:v38+s4+$0x0], $0xffff;
	[tilespmem:s20+$0x0] =	vst v11;
	s20 =	smov.u32 s19;
	s19 =	smov.u32 s17  }
0x38c: {  	v22 =	vand.u32 $0xFF, v30;
	v11 =	vshrl.u32 v30, $0x8;
	v23 =	vand.u32 $0x380, v12;
	v12 =	vld.idx.msk [tilespmem:v37+s4+$0x0], $0xffff  }
0x38d: {  	v22 =	vadd.s32 $0x1, v22;
	v18 =	vand.u32 $0x400, v18;
	v25 =	vadd.s32 $0x1, v11;
	v11 =	vld.idx.msk [tilespmem:v34+s4+$0x0], $0xffff  }
0x38e: {  	v28 =	vor.u32 v17, v18;
	v34 =	vand.u32 $0x7F, v22;
	v18 =	vshll.u32 v25, $0x7;
	v30 =	vld.idx.msk [tilespmem:v36+s4+$0x0], $0xffff  }
0x38f: {  	v22 =	vshll.u32 v22, $0x3;
	v25 =	vshll.u32 v25, $0x8;
	v36 =	vor.u32 v27, v28;
	v17 =	vld.idx.msk [tilespmem:v35+s4+$0x0], $0xffff  }
0x390: {  	v22 =	vand.u32 $0xC00, v22;
	v25 =	vand.u32 $0xFFFFF800, v25;
	v35 =	vand.u32 $0x380, v18;
	v18 =	vld.idx.msk [tilespmem:v33+s4+$0x0], $0xffff  }
0x391: {  	v27 =	vadd.s32 v27, v22;
	v28 =	vor.u32 v25, v28;
	v33 =	vor.u32 v23, v36  }
0x392: {  	v22 =	vadd.s32 v22, v25;
	v23 =	vor.u32 v23, v27;
	v27 =	vor.u32 v35, v28  }
0x393: {  	v25 =	vshrl.u32 v42, $0x8;
	v22 =	vor.u32 v35, v22;
	v23 =	vor.u32 v34, v23  }
0x394: {  	v28 =	vand.u32 $0xFF, v42;
	v35 =	vshrl.u32 v31, $0x8;
	v22 =	vor.u32 v34, v22  }
0x395: {  	v37 =	vand.u32 $0xFF, v32;
	v36 =	vshrl.u32 v32, $0x8;
	v34 =	vand.u32 $0xFF, v31  }
0x396: {  	v38 =	vadd.s32 $0x1, v25;
	v39 =	vadd.s32 $0x1, v28;
	v28 =	vadd.s32 $0x1, v35;
	v33 =	vld.idx.msk [tilespmem:v33+s4+$0x0], $0xffff  }
0x397: {  	v35 =	vadd.s32 $0x1, v36;
	v36 =	vadd.s32 $0x1, v37;
	v34 =	vadd.s32 $0x1, v34;
	v37 =	vld.idx.msk [tilespmem:v27+s4+$0x0], $0xffff  }
0x398: {  	v25 =	vshll.u32 v39, $0x3;
	v40 =	vshll.u32 v34, $0x3;
	v27 =	vshll.u32 v38, $0x8;
	v23 =	vld.idx.msk [tilespmem:v23+s4+$0x0], $0xffff  }
0x399: {  	v41 =	vshll.u32 v28, $0x8;
	v43 =	vshll.u32 v36, $0x3;
	v44 =	vshll.u32 v35, $0x8;
	v22 =	vld.idx.msk [tilespmem:v22+s4+$0x0], $0xffff  }
0x39a: {  	v46 =	vshll.u32 v31, $0x3;
	v47 =	vshll.u32 v32, $0x3;
	v45 =	vshll.u32 v42, $0x3  }
0x39b: {  	s16 =	sadd.s32 $0x40, s16;
	v48 =	vand.u32 $0xC00, v25;
	v40 =	vand.u32 $0xC00, v40;
	v49 =	vand.u32 $0xFFFFF800, v27  }
0x39c: {  	v41 =	vand.u32 $0xFFFFF800, v41;
	v43 =	vand.u32 $0xC00, v43;
	v44 =	vand.u32 $0xFFFFF800, v44;
	v50 =	vld [tilespmem:s16+$0x10]  }
0x39d: {  	v51 =	vshll.u32 v28, $0x7;
	v35 =	vshll.u32 v35, $0x7;
	v38 =	vshll.u32 v38, $0x7;
	v25 =	vld [tilespmem:s16+$0xFFFFFFE0]  }
0x39e: {  	v46 =	vand.u32 $0x400, v46;
	v47 =	vand.u32 $0x400, v47;
	v45 =	vand.u32 $0x400, v45;
	v27 =	vld [tilespmem:s16+$0xFFFFFFF0]  }
0x39f: {  	v52 =	vand.u32 $0xFFFFF800, v42;
	v23 =	vsub.f32 v23, v33;
	v22 =	vsub.f32 v22, v37;
	v28 =	vld [tilespmem:s16+$0x0]  }
0x3a0: {  	v54 =	vand.u32 $0xFFFFF800, v31;
	v53 =	vand.u32 $0x7F, v42;
	v42 =	vshrl.u32 v42, $0x1  }
0x3a1: {  	s18 =	sadd.s32 $0x40, s18;
	v55 =	vand.u32 $0x7F, v31;
	v23 =	vmul.f32 v23, v50;
	v50 =	vmul.f32 v22, v50  }
0x3a2: {  	v56 =	vand.u32 $0xFFFFF800, v32;
	v57 =	vand.u32 $0x7F, v32;
	v31 =	vshrl.u32 v31, $0x1;
	v58 =	vld [tilespmem:s18+$0x10]  }
0x3a3: {  	v32 =	vshrl.u32 v32, $0x1;
	v22 =	vld [tilespmem:s18+$0xFFFFFFE0];
	v33 =	vadd.f32 v23, v33;
	v37 =	vadd.f32 v50, v37  }
0x3a4: {  	v59 =	vadd.s32 v54, v40;
	v50 =	vadd.s32 v52, v48;
	v48 =	vadd.s32 v48, v49;
	v23 =	vld [tilespmem:s18+$0xFFFFFFF0]  }
0x3a5: {  	v61 =	vadd.s32 v56, v43;
	v40 =	vadd.s32 v40, v41;
	v60 =	vld [tilespmem:s18+$0x0];
	v37 =	vsub.f32 v37, v33  }
0x3a6: {  	v51 =	vand.u32 $0x380, v51;
	v43 =	vadd.s32 v43, v44;
	v38 =	vand.u32 $0x380, v38  }
0x3a7: {  	v45 =	vor.u32 v53, v45;
	v35 =	vand.u32 $0x380, v35;
	v37 =	vmul.f32 v37, v58  }
0x3a8: {  	v46 =	vor.u32 v55, v46;
	v47 =	vor.u32 v57, v47;
	v42 =	vand.u32 $0x380, v42  }
0x3a9: {  	v32 =	vand.u32 $0x380, v32;
	v31 =	vand.u32 $0x380, v31;
	v33 =	vadd.f32 v37, v33  }
0x3aa: {  	s17 =	sadd.s32 $0x40, s17;
	v48 =	vor.u32 v38, v48;
	v37 =	vor.u32 v42, v50;
	v50 =	vor.u32 v31, v59  }
0x3ab: {  	v53 =	vor.u32 v32, v61;
	v43 =	vor.u32 v35, v43;
	v40 =	vor.u32 v51, v40;
	[tilespmem:s17+$0x10] =	vst v33  }
0x3ac: {  	v44 =	vor.u32 v44, v47;
	v41 =	vor.u32 v41, v46;
	v33 =	vor.u32 v49, v45  }
0x3ad: {  	v47 =	vor.u32 v56, v47;
	v46 =	vor.u32 v54, v46;
	v45 =	vor.u32 v52, v45  }
0x3ae: {  	v39 =	vand.u32 $0x7F, v39;
	v36 =	vand.u32 $0x7F, v36;
	v34 =	vand.u32 $0x7F, v34  }
0x3af: {  	v48 =	vor.u32 v39, v48;
	v50 =	vor.u32 v34, v50;
	v49 =	vor.u32 v39, v37  }
0x3b0: {  	v52 =	vor.u32 v34, v40;
	v40 =	vor.u32 v36, v53;
	v39 =	vor.u32 v36, v43  }
0x3b1: {  	v37 =	vor.u32 v51, v41;
	v34 =	vor.u32 v35, v44;
	v38 =	vor.u32 v38, v33  }
0x3b2: {  	v35 =	vor.u32 v31, v46;
	v36 =	vor.u32 v42, v45;
	v33 =	vor.u32 v32, v47  }
.Ltmp8:
0x3b3: {  	v31 =	vsub.f32 v13, v30;
	v41 =	vmul.f32 v29, v4;
	v4 =	vmovc v8;
	v32 =	vsub.f32 v14, v10;
	(pc) =	sbr.rel @p0 .LBB2_19-.Ltmp8, $4  }
0x3b4: {  	v43 =	vsub.f32 v16, v12;
	v8 =	vmov v60;
	v42 =	vsub.f32 v15, v17;
	v13 =	vld.idx.msk [tilespmem:v49+s4+$0x0], $0xffff  }
0x3b5: {  	v44 =	vsub.f32 v24, v18;
	v24 =	vsub.f32 v26, v11;
	v31 =	vmul.f32 v31, v20;
	v14 =	vld.idx.msk [tilespmem:v48+s4+$0x0], $0xffff  }
0x3b6: {  	v21 =	vadd.f32 v21, v9;
	v29 =	vmul.f32 v32, v20;
	v26 =	vmul.f32 v42, v19;
	v15 =	vld.idx.msk [tilespmem:v50+s4+$0x0], $0xffff  }
0x3b7: {  	s22 =	sadd.s32 $0x40, s22;
	v20 =	vmul.f32 v43, v19;
	v19 =	vmul.f32 v44, v7;
	v9 =	vadd.f32 v31, v30;
	v16 =	vld.idx.msk [tilespmem:v52+s4+$0x0], $0xffff  }
0x3b8: {  	_ =	sdelay $0x3  }
0x3b9: {  	v30 =	vld.idx.msk [tilespmem:v40+s4+$0x0], $0xffff  }
0x3ba: {  	v31 =	vld.idx.msk [tilespmem:v39+s4+$0x0], $0xffff  }
0x3bb: {  	v32 =	vld.idx.msk [tilespmem:v38+s4+$0x0], $0xffff  }
0x3bc: {  	v37 =	vld.idx.msk [tilespmem:v37+s4+$0x0], $0xffff  }
0x3bd: {  	v10 =	vadd.f32 v29, v10;
	v7 =	vmul.f32 v24, v7;
	v24 =	vld.idx.msk [tilespmem:v36+s4+$0x0], $0xffff  }
0x3be: {  	v17 =	vadd.f32 v26, v17;
	v12 =	vadd.f32 v20, v12;
	v20 =	vld.idx.msk [tilespmem:v35+s4+$0x0], $0xffff  }
0x3bf: {  	v1 =	vadd.f32 v3, v1;
	v7 =	vadd.f32 v7, v11;
	v11 =	vld.idx.msk [tilespmem:v33+s4+$0x0], $0xffff  }
0x3c0: {  	v2 =	vadd.f32 v41, v2;
	v18 =	vadd.f32 v19, v18;
	v19 =	vld.idx.msk [tilespmem:v34+s4+$0x0], $0xffff  }
0x3c1: {  	v10 =	vsub.f32 v10, v9;
	v12 =	vsub.f32 v12, v17  }
0x3c2: {  	v3 =	vsub.f32 v7, v18;
	v7 =	vsub.f32 v13, v24  }
0x3c3: {  	v13 =	vsub.f32 v14, v32;
	v14 =	vsub.f32 v15, v20  }
0x3c4: {  	v15 =	vsub.f32 v16, v37;
	v7 =	vmul.f32 v7, v25;
	v16 =	vsub.f32 v30, v11  }
0x3c5: {  	v26 =	vsub.f32 v31, v19;
	v13 =	vmul.f32 v13, v25;
	v14 =	vmul.f32 v14, v27  }
0x3c6: {  	v15 =	vmul.f32 v15, v27;
	v7 =	vadd.f32 v7, v24;
	v16 =	vmul.f32 v16, v28  }
0x3c7: {  	v13 =	vadd.f32 v13, v32;
	v14 =	vadd.f32 v14, v20;
	v20 =	vmul.f32 v26, v28  }
0x3c8: {  	v5 =	vmul.f32 v10, v5;
	v10 =	vadd.f32 v15, v37;
	v11 =	vadd.f32 v16, v11  }
0x3c9: {  	[tilespmem:s20+$0xFFFFFFE0] =	vst v21;
	v6 =	vmul.f32 v12, v6;
	v12 =	vsub.f32 v13, v7;
	v13 =	vadd.f32 v20, v19  }
0x3ca: {  	[tilespmem:s20+$0xFFFFFFF0] =	vst v1;
	v1 =	vmul.f32 v3, v4;
	v3 =	vadd.f32 v5, v9;
	v4 =	vsub.f32 v10, v14  }
0x3cb: {  	[tilespmem:s20+$0x0] =	vst v2;
	v2 =	vadd.f32 v6, v17;
	v5 =	vmul.f32 v12, v22;
	v6 =	vsub.f32 v13, v11  }
0x3cc: {  	s16 =	sadd.s32 s6, s15;
	[tilespmem:s19+$0xFFFFFFE0] =	vst v3;
	v1 =	vadd.f32 v1, v18;
	v3 =	vmul.f32 v4, v23  }
0x3cd: {  	s16 =	sshll.u32 s16, $0xB;
	[tilespmem:s19+$0xFFFFFFF0] =	vst v2;
	v4 =	vadd.f32 v5, v7;
	v2 =	vmul.f32 v6, v8  }
0x3ce: {  	s18 =	sshll.u32 s15, $0x4;
	s16 =	sand.u32 $0x3C000, s16;
	[tilespmem:s19+$0x0] =	vst v1;
	v1 =	vadd.f32 v3, v14  }
0x3cf: {  	s18 =	sand.u32 $0x70, s18;
	s16 =	sor.u32 s24, s16;
	[tilespmem:s17+$0xFFFFFFE0] =	vst v4;
	v2 =	vadd.f32 v2, v11  }
0x3d0: {  	s16 =	sor.u32 s18, s16;
	[tilespmem:s17+$0xFFFFFFF0] =	vst v1  }
0x3d1: {  	s25 =	simm.s32 $0x11830;
	s23 =	sadd.s32 s3, s16;
	[tilespmem:s17+$0x0] =	vst v2  }
0x3d2: {  	[hbm4b:s23+s30] =	stream.strided.scatter [tilespmem:s10], [sflag:$0x1], $0x1000, s9, s30, $0x38;
	[tilespmem:$0x1F800] =	vst v63  }
0x3d3: {  	v1 =	vld [tilespmem:s25+$0x0]  }
0x3d4: {  	v7 =	vld [tilespmem:s25+$0xFFFFFFD0]  }
0x3d5: {  	v11 =	vld [tilespmem:s25+$0xFFFFFFF0]  }
0x3d6: {  	v9 =	vld [tilespmem:s25+$0xFFFFFFE0];
	_ =	sdelay $0x1  }
0x3d7: {  	v2 =	vand.u32 $0xFFFFF800, v1;
	v3 =	vand.u32 $0x7F, v1  }
0x3d8: {  	v4 =	vshll.u32 v1, $0x3;
	v5 =	vshrl.u32 v1, $0x1;
	v6 =	vshrl.u32 v1, $0x8  }
0x3d9: {  	v1 =	vand.u32 $0xFF, v1;
	v12 =	vshrl.u32 v11, $0x8;
	v13 =	vand.u32 $0xFF, v11  }
0x3da: {  	v20 =	vshll.u32 v7, $0x3;
	v21 =	vshll.u32 v9, $0x3;
	v22 =	vshll.u32 v11, $0x3  }
0x3db: {  	v24 =	vand.u32 $0xFFFFF800, v7;
	v25 =	vand.u32 $0x7F, v7;
	v26 =	vand.u32 $0xFFFFF800, v9  }
0x3dc: {  	v27 =	vand.u32 $0x7F, v9;
	v28 =	vand.u32 $0x7F, v11;
	v5 =	vand.u32 $0x380, v5  }
0x3dd: {  	v6 =	vadd.s32 $0x1, v6;
	v1 =	vadd.s32 $0x1, v1;
	v4 =	vand.u32 $0x400, v4  }
0x3de: {  	v3 =	vor.u32 v3, v4;
	v4 =	vand.u32 $0x7F, v1;
	v8 =	vshll.u32 v6, $0x7  }
0x3df: {  	v1 =	vshll.u32 v1, $0x3;
	v6 =	vshll.u32 v6, $0x8;
	v10 =	vor.u32 v2, v3  }
0x3e0: {  	v1 =	vand.u32 $0xC00, v1;
	v6 =	vand.u32 $0xFFFFF800, v6;
	v8 =	vand.u32 $0x380, v8  }
0x3e1: {  	v10 =	vor.u32 v5, v10;
	v2 =	vadd.s32 v2, v1;
	v3 =	vor.u32 v6, v3  }
0x3e2: {  	v1 =	vadd.s32 v1, v6;
	v2 =	vor.u32 v5, v2;
	v3 =	vor.u32 v8, v3  }
0x3e3: {  	v12 =	vadd.s32 $0x1, v12;
	v1 =	vor.u32 v8, v1;
	v2 =	vor.u32 v4, v2  }
0x3e4: {  	v13 =	vadd.s32 $0x1, v13;
	v20 =	vand.u32 $0x400, v20;
	v1 =	vor.u32 v4, v1  }
0x3e5: {  	v21 =	vand.u32 $0x400, v21;
	v22 =	vand.u32 $0x400, v22;
	v18 =	vshll.u32 v13, $0x3  }
0x3e6: {  	v19 =	vshll.u32 v12, $0x8;
	v12 =	vshll.u32 v12, $0x7;
	v20 =	vor.u32 v25, v20;
	v10 =	vld.idx.msk [tilespmem:v10+s4+$0x0], $0xffff  }
0x3e7: {  	v21 =	vor.u32 v27, v21;
	v22 =	vor.u32 v28, v22;
	v13 =	vand.u32 $0x7F, v13;
	v3 =	vld.idx.msk [tilespmem:v3+s4+$0x0], $0xffff  }
0x3e8: {  	v18 =	vand.u32 $0xC00, v18;
	v19 =	vand.u32 $0xFFFFF800, v19;
	v12 =	vand.u32 $0x380, v12;
	v2 =	vld.idx.msk [tilespmem:v2+s4+$0x0], $0xffff  }
0x3e9: {  	v6 =	vand.u32 $0xFF, v7;
	v5 =	vshrl.u32 v7, $0x8;
	v8 =	vshrl.u32 v9, $0x8;
	v1 =	vld.idx.msk [tilespmem:v1+s4+$0x0], $0xffff  }
0x3ea: {  	s17 =	simm.s32 $0x15830;
	v6 =	vadd.s32 $0x1, v6;
	v7 =	vshrl.u32 v7, $0x1;
	v4 =	vand.u32 $0xFF, v9  }
0x3eb: {  	v23 =	vld [tilespmem:s17+$0x0];
	v5 =	vadd.s32 $0x1, v5;
	v8 =	vadd.s32 $0x1, v8;
	v14 =	vshll.u32 v6, $0x3  }
0x3ec: {  	v9 =	vshrl.u32 v9, $0x1;
	v7 =	vand.u32 $0x380, v7;
	v6 =	vand.u32 $0x7F, v6  }
0x3ed: {  	v4 =	vadd.s32 $0x1, v4;
	v15 =	vshll.u32 v5, $0x8;
	v17 =	vshll.u32 v8, $0x8  }
0x3ee: {  	v14 =	vand.u32 $0xC00, v14;
	v2 =	vsub.f32 v2, v10;
	v1 =	vsub.f32 v1, v3  }
0x3ef: {  	v5 =	vshll.u32 v5, $0x7;
	v8 =	vshll.u32 v8, $0x7;
	v9 =	vand.u32 $0x380, v9  }
0x3f0: {  	s20 =	simm.s32 $0x19830;
	v16 =	vshll.u32 v4, $0x3;
	v2 =	vmul.f32 v2, v23;
	v1 =	vmul.f32 v1, v23  }
0x3f1: {  	v29 =	vld [tilespmem:s20+$0x0];
	v15 =	vand.u32 $0xFFFFF800, v15;
	v17 =	vand.u32 $0xFFFFF800, v17;
	v5 =	vand.u32 $0x380, v5  }
0x3f2: {  	v31 =	vand.u32 $0x380, v8;
	v2 =	vadd.f32 v2, v10;
	v1 =	vadd.f32 v1, v3  }
0x3f3: {  	v4 =	vand.u32 $0x7F, v4;
	v16 =	vand.u32 $0xC00, v16;
	v23 =	vand.u32 $0xFFFFF800, v11  }
0x3f4: {  	v11 =	vshrl.u32 v11, $0x1;
	v30 =	vadd.s32 v23, v18;
	v1 =	vsub.f32 v1, v2  }
0x3f5: {  	v18 =	vadd.s32 v18, v19;
	v11 =	vand.u32 $0x380, v11;
	v3 =	vadd.s32 v24, v14  }
0x3f6: {  	v10 =	vadd.s32 v14, v15;
	v14 =	vadd.s32 v26, v16;
	v1 =	vmul.f32 v1, v29  }
0x3f7: {  	v16 =	vadd.s32 v16, v17;
	v15 =	vor.u32 v15, v20;
	v17 =	vor.u32 v17, v21  }
0x3f8: {  	v8 =	vadd.f32 v1, v2;
	v1 =	vor.u32 v7, v3;
	v2 =	vor.u32 v5, v10  }
0x3f9: {  	s21 =	simm.s32 $0x11870;
	v10 =	vor.u32 v31, v16;
	v16 =	vor.u32 v12, v18;
	v18 =	vor.u32 v19, v22  }
0x3fa: {  	v19 =	vor.u32 v24, v20;
	v20 =	vor.u32 v26, v21;
	v21 =	vor.u32 v23, v22;
	v22 =	vld [tilespmem:s21+$0x0]  }
0x3fb: {  	v3 =	vor.u32 v9, v14;
	v14 =	vor.u32 v11, v30;
	v5 =	vor.u32 v5, v15  }
0x3fc: {  	v23 =	vor.u32 v6, v1;
	v6 =	vor.u32 v6, v2;
	v3 =	vor.u32 v4, v3  }
0x3fd: {  	v4 =	vor.u32 v4, v10;
	v10 =	vor.u32 v13, v14;
	v7 =	vor.u32 v7, v19;
	v19 =	vld [tilespmem:s21+$0xFFFFFFD0]  }
0x3fe: {  	v13 =	vor.u32 v13, v16;
	v1 =	vor.u32 v12, v18;
	v12 =	vor.u32 v9, v20;
	v20 =	vld [tilespmem:s21+$0xFFFFFFE0]  }
0x3ff: {  	v14 =	vor.u32 v31, v17;
	v2 =	vor.u32 v11, v21;
	v9 =	vand.u32 $0xFFFFF800, v22  }
0x400: {  	v11 =	vand.u32 $0x7F, v22;
	v15 =	vshll.u32 v22, $0x3;
	v16 =	vshrl.u32 v22, $0x1  }
0x401: {  	v17 =	vshrl.u32 v22, $0x8;
	v18 =	vand.u32 $0xFF, v22;
	v16 =	vand.u32 $0x380, v16  }
0x402: {  	v18 =	vadd.s32 $0x1, v18;
	v15 =	vand.u32 $0x400, v15;
	v17 =	vadd.s32 $0x1, v17  }
0x403: {  	v58 =	vshll.u32 v19, $0x3;
	v59 =	vshll.u32 v20, $0x3;
	v62 =	vand.u32 $0xFFFFF800, v19  }
0x404: {  	v63 =	vand.u32 $0x7F, v19;
	v49 =	vand.u32 $0xFFFFF800, v20;
	v50 =	vand.u32 $0x7F, v20  }
0x405: {  	v11 =	vor.u32 v11, v15;
	v15 =	vand.u32 $0x7F, v18;
	v21 =	vshll.u32 v17, $0x7  }
0x406: {  	v22 =	vld [tilespmem:s21+$0xFFFFFFF0];
	v18 =	vshll.u32 v18, $0x3;
	v17 =	vshll.u32 v17, $0x8;
	v33 =	vand.u32 $0x400, v58  }
0x407: {  	v34 =	vand.u32 $0x400, v59;
	v24 =	vor.u32 v9, v11;
	v18 =	vand.u32 $0xC00, v18  }
0x408: {  	v17 =	vand.u32 $0xFFFFF800, v17;
	v21 =	vand.u32 $0x380, v21;
	v9 =	vadd.s32 v9, v18  }
0x409: {  	v5 =	vld.idx.msk [tilespmem:v5+s4+$0x0], $0xffff;
	v11 =	vor.u32 v17, v11;
	v24 =	vor.u32 v16, v24;
	v9 =	vor.u32 v16, v9  }
0x40a: {  	v6 =	vld.idx.msk [tilespmem:v6+s4+$0x0], $0xffff;
	v11 =	vor.u32 v21, v11;
	v16 =	vadd.s32 v18, v17;
	v17 =	vshrl.u32 v19, $0x8  }
0x40b: {  	v3 =	vld.idx.msk [tilespmem:v3+s4+$0x0], $0xffff;
	v18 =	vand.u32 $0xFF, v19;
	v25 =	vshrl.u32 v22, $0x8;
	v26 =	vand.u32 $0xFF, v22  }
0x40c: {  	v56 =	vld.idx.msk [tilespmem:v12+s4+$0x0], $0xffff;
	v60 =	vshll.u32 v22, $0x3;
	v19 =	vshrl.u32 v19, $0x1;
	v51 =	vand.u32 $0xFFFFF800, v22  }
0x40d: {  	v43 =	vand.u32 $0x7F, v22;
	v9 =	vor.u32 v15, v9;
	v16 =	vor.u32 v21, v16  }
0x40e: {  	v22 =	vshrl.u32 v22, $0x1;
	v21 =	vshrl.u32 v20, $0x8;
	v15 =	vor.u32 v15, v16  }
0x40f: {  	v48 =	vld [tilespmem:s17+$0xFFFFFFD0];
	v17 =	vadd.s32 $0x1, v17;
	v18 =	vadd.s32 $0x1, v18;
	v25 =	vadd.s32 $0x1, v25  }
0x410: {  	v26 =	vadd.s32 $0x1, v26;
	v35 =	vand.u32 $0x400, v60;
	v19 =	vand.u32 $0x380, v19;
	v24 =	vld.idx.msk [tilespmem:v24+s4+$0x0], $0xffff  }
0x411: {  	v54 =	vand.u32 $0x380, v22;
	v6 =	vsub.f32 v6, v5;
	v3 =	vsub.f32 v3, v56;
	v11 =	vld.idx.msk [tilespmem:v11+s4+$0x0], $0xffff  }
0x412: {  	v16 =	vand.u32 $0xFF, v20;
	v21 =	vadd.s32 $0x1, v21;
	v27 =	vshll.u32 v18, $0x3;
	v9 =	vld.idx.msk [tilespmem:v9+s4+$0x0], $0xffff  }
0x413: {  	v28 =	vshll.u32 v17, $0x8;
	v31 =	vshll.u32 v26, $0x3;
	v57 =	vshll.u32 v25, $0x8;
	v15 =	vld.idx.msk [tilespmem:v15+s4+$0x0], $0xffff  }
0x414: {  	s22 =	simm.s32 $0x15870;
	v42 =	vld [tilespmem:s17+$0xFFFFFFE0];
	v17 =	vshll.u32 v17, $0x7;
	v25 =	vshll.u32 v25, $0x7;
	v20 =	vshrl.u32 v20, $0x1  }
0x415: {  	v61 =	vld [tilespmem:s22+$0x0];
	v53 =	vor.u32 v43, v35;
	v16 =	vadd.s32 $0x1, v16;
	v30 =	vshll.u32 v21, $0x8  }
0x416: {  	v27 =	vand.u32 $0xC00, v27;
	v28 =	vand.u32 $0xFFFFF800, v28;
	v31 =	vand.u32 $0xC00, v31  }
0x417: {  	v32 =	vand.u32 $0xFFFFF800, v57;
	v21 =	vshll.u32 v21, $0x7;
	v46 =	vand.u32 $0x380, v17  }
0x418: {  	v25 =	vand.u32 $0x380, v25;
	v9 =	vsub.f32 v9, v24;
	v15 =	vsub.f32 v15, v11  }
0x419: {  	v20 =	vand.u32 $0x380, v20;
	v6 =	vmul.f32 v6, v48;
	v3 =	vmul.f32 v3, v42  }
0x41a: {  	s23 =	simm.s32 $0x19870;
	v29 =	vshll.u32 v16, $0x3;
	v9 =	vmul.f32 v9, v61;
	v15 =	vmul.f32 v15, v61  }
0x41b: {  	v44 =	vld [tilespmem:s23+$0x0];
	v30 =	vand.u32 $0xFFFFF800, v30;
	v45 =	vadd.s32 v51, v31;
	v21 =	vand.u32 $0x380, v21  }
0x41c: {  	v17 =	vadd.s32 v31, v32;
	v9 =	vadd.f32 v9, v24;
	v11 =	vadd.f32 v15, v11  }
0x41d: {  	v31 =	vor.u32 v63, v33;
	v32 =	vor.u32 v32, v53;
	v12 =	vand.u32 $0x7F, v16  }
0x41e: {  	v23 =	vld.idx.msk [tilespmem:v23+s4+$0x0], $0xffff;
	v29 =	vand.u32 $0xC00, v29;
	v55 =	vor.u32 v25, v17;
	v11 =	vsub.f32 v11, v9  }
0x41f: {  	v52 =	vld.idx.msk [tilespmem:v10+s4+$0x0], $0xffff;
	v5 =	vadd.f32 v6, v5;
	v25 =	vor.u32 v25, v32;
	v24 =	vadd.s32 v27, v28  }
0x420: {  	v13 =	vld.idx.msk [tilespmem:v13+s4+$0x0], $0xffff;
	v15 =	vadd.s32 v62, v27;
	v10 =	vmul.f32 v11, v44;
	v11 =	vor.u32 v50, v34  }
0x421: {  	v7 =	vld.idx.msk [tilespmem:v7+s4+$0x0], $0xffff;
	v27 =	vadd.s32 v49, v29;
	v29 =	vadd.s32 v29, v30;
	v30 =	vor.u32 v30, v11  }
0x422: {  	v57 =	vor.u32 v49, v11;
	v11 =	vand.u32 $0x7F, v18;
	v18 =	vld.idx.msk [tilespmem:v1+s4+$0x0], $0xffff;
	v1 =	vand.u32 $0x7F, v26  }
0x423: {  	v2 =	vld.idx.msk [tilespmem:v2+s4+$0x0], $0xffff;
	v9 =	vadd.f32 v10, v9;
	v10 =	vor.u32 v19, v15;
	v15 =	vor.u32 v46, v24  }
0x424: {  	v24 =	vld.idx.msk [tilespmem:v14+s4+$0x0], $0xffff;
	v14 =	vor.u32 v20, v27;
	v27 =	vor.u32 v21, v29;
	v29 =	vor.u32 v54, v45  }
0x425: {  	v4 =	vld.idx.msk [tilespmem:v4+s4+$0x0], $0xffff;
	v36 =	vor.u32 v11, v15;
	v22 =	vor.u32 v12, v14;
	v17 =	vor.u32 v12, v27  }
0x426: {  	s25 =	simm.s32 $0x118B0;
	v15 =	vld [tilespmem:s17+$0xFFFFFFF0];
	v14 =	vor.u32 v1, v29;
	v12 =	vor.u32 v1, v55;
	v1 =	vsub.f32 v23, v7  }
0x427: {  	v28 =	vor.u32 v28, v31;
	v31 =	vor.u32 v62, v31;
	v34 =	vor.u32 v51, v53;
	v29 =	vld [tilespmem:s25+$0xFFFFFFF0]  }
0x428: {  	v26 =	vor.u32 v11, v10;
	v10 =	vor.u32 v46, v28;
	v1 =	vmul.f32 v1, v48  }
0x429: {  	v11 =	vor.u32 v21, v30;
	v21 =	vsub.f32 v52, v2;
	v13 =	vsub.f32 v13, v18  }
0x42a: {  	v23 =	vor.u32 v19, v31;
	v4 =	vsub.f32 v4, v24;
	v16 =	vadd.f32 v1, v7  }
0x42b: {  	v1 =	vadd.f32 v3, v56;
	v7 =	vmul.f32 v21, v15;
	v3 =	vmul.f32 v13, v15  }
0x42c: {  	v27 =	vld [tilespmem:s20+$0xFFFFFFD0];
	v15 =	vor.u32 v54, v34;
	v59 =	vshrl.u32 v29, $0x8;
	v60 =	vand.u32 $0xFF, v29  }
0x42d: {  	v21 =	vld [tilespmem:s25+$0x0];
	v4 =	vmul.f32 v4, v42;
	v5 =	vsub.f32 v5, v16;
	v33 =	vadd.s32 $0x1, v59  }
0x42e: {  	v34 =	vadd.s32 $0x1, v60;
	v59 =	vshll.u32 v29, $0x3;
	v2 =	vadd.f32 v7, v2  }
0x42f: {  	v28 =	vld [tilespmem:s20+$0xFFFFFFE0];
	v3 =	vadd.f32 v3, v18;
	v18 =	vor.u32 v20, v57;
	v54 =	vshll.u32 v34, $0x3  }
0x430: {  	v46 =	vand.u32 $0x400, v59;
	v34 =	vand.u32 $0x7F, v34;
	v4 =	vadd.f32 v4, v24  }
0x431: {  	v19 =	vmul.f32 v5, v27;
	v41 =	vand.u32 $0xC00, v54;
	v13 =	vsub.f32 v3, v2  }
0x432: {  	v27 =	vld [tilespmem:s25+$0xFFFFFFD0];
	v4 =	vsub.f32 v4, v1;
	v5 =	vand.u32 $0xFFFFF800, v21;
	v7 =	vshrl.u32 v21, $0x1  }
0x433: {  	v6 =	vshll.u32 v21, $0x3;
	v20 =	vshrl.u32 v21, $0x8;
	v7 =	vand.u32 $0x380, v7  }
0x434: {  	v6 =	vand.u32 $0x400, v6;
	v20 =	vadd.s32 $0x1, v20;
	v3 =	vmul.f32 v4, v28  }
0x435: {  	v4 =	vand.u32 $0x7F, v21;
	v21 =	vand.u32 $0xFF, v21;
	v24 =	vshll.u32 v20, $0x7  }
0x436: {  	v20 =	vshll.u32 v20, $0x8;
	v21 =	vadd.s32 $0x1, v21;
	v4 =	vor.u32 v4, v6  }
0x437: {  	v20 =	vand.u32 $0xFFFFF800, v20;
	v24 =	vand.u32 $0x380, v24;
	v31 =	vand.u32 $0xFF, v27  }
0x438: {  	v56 =	vshll.u32 v27, $0x3;
	v6 =	vand.u32 $0x7F, v21;
	v21 =	vshll.u32 v21, $0x3  }
0x439: {  	s18 =	simm.s32 $0x198B0;
	s21 =	simm.s32 $0x1E820;
	v28 =	vld [tilespmem:s25+$0xFFFFFFE0];
	v51 =	vand.u32 $0xFFFFF800, v27;
	v30 =	vor.u32 v5, v4;
	v21 =	vand.u32 $0xC00, v21  }
0x43a: {  	[tilespmem:s21+$0x10] =	vst v8;
	v8 =	vld [tilespmem:s18+$0xFFFFFFF0];
	s17 =	simm.s32 $0x158B0;
	v4 =	vor.u32 v20, v4;
	v30 =	vor.u32 v7, v30;
	v5 =	vadd.s32 v5, v21  }
0x43b: {  	v49 =	vld [tilespmem:s17+$0x0];
	v4 =	vor.u32 v24, v4;
	v5 =	vor.u32 v7, v5;
	v7 =	vadd.s32 v21, v20  }
0x43c: {  	v26 =	vld.idx.msk [tilespmem:v26+s4+$0x0], $0xffff;
	v52 =	vand.u32 $0x7F, v27;
	v5 =	vor.u32 v6, v5;
	v7 =	vor.u32 v24, v7  }
0x43d: {  	v10 =	vld.idx.msk [tilespmem:v10+s4+$0x0], $0xffff;
	v31 =	vadd.s32 $0x1, v31;
	v43 =	vand.u32 $0x400, v56;
	v6 =	vor.u32 v6, v7  }
0x43e: {  	v59 =	vld.idx.msk [tilespmem:v12+s4+$0x0], $0xffff;
	v20 =	vshrl.u32 v27, $0x8;
	v58 =	vshrl.u32 v28, $0x8;
	v57 =	vshll.u32 v28, $0x3  }
0x43f: {  	v27 =	vshrl.u32 v27, $0x1;
	v54 =	vand.u32 $0x7F, v28;
	v61 =	vadd.s32 $0x1, v20;
	v30 =	vld.idx.msk [tilespmem:v30+s4+$0x0], $0xffff  }
0x440: {  	v32 =	vadd.s32 $0x1, v58;
	v44 =	vand.u32 $0x400, v57;
	v7 =	vand.u32 $0xFF, v28;
	v63 =	vld.idx.msk [tilespmem:v4+s4+$0x0], $0xffff  }
0x441: {  	v62 =	vshll.u32 v61, $0x8;
	v53 =	vshll.u32 v32, $0x8;
	v35 =	vshll.u32 v61, $0x7;
	v55 =	vld.idx.msk [tilespmem:v5+s4+$0x0], $0xffff  }
0x442: {  	v32 =	vshll.u32 v32, $0x7;
	v61 =	vand.u32 $0x7F, v29;
	v37 =	vadd.s32 $0x1, v7;
	v58 =	vld.idx.msk [tilespmem:v6+s4+$0x0], $0xffff  }
0x443: {  	v12 =	vld.idx.msk [tilespmem:v11+s4+$0x0], $0xffff;
	v7 =	vshll.u32 v31, $0x3;
	v38 =	vand.u32 $0xFFFFF800, v62;
	v40 =	vand.u32 $0xFFFFF800, v53  }
0x444: {  	v11 =	vld.idx.msk [tilespmem:v25+s4+$0x0], $0xffff;
	v53 =	vand.u32 $0xFFFFF800, v28;
	v28 =	vshrl.u32 v28, $0x1;
	v35 =	vand.u32 $0x380, v35  }
0x445: {  	v25 =	vld [tilespmem:s17+$0xFFFFFFD0];
	v32 =	vand.u32 $0x380, v32;
	v61 =	vor.u32 v61, v46;
	v4 =	vshll.u32 v37, $0x3  }
0x446: {  	v56 =	vld [tilespmem:s18+$0x0];
	v47 =	vand.u32 $0xC00, v7;
	v46 =	vand.u32 $0x380, v28;
	v42 =	vsub.f32 v55, v30  }
0x447: {  	v21 =	vld [tilespmem:s22+$0xFFFFFFD0];
	v48 =	vand.u32 $0xC00, v4;
	v62 =	vadd.s32 v51, v47;
	v45 =	vsub.f32 v58, v63  }
0x448: {  	v24 =	vld [tilespmem:s20+$0xFFFFFFF0];
	v5 =	vshll.u32 v33, $0x8;
	v33 =	vshll.u32 v33, $0x7;
	v42 =	vmul.f32 v42, v49  }
0x449: {  	v20 =	vld [tilespmem:s22+$0xFFFFFFE0];
	v50 =	vand.u32 $0xFFFFF800, v5;
	v33 =	vand.u32 $0x380, v33;
	v60 =	vmul.f32 v45, v49  }
0x44a: {  	v55 =	vld.idx.msk [tilespmem:v36+s4+$0x0], $0xffff;
	v45 =	vand.u32 $0xFFFFF800, v29;
	v29 =	vshrl.u32 v29, $0x1;
	v30 =	vadd.f32 v42, v30  }
0x44b: {  	v42 =	vld.idx.msk [tilespmem:v22+s4+$0x0], $0xffff;
	v57 =	vadd.s32 v45, v41;
	v29 =	vand.u32 $0x380, v29;
	v22 =	vadd.f32 v60, v63  }
0x44c: {  	v63 =	vadd.s32 v47, v38;
	v47 =	vld.idx.msk [tilespmem:v17+s4+$0x0], $0xffff;
	v17 =	vadd.s32 v53, v48;
	v48 =	vadd.s32 v48, v40  }
0x44d: {  	v49 =	vld.idx.msk [tilespmem:v23+s4+$0x0], $0xffff;
	v60 =	vor.u32 v52, v43;
	v43 =	vand.u32 $0x380, v27;
	v27 =	vor.u32 v54, v44  }
0x44e: {  	v58 =	vld.idx.msk [tilespmem:v14+s4+$0x0], $0xffff;
	v44 =	vor.u32 v45, v61;
	v28 =	vor.u32 v43, v62;
	v14 =	vsub.f32 v22, v30  }
0x44f: {  	v23 =	vor.u32 v46, v17;
	v36 =	vor.u32 v32, v48;
	v62 =	vor.u32 v29, v57;
	v17 =	vld.idx.msk [tilespmem:v18+s4+$0x0], $0xffff  }
0x450: {  	v38 =	vor.u32 v38, v60;
	v18 =	vld.idx.msk [tilespmem:v15+s4+$0x0], $0xffff;
	v15 =	vor.u32 v50, v61;
	v14 =	vmul.f32 v14, v56  }
0x451: {  	s19 =	simm.s32 $0x1E860;
	v7 =	vld [tilespmem:s22+$0xFFFFFFF0];
	v57 =	vor.u32 v53, v27;
	v22 =	vadd.s32 v41, v50;
	v41 =	vor.u32 v51, v60  }
0x452: {  	[tilespmem:s19+$0x10] =	vst v9;
	v4 =	vld [tilespmem:s23+$0xFFFFFFF0];
	v38 =	vor.u32 v35, v38;
	v9 =	vsub.f32 v26, v49;
	v14 =	vadd.f32 v14, v30  }
0x453: {  	v5 =	vld [tilespmem:s23+$0xFFFFFFD0];
	v30 =	vor.u32 v35, v63;
	v63 =	vor.u32 v33, v22;
	v22 =	vand.u32 $0x7F, v31  }
0x454: {  	v6 =	vld [tilespmem:s23+$0xFFFFFFE0];
	v26 =	vsub.f32 v55, v10;
	v56 =	vor.u32 v40, v27;
	v60 =	vor.u32 v22, v28  }
0x455: {  	v27 =	vld [tilespmem:s17+$0xFFFFFFE0];
	v40 =	vor.u32 v34, v62;
	v31 =	vand.u32 $0x7F, v37;
	v30 =	vor.u32 v22, v30  }
0x456: {  	v9 =	vmul.f32 v9, v21;
	v37 =	vor.u32 v32, v56;
	v28 =	vld [tilespmem:s17+$0xFFFFFFF0];
	v61 =	vor.u32 v31, v23  }
0x457: {  	v35 =	vor.u32 v46, v57;
	v62 =	vsub.f32 v42, v17;
	v31 =	vor.u32 v31, v36;
	v22 =	vld [tilespmem:s18+$0xFFFFFFD0]  }
0x458: {  	v39 =	vor.u32 v34, v63;
	v23 =	vld [tilespmem:s18+$0xFFFFFFE0];
	v34 =	vor.u32 v33, v15;
	v36 =	vor.u32 v43, v41  }
0x459: {  	s20 =	simm.s32 $0x1E8A0;
	v33 =	vor.u32 v29, v44;
	v41 =	vmul.f32 v13, v24;
	v63 =	vsub.f32 v47, v12;
	v13 =	vld.idx.msk [tilespmem:v60+s4+$0x0], $0xffff  }
0x45a: {  	v24 =	vsub.f32 v59, v11;
	[tilespmem:s20+$0x10] =	vst v14;
	v14 =	vld.idx.msk [tilespmem:v30+s4+$0x0], $0xffff;
	v30 =	vsub.f32 v58, v18  }
0x45b: {  	v29 =	vmul.f32 v26, v21;
	v21 =	vadd.f32 v19, v16;
	v26 =	vmul.f32 v62, v20;
	v15 =	vld.idx.msk [tilespmem:v61+s4+$0x0], $0xffff  }
0x45c: {  	s22 =	simm.s32 $0x8;
	s23 =	simm.s32 $0x118F0;
	v9 =	vadd.f32 v9, v49;
	v20 =	vmul.f32 v63, v20;
	v16 =	vld.idx.msk [tilespmem:v31+s4+$0x0], $0xffff;
	v19 =	vmul.f32 v30, v7  }
.LBB2_21:
0x45d: {  	v30 =	vld [tilespmem:s23+$0x0];
	v10 =	vadd.f32 v29, v10;
	v17 =	vadd.f32 v26, v17;
	v24 =	vmul.f32 v24, v7;
	[tilespmem:s21+$0xFFFFFFE0] =	vst v21  }
0x45e: {  	v7 =	vmovc v28;
	v31 =	vld [tilespmem:s23+$0xFFFFFFE0];
	v12 =	vadd.f32 v20, v12;
	v18 =	vadd.f32 v19, v18;
	v20 =	vmovc v25;
	v19 =	vmov v27  }
0x45f: {  	v32 =	vld [tilespmem:s23+$0xFFFFFFF0];
	v10 =	vsub.f32 v10, v9;
	v11 =	vadd.f32 v24, v11  }
0x460: {  	v25 =	vadd.f32 v3, v1;
	v1 =	vmov v17;
	v42 =	vld [tilespmem:s23+$0xFFFFFFD0];
	v12 =	vsub.f32 v12, v17  }
0x461: {  	s22 =	sadd.s32 $0x4, s22;
	v24 =	vld.idx.msk [tilespmem:v40+s4+$0x0], $0xffff;
	v21 =	vmul.f32 v10, v5;
	v29 =	vsub.f32 v11, v18;
	v11 =	vadd.f32 v41, v2  }
0x462: {  	p0 =	slt.u32 s22, $0xFC;
	v2 =	vmovc v18;
	v5 =	vmov v22;
	v27 =	vand.u32 $0xFFFFF800, v30;
	v26 =	vld.idx.msk [tilespmem:v39+s4+$0x0], $0xffff;
	v3 =	vmul.f32 v12, v6;
	[tilespmem:s21+$0xFFFFFFF0] =	vst v25  }
0x463: {  	v17 =	vand.u32 $0x7F, v30;
	v18 =	vshll.u32 v30, $0x3;
	v12 =	vshrl.u32 v30, $0x1;
	v6 =	vmovc v23;
	v10 =	vld.idx.msk [tilespmem:v38+s4+$0x0], $0xffff;
	[tilespmem:s21+$0x0] =	vst v11;
	s21 =	smov.u32 s19;
	s19 =	smov.u32 s20  }
0x464: {  	v22 =	vand.u32 $0xFF, v30;
	v11 =	vshrl.u32 v30, $0x8;
	v23 =	vand.u32 $0x380, v12;
	v12 =	vld.idx.msk [tilespmem:v37+s4+$0x0], $0xffff  }
0x465: {  	v22 =	vadd.s32 $0x1, v22;
	v18 =	vand.u32 $0x400, v18;
	v25 =	vadd.s32 $0x1, v11;
	v11 =	vld.idx.msk [tilespmem:v34+s4+$0x0], $0xffff  }
0x466: {  	v28 =	vor.u32 v17, v18;
	v34 =	vand.u32 $0x7F, v22;
	v18 =	vshll.u32 v25, $0x7;
	v30 =	vld.idx.msk [tilespmem:v36+s4+$0x0], $0xffff  }
0x467: {  	v22 =	vshll.u32 v22, $0x3;
	v25 =	vshll.u32 v25, $0x8;
	v36 =	vor.u32 v27, v28;
	v17 =	vld.idx.msk [tilespmem:v35+s4+$0x0], $0xffff  }
0x468: {  	v22 =	vand.u32 $0xC00, v22;
	v25 =	vand.u32 $0xFFFFF800, v25;
	v35 =	vand.u32 $0x380, v18;
	v18 =	vld.idx.msk [tilespmem:v33+s4+$0x0], $0xffff  }
0x469: {  	v27 =	vadd.s32 v27, v22;
	v28 =	vor.u32 v25, v28;
	v33 =	vor.u32 v23, v36  }
0x46a: {  	v22 =	vadd.s32 v22, v25;
	v23 =	vor.u32 v23, v27;
	v27 =	vor.u32 v35, v28  }
0x46b: {  	v25 =	vshrl.u32 v42, $0x8;
	v22 =	vor.u32 v35, v22;
	v23 =	vor.u32 v34, v23  }
0x46c: {  	v28 =	vand.u32 $0xFF, v42;
	v35 =	vshrl.u32 v31, $0x8;
	v22 =	vor.u32 v34, v22  }
0x46d: {  	v37 =	vand.u32 $0xFF, v32;
	v36 =	vshrl.u32 v32, $0x8;
	v34 =	vand.u32 $0xFF, v31  }
0x46e: {  	v38 =	vadd.s32 $0x1, v25;
	v39 =	vadd.s32 $0x1, v28;
	v28 =	vadd.s32 $0x1, v35;
	v33 =	vld.idx.msk [tilespmem:v33+s4+$0x0], $0xffff  }
0x46f: {  	v35 =	vadd.s32 $0x1, v36;
	v36 =	vadd.s32 $0x1, v37;
	v34 =	vadd.s32 $0x1, v34;
	v37 =	vld.idx.msk [tilespmem:v27+s4+$0x0], $0xffff  }
0x470: {  	v25 =	vshll.u32 v39, $0x3;
	v40 =	vshll.u32 v34, $0x3;
	v27 =	vshll.u32 v38, $0x8;
	v23 =	vld.idx.msk [tilespmem:v23+s4+$0x0], $0xffff  }
0x471: {  	v41 =	vshll.u32 v28, $0x8;
	v43 =	vshll.u32 v36, $0x3;
	v44 =	vshll.u32 v35, $0x8;
	v22 =	vld.idx.msk [tilespmem:v22+s4+$0x0], $0xffff  }
0x472: {  	v46 =	vshll.u32 v31, $0x3;
	v47 =	vshll.u32 v32, $0x3;
	v45 =	vshll.u32 v42, $0x3  }
0x473: {  	s17 =	sadd.s32 $0x40, s17;
	v48 =	vand.u32 $0xC00, v25;
	v40 =	vand.u32 $0xC00, v40;
	v49 =	vand.u32 $0xFFFFF800, v27  }
0x474: {  	v41 =	vand.u32 $0xFFFFF800, v41;
	v43 =	vand.u32 $0xC00, v43;
	v44 =	vand.u32 $0xFFFFF800, v44;
	v50 =	vld [tilespmem:s17+$0x0]  }
0x475: {  	v51 =	vshll.u32 v28, $0x7;
	v35 =	vshll.u32 v35, $0x7;
	v38 =	vshll.u32 v38, $0x7;
	v25 =	vld [tilespmem:s17+$0xFFFFFFD0]  }
0x476: {  	v46 =	vand.u32 $0x400, v46;
	v47 =	vand.u32 $0x400, v47;
	v45 =	vand.u32 $0x400, v45;
	v27 =	vld [tilespmem:s17+$0xFFFFFFE0]  }
0x477: {  	v52 =	vand.u32 $0xFFFFF800, v42;
	v23 =	vsub.f32 v23, v33;
	v22 =	vsub.f32 v22, v37;
	v28 =	vld [tilespmem:s17+$0xFFFFFFF0]  }
0x478: {  	v54 =	vand.u32 $0xFFFFF800, v31;
	v53 =	vand.u32 $0x7F, v42;
	v42 =	vshrl.u32 v42, $0x1  }
0x479: {  	s18 =	sadd.s32 $0x40, s18;
	v55 =	vand.u32 $0x7F, v31;
	v23 =	vmul.f32 v23, v50;
	v50 =	vmul.f32 v22, v50  }
0x47a: {  	v56 =	vand.u32 $0xFFFFF800, v32;
	v57 =	vand.u32 $0x7F, v32;
	v31 =	vshrl.u32 v31, $0x1;
	v58 =	vld [tilespmem:s18+$0x0]  }
0x47b: {  	v32 =	vshrl.u32 v32, $0x1;
	v22 =	vld [tilespmem:s18+$0xFFFFFFD0];
	v33 =	vadd.f32 v23, v33;
	v37 =	vadd.f32 v50, v37  }
0x47c: {  	v59 =	vadd.s32 v54, v40;
	v50 =	vadd.s32 v52, v48;
	v48 =	vadd.s32 v48, v49;
	v23 =	vld [tilespmem:s18+$0xFFFFFFE0]  }
0x47d: {  	v61 =	vadd.s32 v56, v43;
	v40 =	vadd.s32 v40, v41;
	v60 =	vld [tilespmem:s18+$0xFFFFFFF0];
	v37 =	vsub.f32 v37, v33  }
0x47e: {  	v51 =	vand.u32 $0x380, v51;
	v43 =	vadd.s32 v43, v44;
	v38 =	vand.u32 $0x380, v38  }
0x47f: {  	v45 =	vor.u32 v53, v45;
	v35 =	vand.u32 $0x380, v35;
	v37 =	vmul.f32 v37, v58  }
0x480: {  	v46 =	vor.u32 v55, v46;
	v47 =	vor.u32 v57, v47;
	v42 =	vand.u32 $0x380, v42  }
0x481: {  	v32 =	vand.u32 $0x380, v32;
	v31 =	vand.u32 $0x380, v31;
	v33 =	vadd.f32 v37, v33  }
0x482: {  	s20 =	sadd.s32 $0x40, s20;
	v48 =	vor.u32 v38, v48;
	v37 =	vor.u32 v42, v50;
	v50 =	vor.u32 v31, v59  }
0x483: {  	v53 =	vor.u32 v32, v61;
	v43 =	vor.u32 v35, v43;
	v40 =	vor.u32 v51, v40;
	[tilespmem:s20+$0x10] =	vst v33  }
0x484: {  	v44 =	vor.u32 v44, v47;
	v41 =	vor.u32 v41, v46;
	v33 =	vor.u32 v49, v45  }
0x485: {  	v47 =	vor.u32 v56, v47;
	v46 =	vor.u32 v54, v46;
	v45 =	vor.u32 v52, v45  }
0x486: {  	v39 =	vand.u32 $0x7F, v39;
	v36 =	vand.u32 $0x7F, v36;
	v34 =	vand.u32 $0x7F, v34  }
0x487: {  	v48 =	vor.u32 v39, v48;
	v50 =	vor.u32 v34, v50;
	v49 =	vor.u32 v39, v37  }
0x488: {  	v52 =	vor.u32 v34, v40;
	v40 =	vor.u32 v36, v53;
	v39 =	vor.u32 v36, v43  }
0x489: {  	v37 =	vor.u32 v51, v41;
	v34 =	vor.u32 v35, v44;
	v38 =	vor.u32 v38, v33  }
0x48a: {  	v35 =	vor.u32 v31, v46;
	v36 =	vor.u32 v42, v45;
	v33 =	vor.u32 v32, v47  }
.Ltmp9:
0x48b: {  	v31 =	vsub.f32 v13, v30;
	v41 =	vmul.f32 v29, v4;
	v4 =	vmovc v8;
	v32 =	vsub.f32 v14, v10;
	(pc) =	sbr.rel @p0 .LBB2_21-.Ltmp9, $4  }
0x48c: {  	v43 =	vsub.f32 v16, v12;
	v8 =	vmov v60;
	v42 =	vsub.f32 v15, v17;
	v13 =	vld.idx.msk [tilespmem:v49+s4+$0x0], $0xffff  }
0x48d: {  	v44 =	vsub.f32 v24, v18;
	v24 =	vsub.f32 v26, v11;
	v31 =	vmul.f32 v31, v20;
	v14 =	vld.idx.msk [tilespmem:v48+s4+$0x0], $0xffff  }
0x48e: {  	v21 =	vadd.f32 v21, v9;
	v29 =	vmul.f32 v32, v20;
	v26 =	vmul.f32 v42, v19;
	v15 =	vld.idx.msk [tilespmem:v50+s4+$0x0], $0xffff  }
0x48f: {  	s23 =	sadd.s32 $0x40, s23;
	v20 =	vmul.f32 v43, v19;
	v19 =	vmul.f32 v44, v7;
	v9 =	vadd.f32 v31, v30;
	v16 =	vld.idx.msk [tilespmem:v52+s4+$0x0], $0xffff  }
0x490: {  	_ =	sdelay $0x3  }
0x491: {  	v30 =	vld.idx.msk [tilespmem:v40+s4+$0x0], $0xffff  }
0x492: {  	v31 =	vld.idx.msk [tilespmem:v39+s4+$0x0], $0xffff  }
0x493: {  	v32 =	vld.idx.msk [tilespmem:v38+s4+$0x0], $0xffff  }
0x494: {  	v37 =	vld.idx.msk [tilespmem:v37+s4+$0x0], $0xffff  }
0x495: {  	v10 =	vadd.f32 v29, v10;
	v7 =	vmul.f32 v24, v7;
	v24 =	vld.idx.msk [tilespmem:v36+s4+$0x0], $0xffff  }
0x496: {  	v17 =	vadd.f32 v26, v17;
	v12 =	vadd.f32 v20, v12;
	v20 =	vld.idx.msk [tilespmem:v35+s4+$0x0], $0xffff  }
0x497: {  	v1 =	vadd.f32 v3, v1;
	v7 =	vadd.f32 v7, v11;
	v11 =	vld.idx.msk [tilespmem:v33+s4+$0x0], $0xffff  }
0x498: {  	v2 =	vadd.f32 v41, v2;
	v18 =	vadd.f32 v19, v18;
	v19 =	vld.idx.msk [tilespmem:v34+s4+$0x0], $0xffff  }
0x499: {  	v10 =	vsub.f32 v10, v9;
	v12 =	vsub.f32 v12, v17  }
0x49a: {  	v3 =	vsub.f32 v7, v18;
	v7 =	vsub.f32 v13, v24  }
0x49b: {  	v13 =	vsub.f32 v14, v32;
	v14 =	vsub.f32 v15, v20  }
0x49c: {  	v15 =	vsub.f32 v16, v37;
	v7 =	vmul.f32 v7, v25;
	v16 =	vsub.f32 v30, v11  }
0x49d: {  	v26 =	vsub.f32 v31, v19;
	v13 =	vmul.f32 v13, v25;
	v14 =	vmul.f32 v14, v27  }
0x49e: {  	v15 =	vmul.f32 v15, v27;
	v7 =	vadd.f32 v7, v24;
	v16 =	vmul.f32 v16, v28  }
0x49f: {  	v13 =	vadd.f32 v13, v32;
	v14 =	vadd.f32 v14, v20;
	v20 =	vmul.f32 v26, v28  }
0x4a0: {  	v5 =	vmul.f32 v10, v5;
	v10 =	vadd.f32 v15, v37;
	v11 =	vadd.f32 v16, v11  }
0x4a1: {  	[tilespmem:s21+$0xFFFFFFE0] =	vst v21;
	v6 =	vmul.f32 v12, v6;
	v12 =	vsub.f32 v13, v7;
	v13 =	vadd.f32 v20, v19  }
0x4a2: {  	[tilespmem:s21+$0xFFFFFFF0] =	vst v1;
	v1 =	vmul.f32 v3, v4;
	v3 =	vadd.f32 v5, v9;
	v4 =	vsub.f32 v10, v14  }
0x4a3: {  	[tilespmem:s21+$0x0] =	vst v2;
	v2 =	vadd.f32 v6, v17;
	v5 =	vmul.f32 v12, v22;
	v6 =	vsub.f32 v13, v11  }
0x4a4: {  	[tilespmem:s19+$0xFFFFFFE0] =	vst v3;
	v1 =	vadd.f32 v1, v18;
	v3 =	vmul.f32 v4, v23  }
0x4a5: {  	[tilespmem:s19+$0xFFFFFFF0] =	vst v2;
	v4 =	vadd.f32 v5, v7;
	v2 =	vmul.f32 v6, v8  }
0x4a6: {  	[tilespmem:s19+$0x0] =	vst v1;
	v1 =	vadd.f32 v3, v14  }
0x4a7: {  	[tilespmem:s20+$0xFFFFFFE0] =	vst v4;
	v2 =	vadd.f32 v2, v11  }
0x4a8: {  	[tilespmem:s20+$0xFFFFFFF0] =	vst v1  }
0x4a9: {  	s17 =	sadd.s32 s16, s26;
	[tilespmem:s20+$0x0] =	vst v2  }
0x4aa: {  	[hbm4b:s17+s30] =	stream.strided.scatter [tilespmem:s11], [sflag:$0x2], $0x1000, s9, s30, $0x38;
	[tilespmem:$0x1F800] =	vst v63  }
0x4ab: {  	_ =	swait.ge [sflag:s12], $0x1000  }
0x4ac: {  	[sflag:s12] =	ssyncset.done $0x0  }
0x4ad: {  	s19 =	simm.s32 $0x12830;
	[sflag:s12] =	ssyncadd.s32 $0xFFFFF000  }
0x4ae: {  	v1 =	vld [tilespmem:s19+$0x0]  }
0x4af: {  	v7 =	vld [tilespmem:s19+$0xFFFFFFD0]  }
0x4b0: {  	v11 =	vld [tilespmem:s19+$0xFFFFFFF0]  }
0x4b1: {  	v9 =	vld [tilespmem:s19+$0xFFFFFFE0];
	_ =	sdelay $0x1  }
0x4b2: {  	v2 =	vand.u32 $0xFFFFF800, v1;
	v3 =	vand.u32 $0x7F, v1  }
0x4b3: {  	v4 =	vshll.u32 v1, $0x3;
	v5 =	vshrl.u32 v1, $0x1;
	v6 =	vshrl.u32 v1, $0x8  }
0x4b4: {  	v1 =	vand.u32 $0xFF, v1;
	v12 =	vshrl.u32 v11, $0x8;
	v13 =	vand.u32 $0xFF, v11  }
0x4b5: {  	v20 =	vshll.u32 v7, $0x3;
	v21 =	vshll.u32 v9, $0x3;
	v22 =	vshll.u32 v11, $0x3  }
0x4b6: {  	v24 =	vand.u32 $0xFFFFF800, v7;
	v25 =	vand.u32 $0x7F, v7;
	v26 =	vand.u32 $0xFFFFF800, v9  }
0x4b7: {  	v27 =	vand.u32 $0x7F, v9;
	v28 =	vand.u32 $0x7F, v11;
	v5 =	vand.u32 $0x380, v5  }
0x4b8: {  	v6 =	vadd.s32 $0x1, v6;
	v1 =	vadd.s32 $0x1, v1;
	v4 =	vand.u32 $0x400, v4  }
0x4b9: {  	v3 =	vor.u32 v3, v4;
	v4 =	vand.u32 $0x7F, v1;
	v8 =	vshll.u32 v6, $0x7  }
0x4ba: {  	v1 =	vshll.u32 v1, $0x3;
	v6 =	vshll.u32 v6, $0x8;
	v10 =	vor.u32 v2, v3  }
0x4bb: {  	v1 =	vand.u32 $0xC00, v1;
	v6 =	vand.u32 $0xFFFFF800, v6;
	v8 =	vand.u32 $0x380, v8  }
0x4bc: {  	v10 =	vor.u32 v5, v10;
	v2 =	vadd.s32 v2, v1;
	v3 =	vor.u32 v6, v3  }
0x4bd: {  	v1 =	vadd.s32 v1, v6;
	v2 =	vor.u32 v5, v2;
	v3 =	vor.u32 v8, v3  }
0x4be: {  	v12 =	vadd.s32 $0x1, v12;
	v1 =	vor.u32 v8, v1;
	v2 =	vor.u32 v4, v2  }
0x4bf: {  	v13 =	vadd.s32 $0x1, v13;
	v20 =	vand.u32 $0x400, v20;
	v1 =	vor.u32 v4, v1  }
0x4c0: {  	v21 =	vand.u32 $0x400, v21;
	v22 =	vand.u32 $0x400, v22;
	v18 =	vshll.u32 v13, $0x3  }
0x4c1: {  	v19 =	vshll.u32 v12, $0x8;
	v12 =	vshll.u32 v12, $0x7;
	v20 =	vor.u32 v25, v20;
	v10 =	vld.idx.msk [tilespmem:v10+s4+$0x0], $0xffff  }
0x4c2: {  	v21 =	vor.u32 v27, v21;
	v22 =	vor.u32 v28, v22;
	v13 =	vand.u32 $0x7F, v13;
	v3 =	vld.idx.msk [tilespmem:v3+s4+$0x0], $0xffff  }
0x4c3: {  	v18 =	vand.u32 $0xC00, v18;
	v19 =	vand.u32 $0xFFFFF800, v19;
	v12 =	vand.u32 $0x380, v12;
	v2 =	vld.idx.msk [tilespmem:v2+s4+$0x0], $0xffff  }
0x4c4: {  	v6 =	vand.u32 $0xFF, v7;
	v5 =	vshrl.u32 v7, $0x8;
	v8 =	vshrl.u32 v9, $0x8;
	v1 =	vld.idx.msk [tilespmem:v1+s4+$0x0], $0xffff  }
0x4c5: {  	s18 =	simm.s32 $0x16830;
	v6 =	vadd.s32 $0x1, v6;
	v7 =	vshrl.u32 v7, $0x1;
	v4 =	vand.u32 $0xFF, v9  }
0x4c6: {  	v23 =	vld [tilespmem:s18+$0x0];
	v5 =	vadd.s32 $0x1, v5;
	v8 =	vadd.s32 $0x1, v8;
	v14 =	vshll.u32 v6, $0x3  }
0x4c7: {  	v9 =	vshrl.u32 v9, $0x1;
	v7 =	vand.u32 $0x380, v7;
	v6 =	vand.u32 $0x7F, v6  }
0x4c8: {  	v4 =	vadd.s32 $0x1, v4;
	v15 =	vshll.u32 v5, $0x8;
	v17 =	vshll.u32 v8, $0x8  }
0x4c9: {  	v14 =	vand.u32 $0xC00, v14;
	v2 =	vsub.f32 v2, v10;
	v1 =	vsub.f32 v1, v3  }
0x4ca: {  	v5 =	vshll.u32 v5, $0x7;
	v8 =	vshll.u32 v8, $0x7;
	v9 =	vand.u32 $0x380, v9  }
0x4cb: {  	s20 =	simm.s32 $0x1A830;
	v16 =	vshll.u32 v4, $0x3;
	v2 =	vmul.f32 v2, v23;
	v1 =	vmul.f32 v1, v23  }
0x4cc: {  	v29 =	vld [tilespmem:s20+$0x0];
	v15 =	vand.u32 $0xFFFFF800, v15;
	v17 =	vand.u32 $0xFFFFF800, v17;
	v5 =	vand.u32 $0x380, v5  }
0x4cd: {  	v31 =	vand.u32 $0x380, v8;
	v2 =	vadd.f32 v2, v10;
	v1 =	vadd.f32 v1, v3  }
0x4ce: {  	v4 =	vand.u32 $0x7F, v4;
	v16 =	vand.u32 $0xC00, v16;
	v23 =	vand.u32 $0xFFFFF800, v11  }
0x4cf: {  	v11 =	vshrl.u32 v11, $0x1;
	v30 =	vadd.s32 v23, v18;
	v1 =	vsub.f32 v1, v2  }
0x4d0: {  	v18 =	vadd.s32 v18, v19;
	v11 =	vand.u32 $0x380, v11;
	v3 =	vadd.s32 v24, v14  }
0x4d1: {  	v10 =	vadd.s32 v14, v15;
	v14 =	vadd.s32 v26, v16;
	v1 =	vmul.f32 v1, v29  }
0x4d2: {  	v16 =	vadd.s32 v16, v17;
	v15 =	vor.u32 v15, v20;
	v17 =	vor.u32 v17, v21  }
0x4d3: {  	v8 =	vadd.f32 v1, v2;
	v1 =	vor.u32 v7, v3;
	v2 =	vor.u32 v5, v10  }
0x4d4: {  	s21 =	simm.s32 $0x12870;
	v10 =	vor.u32 v31, v16;
	v16 =	vor.u32 v12, v18;
	v18 =	vor.u32 v19, v22  }
0x4d5: {  	v19 =	vor.u32 v24, v20;
	v20 =	vor.u32 v26, v21;
	v21 =	vor.u32 v23, v22;
	v22 =	vld [tilespmem:s21+$0x0]  }
0x4d6: {  	v3 =	vor.u32 v9, v14;
	v14 =	vor.u32 v11, v30;
	v5 =	vor.u32 v5, v15  }
0x4d7: {  	v23 =	vor.u32 v6, v1;
	v6 =	vor.u32 v6, v2;
	v3 =	vor.u32 v4, v3  }
0x4d8: {  	v4 =	vor.u32 v4, v10;
	v10 =	vor.u32 v13, v14;
	v7 =	vor.u32 v7, v19;
	v19 =	vld [tilespmem:s21+$0xFFFFFFD0]  }
0x4d9: {  	v13 =	vor.u32 v13, v16;
	v1 =	vor.u32 v12, v18;
	v12 =	vor.u32 v9, v20;
	v20 =	vld [tilespmem:s21+$0xFFFFFFE0]  }
0x4da: {  	v14 =	vor.u32 v31, v17;
	v2 =	vor.u32 v11, v21;
	v9 =	vand.u32 $0xFFFFF800, v22  }
0x4db: {  	v11 =	vand.u32 $0x7F, v22;
	v15 =	vshll.u32 v22, $0x3;
	v16 =	vshrl.u32 v22, $0x1  }
0x4dc: {  	v17 =	vshrl.u32 v22, $0x8;
	v18 =	vand.u32 $0xFF, v22;
	v16 =	vand.u32 $0x380, v16  }
0x4dd: {  	v18 =	vadd.s32 $0x1, v18;
	v15 =	vand.u32 $0x400, v15;
	v17 =	vadd.s32 $0x1, v17  }
0x4de: {  	v58 =	vshll.u32 v19, $0x3;
	v59 =	vshll.u32 v20, $0x3;
	v62 =	vand.u32 $0xFFFFF800, v19  }
0x4df: {  	v63 =	vand.u32 $0x7F, v19;
	v49 =	vand.u32 $0xFFFFF800, v20;
	v50 =	vand.u32 $0x7F, v20  }
0x4e0: {  	v11 =	vor.u32 v11, v15;
	v15 =	vand.u32 $0x7F, v18;
	v21 =	vshll.u32 v17, $0x7  }
0x4e1: {  	v22 =	vld [tilespmem:s21+$0xFFFFFFF0];
	v18 =	vshll.u32 v18, $0x3;
	v17 =	vshll.u32 v17, $0x8;
	v33 =	vand.u32 $0x400, v58  }
0x4e2: {  	v34 =	vand.u32 $0x400, v59;
	v24 =	vor.u32 v9, v11;
	v18 =	vand.u32 $0xC00, v18  }
0x4e3: {  	v17 =	vand.u32 $0xFFFFF800, v17;
	v21 =	vand.u32 $0x380, v21;
	v9 =	vadd.s32 v9, v18  }
0x4e4: {  	v5 =	vld.idx.msk [tilespmem:v5+s4+$0x0], $0xffff;
	v11 =	vor.u32 v17, v11;
	v24 =	vor.u32 v16, v24;
	v9 =	vor.u32 v16, v9  }
0x4e5: {  	v6 =	vld.idx.msk [tilespmem:v6+s4+$0x0], $0xffff;
	v11 =	vor.u32 v21, v11;
	v16 =	vadd.s32 v18, v17;
	v17 =	vshrl.u32 v19, $0x8  }
0x4e6: {  	v3 =	vld.idx.msk [tilespmem:v3+s4+$0x0], $0xffff;
	v18 =	vand.u32 $0xFF, v19;
	v25 =	vshrl.u32 v22, $0x8;
	v26 =	vand.u32 $0xFF, v22  }
0x4e7: {  	v56 =	vld.idx.msk [tilespmem:v12+s4+$0x0], $0xffff;
	v60 =	vshll.u32 v22, $0x3;
	v19 =	vshrl.u32 v19, $0x1;
	v51 =	vand.u32 $0xFFFFF800, v22  }
0x4e8: {  	v43 =	vand.u32 $0x7F, v22;
	v9 =	vor.u32 v15, v9;
	v16 =	vor.u32 v21, v16  }
0x4e9: {  	v22 =	vshrl.u32 v22, $0x1;
	v21 =	vshrl.u32 v20, $0x8;
	v15 =	vor.u32 v15, v16  }
0x4ea: {  	v48 =	vld [tilespmem:s18+$0xFFFFFFD0];
	v17 =	vadd.s32 $0x1, v17;
	v18 =	vadd.s32 $0x1, v18;
	v25 =	vadd.s32 $0x1, v25  }
0x4eb: {  	v26 =	vadd.s32 $0x1, v26;
	v35 =	vand.u32 $0x400, v60;
	v19 =	vand.u32 $0x380, v19;
	v24 =	vld.idx.msk [tilespmem:v24+s4+$0x0], $0xffff  }
0x4ec: {  	v54 =	vand.u32 $0x380, v22;
	v6 =	vsub.f32 v6, v5;
	v3 =	vsub.f32 v3, v56;
	v11 =	vld.idx.msk [tilespmem:v11+s4+$0x0], $0xffff  }
0x4ed: {  	v16 =	vand.u32 $0xFF, v20;
	v21 =	vadd.s32 $0x1, v21;
	v27 =	vshll.u32 v18, $0x3;
	v9 =	vld.idx.msk [tilespmem:v9+s4+$0x0], $0xffff  }
0x4ee: {  	v28 =	vshll.u32 v17, $0x8;
	v31 =	vshll.u32 v26, $0x3;
	v57 =	vshll.u32 v25, $0x8;
	v15 =	vld.idx.msk [tilespmem:v15+s4+$0x0], $0xffff  }
0x4ef: {  	s22 =	simm.s32 $0x16870;
	v42 =	vld [tilespmem:s18+$0xFFFFFFE0];
	v17 =	vshll.u32 v17, $0x7;
	v25 =	vshll.u32 v25, $0x7;
	v20 =	vshrl.u32 v20, $0x1  }
0x4f0: {  	v61 =	vld [tilespmem:s22+$0x0];
	v53 =	vor.u32 v43, v35;
	v16 =	vadd.s32 $0x1, v16;
	v30 =	vshll.u32 v21, $0x8  }
0x4f1: {  	v27 =	vand.u32 $0xC00, v27;
	v28 =	vand.u32 $0xFFFFF800, v28;
	v31 =	vand.u32 $0xC00, v31  }
0x4f2: {  	v32 =	vand.u32 $0xFFFFF800, v57;
	v21 =	vshll.u32 v21, $0x7;
	v46 =	vand.u32 $0x380, v17  }
0x4f3: {  	v25 =	vand.u32 $0x380, v25;
	v9 =	vsub.f32 v9, v24;
	v15 =	vsub.f32 v15, v11  }
0x4f4: {  	v20 =	vand.u32 $0x380, v20;
	v6 =	vmul.f32 v6, v48;
	v3 =	vmul.f32 v3, v42  }
0x4f5: {  	s23 =	simm.s32 $0x1A870;
	v29 =	vshll.u32 v16, $0x3;
	v9 =	vmul.f32 v9, v61;
	v15 =	vmul.f32 v15, v61  }
0x4f6: {  	v44 =	vld [tilespmem:s23+$0x0];
	v30 =	vand.u32 $0xFFFFF800, v30;
	v45 =	vadd.s32 v51, v31;
	v21 =	vand.u32 $0x380, v21  }
0x4f7: {  	v17 =	vadd.s32 v31, v32;
	v9 =	vadd.f32 v9, v24;
	v11 =	vadd.f32 v15, v11  }
0x4f8: {  	v31 =	vor.u32 v63, v33;
	v32 =	vor.u32 v32, v53;
	v12 =	vand.u32 $0x7F, v16  }
0x4f9: {  	v23 =	vld.idx.msk [tilespmem:v23+s4+$0x0], $0xffff;
	v29 =	vand.u32 $0xC00, v29;
	v55 =	vor.u32 v25, v17;
	v11 =	vsub.f32 v11, v9  }
0x4fa: {  	v52 =	vld.idx.msk [tilespmem:v10+s4+$0x0], $0xffff;
	v5 =	vadd.f32 v6, v5;
	v25 =	vor.u32 v25, v32;
	v24 =	vadd.s32 v27, v28  }
0x4fb: {  	v13 =	vld.idx.msk [tilespmem:v13+s4+$0x0], $0xffff;
	v15 =	vadd.s32 v62, v27;
	v10 =	vmul.f32 v11, v44;
	v11 =	vor.u32 v50, v34  }
0x4fc: {  	v7 =	vld.idx.msk [tilespmem:v7+s4+$0x0], $0xffff;
	v27 =	vadd.s32 v49, v29;
	v29 =	vadd.s32 v29, v30;
	v30 =	vor.u32 v30, v11  }
0x4fd: {  	v57 =	vor.u32 v49, v11;
	v11 =	vand.u32 $0x7F, v18;
	v18 =	vld.idx.msk [tilespmem:v1+s4+$0x0], $0xffff;
	v1 =	vand.u32 $0x7F, v26  }
0x4fe: {  	v2 =	vld.idx.msk [tilespmem:v2+s4+$0x0], $0xffff;
	v9 =	vadd.f32 v10, v9;
	v10 =	vor.u32 v19, v15;
	v15 =	vor.u32 v46, v24  }
0x4ff: {  	v24 =	vld.idx.msk [tilespmem:v14+s4+$0x0], $0xffff;
	v14 =	vor.u32 v20, v27;
	v27 =	vor.u32 v21, v29;
	v29 =	vor.u32 v54, v45  }
0x500: {  	v4 =	vld.idx.msk [tilespmem:v4+s4+$0x0], $0xffff;
	v36 =	vor.u32 v11, v15;
	v22 =	vor.u32 v12, v14;
	v17 =	vor.u32 v12, v27  }
0x501: {  	s25 =	simm.s32 $0x128B0;
	v15 =	vld [tilespmem:s18+$0xFFFFFFF0];
	v14 =	vor.u32 v1, v29;
	v12 =	vor.u32 v1, v55;
	v1 =	vsub.f32 v23, v7  }
0x502: {  	v28 =	vor.u32 v28, v31;
	v31 =	vor.u32 v62, v31;
	v34 =	vor.u32 v51, v53;
	v29 =	vld [tilespmem:s25+$0xFFFFFFF0]  }
0x503: {  	v26 =	vor.u32 v11, v10;
	v10 =	vor.u32 v46, v28;
	v1 =	vmul.f32 v1, v48  }
0x504: {  	v11 =	vor.u32 v21, v30;
	v21 =	vsub.f32 v52, v2;
	v13 =	vsub.f32 v13, v18  }
0x505: {  	v23 =	vor.u32 v19, v31;
	v4 =	vsub.f32 v4, v24;
	v16 =	vadd.f32 v1, v7  }
0x506: {  	v1 =	vadd.f32 v3, v56;
	v7 =	vmul.f32 v21, v15;
	v3 =	vmul.f32 v13, v15  }
0x507: {  	v27 =	vld [tilespmem:s20+$0xFFFFFFD0];
	v15 =	vor.u32 v54, v34;
	v59 =	vshrl.u32 v29, $0x8;
	v60 =	vand.u32 $0xFF, v29  }
0x508: {  	v21 =	vld [tilespmem:s25+$0x0];
	v4 =	vmul.f32 v4, v42;
	v5 =	vsub.f32 v5, v16;
	v33 =	vadd.s32 $0x1, v59  }
0x509: {  	v34 =	vadd.s32 $0x1, v60;
	v59 =	vshll.u32 v29, $0x3;
	v2 =	vadd.f32 v7, v2  }
0x50a: {  	v28 =	vld [tilespmem:s20+$0xFFFFFFE0];
	v3 =	vadd.f32 v3, v18;
	v18 =	vor.u32 v20, v57;
	v54 =	vshll.u32 v34, $0x3  }
0x50b: {  	v46 =	vand.u32 $0x400, v59;
	v34 =	vand.u32 $0x7F, v34;
	v4 =	vadd.f32 v4, v24  }
0x50c: {  	v19 =	vmul.f32 v5, v27;
	v41 =	vand.u32 $0xC00, v54;
	v13 =	vsub.f32 v3, v2  }
0x50d: {  	v27 =	vld [tilespmem:s25+$0xFFFFFFD0];
	v4 =	vsub.f32 v4, v1;
	v5 =	vand.u32 $0xFFFFF800, v21;
	v7 =	vshrl.u32 v21, $0x1  }
0x50e: {  	v6 =	vshll.u32 v21, $0x3;
	v20 =	vshrl.u32 v21, $0x8;
	v7 =	vand.u32 $0x380, v7  }
0x50f: {  	v6 =	vand.u32 $0x400, v6;
	v20 =	vadd.s32 $0x1, v20;
	v3 =	vmul.f32 v4, v28  }
0x510: {  	v4 =	vand.u32 $0x7F, v21;
	v21 =	vand.u32 $0xFF, v21;
	v24 =	vshll.u32 v20, $0x7  }
0x511: {  	v20 =	vshll.u32 v20, $0x8;
	v21 =	vadd.s32 $0x1, v21;
	v4 =	vor.u32 v4, v6  }
0x512: {  	v20 =	vand.u32 $0xFFFFF800, v20;
	v24 =	vand.u32 $0x380, v24;
	v31 =	vand.u32 $0xFF, v27  }
0x513: {  	v56 =	vshll.u32 v27, $0x3;
	v6 =	vand.u32 $0x7F, v21;
	v21 =	vshll.u32 v21, $0x3  }
0x514: {  	s17 =	simm.s32 $0x168B0;
	v28 =	vld [tilespmem:s25+$0xFFFFFFE0];
	v51 =	vand.u32 $0xFFFFF800, v27;
	v30 =	vor.u32 v5, v4;
	v21 =	vand.u32 $0xC00, v21  }
0x515: {  	s21 =	simm.s32 $0x1D820;
	v49 =	vld [tilespmem:s17+$0x0];
	s18 =	simm.s32 $0x1A8B0;
	v4 =	vor.u32 v20, v4;
	v30 =	vor.u32 v7, v30;
	v5 =	vadd.s32 v5, v21  }
0x516: {  	[tilespmem:s21+$0x10] =	vst v8;
	v8 =	vld [tilespmem:s18+$0xFFFFFFF0];
	v4 =	vor.u32 v24, v4;
	v5 =	vor.u32 v7, v5;
	v7 =	vadd.s32 v21, v20  }
0x517: {  	v26 =	vld.idx.msk [tilespmem:v26+s4+$0x0], $0xffff;
	v52 =	vand.u32 $0x7F, v27;
	v5 =	vor.u32 v6, v5;
	v7 =	vor.u32 v24, v7  }
0x518: {  	v10 =	vld.idx.msk [tilespmem:v10+s4+$0x0], $0xffff;
	v31 =	vadd.s32 $0x1, v31;
	v43 =	vand.u32 $0x400, v56;
	v6 =	vor.u32 v6, v7  }
0x519: {  	v59 =	vld.idx.msk [tilespmem:v12+s4+$0x0], $0xffff;
	v20 =	vshrl.u32 v27, $0x8;
	v58 =	vshrl.u32 v28, $0x8;
	v57 =	vshll.u32 v28, $0x3  }
0x51a: {  	v27 =	vshrl.u32 v27, $0x1;
	v54 =	vand.u32 $0x7F, v28;
	v61 =	vadd.s32 $0x1, v20;
	v30 =	vld.idx.msk [tilespmem:v30+s4+$0x0], $0xffff  }
0x51b: {  	v32 =	vadd.s32 $0x1, v58;
	v44 =	vand.u32 $0x400, v57;
	v7 =	vand.u32 $0xFF, v28;
	v63 =	vld.idx.msk [tilespmem:v4+s4+$0x0], $0xffff  }
0x51c: {  	v62 =	vshll.u32 v61, $0x8;
	v53 =	vshll.u32 v32, $0x8;
	v35 =	vshll.u32 v61, $0x7;
	v55 =	vld.idx.msk [tilespmem:v5+s4+$0x0], $0xffff  }
0x51d: {  	v32 =	vshll.u32 v32, $0x7;
	v61 =	vand.u32 $0x7F, v29;
	v37 =	vadd.s32 $0x1, v7;
	v58 =	vld.idx.msk [tilespmem:v6+s4+$0x0], $0xffff  }
0x51e: {  	v12 =	vld.idx.msk [tilespmem:v11+s4+$0x0], $0xffff;
	v7 =	vshll.u32 v31, $0x3;
	v38 =	vand.u32 $0xFFFFF800, v62;
	v40 =	vand.u32 $0xFFFFF800, v53  }
0x51f: {  	v11 =	vld.idx.msk [tilespmem:v25+s4+$0x0], $0xffff;
	v53 =	vand.u32 $0xFFFFF800, v28;
	v28 =	vshrl.u32 v28, $0x1;
	v35 =	vand.u32 $0x380, v35  }
0x520: {  	v25 =	vld [tilespmem:s17+$0xFFFFFFD0];
	v32 =	vand.u32 $0x380, v32;
	v61 =	vor.u32 v61, v46;
	v4 =	vshll.u32 v37, $0x3  }
0x521: {  	v56 =	vld [tilespmem:s18+$0x0];
	v47 =	vand.u32 $0xC00, v7;
	v46 =	vand.u32 $0x380, v28;
	v42 =	vsub.f32 v55, v30  }
0x522: {  	v21 =	vld [tilespmem:s22+$0xFFFFFFD0];
	v48 =	vand.u32 $0xC00, v4;
	v62 =	vadd.s32 v51, v47;
	v45 =	vsub.f32 v58, v63  }
0x523: {  	v24 =	vld [tilespmem:s20+$0xFFFFFFF0];
	v5 =	vshll.u32 v33, $0x8;
	v33 =	vshll.u32 v33, $0x7;
	v42 =	vmul.f32 v42, v49  }
0x524: {  	v20 =	vld [tilespmem:s22+$0xFFFFFFE0];
	v50 =	vand.u32 $0xFFFFF800, v5;
	v33 =	vand.u32 $0x380, v33;
	v60 =	vmul.f32 v45, v49  }
0x525: {  	v55 =	vld.idx.msk [tilespmem:v36+s4+$0x0], $0xffff;
	v45 =	vand.u32 $0xFFFFF800, v29;
	v29 =	vshrl.u32 v29, $0x1;
	v30 =	vadd.f32 v42, v30  }
0x526: {  	v42 =	vld.idx.msk [tilespmem:v22+s4+$0x0], $0xffff;
	v57 =	vadd.s32 v45, v41;
	v29 =	vand.u32 $0x380, v29;
	v22 =	vadd.f32 v60, v63  }
0x527: {  	v63 =	vadd.s32 v47, v38;
	v47 =	vld.idx.msk [tilespmem:v17+s4+$0x0], $0xffff;
	v17 =	vadd.s32 v53, v48;
	v48 =	vadd.s32 v48, v40  }
0x528: {  	v49 =	vld.idx.msk [tilespmem:v23+s4+$0x0], $0xffff;
	v60 =	vor.u32 v52, v43;
	v43 =	vand.u32 $0x380, v27;
	v27 =	vor.u32 v54, v44  }
0x529: {  	v58 =	vld.idx.msk [tilespmem:v14+s4+$0x0], $0xffff;
	v44 =	vor.u32 v45, v61;
	v28 =	vor.u32 v43, v62;
	v14 =	vsub.f32 v22, v30  }
0x52a: {  	v23 =	vor.u32 v46, v17;
	v36 =	vor.u32 v32, v48;
	v62 =	vor.u32 v29, v57;
	v17 =	vld.idx.msk [tilespmem:v18+s4+$0x0], $0xffff  }
0x52b: {  	v38 =	vor.u32 v38, v60;
	v18 =	vld.idx.msk [tilespmem:v15+s4+$0x0], $0xffff;
	v15 =	vor.u32 v50, v61;
	v14 =	vmul.f32 v14, v56  }
0x52c: {  	s19 =	simm.s32 $0x1D860;
	v7 =	vld [tilespmem:s22+$0xFFFFFFF0];
	v57 =	vor.u32 v53, v27;
	v22 =	vadd.s32 v41, v50;
	v41 =	vor.u32 v51, v60  }
0x52d: {  	[tilespmem:s19+$0x10] =	vst v9;
	v4 =	vld [tilespmem:s23+$0xFFFFFFF0];
	v38 =	vor.u32 v35, v38;
	v9 =	vsub.f32 v26, v49;
	v14 =	vadd.f32 v14, v30  }
0x52e: {  	v5 =	vld [tilespmem:s23+$0xFFFFFFD0];
	v30 =	vor.u32 v35, v63;
	v63 =	vor.u32 v33, v22;
	v22 =	vand.u32 $0x7F, v31  }
0x52f: {  	v6 =	vld [tilespmem:s23+$0xFFFFFFE0];
	v26 =	vsub.f32 v55, v10;
	v56 =	vor.u32 v40, v27;
	v60 =	vor.u32 v22, v28  }
0x530: {  	v27 =	vld [tilespmem:s17+$0xFFFFFFE0];
	v40 =	vor.u32 v34, v62;
	v31 =	vand.u32 $0x7F, v37;
	v30 =	vor.u32 v22, v30  }
0x531: {  	v9 =	vmul.f32 v9, v21;
	v37 =	vor.u32 v32, v56;
	v28 =	vld [tilespmem:s17+$0xFFFFFFF0];
	v61 =	vor.u32 v31, v23  }
0x532: {  	v35 =	vor.u32 v46, v57;
	v62 =	vsub.f32 v42, v17;
	v31 =	vor.u32 v31, v36;
	v22 =	vld [tilespmem:s18+$0xFFFFFFD0]  }
0x533: {  	v39 =	vor.u32 v34, v63;
	v23 =	vld [tilespmem:s18+$0xFFFFFFE0];
	v34 =	vor.u32 v33, v15;
	v36 =	vor.u32 v43, v41  }
0x534: {  	s20 =	simm.s32 $0x1D8A0;
	v33 =	vor.u32 v29, v44;
	v41 =	vmul.f32 v13, v24;
	v63 =	vsub.f32 v47, v12;
	v13 =	vld.idx.msk [tilespmem:v60+s4+$0x0], $0xffff  }
0x535: {  	v24 =	vsub.f32 v59, v11;
	[tilespmem:s20+$0x10] =	vst v14;
	v14 =	vld.idx.msk [tilespmem:v30+s4+$0x0], $0xffff;
	v30 =	vsub.f32 v58, v18  }
0x536: {  	v29 =	vmul.f32 v26, v21;
	v21 =	vadd.f32 v19, v16;
	v26 =	vmul.f32 v62, v20;
	v15 =	vld.idx.msk [tilespmem:v61+s4+$0x0], $0xffff  }
0x537: {  	s22 =	simm.s32 $0x8;
	s23 =	simm.s32 $0x128F0;
	v9 =	vadd.f32 v9, v49;
	v20 =	vmul.f32 v63, v20;
	v16 =	vld.idx.msk [tilespmem:v31+s4+$0x0], $0xffff;
	v19 =	vmul.f32 v30, v7  }
.LBB2_23:
0x538: {  	v30 =	vld [tilespmem:s23+$0x0];
	v10 =	vadd.f32 v29, v10;
	v17 =	vadd.f32 v26, v17;
	v24 =	vmul.f32 v24, v7;
	[tilespmem:s21+$0xFFFFFFE0] =	vst v21  }
0x539: {  	v7 =	vmovc v28;
	v31 =	vld [tilespmem:s23+$0xFFFFFFE0];
	v12 =	vadd.f32 v20, v12;
	v18 =	vadd.f32 v19, v18;
	v20 =	vmovc v25;
	v19 =	vmov v27  }
0x53a: {  	v32 =	vld [tilespmem:s23+$0xFFFFFFF0];
	v10 =	vsub.f32 v10, v9;
	v11 =	vadd.f32 v24, v11  }
0x53b: {  	v25 =	vadd.f32 v3, v1;
	v1 =	vmov v17;
	v42 =	vld [tilespmem:s23+$0xFFFFFFD0];
	v12 =	vsub.f32 v12, v17  }
0x53c: {  	s22 =	sadd.s32 $0x4, s22;
	v24 =	vld.idx.msk [tilespmem:v40+s4+$0x0], $0xffff;
	v21 =	vmul.f32 v10, v5;
	v29 =	vsub.f32 v11, v18;
	v11 =	vadd.f32 v41, v2  }
0x53d: {  	p0 =	slt.u32 s22, $0xFC;
	v2 =	vmovc v18;
	v5 =	vmov v22;
	v27 =	vand.u32 $0xFFFFF800, v30;
	v26 =	vld.idx.msk [tilespmem:v39+s4+$0x0], $0xffff;
	v3 =	vmul.f32 v12, v6;
	[tilespmem:s21+$0xFFFFFFF0] =	vst v25  }
0x53e: {  	v17 =	vand.u32 $0x7F, v30;
	v18 =	vshll.u32 v30, $0x3;
	v12 =	vshrl.u32 v30, $0x1;
	v6 =	vmovc v23;
	v10 =	vld.idx.msk [tilespmem:v38+s4+$0x0], $0xffff;
	[tilespmem:s21+$0x0] =	vst v11;
	s21 =	smov.u32 s19;
	s19 =	smov.u32 s20  }
0x53f: {  	v22 =	vand.u32 $0xFF, v30;
	v11 =	vshrl.u32 v30, $0x8;
	v23 =	vand.u32 $0x380, v12;
	v12 =	vld.idx.msk [tilespmem:v37+s4+$0x0], $0xffff  }
0x540: {  	v22 =	vadd.s32 $0x1, v22;
	v18 =	vand.u32 $0x400, v18;
	v25 =	vadd.s32 $0x1, v11;
	v11 =	vld.idx.msk [tilespmem:v34+s4+$0x0], $0xffff  }
0x541: {  	v28 =	vor.u32 v17, v18;
	v34 =	vand.u32 $0x7F, v22;
	v18 =	vshll.u32 v25, $0x7;
	v30 =	vld.idx.msk [tilespmem:v36+s4+$0x0], $0xffff  }
0x542: {  	v22 =	vshll.u32 v22, $0x3;
	v25 =	vshll.u32 v25, $0x8;
	v36 =	vor.u32 v27, v28;
	v17 =	vld.idx.msk [tilespmem:v35+s4+$0x0], $0xffff  }
0x543: {  	v22 =	vand.u32 $0xC00, v22;
	v25 =	vand.u32 $0xFFFFF800, v25;
	v35 =	vand.u32 $0x380, v18;
	v18 =	vld.idx.msk [tilespmem:v33+s4+$0x0], $0xffff  }
0x544: {  	v27 =	vadd.s32 v27, v22;
	v28 =	vor.u32 v25, v28;
	v33 =	vor.u32 v23, v36  }
0x545: {  	v22 =	vadd.s32 v22, v25;
	v23 =	vor.u32 v23, v27;
	v27 =	vor.u32 v35, v28  }
0x546: {  	v25 =	vshrl.u32 v42, $0x8;
	v22 =	vor.u32 v35, v22;
	v23 =	vor.u32 v34, v23  }
0x547: {  	v28 =	vand.u32 $0xFF, v42;
	v35 =	vshrl.u32 v31, $0x8;
	v22 =	vor.u32 v34, v22  }
0x548: {  	v37 =	vand.u32 $0xFF, v32;
	v36 =	vshrl.u32 v32, $0x8;
	v34 =	vand.u32 $0xFF, v31  }
0x549: {  	v38 =	vadd.s32 $0x1, v25;
	v39 =	vadd.s32 $0x1, v28;
	v28 =	vadd.s32 $0x1, v35;
	v33 =	vld.idx.msk [tilespmem:v33+s4+$0x0], $0xffff  }
0x54a: {  	v35 =	vadd.s32 $0x1, v36;
	v36 =	vadd.s32 $0x1, v37;
	v34 =	vadd.s32 $0x1, v34;
	v37 =	vld.idx.msk [tilespmem:v27+s4+$0x0], $0xffff  }
0x54b: {  	v25 =	vshll.u32 v39, $0x3;
	v40 =	vshll.u32 v34, $0x3;
	v27 =	vshll.u32 v38, $0x8;
	v23 =	vld.idx.msk [tilespmem:v23+s4+$0x0], $0xffff  }
0x54c: {  	v41 =	vshll.u32 v28, $0x8;
	v43 =	vshll.u32 v36, $0x3;
	v44 =	vshll.u32 v35, $0x8;
	v22 =	vld.idx.msk [tilespmem:v22+s4+$0x0], $0xffff  }
0x54d: {  	v46 =	vshll.u32 v31, $0x3;
	v47 =	vshll.u32 v32, $0x3;
	v45 =	vshll.u32 v42, $0x3  }
0x54e: {  	s17 =	sadd.s32 $0x40, s17;
	v48 =	vand.u32 $0xC00, v25;
	v40 =	vand.u32 $0xC00, v40;
	v49 =	vand.u32 $0xFFFFF800, v27  }
0x54f: {  	v41 =	vand.u32 $0xFFFFF800, v41;
	v43 =	vand.u32 $0xC00, v43;
	v44 =	vand.u32 $0xFFFFF800, v44;
	v50 =	vld [tilespmem:s17+$0x0]  }
0x550: {  	v51 =	vshll.u32 v28, $0x7;
	v35 =	vshll.u32 v35, $0x7;
	v38 =	vshll.u32 v38, $0x7;
	v25 =	vld [tilespmem:s17+$0xFFFFFFD0]  }
0x551: {  	v46 =	vand.u32 $0x400, v46;
	v47 =	vand.u32 $0x400, v47;
	v45 =	vand.u32 $0x400, v45;
	v27 =	vld [tilespmem:s17+$0xFFFFFFE0]  }
0x552: {  	v52 =	vand.u32 $0xFFFFF800, v42;
	v23 =	vsub.f32 v23, v33;
	v22 =	vsub.f32 v22, v37;
	v28 =	vld [tilespmem:s17+$0xFFFFFFF0]  }
0x553: {  	v54 =	vand.u32 $0xFFFFF800, v31;
	v53 =	vand.u32 $0x7F, v42;
	v42 =	vshrl.u32 v42, $0x1  }
0x554: {  	s18 =	sadd.s32 $0x40, s18;
	v55 =	vand.u32 $0x7F, v31;
	v23 =	vmul.f32 v23, v50;
	v50 =	vmul.f32 v22, v50  }
0x555: {  	v56 =	vand.u32 $0xFFFFF800, v32;
	v57 =	vand.u32 $0x7F, v32;
	v31 =	vshrl.u32 v31, $0x1;
	v58 =	vld [tilespmem:s18+$0x0]  }
0x556: {  	v32 =	vshrl.u32 v32, $0x1;
	v22 =	vld [tilespmem:s18+$0xFFFFFFD0];
	v33 =	vadd.f32 v23, v33;
	v37 =	vadd.f32 v50, v37  }
0x557: {  	v59 =	vadd.s32 v54, v40;
	v50 =	vadd.s32 v52, v48;
	v48 =	vadd.s32 v48, v49;
	v23 =	vld [tilespmem:s18+$0xFFFFFFE0]  }
0x558: {  	v61 =	vadd.s32 v56, v43;
	v40 =	vadd.s32 v40, v41;
	v60 =	vld [tilespmem:s18+$0xFFFFFFF0];
	v37 =	vsub.f32 v37, v33  }
0x559: {  	v51 =	vand.u32 $0x380, v51;
	v43 =	vadd.s32 v43, v44;
	v38 =	vand.u32 $0x380, v38  }
0x55a: {  	v45 =	vor.u32 v53, v45;
	v35 =	vand.u32 $0x380, v35;
	v37 =	vmul.f32 v37, v58  }
0x55b: {  	v46 =	vor.u32 v55, v46;
	v47 =	vor.u32 v57, v47;
	v42 =	vand.u32 $0x380, v42  }
0x55c: {  	v32 =	vand.u32 $0x380, v32;
	v31 =	vand.u32 $0x380, v31;
	v33 =	vadd.f32 v37, v33  }
0x55d: {  	s20 =	sadd.s32 $0x40, s20;
	v48 =	vor.u32 v38, v48;
	v37 =	vor.u32 v42, v50;
	v50 =	vor.u32 v31, v59  }
0x55e: {  	v53 =	vor.u32 v32, v61;
	v43 =	vor.u32 v35, v43;
	v40 =	vor.u32 v51, v40;
	[tilespmem:s20+$0x10] =	vst v33  }
0x55f: {  	v44 =	vor.u32 v44, v47;
	v41 =	vor.u32 v41, v46;
	v33 =	vor.u32 v49, v45  }
0x560: {  	v47 =	vor.u32 v56, v47;
	v46 =	vor.u32 v54, v46;
	v45 =	vor.u32 v52, v45  }
0x561: {  	v39 =	vand.u32 $0x7F, v39;
	v36 =	vand.u32 $0x7F, v36;
	v34 =	vand.u32 $0x7F, v34  }
0x562: {  	v48 =	vor.u32 v39, v48;
	v50 =	vor.u32 v34, v50;
	v49 =	vor.u32 v39, v37  }
0x563: {  	v52 =	vor.u32 v34, v40;
	v40 =	vor.u32 v36, v53;
	v39 =	vor.u32 v36, v43  }
0x564: {  	v37 =	vor.u32 v51, v41;
	v34 =	vor.u32 v35, v44;
	v38 =	vor.u32 v38, v33  }
0x565: {  	v35 =	vor.u32 v31, v46;
	v36 =	vor.u32 v42, v45;
	v33 =	vor.u32 v32, v47  }
.Ltmp10:
0x566: {  	v31 =	vsub.f32 v13, v30;
	v41 =	vmul.f32 v29, v4;
	v4 =	vmovc v8;
	v32 =	vsub.f32 v14, v10;
	(pc) =	sbr.rel @p0 .LBB2_23-.Ltmp10, $4  }
0x567: {  	v43 =	vsub.f32 v16, v12;
	v8 =	vmov v60;
	v42 =	vsub.f32 v15, v17;
	v13 =	vld.idx.msk [tilespmem:v49+s4+$0x0], $0xffff  }
0x568: {  	v44 =	vsub.f32 v24, v18;
	v24 =	vsub.f32 v26, v11;
	v31 =	vmul.f32 v31, v20;
	v14 =	vld.idx.msk [tilespmem:v48+s4+$0x0], $0xffff  }
0x569: {  	v21 =	vadd.f32 v21, v9;
	v29 =	vmul.f32 v32, v20;
	v26 =	vmul.f32 v42, v19;
	v15 =	vld.idx.msk [tilespmem:v50+s4+$0x0], $0xffff  }
0x56a: {  	s23 =	sadd.s32 $0x40, s23;
	v20 =	vmul.f32 v43, v19;
	v19 =	vmul.f32 v44, v7;
	v9 =	vadd.f32 v31, v30;
	v16 =	vld.idx.msk [tilespmem:v52+s4+$0x0], $0xffff  }
0x56b: {  	_ =	sdelay $0x3  }
0x56c: {  	v30 =	vld.idx.msk [tilespmem:v40+s4+$0x0], $0xffff  }
0x56d: {  	v31 =	vld.idx.msk [tilespmem:v39+s4+$0x0], $0xffff  }
0x56e: {  	v32 =	vld.idx.msk [tilespmem:v38+s4+$0x0], $0xffff  }
0x56f: {  	v37 =	vld.idx.msk [tilespmem:v37+s4+$0x0], $0xffff  }
0x570: {  	v10 =	vadd.f32 v29, v10;
	v7 =	vmul.f32 v24, v7;
	v24 =	vld.idx.msk [tilespmem:v36+s4+$0x0], $0xffff  }
0x571: {  	v17 =	vadd.f32 v26, v17;
	v12 =	vadd.f32 v20, v12;
	v20 =	vld.idx.msk [tilespmem:v35+s4+$0x0], $0xffff  }
0x572: {  	v1 =	vadd.f32 v3, v1;
	v7 =	vadd.f32 v7, v11;
	v11 =	vld.idx.msk [tilespmem:v33+s4+$0x0], $0xffff  }
0x573: {  	v2 =	vadd.f32 v41, v2;
	v18 =	vadd.f32 v19, v18;
	v19 =	vld.idx.msk [tilespmem:v34+s4+$0x0], $0xffff  }
0x574: {  	v10 =	vsub.f32 v10, v9;
	v12 =	vsub.f32 v12, v17  }
0x575: {  	v3 =	vsub.f32 v7, v18;
	v7 =	vsub.f32 v13, v24  }
0x576: {  	v13 =	vsub.f32 v14, v32;
	v14 =	vsub.f32 v15, v20  }
0x577: {  	v15 =	vsub.f32 v16, v37;
	v7 =	vmul.f32 v7, v25;
	v16 =	vsub.f32 v30, v11  }
0x578: {  	v26 =	vsub.f32 v31, v19;
	v13 =	vmul.f32 v13, v25;
	v14 =	vmul.f32 v14, v27  }
0x579: {  	v15 =	vmul.f32 v15, v27;
	v7 =	vadd.f32 v7, v24;
	v16 =	vmul.f32 v16, v28  }
0x57a: {  	v13 =	vadd.f32 v13, v32;
	v14 =	vadd.f32 v14, v20;
	v20 =	vmul.f32 v26, v28  }
0x57b: {  	v5 =	vmul.f32 v10, v5;
	v10 =	vadd.f32 v15, v37;
	v11 =	vadd.f32 v16, v11  }
0x57c: {  	[tilespmem:s21+$0xFFFFFFE0] =	vst v21;
	v6 =	vmul.f32 v12, v6;
	v12 =	vsub.f32 v13, v7;
	v13 =	vadd.f32 v20, v19  }
0x57d: {  	[tilespmem:s21+$0xFFFFFFF0] =	vst v1;
	v1 =	vmul.f32 v3, v4;
	v3 =	vadd.f32 v5, v9;
	v4 =	vsub.f32 v10, v14  }
0x57e: {  	[tilespmem:s21+$0x0] =	vst v2;
	v2 =	vadd.f32 v6, v17;
	v5 =	vmul.f32 v12, v22;
	v6 =	vsub.f32 v13, v11  }
0x57f: {  	[tilespmem:s19+$0xFFFFFFE0] =	vst v3;
	v1 =	vadd.f32 v1, v18;
	v3 =	vmul.f32 v4, v23  }
0x580: {  	[tilespmem:s19+$0xFFFFFFF0] =	vst v2;
	v4 =	vadd.f32 v5, v7;
	v2 =	vmul.f32 v6, v8  }
0x581: {  	[tilespmem:s19+$0x0] =	vst v1;
	v1 =	vadd.f32 v3, v14  }
0x582: {  	[tilespmem:s20+$0xFFFFFFE0] =	vst v4;
	v2 =	vadd.f32 v2, v11  }
0x583: {  	[tilespmem:s20+$0xFFFFFFF0] =	vst v1  }
0x584: {  	s17 =	sadd.s32 s16, s28;
	[tilespmem:s20+$0x0] =	vst v2  }
0x585: {  	[hbm4b:s17+s30] =	stream.strided.scatter [tilespmem:s10], [sflag:$0x1], $0x1000, s9, s30, $0x38;
	[tilespmem:$0x1F800] =	vst v63  }
0x586: {  	_ =	swait.ge [sflag:s13], $0x1000  }
0x587: {  	[sflag:s13] =	ssyncset.done $0x0  }
0x588: {  	s19 =	simm.s32 $0x13830;
	[sflag:s13] =	ssyncadd.s32 $0xFFFFF000  }
0x589: {  	v1 =	vld [tilespmem:s19+$0x0]  }
0x58a: {  	v7 =	vld [tilespmem:s19+$0xFFFFFFD0]  }
0x58b: {  	v11 =	vld [tilespmem:s19+$0xFFFFFFF0]  }
0x58c: {  	v9 =	vld [tilespmem:s19+$0xFFFFFFE0];
	_ =	sdelay $0x1  }
0x58d: {  	v2 =	vand.u32 $0xFFFFF800, v1;
	v3 =	vand.u32 $0x7F, v1  }
0x58e: {  	v4 =	vshll.u32 v1, $0x3;
	v5 =	vshrl.u32 v1, $0x1;
	v6 =	vshrl.u32 v1, $0x8  }
0x58f: {  	v1 =	vand.u32 $0xFF, v1;
	v12 =	vshrl.u32 v11, $0x8;
	v13 =	vand.u32 $0xFF, v11  }
0x590: {  	v20 =	vshll.u32 v7, $0x3;
	v21 =	vshll.u32 v9, $0x3;
	v22 =	vshll.u32 v11, $0x3  }
0x591: {  	v24 =	vand.u32 $0xFFFFF800, v7;
	v25 =	vand.u32 $0x7F, v7;
	v26 =	vand.u32 $0xFFFFF800, v9  }
0x592: {  	v27 =	vand.u32 $0x7F, v9;
	v28 =	vand.u32 $0x7F, v11;
	v5 =	vand.u32 $0x380, v5  }
0x593: {  	v6 =	vadd.s32 $0x1, v6;
	v1 =	vadd.s32 $0x1, v1;
	v4 =	vand.u32 $0x400, v4  }
0x594: {  	v3 =	vor.u32 v3, v4;
	v4 =	vand.u32 $0x7F, v1;
	v8 =	vshll.u32 v6, $0x7  }
0x595: {  	v1 =	vshll.u32 v1, $0x3;
	v6 =	vshll.u32 v6, $0x8;
	v10 =	vor.u32 v2, v3  }
0x596: {  	v1 =	vand.u32 $0xC00, v1;
	v6 =	vand.u32 $0xFFFFF800, v6;
	v8 =	vand.u32 $0x380, v8  }
0x597: {  	v10 =	vor.u32 v5, v10;
	v2 =	vadd.s32 v2, v1;
	v3 =	vor.u32 v6, v3  }
0x598: {  	v1 =	vadd.s32 v1, v6;
	v2 =	vor.u32 v5, v2;
	v3 =	vor.u32 v8, v3  }
0x599: {  	v12 =	vadd.s32 $0x1, v12;
	v1 =	vor.u32 v8, v1;
	v2 =	vor.u32 v4, v2  }
0x59a: {  	v13 =	vadd.s32 $0x1, v13;
	v20 =	vand.u32 $0x400, v20;
	v1 =	vor.u32 v4, v1  }
0x59b: {  	v21 =	vand.u32 $0x400, v21;
	v22 =	vand.u32 $0x400, v22;
	v18 =	vshll.u32 v13, $0x3  }
0x59c: {  	v19 =	vshll.u32 v12, $0x8;
	v12 =	vshll.u32 v12, $0x7;
	v20 =	vor.u32 v25, v20;
	v10 =	vld.idx.msk [tilespmem:v10+s4+$0x0], $0xffff  }
0x59d: {  	v21 =	vor.u32 v27, v21;
	v22 =	vor.u32 v28, v22;
	v13 =	vand.u32 $0x7F, v13;
	v3 =	vld.idx.msk [tilespmem:v3+s4+$0x0], $0xffff  }
0x59e: {  	v18 =	vand.u32 $0xC00, v18;
	v19 =	vand.u32 $0xFFFFF800, v19;
	v12 =	vand.u32 $0x380, v12;
	v2 =	vld.idx.msk [tilespmem:v2+s4+$0x0], $0xffff  }
0x59f: {  	v6 =	vand.u32 $0xFF, v7;
	v5 =	vshrl.u32 v7, $0x8;
	v8 =	vshrl.u32 v9, $0x8;
	v1 =	vld.idx.msk [tilespmem:v1+s4+$0x0], $0xffff  }
0x5a0: {  	s18 =	simm.s32 $0x17830;
	v6 =	vadd.s32 $0x1, v6;
	v7 =	vshrl.u32 v7, $0x1;
	v4 =	vand.u32 $0xFF, v9  }
0x5a1: {  	v23 =	vld [tilespmem:s18+$0x0];
	v5 =	vadd.s32 $0x1, v5;
	v8 =	vadd.s32 $0x1, v8;
	v14 =	vshll.u32 v6, $0x3  }
0x5a2: {  	v9 =	vshrl.u32 v9, $0x1;
	v7 =	vand.u32 $0x380, v7;
	v6 =	vand.u32 $0x7F, v6  }
0x5a3: {  	v4 =	vadd.s32 $0x1, v4;
	v15 =	vshll.u32 v5, $0x8;
	v17 =	vshll.u32 v8, $0x8  }
0x5a4: {  	v14 =	vand.u32 $0xC00, v14;
	v2 =	vsub.f32 v2, v10;
	v1 =	vsub.f32 v1, v3  }
0x5a5: {  	v5 =	vshll.u32 v5, $0x7;
	v8 =	vshll.u32 v8, $0x7;
	v9 =	vand.u32 $0x380, v9  }
0x5a6: {  	s20 =	simm.s32 $0x1B830;
	v16 =	vshll.u32 v4, $0x3;
	v2 =	vmul.f32 v2, v23;
	v1 =	vmul.f32 v1, v23  }
0x5a7: {  	v29 =	vld [tilespmem:s20+$0x0];
	v15 =	vand.u32 $0xFFFFF800, v15;
	v17 =	vand.u32 $0xFFFFF800, v17;
	v5 =	vand.u32 $0x380, v5  }
0x5a8: {  	v31 =	vand.u32 $0x380, v8;
	v2 =	vadd.f32 v2, v10;
	v1 =	vadd.f32 v1, v3  }
0x5a9: {  	v4 =	vand.u32 $0x7F, v4;
	v16 =	vand.u32 $0xC00, v16;
	v23 =	vand.u32 $0xFFFFF800, v11  }
0x5aa: {  	v11 =	vshrl.u32 v11, $0x1;
	v30 =	vadd.s32 v23, v18;
	v1 =	vsub.f32 v1, v2  }
0x5ab: {  	v18 =	vadd.s32 v18, v19;
	v11 =	vand.u32 $0x380, v11;
	v3 =	vadd.s32 v24, v14  }
0x5ac: {  	v10 =	vadd.s32 v14, v15;
	v14 =	vadd.s32 v26, v16;
	v1 =	vmul.f32 v1, v29  }
0x5ad: {  	v16 =	vadd.s32 v16, v17;
	v15 =	vor.u32 v15, v20;
	v17 =	vor.u32 v17, v21  }
0x5ae: {  	v8 =	vadd.f32 v1, v2;
	v1 =	vor.u32 v7, v3;
	v2 =	vor.u32 v5, v10  }
0x5af: {  	s21 =	simm.s32 $0x13870;
	v10 =	vor.u32 v31, v16;
	v16 =	vor.u32 v12, v18;
	v18 =	vor.u32 v19, v22  }
0x5b0: {  	v19 =	vor.u32 v24, v20;
	v20 =	vor.u32 v26, v21;
	v21 =	vor.u32 v23, v22;
	v22 =	vld [tilespmem:s21+$0x0]  }
0x5b1: {  	v3 =	vor.u32 v9, v14;
	v14 =	vor.u32 v11, v30;
	v5 =	vor.u32 v5, v15  }
0x5b2: {  	v23 =	vor.u32 v6, v1;
	v6 =	vor.u32 v6, v2;
	v3 =	vor.u32 v4, v3  }
0x5b3: {  	v4 =	vor.u32 v4, v10;
	v10 =	vor.u32 v13, v14;
	v7 =	vor.u32 v7, v19;
	v19 =	vld [tilespmem:s21+$0xFFFFFFD0]  }
0x5b4: {  	v13 =	vor.u32 v13, v16;
	v1 =	vor.u32 v12, v18;
	v12 =	vor.u32 v9, v20;
	v20 =	vld [tilespmem:s21+$0xFFFFFFE0]  }
0x5b5: {  	v14 =	vor.u32 v31, v17;
	v2 =	vor.u32 v11, v21;
	v9 =	vand.u32 $0xFFFFF800, v22  }
0x5b6: {  	v11 =	vand.u32 $0x7F, v22;
	v15 =	vshll.u32 v22, $0x3;
	v16 =	vshrl.u32 v22, $0x1  }
0x5b7: {  	v17 =	vshrl.u32 v22, $0x8;
	v18 =	vand.u32 $0xFF, v22;
	v16 =	vand.u32 $0x380, v16  }
0x5b8: {  	v18 =	vadd.s32 $0x1, v18;
	v15 =	vand.u32 $0x400, v15;
	v17 =	vadd.s32 $0x1, v17  }
0x5b9: {  	v58 =	vshll.u32 v19, $0x3;
	v59 =	vshll.u32 v20, $0x3;
	v62 =	vand.u32 $0xFFFFF800, v19  }
0x5ba: {  	v63 =	vand.u32 $0x7F, v19;
	v49 =	vand.u32 $0xFFFFF800, v20;
	v50 =	vand.u32 $0x7F, v20  }
0x5bb: {  	v11 =	vor.u32 v11, v15;
	v15 =	vand.u32 $0x7F, v18;
	v21 =	vshll.u32 v17, $0x7  }
0x5bc: {  	v22 =	vld [tilespmem:s21+$0xFFFFFFF0];
	v18 =	vshll.u32 v18, $0x3;
	v17 =	vshll.u32 v17, $0x8;
	v33 =	vand.u32 $0x400, v58  }
0x5bd: {  	v34 =	vand.u32 $0x400, v59;
	v24 =	vor.u32 v9, v11;
	v18 =	vand.u32 $0xC00, v18  }
0x5be: {  	v17 =	vand.u32 $0xFFFFF800, v17;
	v21 =	vand.u32 $0x380, v21;
	v9 =	vadd.s32 v9, v18  }
0x5bf: {  	v5 =	vld.idx.msk [tilespmem:v5+s4+$0x0], $0xffff;
	v11 =	vor.u32 v17, v11;
	v24 =	vor.u32 v16, v24;
	v9 =	vor.u32 v16, v9  }
0x5c0: {  	v6 =	vld.idx.msk [tilespmem:v6+s4+$0x0], $0xffff;
	v11 =	vor.u32 v21, v11;
	v16 =	vadd.s32 v18, v17;
	v17 =	vshrl.u32 v19, $0x8  }
0x5c1: {  	v3 =	vld.idx.msk [tilespmem:v3+s4+$0x0], $0xffff;
	v18 =	vand.u32 $0xFF, v19;
	v25 =	vshrl.u32 v22, $0x8;
	v26 =	vand.u32 $0xFF, v22  }
0x5c2: {  	v56 =	vld.idx.msk [tilespmem:v12+s4+$0x0], $0xffff;
	v60 =	vshll.u32 v22, $0x3;
	v19 =	vshrl.u32 v19, $0x1;
	v51 =	vand.u32 $0xFFFFF800, v22  }
0x5c3: {  	v43 =	vand.u32 $0x7F, v22;
	v9 =	vor.u32 v15, v9;
	v16 =	vor.u32 v21, v16  }
0x5c4: {  	v22 =	vshrl.u32 v22, $0x1;
	v21 =	vshrl.u32 v20, $0x8;
	v15 =	vor.u32 v15, v16  }
0x5c5: {  	v48 =	vld [tilespmem:s18+$0xFFFFFFD0];
	v17 =	vadd.s32 $0x1, v17;
	v18 =	vadd.s32 $0x1, v18;
	v25 =	vadd.s32 $0x1, v25  }
0x5c6: {  	v26 =	vadd.s32 $0x1, v26;
	v35 =	vand.u32 $0x400, v60;
	v19 =	vand.u32 $0x380, v19;
	v24 =	vld.idx.msk [tilespmem:v24+s4+$0x0], $0xffff  }
0x5c7: {  	v54 =	vand.u32 $0x380, v22;
	v6 =	vsub.f32 v6, v5;
	v3 =	vsub.f32 v3, v56;
	v11 =	vld.idx.msk [tilespmem:v11+s4+$0x0], $0xffff  }
0x5c8: {  	v16 =	vand.u32 $0xFF, v20;
	v21 =	vadd.s32 $0x1, v21;
	v27 =	vshll.u32 v18, $0x3;
	v9 =	vld.idx.msk [tilespmem:v9+s4+$0x0], $0xffff  }
0x5c9: {  	v28 =	vshll.u32 v17, $0x8;
	v31 =	vshll.u32 v26, $0x3;
	v57 =	vshll.u32 v25, $0x8;
	v15 =	vld.idx.msk [tilespmem:v15+s4+$0x0], $0xffff  }
0x5ca: {  	s22 =	simm.s32 $0x17870;
	v42 =	vld [tilespmem:s18+$0xFFFFFFE0];
	v17 =	vshll.u32 v17, $0x7;
	v25 =	vshll.u32 v25, $0x7;
	v20 =	vshrl.u32 v20, $0x1  }
0x5cb: {  	v61 =	vld [tilespmem:s22+$0x0];
	v53 =	vor.u32 v43, v35;
	v16 =	vadd.s32 $0x1, v16;
	v30 =	vshll.u32 v21, $0x8  }
0x5cc: {  	v27 =	vand.u32 $0xC00, v27;
	v28 =	vand.u32 $0xFFFFF800, v28;
	v31 =	vand.u32 $0xC00, v31  }
0x5cd: {  	v32 =	vand.u32 $0xFFFFF800, v57;
	v21 =	vshll.u32 v21, $0x7;
	v46 =	vand.u32 $0x380, v17  }
0x5ce: {  	v25 =	vand.u32 $0x380, v25;
	v9 =	vsub.f32 v9, v24;
	v15 =	vsub.f32 v15, v11  }
0x5cf: {  	v20 =	vand.u32 $0x380, v20;
	v6 =	vmul.f32 v6, v48;
	v3 =	vmul.f32 v3, v42  }
0x5d0: {  	s23 =	simm.s32 $0x1B870;
	v29 =	vshll.u32 v16, $0x3;
	v9 =	vmul.f32 v9, v61;
	v15 =	vmul.f32 v15, v61  }
0x5d1: {  	v44 =	vld [tilespmem:s23+$0x0];
	v30 =	vand.u32 $0xFFFFF800, v30;
	v45 =	vadd.s32 v51, v31;
	v21 =	vand.u32 $0x380, v21  }
0x5d2: {  	v17 =	vadd.s32 v31, v32;
	v9 =	vadd.f32 v9, v24;
	v11 =	vadd.f32 v15, v11  }
0x5d3: {  	v31 =	vor.u32 v63, v33;
	v32 =	vor.u32 v32, v53;
	v12 =	vand.u32 $0x7F, v16  }
0x5d4: {  	v23 =	vld.idx.msk [tilespmem:v23+s4+$0x0], $0xffff;
	v29 =	vand.u32 $0xC00, v29;
	v55 =	vor.u32 v25, v17;
	v11 =	vsub.f32 v11, v9  }
0x5d5: {  	v52 =	vld.idx.msk [tilespmem:v10+s4+$0x0], $0xffff;
	v5 =	vadd.f32 v6, v5;
	v25 =	vor.u32 v25, v32;
	v24 =	vadd.s32 v27, v28  }
0x5d6: {  	v13 =	vld.idx.msk [tilespmem:v13+s4+$0x0], $0xffff;
	v15 =	vadd.s32 v62, v27;
	v10 =	vmul.f32 v11, v44;
	v11 =	vor.u32 v50, v34  }
0x5d7: {  	v7 =	vld.idx.msk [tilespmem:v7+s4+$0x0], $0xffff;
	v27 =	vadd.s32 v49, v29;
	v29 =	vadd.s32 v29, v30;
	v30 =	vor.u32 v30, v11  }
0x5d8: {  	v57 =	vor.u32 v49, v11;
	v11 =	vand.u32 $0x7F, v18;
	v18 =	vld.idx.msk [tilespmem:v1+s4+$0x0], $0xffff;
	v1 =	vand.u32 $0x7F, v26  }
0x5d9: {  	v2 =	vld.idx.msk [tilespmem:v2+s4+$0x0], $0xffff;
	v9 =	vadd.f32 v10, v9;
	v10 =	vor.u32 v19, v15;
	v15 =	vor.u32 v46, v24  }
0x5da: {  	v24 =	vld.idx.msk [tilespmem:v14+s4+$0x0], $0xffff;
	v14 =	vor.u32 v20, v27;
	v27 =	vor.u32 v21, v29;
	v29 =	vor.u32 v54, v45  }
0x5db: {  	v4 =	vld.idx.msk [tilespmem:v4+s4+$0x0], $0xffff;
	v36 =	vor.u32 v11, v15;
	v22 =	vor.u32 v12, v14;
	v17 =	vor.u32 v12, v27  }
0x5dc: {  	s25 =	simm.s32 $0x138B0;
	v15 =	vld [tilespmem:s18+$0xFFFFFFF0];
	v14 =	vor.u32 v1, v29;
	v12 =	vor.u32 v1, v55;
	v1 =	vsub.f32 v23, v7  }
0x5dd: {  	v28 =	vor.u32 v28, v31;
	v31 =	vor.u32 v62, v31;
	v34 =	vor.u32 v51, v53;
	v29 =	vld [tilespmem:s25+$0xFFFFFFF0]  }
0x5de: {  	v26 =	vor.u32 v11, v10;
	v10 =	vor.u32 v46, v28;
	v1 =	vmul.f32 v1, v48  }
0x5df: {  	v11 =	vor.u32 v21, v30;
	v21 =	vsub.f32 v52, v2;
	v13 =	vsub.f32 v13, v18  }
0x5e0: {  	v23 =	vor.u32 v19, v31;
	v4 =	vsub.f32 v4, v24;
	v16 =	vadd.f32 v1, v7  }
0x5e1: {  	v1 =	vadd.f32 v3, v56;
	v7 =	vmul.f32 v21, v15;
	v3 =	vmul.f32 v13, v15  }
0x5e2: {  	v27 =	vld [tilespmem:s20+$0xFFFFFFD0];
	v15 =	vor.u32 v54, v34;
	v59 =	vshrl.u32 v29, $0x8;
	v60 =	vand.u32 $0xFF, v29  }
0x5e3: {  	v21 =	vld [tilespmem:s25+$0x0];
	v4 =	vmul.f32 v4, v42;
	v5 =	vsub.f32 v5, v16;
	v33 =	vadd.s32 $0x1, v59  }
0x5e4: {  	v34 =	vadd.s32 $0x1, v60;
	v59 =	vshll.u32 v29, $0x3;
	v2 =	vadd.f32 v7, v2  }
0x5e5: {  	v28 =	vld [tilespmem:s20+$0xFFFFFFE0];
	v3 =	vadd.f32 v3, v18;
	v18 =	vor.u32 v20, v57;
	v54 =	vshll.u32 v34, $0x3  }
0x5e6: {  	v46 =	vand.u32 $0x400, v59;
	v34 =	vand.u32 $0x7F, v34;
	v4 =	vadd.f32 v4, v24  }
0x5e7: {  	v19 =	vmul.f32 v5, v27;
	v41 =	vand.u32 $0xC00, v54;
	v13 =	vsub.f32 v3, v2  }
0x5e8: {  	v27 =	vld [tilespmem:s25+$0xFFFFFFD0];
	v4 =	vsub.f32 v4, v1;
	v5 =	vand.u32 $0xFFFFF800, v21;
	v7 =	vshrl.u32 v21, $0x1  }
0x5e9: {  	v6 =	vshll.u32 v21, $0x3;
	v20 =	vshrl.u32 v21, $0x8;
	v7 =	vand.u32 $0x380, v7  }
0x5ea: {  	v6 =	vand.u32 $0x400, v6;
	v20 =	vadd.s32 $0x1, v20;
	v3 =	vmul.f32 v4, v28  }
0x5eb: {  	v4 =	vand.u32 $0x7F, v21;
	v21 =	vand.u32 $0xFF, v21;
	v24 =	vshll.u32 v20, $0x7  }
0x5ec: {  	v20 =	vshll.u32 v20, $0x8;
	v21 =	vadd.s32 $0x1, v21;
	v4 =	vor.u32 v4, v6  }
0x5ed: {  	v20 =	vand.u32 $0xFFFFF800, v20;
	v24 =	vand.u32 $0x380, v24;
	v31 =	vand.u32 $0xFF, v27  }
0x5ee: {  	v56 =	vshll.u32 v27, $0x3;
	v6 =	vand.u32 $0x7F, v21;
	v21 =	vshll.u32 v21, $0x3  }
0x5ef: {  	s17 =	simm.s32 $0x178B0;
	v28 =	vld [tilespmem:s25+$0xFFFFFFE0];
	v51 =	vand.u32 $0xFFFFF800, v27;
	v30 =	vor.u32 v5, v4;
	v21 =	vand.u32 $0xC00, v21  }
0x5f0: {  	s21 =	simm.s32 $0x1E820;
	v49 =	vld [tilespmem:s17+$0x0];
	s18 =	simm.s32 $0x1B8B0;
	v4 =	vor.u32 v20, v4;
	v30 =	vor.u32 v7, v30;
	v5 =	vadd.s32 v5, v21  }
0x5f1: {  	[tilespmem:s21+$0x10] =	vst v8;
	v8 =	vld [tilespmem:s18+$0xFFFFFFF0];
	v4 =	vor.u32 v24, v4;
	v5 =	vor.u32 v7, v5;
	v7 =	vadd.s32 v21, v20  }
0x5f2: {  	v26 =	vld.idx.msk [tilespmem:v26+s4+$0x0], $0xffff;
	v52 =	vand.u32 $0x7F, v27;
	v5 =	vor.u32 v6, v5;
	v7 =	vor.u32 v24, v7  }
0x5f3: {  	v10 =	vld.idx.msk [tilespmem:v10+s4+$0x0], $0xffff;
	v31 =	vadd.s32 $0x1, v31;
	v43 =	vand.u32 $0x400, v56;
	v6 =	vor.u32 v6, v7  }
0x5f4: {  	v59 =	vld.idx.msk [tilespmem:v12+s4+$0x0], $0xffff;
	v20 =	vshrl.u32 v27, $0x8;
	v58 =	vshrl.u32 v28, $0x8;
	v57 =	vshll.u32 v28, $0x3  }
0x5f5: {  	v27 =	vshrl.u32 v27, $0x1;
	v54 =	vand.u32 $0x7F, v28;
	v61 =	vadd.s32 $0x1, v20;
	v30 =	vld.idx.msk [tilespmem:v30+s4+$0x0], $0xffff  }
0x5f6: {  	v32 =	vadd.s32 $0x1, v58;
	v44 =	vand.u32 $0x400, v57;
	v7 =	vand.u32 $0xFF, v28;
	v63 =	vld.idx.msk [tilespmem:v4+s4+$0x0], $0xffff  }
0x5f7: {  	v62 =	vshll.u32 v61, $0x8;
	v53 =	vshll.u32 v32, $0x8;
	v35 =	vshll.u32 v61, $0x7;
	v55 =	vld.idx.msk [tilespmem:v5+s4+$0x0], $0xffff  }
0x5f8: {  	v32 =	vshll.u32 v32, $0x7;
	v61 =	vand.u32 $0x7F, v29;
	v37 =	vadd.s32 $0x1, v7;
	v58 =	vld.idx.msk [tilespmem:v6+s4+$0x0], $0xffff  }
0x5f9: {  	v12 =	vld.idx.msk [tilespmem:v11+s4+$0x0], $0xffff;
	v7 =	vshll.u32 v31, $0x3;
	v38 =	vand.u32 $0xFFFFF800, v62;
	v40 =	vand.u32 $0xFFFFF800, v53  }
0x5fa: {  	v11 =	vld.idx.msk [tilespmem:v25+s4+$0x0], $0xffff;
	v53 =	vand.u32 $0xFFFFF800, v28;
	v28 =	vshrl.u32 v28, $0x1;
	v35 =	vand.u32 $0x380, v35  }
0x5fb: {  	v25 =	vld [tilespmem:s17+$0xFFFFFFD0];
	v32 =	vand.u32 $0x380, v32;
	v61 =	vor.u32 v61, v46;
	v4 =	vshll.u32 v37, $0x3  }
0x5fc: {  	v56 =	vld [tilespmem:s18+$0x0];
	v47 =	vand.u32 $0xC00, v7;
	v46 =	vand.u32 $0x380, v28;
	v42 =	vsub.f32 v55, v30  }
0x5fd: {  	v21 =	vld [tilespmem:s22+$0xFFFFFFD0];
	v48 =	vand.u32 $0xC00, v4;
	v62 =	vadd.s32 v51, v47;
	v45 =	vsub.f32 v58, v63  }
0x5fe: {  	v24 =	vld [tilespmem:s20+$0xFFFFFFF0];
	v5 =	vshll.u32 v33, $0x8;
	v33 =	vshll.u32 v33, $0x7;
	v42 =	vmul.f32 v42, v49  }
0x5ff: {  	v20 =	vld [tilespmem:s22+$0xFFFFFFE0];
	v50 =	vand.u32 $0xFFFFF800, v5;
	v33 =	vand.u32 $0x380, v33;
	v60 =	vmul.f32 v45, v49  }
0x600: {  	v55 =	vld.idx.msk [tilespmem:v36+s4+$0x0], $0xffff;
	v45 =	vand.u32 $0xFFFFF800, v29;
	v29 =	vshrl.u32 v29, $0x1;
	v30 =	vadd.f32 v42, v30  }
0x601: {  	v42 =	vld.idx.msk [tilespmem:v22+s4+$0x0], $0xffff;
	v57 =	vadd.s32 v45, v41;
	v29 =	vand.u32 $0x380, v29;
	v22 =	vadd.f32 v60, v63  }
0x602: {  	v63 =	vadd.s32 v47, v38;
	v47 =	vld.idx.msk [tilespmem:v17+s4+$0x0], $0xffff;
	v17 =	vadd.s32 v53, v48;
	v48 =	vadd.s32 v48, v40  }
0x603: {  	v49 =	vld.idx.msk [tilespmem:v23+s4+$0x0], $0xffff;
	v60 =	vor.u32 v52, v43;
	v43 =	vand.u32 $0x380, v27;
	v27 =	vor.u32 v54, v44  }
0x604: {  	v58 =	vld.idx.msk [tilespmem:v14+s4+$0x0], $0xffff;
	v44 =	vor.u32 v45, v61;
	v28 =	vor.u32 v43, v62;
	v14 =	vsub.f32 v22, v30  }
0x605: {  	v23 =	vor.u32 v46, v17;
	v36 =	vor.u32 v32, v48;
	v62 =	vor.u32 v29, v57;
	v17 =	vld.idx.msk [tilespmem:v18+s4+$0x0], $0xffff  }
0x606: {  	v38 =	vor.u32 v38, v60;
	v18 =	vld.idx.msk [tilespmem:v15+s4+$0x0], $0xffff;
	v15 =	vor.u32 v50, v61;
	v14 =	vmul.f32 v14, v56  }
0x607: {  	s19 =	simm.s32 $0x1E860;
	v7 =	vld [tilespmem:s22+$0xFFFFFFF0];
	v57 =	vor.u32 v53, v27;
	v22 =	vadd.s32 v41, v50;
	v41 =	vor.u32 v51, v60  }
0x608: {  	[tilespmem:s19+$0x10] =	vst v9;
	v4 =	vld [tilespmem:s23+$0xFFFFFFF0];
	v38 =	vor.u32 v35, v38;
	v9 =	vsub.f32 v26, v49;
	v14 =	vadd.f32 v14, v30  }
0x609: {  	v5 =	vld [tilespmem:s23+$0xFFFFFFD0];
	v30 =	vor.u32 v35, v63;
	v63 =	vor.u32 v33, v22;
	v22 =	vand.u32 $0x7F, v31  }
0x60a: {  	v6 =	vld [tilespmem:s23+$0xFFFFFFE0];
	v26 =	vsub.f32 v55, v10;
	v56 =	vor.u32 v40, v27;
	v60 =	vor.u32 v22, v28  }
0x60b: {  	v27 =	vld [tilespmem:s17+$0xFFFFFFE0];
	v40 =	vor.u32 v34, v62;
	v31 =	vand.u32 $0x7F, v37;
	v30 =	vor.u32 v22, v30  }
0x60c: {  	v9 =	vmul.f32 v9, v21;
	v37 =	vor.u32 v32, v56;
	v28 =	vld [tilespmem:s17+$0xFFFFFFF0];
	v61 =	vor.u32 v31, v23  }
0x60d: {  	v35 =	vor.u32 v46, v57;
	v62 =	vsub.f32 v42, v17;
	v31 =	vor.u32 v31, v36;
	v22 =	vld [tilespmem:s18+$0xFFFFFFD0]  }
0x60e: {  	v39 =	vor.u32 v34, v63;
	v23 =	vld [tilespmem:s18+$0xFFFFFFE0];
	v34 =	vor.u32 v33, v15;
	v36 =	vor.u32 v43, v41  }
0x60f: {  	s20 =	simm.s32 $0x1E8A0;
	v33 =	vor.u32 v29, v44;
	v41 =	vmul.f32 v13, v24;
	v63 =	vsub.f32 v47, v12;
	v13 =	vld.idx.msk [tilespmem:v60+s4+$0x0], $0xffff  }
0x610: {  	v24 =	vsub.f32 v59, v11;
	[tilespmem:s20+$0x10] =	vst v14;
	v14 =	vld.idx.msk [tilespmem:v30+s4+$0x0], $0xffff;
	v30 =	vsub.f32 v58, v18  }
0x611: {  	v29 =	vmul.f32 v26, v21;
	v21 =	vadd.f32 v19, v16;
	v26 =	vmul.f32 v62, v20;
	v15 =	vld.idx.msk [tilespmem:v61+s4+$0x0], $0xffff  }
0x612: {  	s22 =	simm.s32 $0x8;
	s23 =	simm.s32 $0x138F0;
	v9 =	vadd.f32 v9, v49;
	v20 =	vmul.f32 v63, v20;
	v16 =	vld.idx.msk [tilespmem:v31+s4+$0x0], $0xffff;
	v19 =	vmul.f32 v30, v7  }
.LBB2_25:
0x613: {  	v30 =	vld [tilespmem:s23+$0x0];
	v10 =	vadd.f32 v29, v10;
	v17 =	vadd.f32 v26, v17;
	v24 =	vmul.f32 v24, v7;
	[tilespmem:s21+$0xFFFFFFE0] =	vst v21  }
0x614: {  	v7 =	vmovc v28;
	v31 =	vld [tilespmem:s23+$0xFFFFFFE0];
	v12 =	vadd.f32 v20, v12;
	v18 =	vadd.f32 v19, v18;
	v20 =	vmovc v25;
	v19 =	vmov v27  }
0x615: {  	v32 =	vld [tilespmem:s23+$0xFFFFFFF0];
	v10 =	vsub.f32 v10, v9;
	v11 =	vadd.f32 v24, v11  }
0x616: {  	v25 =	vadd.f32 v3, v1;
	v1 =	vmov v17;
	v42 =	vld [tilespmem:s23+$0xFFFFFFD0];
	v12 =	vsub.f32 v12, v17  }
0x617: {  	s22 =	sadd.s32 $0x4, s22;
	v24 =	vld.idx.msk [tilespmem:v40+s4+$0x0], $0xffff;
	v21 =	vmul.f32 v10, v5;
	v29 =	vsub.f32 v11, v18;
	v11 =	vadd.f32 v41, v2  }
0x618: {  	p0 =	slt.u32 s22, $0xFC;
	v2 =	vmovc v18;
	v5 =	vmov v22;
	v27 =	vand.u32 $0xFFFFF800, v30;
	v26 =	vld.idx.msk [tilespmem:v39+s4+$0x0], $0xffff;
	v3 =	vmul.f32 v12, v6;
	[tilespmem:s21+$0xFFFFFFF0] =	vst v25  }
0x619: {  	v17 =	vand.u32 $0x7F, v30;
	v18 =	vshll.u32 v30, $0x3;
	v12 =	vshrl.u32 v30, $0x1;
	v6 =	vmovc v23;
	v10 =	vld.idx.msk [tilespmem:v38+s4+$0x0], $0xffff;
	[tilespmem:s21+$0x0] =	vst v11;
	s21 =	smov.u32 s19;
	s19 =	smov.u32 s20  }
0x61a: {  	v22 =	vand.u32 $0xFF, v30;
	v11 =	vshrl.u32 v30, $0x8;
	v23 =	vand.u32 $0x380, v12;
	v12 =	vld.idx.msk [tilespmem:v37+s4+$0x0], $0xffff  }
0x61b: {  	v22 =	vadd.s32 $0x1, v22;
	v18 =	vand.u32 $0x400, v18;
	v25 =	vadd.s32 $0x1, v11;
	v11 =	vld.idx.msk [tilespmem:v34+s4+$0x0], $0xffff  }
0x61c: {  	v28 =	vor.u32 v17, v18;
	v34 =	vand.u32 $0x7F, v22;
	v18 =	vshll.u32 v25, $0x7;
	v30 =	vld.idx.msk [tilespmem:v36+s4+$0x0], $0xffff  }
0x61d: {  	v22 =	vshll.u32 v22, $0x3;
	v25 =	vshll.u32 v25, $0x8;
	v36 =	vor.u32 v27, v28;
	v17 =	vld.idx.msk [tilespmem:v35+s4+$0x0], $0xffff  }
0x61e: {  	v22 =	vand.u32 $0xC00, v22;
	v25 =	vand.u32 $0xFFFFF800, v25;
	v35 =	vand.u32 $0x380, v18;
	v18 =	vld.idx.msk [tilespmem:v33+s4+$0x0], $0xffff  }
0x61f: {  	v27 =	vadd.s32 v27, v22;
	v28 =	vor.u32 v25, v28;
	v33 =	vor.u32 v23, v36  }
0x620: {  	v22 =	vadd.s32 v22, v25;
	v23 =	vor.u32 v23, v27;
	v27 =	vor.u32 v35, v28  }
0x621: {  	v25 =	vshrl.u32 v42, $0x8;
	v22 =	vor.u32 v35, v22;
	v23 =	vor.u32 v34, v23  }
0x622: {  	v28 =	vand.u32 $0xFF, v42;
	v35 =	vshrl.u32 v31, $0x8;
	v22 =	vor.u32 v34, v22  }
0x623: {  	v37 =	vand.u32 $0xFF, v32;
	v36 =	vshrl.u32 v32, $0x8;
	v34 =	vand.u32 $0xFF, v31  }
0x624: {  	v38 =	vadd.s32 $0x1, v25;
	v39 =	vadd.s32 $0x1, v28;
	v28 =	vadd.s32 $0x1, v35;
	v33 =	vld.idx.msk [tilespmem:v33+s4+$0x0], $0xffff  }
0x625: {  	v35 =	vadd.s32 $0x1, v36;
	v36 =	vadd.s32 $0x1, v37;
	v34 =	vadd.s32 $0x1, v34;
	v37 =	vld.idx.msk [tilespmem:v27+s4+$0x0], $0xffff  }
0x626: {  	v25 =	vshll.u32 v39, $0x3;
	v40 =	vshll.u32 v34, $0x3;
	v27 =	vshll.u32 v38, $0x8;
	v23 =	vld.idx.msk [tilespmem:v23+s4+$0x0], $0xffff  }
0x627: {  	v41 =	vshll.u32 v28, $0x8;
	v43 =	vshll.u32 v36, $0x3;
	v44 =	vshll.u32 v35, $0x8;
	v22 =	vld.idx.msk [tilespmem:v22+s4+$0x0], $0xffff  }
0x628: {  	v46 =	vshll.u32 v31, $0x3;
	v47 =	vshll.u32 v32, $0x3;
	v45 =	vshll.u32 v42, $0x3  }
0x629: {  	s17 =	sadd.s32 $0x40, s17;
	v48 =	vand.u32 $0xC00, v25;
	v40 =	vand.u32 $0xC00, v40;
	v49 =	vand.u32 $0xFFFFF800, v27  }
0x62a: {  	v41 =	vand.u32 $0xFFFFF800, v41;
	v43 =	vand.u32 $0xC00, v43;
	v44 =	vand.u32 $0xFFFFF800, v44;
	v50 =	vld [tilespmem:s17+$0x0]  }
0x62b: {  	v51 =	vshll.u32 v28, $0x7;
	v35 =	vshll.u32 v35, $0x7;
	v38 =	vshll.u32 v38, $0x7;
	v25 =	vld [tilespmem:s17+$0xFFFFFFD0]  }
0x62c: {  	v46 =	vand.u32 $0x400, v46;
	v47 =	vand.u32 $0x400, v47;
	v45 =	vand.u32 $0x400, v45;
	v27 =	vld [tilespmem:s17+$0xFFFFFFE0]  }
0x62d: {  	v52 =	vand.u32 $0xFFFFF800, v42;
	v23 =	vsub.f32 v23, v33;
	v22 =	vsub.f32 v22, v37;
	v28 =	vld [tilespmem:s17+$0xFFFFFFF0]  }
0x62e: {  	v54 =	vand.u32 $0xFFFFF800, v31;
	v53 =	vand.u32 $0x7F, v42;
	v42 =	vshrl.u32 v42, $0x1  }
0x62f: {  	s18 =	sadd.s32 $0x40, s18;
	v55 =	vand.u32 $0x7F, v31;
	v23 =	vmul.f32 v23, v50;
	v50 =	vmul.f32 v22, v50  }
0x630: {  	v56 =	vand.u32 $0xFFFFF800, v32;
	v57 =	vand.u32 $0x7F, v32;
	v31 =	vshrl.u32 v31, $0x1;
	v58 =	vld [tilespmem:s18+$0x0]  }
0x631: {  	v32 =	vshrl.u32 v32, $0x1;
	v22 =	vld [tilespmem:s18+$0xFFFFFFD0];
	v33 =	vadd.f32 v23, v33;
	v37 =	vadd.f32 v50, v37  }
0x632: {  	v59 =	vadd.s32 v54, v40;
	v50 =	vadd.s32 v52, v48;
	v48 =	vadd.s32 v48, v49;
	v23 =	vld [tilespmem:s18+$0xFFFFFFE0]  }
0x633: {  	v61 =	vadd.s32 v56, v43;
	v40 =	vadd.s32 v40, v41;
	v60 =	vld [tilespmem:s18+$0xFFFFFFF0];
	v37 =	vsub.f32 v37, v33  }
0x634: {  	v51 =	vand.u32 $0x380, v51;
	v43 =	vadd.s32 v43, v44;
	v38 =	vand.u32 $0x380, v38  }
0x635: {  	v45 =	vor.u32 v53, v45;
	v35 =	vand.u32 $0x380, v35;
	v37 =	vmul.f32 v37, v58  }
0x636: {  	v46 =	vor.u32 v55, v46;
	v47 =	vor.u32 v57, v47;
	v42 =	vand.u32 $0x380, v42  }
0x637: {  	v32 =	vand.u32 $0x380, v32;
	v31 =	vand.u32 $0x380, v31;
	v33 =	vadd.f32 v37, v33  }
0x638: {  	s20 =	sadd.s32 $0x40, s20;
	v48 =	vor.u32 v38, v48;
	v37 =	vor.u32 v42, v50;
	v50 =	vor.u32 v31, v59  }
0x639: {  	v53 =	vor.u32 v32, v61;
	v43 =	vor.u32 v35, v43;
	v40 =	vor.u32 v51, v40;
	[tilespmem:s20+$0x10] =	vst v33  }
0x63a: {  	v44 =	vor.u32 v44, v47;
	v41 =	vor.u32 v41, v46;
	v33 =	vor.u32 v49, v45  }
0x63b: {  	v47 =	vor.u32 v56, v47;
	v46 =	vor.u32 v54, v46;
	v45 =	vor.u32 v52, v45  }
0x63c: {  	v39 =	vand.u32 $0x7F, v39;
	v36 =	vand.u32 $0x7F, v36;
	v34 =	vand.u32 $0x7F, v34  }
0x63d: {  	v48 =	vor.u32 v39, v48;
	v50 =	vor.u32 v34, v50;
	v49 =	vor.u32 v39, v37  }
0x63e: {  	v52 =	vor.u32 v34, v40;
	v40 =	vor.u32 v36, v53;
	v39 =	vor.u32 v36, v43  }
0x63f: {  	v37 =	vor.u32 v51, v41;
	v34 =	vor.u32 v35, v44;
	v38 =	vor.u32 v38, v33  }
0x640: {  	v35 =	vor.u32 v31, v46;
	v36 =	vor.u32 v42, v45;
	v33 =	vor.u32 v32, v47  }
.Ltmp11:
0x641: {  	v31 =	vsub.f32 v13, v30;
	v41 =	vmul.f32 v29, v4;
	v4 =	vmovc v8;
	v32 =	vsub.f32 v14, v10;
	(pc) =	sbr.rel @p0 .LBB2_25-.Ltmp11, $4  }
0x642: {  	v43 =	vsub.f32 v16, v12;
	v8 =	vmov v60;
	v42 =	vsub.f32 v15, v17;
	v13 =	vld.idx.msk [tilespmem:v49+s4+$0x0], $0xffff  }
0x643: {  	v44 =	vsub.f32 v24, v18;
	v24 =	vsub.f32 v26, v11;
	v31 =	vmul.f32 v31, v20;
	v14 =	vld.idx.msk [tilespmem:v48+s4+$0x0], $0xffff  }
0x644: {  	v21 =	vadd.f32 v21, v9;
	v29 =	vmul.f32 v32, v20;
	v26 =	vmul.f32 v42, v19;
	v15 =	vld.idx.msk [tilespmem:v50+s4+$0x0], $0xffff  }
0x645: {  	s23 =	sadd.s32 $0x40, s23;
	v20 =	vmul.f32 v43, v19;
	v19 =	vmul.f32 v44, v7;
	v9 =	vadd.f32 v31, v30;
	v16 =	vld.idx.msk [tilespmem:v52+s4+$0x0], $0xffff  }
0x646: {  	_ =	sdelay $0x3  }
0x647: {  	v30 =	vld.idx.msk [tilespmem:v40+s4+$0x0], $0xffff  }
0x648: {  	v31 =	vld.idx.msk [tilespmem:v39+s4+$0x0], $0xffff  }
0x649: {  	v32 =	vld.idx.msk [tilespmem:v38+s4+$0x0], $0xffff  }
0x64a: {  	v37 =	vld.idx.msk [tilespmem:v37+s4+$0x0], $0xffff  }
0x64b: {  	v10 =	vadd.f32 v29, v10;
	v46 =	vld.idx.msk [tilespmem:v36+s4+$0x0], $0xffff  }
0x64c: {  	v7 =	vmul.f32 v24, v7;
	v17 =	vadd.f32 v26, v17;
	v47 =	vld.idx.msk [tilespmem:v35+s4+$0x0], $0xffff;
	v1 =	vadd.f32 v3, v1  }
0x64d: {  	v48 =	vld.idx.msk [tilespmem:v33+s4+$0x0], $0xffff;
	v2 =	vadd.f32 v41, v2;
	v12 =	vadd.f32 v20, v12  }
0x64e: {  	v49 =	vld.idx.msk [tilespmem:v34+s4+$0x0], $0xffff;
	v18 =	vadd.f32 v19, v18;
	v7 =	vadd.f32 v7, v11  }
0x64f: {  	v10 =	vsub.f32 v10, v9;
	v12 =	vsub.f32 v12, v17  }
0x650: {  	v3 =	vsub.f32 v7, v18;
	v50 =	vsub.f32 v13, v46  }
0x651: {  	v51 =	vsub.f32 v14, v32;
	v52 =	vsub.f32 v15, v47  }
0x652: {  	v53 =	vsub.f32 v16, v37;
	v54 =	vsub.f32 v30, v48;
	v7 =	vmul.f32 v50, v25  }
0x653: {  	v55 =	vsub.f32 v31, v49;
	v13 =	vmul.f32 v51, v25;
	v14 =	vmul.f32 v52, v27  }
0x654: {  	v15 =	vmul.f32 v53, v27;
	v16 =	vmul.f32 v54, v28;
	v7 =	vadd.f32 v7, v46  }
0x655: {  	v56 =	vmul.f32 v55, v28;
	v13 =	vadd.f32 v13, v32;
	v14 =	vadd.f32 v14, v47  }
0x656: {  	v5 =	vmul.f32 v10, v5;
	v57 =	vadd.f32 v15, v37;
	v11 =	vadd.f32 v16, v48  }
0x657: {  	[tilespmem:s21+$0xFFFFFFE0] =	vst v21;
	v6 =	vmul.f32 v12, v6;
	v59 =	vadd.f32 v56, v49;
	v58 =	vsub.f32 v13, v7  }
0x658: {  	[tilespmem:s21+$0xFFFFFFF0] =	vst v1;
	v1 =	vmul.f32 v3, v4;
	v3 =	vadd.f32 v5, v9;
	v60 =	vsub.f32 v57, v14  }
0x659: {  	[tilespmem:s21+$0x0] =	vst v2;
	v2 =	vadd.f32 v6, v17;
	v62 =	vsub.f32 v59, v11;
	v61 =	vmul.f32 v58, v22  }
0x65a: {  	[tilespmem:s19+$0xFFFFFFE0] =	vst v3;
	v1 =	vadd.f32 v1, v18;
	v3 =	vmul.f32 v60, v23  }
0x65b: {  	[tilespmem:s19+$0xFFFFFFF0] =	vst v2;
	v2 =	vmul.f32 v62, v8;
	v63 =	vadd.f32 v61, v7  }
0x65c: {  	[tilespmem:s19+$0x0] =	vst v1;
	v1 =	vadd.f32 v3, v14  }
0x65d: {  	v2 =	vadd.f32 v2, v11;
	[tilespmem:s20+$0xFFFFFFE0] =	vst v63  }
0x65e: {  	[tilespmem:s20+$0xFFFFFFF0] =	vst v1  }
0x65f: {  	s16 =	sadd.s32 s16, s29;
	s15 =	sadd.s32 $0x1, s15;
	[tilespmem:s20+$0x0] =	vst v2  }
0x660: {  	[hbm4b:s16+s30] =	stream.strided.scatter [tilespmem:s11], [sflag:$0x2], $0x1000, s9, s30, $0x38;
	[tilespmem:$0x1F800] =	vst v63  }
0x661: {  	p0 =	slt.s32 s15, $0xF;
	s16 =	smov.u32 s15  }
0x662: {  	s16 =	simm.s32 @!p0 $0xF  }
0x663: {  	s16 =	sor.u32 s6, s16  }
0x664: {  	s16 =	sshll.u32 s16, $0x10  }
0x665: {  	s16 =	sor.u32 s5, s16  }
0x666: {  	s16 =	sshrl.u32 s16, $0x3  }
0x667: {  	s16 =	sadd.s32 s2, s16  }
0x668: {  	[tilespmem:s4], [sflag:$0x3] =	stream.linear.gather [hbm4b:s16+s4], $0x10000, $0x38;
	[tilespmem:$0x1F800] =	vst v63  }
0x669: {  	p0 =	sne.s32 s15, $0x10;
	_ =	swait.ge [sflag:s12], $0x1000  }
.Ltmp12:
0x66a: {  	[sflag:s12] =	ssyncset.done $0x0;
	(pc) =	sbr.rel @p0 .LBB2_18-.Ltmp12, $4  }
0x66b: {  	[sflag:s12] =	ssyncadd.s32 $0xFFFFF000  }
0x66c: {  	_ =	swait.ge [sflag:s13], $0x1000  }
0x66d: {  	[sflag:s13] =	ssyncset.done $0x0  }
0x66e: {  	[sflag:s13] =	ssyncadd.s32 $0xFFFFF000  }
0x66f: {  	_ =	swait.ge [sflag:s8], $0x10000  }
0x670: {  	s14 =	sadd.s32 $0x1, s14;
	s15 =	rddreg [dreg:$0x15]  }
0x671: {  	p0 =	sne.s32 s14, s15  }
.Ltmp13:
0x672: {  	_ = 	snop;
	(pc) =	sbr.rel @p0 .LBB2_1-.Ltmp13, $3  }
0x673: {  	_ =	sdelay $0x1  }
0x674: {  	[sflag:s8] =	ssyncset.done $0x0  }
0x675: {  	[sflag:s8] =	ssyncadd.s32 $0xFFFF0000  }
0x676: {  	_ =	sfence.sel $0x180000  }
0x677: {  	[bflag:$0x0] =	sbarrier.arrive $0xFFFF  }
0x678: {  	_ =	strace $0x90000047  }
0x679: {  	s0 =	stileid.u32;
	[bflag:$0x2] =	sbarrier.arrive $0xFFFF  }
0x67a: {  	p0 =	sne.s32 s0, $0x0;
	s0 =	rddreg [dreg:$0x3]  }
0x67b: {  	s0 =	sadd.s32 @!p0 $0x100000, s0  }
0x67c: {  	[sflag:s0] =	ssyncadd.tile.s32 @!p0 $0x1;
	_ =	shalt  }
.Lfunc_end2:
_tile_overlayer_lowered:
.L_overlay_start_2:
0x67d: {  	(tag) =	ssettag $0x2  }
0x67e: {  	s0 =	rddreg [dreg:$0x0];
	s2 =	stileid.u32  }
0x67f: {  	s1 =	rddreg [dreg:$0x1];
	p0 =	sne.s32 s2, $0x0  }
0x680: {  	s3 =	rddreg [dreg:$0x2];
	[bflag:$0x3] =	sbarrier.arrive $0xFFFF;
	s2 =	simm.s32 @!p0 $0x1C04  }
0x681: {  	[timem:s3], [sflag:s2] =	dma.local @!p0 [hbm:s0], s1  }
0x682: {  	s0 =	simm.s32 @!p0 $0x4  }
0x683: {  	_ =	swait.ge @!p0 [sflag:s0], s1  }
0x684: {  	s1 =	ssub.s32 @!p0 $0x0, s1;
	[sflag:s0] =	ssyncset.done @!p0 $0x0  }
0x685: {  	[sflag:s0] =	ssyncadd.s32 @!p0 s1  }
0x686: {  	[bflag:$0x3] =	sbarrier.arrive $0xFFFF  }
0x687: {  	_ =	shalt  }

</sc_bundles>
